<compile_context>
chip_gen: v7x
topology: tpu7x:2x2x1
jax: 0.10.2.dev20260603
libtpu: 0.0.44.dev20260713+nightly
codegen_flags: <defaults>
</compile_context>

<pallas_src>
import dataclasses
import functools

import jax
import jax.numpy as jnp
from jax import lax
from jax.experimental import pallas as pl
from jax.experimental.pallas import tpu as pltpu
from jax.experimental.pallas import tpu_sc as plsc

NC = 2
NS = 16
CH = 128

_EPS = 1e-16


def _sc_mesh():
    return plsc.VectorSubcoreMesh(
        core_axis_name="c", subcore_axis_name="s", num_cores=NC,
        num_subcores=NS)


def _sc_compiler_params():
    cp = pltpu.CompilerParams()
    if "needs_layout_passes" in pltpu.CompilerParams.__dataclass_fields__:
        cp = dataclasses.replace(cp, needs_layout_passes=False)
    return cp


def _sc_gather2(xl, xr, src2d, dst2d):
    nchunks = src2d.shape[0]
    e_pad = nchunks * CH
    d = xl.shape[1]
    per_w = nchunks // (NC * NS)

    @functools.partial(
        pl.kernel,
        out_type=(jax.ShapeDtypeStruct((e_pad, d), jnp.float32),
                  jax.ShapeDtypeStruct((e_pad, d), jnp.float32)),
        mesh=_sc_mesh(),
        scratch_types=[
            pltpu.VMEM((CH,), jnp.int32),
            pltpu.VMEM((CH,), jnp.int32),
            pltpu.VMEM((CH, d), jnp.float32),
            pltpu.VMEM((CH, d), jnp.float32),
            pltpu.SemaphoreType.DMA,
            pltpu.SemaphoreType.DMA,
        ],
    )
    def k(xl_hbm, xr_hbm, src_hbm, dst_hbm, gl_hbm, gr_hbm,
          si_v, di_v, rl_v, rr_v, sem_l, sem_r):
        wid = lax.axis_index("s") * NC + lax.axis_index("c")

        @pl.loop(0, per_w)
        def _(i):
            chunk = wid * per_w + i
            base = chunk * CH
            pltpu.sync_copy(src_hbm.at[chunk], si_v)
            pltpu.sync_copy(dst_hbm.at[chunk], di_v)
            cl = pltpu.async_copy(xl_hbm.at[si_v], rl_v, sem_l)
            cr = pltpu.async_copy(xr_hbm.at[di_v], rr_v, sem_r)
            cl.wait()
            pltpu.sync_copy(rl_v, gl_hbm.at[pl.ds(base, CH)])
            cr.wait()
            pltpu.sync_copy(rr_v, gr_hbm.at[pl.ds(base, CH)])

    return k(xl, xr, src2d, dst2d)


N_PAD = 10240


def _sc_scatter(mslf, dst2d, nsl, reps):
    nchunks = dst2d.shape[0]
    njobs = nsl * reps
    cpr = nchunks // reps
    assert cpr * reps == nchunks
    jpt = (njobs + NC * NS - 1) // (NC * NS)
    acc_len = N_PAD * 8

    @functools.partial(
        pl.kernel,
        out_type=jax.ShapeDtypeStruct((njobs, acc_len), jnp.float32),
        mesh=_sc_mesh(),
        compiler_params=_sc_compiler_params(),
        scratch_types=[
            pltpu.VMEM((acc_len,), jnp.float32),
            pltpu.VMEM((CH * 8,), jnp.float32),
            pltpu.VMEM((CH,), jnp.int32),
            pltpu.SemaphoreType.DMA,
            pltpu.SemaphoreType.DMA,
        ],
    )
    def k(msl_hbm, dst_hbm, out_hbm, acc_v, m_v, idx_v, sem_i, sem_m):
        w = lax.axis_index("s") * NC + lax.axis_index("c")
        iota16 = lax.iota(jnp.int32, 16)
        lane8 = iota16 & 7
        hi = (iota16 >= 8).astype(jnp.int32)
        mlo = iota16 < 8
        mhi = iota16 >= 8

        @pl.loop(0, jpt)
        def _(t):
            j = w + t * (NC * NS)

            @pl.when(j < njobs)
            def _():
                sl = j % nsl
                rep = j // nsl

                @pl.loop(0, acc_len, step=16)
                def _(i):
                    acc_v[pl.ds(i, 16)] = jnp.zeros((16,), jnp.float32)

                @pl.loop(0, cpr)
                def _(i):
                    chunk = rep * cpr + i
                    ci = pltpu.async_copy(dst_hbm.at[chunk], idx_v, sem_i)
                    cm = pltpu.async_copy(
                        msl_hbm.at[sl, pl.ds(chunk * (CH * 8), CH * 8)],
                        m_v, sem_m)
                    ci.wait()
                    cm.wait()

                    @plsc.parallel_loop(0, CH // 16, unroll=2)
                    def _(g):
                        for q in range(8):
                            dpair = plsc.load_gather(
                                idx_v, [g * 16 + 2 * q + hi])
                            rows = dpair * 8 + lane8
                            x16 = m_v[pl.ds(g * 128 + q * 16, 16)]
                            plsc.addupdate_scatter(acc_v, [rows], x16,
                                                   mask=mlo)
                            plsc.addupdate_scatter(acc_v, [rows], x16,
                                                   mask=mhi)

                pltpu.sync_copy(acc_v, out_hbm.at[j])

    return k(mslf, dst2d)


def _dot(a, b):
    return lax.dot_general(a, b, (((1,), (0,)), ((), ())),
                           precision=lax.Precision.HIGHEST,
                           preferred_element_type=jnp.float32)


def _tc_matmul2(x, wl, wr, bn):
    n, kdim = x.shape
    d = wl.shape[1]

    def body(x_ref, wl_ref, wr_ref, ol_ref, or_ref):
        xb = x_ref[...]
        ol_ref[...] = _dot(xb, wl_ref[...])
        or_ref[...] = _dot(xb, wr_ref[...])

    return pl.pallas_call(
        body,
        grid=(n // bn,),
        in_specs=[pl.BlockSpec((bn, kdim), lambda i: (i, 0)),
                  pl.BlockSpec((kdim, d), lambda i: (0, 0)),
                  pl.BlockSpec((kdim, d), lambda i: (0, 0))],
        out_specs=[pl.BlockSpec((bn, d), lambda i: (i, 0)),
                   pl.BlockSpec((bn, d), lambda i: (i, 0))],
        out_shape=(jax.ShapeDtypeStruct((n, d), jnp.float32),
                   jax.ShapeDtypeStruct((n, d), jnp.float32)),
    )(x, wl, wr)


def _tc_edge(gl, gr, att_a, sel_b, d_true, be):
    e_pad, d = gl.shape
    h = att_a.shape[1]
    nsl = d_true // 8 + 1

    def body(gl_ref, gr_ref, a_ref, b_ref, m_ref):
        glb = gl_ref[...]
        z = glb + gr_ref[...]
        z = jnp.where(z > 0, z, 0.2 * z)
        logits = _dot(z, a_ref[...])
        ex = jnp.exp(logits)
        msg = glb * _dot(ex, b_ref[...])
        for sl in range(nsl - 1):
            m_ref[sl] = msg[:, 8 * sl:8 * sl + 8]
        if h < 8:
            ex = jnp.concatenate(
                [ex, jnp.zeros((be, 8 - h), jnp.float32)], axis=1)
        m_ref[nsl - 1] = ex

    return pl.pallas_call(
        body,
        grid=(e_pad // be,),
        in_specs=[pl.BlockSpec((be, d), lambda i: (i, 0)),
                  pl.BlockSpec((be, d), lambda i: (i, 0)),
                  pl.BlockSpec((d, h), lambda i: (0, 0)),
                  pl.BlockSpec((h, d), lambda i: (0, 0))],
        out_specs=pl.BlockSpec((nsl, be, 8), lambda i: (0, i, 0)),
        out_shape=jax.ShapeDtypeStruct((nsl, e_pad, 8), jnp.float32),
    )(gl, gr, att_a, sel_b)


def _tc_finalize(jobs, sel_b, bias, n, bn, mode, nsl, reps):
    h = sel_b.shape[0]
    d = 8 * (nsl - 1)
    njobs = nsl * reps

    def body(j_ref, b_ref, bias_ref, o_ref):
        def slsum(sl):
            v = j_ref[sl]
            for rep in range(1, reps):
                v = v + j_ref[sl + rep * nsl]
            return v

        num = jnp.concatenate([slsum(sl) for sl in range(nsl - 1)], axis=1)
        db = _dot(slsum(nsl - 1)[:, :h], b_ref[...])
        v = num / (db + _EPS) + bias_ref[...]
        if mode == "elu":
            o_ref[...] = jnp.where(v > 0, v, jnp.exp(v) - 1.0)
        else:
            m = jnp.max(v, axis=1, keepdims=True)
            ev = v - m
            o_ref[...] = ev - jnp.log(jnp.sum(jnp.exp(ev), axis=1,
                                              keepdims=True))

    return pl.pallas_call(
        body,
        grid=(n // bn,),
        in_specs=[pl.BlockSpec((njobs, bn, 8), lambda i: (0, i, 0)),
                  pl.BlockSpec((h, d), lambda i: (0, 0)),
                  pl.BlockSpec((1, d), lambda i: (0, 0))],
        out_specs=pl.BlockSpec((bn, d), lambda i: (i, 0)),
        out_shape=jax.ShapeDtypeStruct((n, d), jnp.float32),
    )(jobs, sel_b, bias.reshape(1, d))


def _gatv2_layer(x, src2d, dst2d, wl, wr, att, bias, mode):
    n = x.shape[0]
    heads, ch = att.shape
    d = heads * ch

    sel_b = jnp.repeat(jnp.eye(heads, dtype=jnp.float32), ch, axis=1)
    att_a = sel_b.T * att.reshape(-1)[:, None]

    d_g = ((d + 127) // 128) * 128
    if d_g != d:
        pc = d_g - d
        wl = jnp.pad(wl, ((0, 0), (0, pc)))
        wr = jnp.pad(wr, ((0, 0), (0, pc)))
        att_a = jnp.pad(att_a, ((0, pc), (0, 0)))
        sel_bg = jnp.pad(sel_b, ((0, 0), (0, pc)))
    else:
        sel_bg = sel_b

    nsl = d // 8 + 1
    reps = 4
    xl, xr = _tc_matmul2(x, wl, wr, bn=1000)
    gl, gr = _sc_gather2(xl, xr, src2d, dst2d)
    msl = _tc_edge(gl, gr, att_a, sel_bg, d, be=256)
    mslf = msl.reshape(nsl, msl.shape[1] * 8)
    jobs = _sc_scatter(mslf, dst2d, nsl, reps)
    jobs = jobs.reshape(nsl * reps, N_PAD, 8)
    return _tc_finalize(jobs, sel_b, bias, n, bn=200, mode=mode,
                        nsl=nsl, reps=reps)


def kernel(x, edge_index, p, Wl1, Wr1, att1, b1, Wl2, Wr2, att2, b2):
    n = x.shape[0]
    e = edge_index.shape[1]
    e_pad = ((e + NC * NS * CH - 1) // (NC * NS * CH)) * (NC * NS * CH)

    src = edge_index[0].astype(jnp.int32)
    dst = edge_index[1].astype(jnp.int32)
    pad = e_pad - e
    src2d = jnp.concatenate([src, jnp.zeros((pad,), jnp.int32)]
                            ).reshape(e_pad // CH, CH)
    dst2d = jnp.concatenate([dst, jnp.full((pad,), n, jnp.int32)]
                            ).reshape(e_pad // CH, CH)

    h = _gatv2_layer(x, src2d, dst2d, Wl1, Wr1, att1, b1, mode="elu")
    return _gatv2_layer(h, src2d, dst2d, Wl2, Wr2, att2, b2, mode="lsm")

# --- scband reference (transcript-rebuilt; emitter-appended) ---
"""Pipeline reference for scband-gatv2-16527034155119 (READ-ONLY COPY).

The authoritative reference and input builder live on the scoring server;
editing this copy changes nothing except your own understanding.
"""

import jax, jax.numpy as jnp
import numpy as np

N = 10000
E = 160000
DIM_IN = 256
DIM_H = 32
HEADS = 8
DIM_OUT = 64


def setup_inputs(seed: int = 0) -> dict:
    key = jax.random.key(seed)
    ks = jax.random.split(key, 12)
    x = jax.random.normal(ks[0], (N, DIM_IN), dtype=jnp.float32)
    edge_index = jax.random.randint(ks[1], (2, E), 0, N, dtype=jnp.int64)
    p = 0
    # GATv2Conv layer 1: in=DIM_IN, out=DIM_H, heads=HEADS (concat)
    Wl1 = jax.random.normal(ks[2], (DIM_IN, HEADS * DIM_H), dtype=jnp.float32) * 0.05
    Wr1 = jax.random.normal(ks[3], (DIM_IN, HEADS * DIM_H), dtype=jnp.float32) * 0.05
    att1 = jax.random.normal(ks[4], (HEADS, DIM_H), dtype=jnp.float32) * 0.05
    b1 = jnp.zeros((HEADS * DIM_H,), dtype=jnp.float32)
    # GATv2Conv layer 2: in=HEADS*DIM_H, out=DIM_OUT, heads=1 (average/concat equivalent)
    Wl2 = jax.random.normal(ks[5], (HEADS * DIM_H, DIM_OUT), dtype=jnp.float32) * 0.05
    Wr2 = jax.random.normal(ks[6], (HEADS * DIM_H, DIM_OUT), dtype=jnp.float32) * 0.05
    att2 = jax.random.normal(ks[7], (1, DIM_OUT), dtype=jnp.float32) * 0.05
    b2 = jnp.zeros((DIM_OUT,), dtype=jnp.float32)
    return {"x": x, "edge_index": edge_index, "p": p,
            "Wl1": Wl1, "Wr1": Wr1, "att1": att1, "b1": b1,
            "Wl2": Wl2, "Wr2": Wr2, "att2": att2, "b2": b2}


def gatv2_layer(x, edge_index, Wl, Wr, att, bias, concat):
    # Faithful GATv2Conv (PyG): e_ij = att . LeakyReLU(W_l x_j + W_r x_i), softmax over incoming edges of i
    H, C = att.shape
    n = x.shape[0]
    src = edge_index[0]
    dst = edge_index[1]
    xl = (x @ Wl).reshape(n, H, C)
    xr = (x @ Wr).reshape(n, H, C)
    e = jax.nn.leaky_relu(xl[src] + xr[dst], negative_slope=0.2)  # [E, H, C]
    logits = jnp.sum(e * att[None, :, :], axis=-1)  # [E, H]
    m = jax.ops.segment_max(logits, dst, num_segments=n)
    m = jnp.where(jnp.isfinite(m), m, 0.0)
    m = jax.lax.stop_gradient(m)
    ex = jnp.exp(logits - m[dst])
    denom = jax.ops.segment_sum(ex, dst, num_segments=n)
    alpha = ex / (denom[dst] + 1e-16)  # [E, H]
    msg = xl[src] * alpha[:, :, None]  # [E, H, C]
    out = jax.ops.segment_sum(msg, dst, num_segments=n)  # [N, H, C]
    if concat:
        out = out.reshape(n, H * C)
    else:
        out = jnp.mean(out, axis=1)
    return out + bias


def reference(x, edge_index, p, Wl1, Wr1, att1, b1, Wl2, Wr2, att2, b2):
    # dropout with p=0 in eval is identity
    h = x
    h = gatv2_layer(h, edge_index, Wl1, Wr1, att1, b1, concat=True)
    h = jax.nn.elu(h)
    h = gatv2_layer(h, edge_index, Wl2, Wr2, att2, b2, concat=False)
    return jax.nn.log_softmax(h, axis=1)

if __name__ == "__main__":
    import jax
    _d = setup_inputs()
    print(jax.jit(kernel)(*tuple(_d.values())))

</pallas_src>

<mosaic_0001>
#map = affine_map<(d0, d1) -> (0, 0)>
module attributes {stable_mosaic.version = 14 : i64} {
  func.func @k(%arg0: i32, %arg1: i32, %arg2: memref<33x1310720xf32, #tpu.memory_space<hbm>>, %arg3: memref<1280x128xi32, #tpu.memory_space<hbm>>, %arg4: memref<132x81920xf32, #tpu.memory_space<hbm>>, %arg5: memref<81920xf32, #tpu.memory_space<vmem>>, %arg6: memref<1024xf32, #tpu.memory_space<vmem>>, %arg7: memref<128xi32, #tpu.memory_space<vmem>>, %arg8: memref<!tpu.dma_semaphore, #tpu.memory_space<semaphore_mem>>, %arg9: memref<!tpu.dma_semaphore, #tpu.memory_space<semaphore_mem>>) attributes {dimension_semantics = [#tpu.dimension_semantics<core_parallel>, #tpu.dimension_semantics<subcore_parallel>], iteration_bounds = array<i64: 2, 16>, scalar_prefetch = 0 : i64, scratch_operands = 5 : i64, tpu.core_type = #tpu.core_type<sc_vector_subcore>, window_params = [{transform_indices = #map}, {transform_indices = #map}, {transform_indices = #map}]} {
    %mul3A = arith.constant 2 : i32
    %mul3A_0 = arith.muli %arg1, %mul3A : i32
    %add3A = arith.addi %mul3A_0, %arg0 : i32
    %iota3A = tpu.iota {dimensions = array<i32: 0>} : vector<16xi32>
    %and3A = arith.constant 7 : i32
    %and3A_1 = vector.broadcast %and3A : i32 to vector<16xi32>
    %and3A_2 = arith.andi %iota3A, %and3A_1 : vector<16xi32>
    %ge3A = arith.constant 8 : i32
    %ge3A_3 = vector.broadcast %ge3A : i32 to vector<16xi32>
    %ge3A_4 = arith.cmpi sge, %iota3A, %ge3A_3 : vector<16xi32>
    %convert_element_type3A = arith.extui %ge3A_4 : vector<16xi1> to vector<16xi32>
    %lt3A = arith.constant 8 : i32
    %lt3A_5 = vector.broadcast %lt3A : i32 to vector<16xi32>
    %lt3A_6 = arith.cmpi slt, %iota3A, %lt3A_5 : vector<16xi32>
    %ge3A_7 = arith.constant 8 : i32
    %ge3A_8 = vector.broadcast %ge3A_7 : i32 to vector<16xi32>
    %ge3A_9 = arith.cmpi sge, %iota3A, %ge3A_8 : vector<16xi32>
    %scan3A = arith.constant 0 : i32
    %scan3A_10 = arith.constant 5 : i32
    %scan3A_11 = arith.addi %scan3A, %scan3A_10 : i32
    %scan3A_12 = arith.constant 1 : i32
    scf.for %scan3A_14 = %scan3A to %scan3A_11 step %scan3A_12  : i32 {
      %mul3A_15 = arith.constant 1 : i32
      %mul3A_16 = arith.muli %scan3A_14, %mul3A_15 : i32
      %add3A_17 = arith.constant 0 : i32
      %add3A_18 = arith.addi %add3A_17, %mul3A_16 : i32
      %mul3A_19 = arith.constant 32 : i32
      %mul3A_20 = arith.muli %add3A_18, %mul3A_19 : i32
      %add3A_21 = arith.addi %add3A, %mul3A_20 : i32
      %lt3A_22 = arith.constant 132 : i32
      %lt3A_23 = arith.cmpi slt, %add3A_21, %lt3A_22 : i32
      %convert_element_type3A_24 = arith.extui %lt3A_23 : i1 to i32
      %cond3A = arith.constant 0 : i32
      %cond3A_25 = arith.cmpi ne, %convert_element_type3A_24, %cond3A : i32
      scf.if %cond3A_25 {
        %jit3A = arith.constant 33 : i32
        %eq3A = arith.constant 0 : i32
        %eq3A_26 = arith.cmpi eq, %jit3A, %eq3A : i32
        %jit3A_27 = arith.constant 1 : i32
        %select_n3A = arith.select %eq3A_26, %jit3A_27, %jit3A : i32
        %rem3A = arith.remsi %add3A_21, %select_n3A : i32
        %ne3A = arith.constant 0 : i32
        %ne3A_28 = arith.cmpi ne, %rem3A, %ne3A : i32
        %lt3A_29 = arith.constant 0 : i32
        %lt3A_30 = arith.cmpi slt, %rem3A, %lt3A_29 : i32
        %lt3A_31 = arith.constant 0 : i32
        %lt3A_32 = arith.cmpi slt, %select_n3A, %lt3A_31 : i32
        %ne3A_33 = arith.xori %lt3A_30, %lt3A_32 : i1
        %and3A_34 = arith.andi %ne3A_33, %ne3A_28 : i1
        %add3A_35 = arith.addi %rem3A, %select_n3A : i32
        %select_n3A_36 = arith.select %and3A_34, %add3A_35, %rem3A : i32
        %jit3A_37 = arith.constant 33 : i32
        %div3A = arith.divsi %add3A_21, %jit3A_37 : i32
        %sign3A = arith.constant 0 : i32
        %sign3A_38 = arith.cmpi sgt, %add3A_21, %sign3A : i32
        %sign3A_39 = arith.extui %sign3A_38 : i1 to i32
        %sign3A_40 = arith.constant 0 : i32
        %sign3A_41 = arith.cmpi slt, %add3A_21, %sign3A_40 : i32
        %sign3A_42 = arith.extui %sign3A_41 : i1 to i32
        %sign3A_43 = arith.subi %sign3A_39, %sign3A_42 : i32
        %sign3A_44 = arith.constant 0 : i32
        %sign3A_45 = arith.cmpi sgt, %jit3A_37, %sign3A_44 : i32
        %sign3A_46 = arith.extui %sign3A_45 : i1 to i32
        %sign3A_47 = arith.constant 0 : i32
        %sign3A_48 = arith.cmpi slt, %jit3A_37, %sign3A_47 : i32
        %sign3A_49 = arith.extui %sign3A_48 : i1 to i32
        %sign3A_50 = arith.subi %sign3A_46, %sign3A_49 : i32
        %ne3A_51 = arith.cmpi ne, %sign3A_43, %sign3A_50 : i32
        %rem3A_52 = arith.remsi %add3A_21, %jit3A_37 : i32
        %ne3A_53 = arith.constant 0 : i32
        %ne3A_54 = arith.cmpi ne, %rem3A_52, %ne3A_53 : i32
        %and3A_55 = arith.andi %ne3A_51, %ne3A_54 : i1
        %sub3A = arith.constant 1 : i32
        %sub3A_56 = arith.subi %div3A, %sub3A : i32
        %select_n3A_57 = arith.select %and3A_55, %sub3A_56, %div3A : i32
        %scan3A_58 = arith.constant 0 : i32
        %scan3A_59 = arith.constant 5120 : i32
        %scan3A_60 = arith.addi %scan3A_58, %scan3A_59 : i32
        %scan3A_61 = arith.constant 1 : i32
        scf.for %scan3A_68 = %scan3A_58 to %scan3A_60 step %scan3A_61  : i32 {
          %mul3A_69 = arith.constant 16 : i32
          %mul3A_70 = arith.muli %scan3A_68, %mul3A_69 : i32
          %add3A_71 = arith.constant 0 : i32
          %add3A_72 = arith.addi %add3A_71, %mul3A_70 : i32
          %broadcast_in_dim3A = arith.constant 0.000000e+00 : f32
          %broadcast_in_dim3A_73 = vector.broadcast %broadcast_in_dim3A : f32 to vector<16xf32>
          %swap3A = arith.index_cast %add3A_72 : i32 to index
          %swap3A_74 = tpu.vector_load %arg5[%swap3A] {strides = array<i32>} : memref<81920xf32, #tpu.memory_space<vmem>>, vector<16xf32>,
          tpu.vector_store %arg5[%swap3A], %broadcast_in_dim3A_73 {strides = array<i32>} : memref<81920xf32, #tpu.memory_space<vmem>>, vector<16xf32>,
        }
        %scan3A_62 = arith.constant 5120 : i32
        %scan3A_63 = arith.constant 0 : i32
        %scan3A_64 = arith.constant 320 : i32
        %scan3A_65 = arith.addi %scan3A_63, %scan3A_64 : i32
        %scan3A_66 = arith.constant 1 : i32
        scf.for %scan3A_68 = %scan3A_63 to %scan3A_65 step %scan3A_66  : i32 {
          %mul3A_69 = arith.constant 1 : i32
          %mul3A_70 = arith.muli %scan3A_68, %mul3A_69 : i32
          %add3A_71 = arith.constant 0 : i32
          %add3A_72 = arith.addi %add3A_71, %mul3A_70 : i32
          %mul3A_73 = arith.constant 320 : i32
          %mul3A_74 = arith.muli %select_n3A_57, %mul3A_73 : i32
          %add3A_75 = arith.addi %mul3A_74, %add3A_72 : i32
          %dma_start3A = arith.constant 0 : i32
          %dma_start3A_76 = tpu.memref_slice %arg3[%add3A_75, %dma_start3A] : memref<1280x128xi32, #tpu.memory_space<hbm>> -> memref<1x128xi32, #tpu.memory_space<hbm>>
          %dma_start3A_77 = tpu.memref_squeeze %dma_start3A_76 : memref<1x128xi32, #tpu.memory_space<hbm>> -> memref<128xi32, #tpu.memory_space<hbm>>
          %dma_start3A_78 = arith.constant 0 : i32
          %dma_start3A_79 = tpu.memref_slice %arg3[%add3A_75, %dma_start3A_78] : memref<1280x128xi32, #tpu.memory_space<hbm>> -> memref<1x128xi32, #tpu.memory_space<hbm>>
          %dma_start3A_80 = tpu.memref_squeeze %dma_start3A_79 : memref<1x128xi32, #tpu.memory_space<hbm>> -> memref<128xi32, #tpu.memory_space<hbm>>
          tpu.enqueue_dma source(%dma_start3A_80 : memref<128xi32, #tpu.memory_space<hbm>>) target(%arg7 : memref<128xi32, #tpu.memory_space<vmem>>) target_semaphore(%arg8 : memref<!tpu.dma_semaphore, #tpu.memory_space<semaphore_mem>>)
          %mul3A_81 = arith.constant 1024 : i32
          %mul3A_82 = arith.muli %add3A_75, %mul3A_81 : i32
          %dma_start3A_83 = tpu.memref_slice %arg2[%select_n3A_36, %mul3A_82] : memref<33x1310720xf32, #tpu.memory_space<hbm>> -> memref<1x1024xf32, #tpu.memory_space<hbm>>
          %dma_start3A_84 = tpu.memref_squeeze %dma_start3A_83 : memref<1x1024xf32, #tpu.memory_space<hbm>> -> memref<1024xf32, #tpu.memory_space<hbm>>
          %dma_start3A_85 = tpu.memref_slice %arg2[%select_n3A_36, %mul3A_82] : memref<33x1310720xf32, #tpu.memory_space<hbm>> -> memref<1x1024xf32, #tpu.memory_space<hbm>>
          %dma_start3A_86 = tpu.memref_squeeze %dma_start3A_85 : memref<1x1024xf32, #tpu.memory_space<hbm>> -> memref<1024xf32, #tpu.memory_space<hbm>>
          tpu.enqueue_dma source(%dma_start3A_86 : memref<1024xf32, #tpu.memory_space<hbm>>) target(%arg6 : memref<1024xf32, #tpu.memory_space<vmem>>) target_semaphore(%arg9 : memref<!tpu.dma_semaphore, #tpu.memory_space<semaphore_mem>>)
          %dma_wait3A = arith.constant 0 : i32
          %dma_wait3A_87 = tpu.memref_slice %arg3[%add3A_75, %dma_wait3A] : memref<1280x128xi32, #tpu.memory_space<hbm>> -> memref<1x128xi32, #tpu.memory_space<hbm>>
          %dma_wait3A_88 = tpu.memref_squeeze %dma_wait3A_87 : memref<1x128xi32, #tpu.memory_space<hbm>> -> memref<128xi32, #tpu.memory_space<hbm>>
          %dma_wait3A_89 = arith.constant 0 : i32
          %dma_wait3A_90 = tpu.memref_slice %arg3[%add3A_75, %dma_wait3A_89] : memref<1280x128xi32, #tpu.memory_space<hbm>> -> memref<1x128xi32, #tpu.memory_space<hbm>>
          %dma_wait3A_91 = tpu.memref_squeeze %dma_wait3A_90 : memref<1x128xi32, #tpu.memory_space<hbm>> -> memref<128xi32, #tpu.memory_space<hbm>>
          tpu.wait_dma2 semaphore(%arg8 : memref<!tpu.dma_semaphore, #tpu.memory_space<semaphore_mem>>) src(%dma_wait3A_91 : memref<128xi32, #tpu.memory_space<hbm>>) dst(%arg7 : memref<128xi32, #tpu.memory_space<vmem>>)
          %dma_wait3A_92 = tpu.memref_slice %arg2[%select_n3A_36, %mul3A_82] : memref<33x1310720xf32, #tpu.memory_space<hbm>> -> memref<1x1024xf32, #tpu.memory_space<hbm>>
          %dma_wait3A_93 = tpu.memref_squeeze %dma_wait3A_92 : memref<1x1024xf32, #tpu.memory_space<hbm>> -> memref<1024xf32, #tpu.memory_space<hbm>>
          %dma_wait3A_94 = tpu.memref_slice %arg2[%select_n3A_36, %mul3A_82] : memref<33x1310720xf32, #tpu.memory_space<hbm>> -> memref<1x1024xf32, #tpu.memory_space<hbm>>
          %dma_wait3A_95 = tpu.memref_squeeze %dma_wait3A_94 : memref<1x1024xf32, #tpu.memory_space<hbm>> -> memref<1024xf32, #tpu.memory_space<hbm>>
          tpu.wait_dma2 semaphore(%arg9 : memref<!tpu.dma_semaphore, #tpu.memory_space<semaphore_mem>>) src(%dma_wait3A_95 : memref<1024xf32, #tpu.memory_space<hbm>>) dst(%arg6 : memref<1024xf32, #tpu.memory_space<vmem>>)
          %parallel_loop3A = arith.constant 0 : i32
          %parallel_loop3A_96 = arith.constant 8 : i32
          %parallel_loop3A_97 = arith.constant 1 : i32
          scf.for %parallel_loop3A_98 = %parallel_loop3A to %parallel_loop3A_96 step %parallel_loop3A_97  : i32 {
            %parallel_loop3A_99 = arith.constant 16 : i32
            %parallel_loop3A_100 = arith.muli %parallel_loop3A_98, %parallel_loop3A_99 : i32
            %parallel_loop3A_101 = arith.constant 0 : i32
            %parallel_loop3A_102 = arith.addi %parallel_loop3A_100, %parallel_loop3A_101 : i32
            %parallel_loop3A_103 = vector.broadcast %parallel_loop3A_102 : i32 to vector<16xi32>
            %parallel_loop3A_104 = arith.addi %parallel_loop3A_103, %convert_element_type3A : vector<16xi32>
            %parallel_loop3A_105 = tpu.vector_load_idx %arg7[%parallel_loop3A_104] : memref<128xi32, #tpu.memory_space<vmem>>[vector<16xi32>], vector<16xi32>,
            %parallel_loop3A_106 = arith.constant 8 : i32
            %parallel_loop3A_107 = vector.broadcast %parallel_loop3A_106 : i32 to vector<16xi32>
            %parallel_loop3A_108 = arith.muli %parallel_loop3A_105, %parallel_loop3A_107 : vector<16xi32>
            %parallel_loop3A_109 = arith.addi %parallel_loop3A_108, %and3A_2 : vector<16xi32>
            %parallel_loop3A_110 = arith.constant 128 : i32
            %parallel_loop3A_111 = arith.muli %parallel_loop3A_98, %parallel_loop3A_110 : i32
            %parallel_loop3A_112 = arith.constant 0 : i32
            %parallel_loop3A_113 = arith.addi %parallel_loop3A_111, %parallel_loop3A_112 : i32
            %parallel_loop3A_114 = arith.index_cast %parallel_loop3A_113 : i32 to index
            %parallel_loop3A_115 = tpu.vector_load %arg6[%parallel_loop3A_114] {strides = array<i32>} : memref<1024xf32, #tpu.memory_space<vmem>>, vector<16xf32>,
            tpu.vector_store_idx %arg5[%parallel_loop3A_109], %parallel_loop3A_115 masked %lt3A_6 {add = true} : memref<81920xf32, #tpu.memory_space<vmem>>[vector<16xi32>], vector<16xf32>, vector<16xi1>
            tpu.vector_store_idx %arg5[%parallel_loop3A_109], %parallel_loop3A_115 masked %ge3A_9 {add = true} : memref<81920xf32, #tpu.memory_space<vmem>>[vector<16xi32>], vector<16xf32>, vector<16xi1>
            %parallel_loop3A_116 = arith.constant 16 : i32
            %parallel_loop3A_117 = arith.muli %parallel_loop3A_98, %parallel_loop3A_116 : i32
            %parallel_loop3A_118 = arith.constant 2 : i32
            %parallel_loop3A_119 = arith.addi %parallel_loop3A_117, %parallel_loop3A_118 : i32
            %parallel_loop3A_120 = vector.broadcast %parallel_loop3A_119 : i32 to vector<16xi32>
            %parallel_loop3A_121 = arith.addi %parallel_loop3A_120, %convert_element_type3A : vector<16xi32>
            %parallel_loop3A_122 = tpu.vector_load_idx %arg7[%parallel_loop3A_121] : memref<128xi32, #tpu.memory_space<vmem>>[vector<16xi32>], vector<16xi32>,
            %parallel_loop3A_123 = arith.constant 8 : i32
            %parallel_loop3A_124 = vector.broadcast %parallel_loop3A_123 : i32 to vector<16xi32>
            %parallel_loop3A_125 = arith.muli %parallel_loop3A_122, %parallel_loop3A_124 : vector<16xi32>
            %parallel_loop3A_126 = arith.addi %parallel_loop3A_125, %and3A_2 : vector<16xi32>
            %parallel_loop3A_127 = arith.constant 128 : i32
            %parallel_loop3A_128 = arith.muli %parallel_loop3A_98, %parallel_loop3A_127 : i32
            %parallel_loop3A_129 = arith.constant 16 : i32
            %parallel_loop3A_130 = arith.addi %parallel_loop3A_128, %parallel_loop3A_129 : i32
            %parallel_loop3A_131 = arith.index_cast %parallel_loop3A_130 : i32 to index
            %parallel_loop3A_132 = tpu.vector_load %arg6[%parallel_loop3A_131] {strides = array<i32>} : memref<1024xf32, #tpu.memory_space<vmem>>, vector<16xf32>,
            tpu.vector_store_idx %arg5[%parallel_loop3A_126], %parallel_loop3A_132 masked %lt3A_6 {add = true} : memref<81920xf32, #tpu.memory_space<vmem>>[vector<16xi32>], vector<16xf32>, vector<16xi1>
            tpu.vector_store_idx %arg5[%parallel_loop3A_126], %parallel_loop3A_132 masked %ge3A_9 {add = true} : memref<81920xf32, #tpu.memory_space<vmem>>[vector<16xi32>], vector<16xf32>, vector<16xi1>
            %parallel_loop3A_133 = arith.constant 16 : i32
            %parallel_loop3A_134 = arith.muli %parallel_loop3A_98, %parallel_loop3A_133 : i32
            %parallel_loop3A_135 = arith.constant 4 : i32
            %parallel_loop3A_136 = arith.addi %parallel_loop3A_134, %parallel_loop3A_135 : i32
            %parallel_loop3A_137 = vector.broadcast %parallel_loop3A_136 : i32 to vector<16xi32>
            %parallel_loop3A_138 = arith.addi %parallel_loop3A_137, %convert_element_type3A : vector<16xi32>
            %parallel_loop3A_139 = tpu.vector_load_idx %arg7[%parallel_loop3A_138] : memref<128xi32, #tpu.memory_space<vmem>>[vector<16xi32>], vector<16xi32>,
            %parallel_loop3A_140 = arith.constant 8 : i32
            %parallel_loop3A_141 = vector.broadcast %parallel_loop3A_140 : i32 to vector<16xi32>
            %parallel_loop3A_142 = arith.muli %parallel_loop3A_139, %parallel_loop3A_141 : vector<16xi32>
            %parallel_loop3A_143 = arith.addi %parallel_loop3A_142, %and3A_2 : vector<16xi32>
            %parallel_loop3A_144 = arith.constant 128 : i32
            %parallel_loop3A_145 = arith.muli %parallel_loop3A_98, %parallel_loop3A_144 : i32
            %parallel_loop3A_146 = arith.constant 32 : i32
            %parallel_loop3A_147 = arith.addi %parallel_loop3A_145, %parallel_loop3A_146 : i32
            %parallel_loop3A_148 = arith.index_cast %parallel_loop3A_147 : i32 to index
            %parallel_loop3A_149 = tpu.vector_load %arg6[%parallel_loop3A_148] {strides = array<i32>} : memref<1024xf32, #tpu.memory_space<vmem>>, vector<16xf32>,
            tpu.vector_store_idx %arg5[%parallel_loop3A_143], %parallel_loop3A_149 masked %lt3A_6 {add = true} : memref<81920xf32, #tpu.memory_space<vmem>>[vector<16xi32>], vector<16xf32>, vector<16xi1>
            tpu.vector_store_idx %arg5[%parallel_loop3A_143], %parallel_loop3A_149 masked %ge3A_9 {add = true} : memref<81920xf32, #tpu.memory_space<vmem>>[vector<16xi32>], vector<16xf32>, vector<16xi1>
            %parallel_loop3A_150 = arith.constant 16 : i32
            %parallel_loop3A_151 = arith.muli %parallel_loop3A_98, %parallel_loop3A_150 : i32
            %parallel_loop3A_152 = arith.constant 6 : i32
            %parallel_loop3A_153 = arith.addi %parallel_loop3A_151, %parallel_loop3A_152 : i32
            %parallel_loop3A_154 = vector.broadcast %parallel_loop3A_153 : i32 to vector<16xi32>
            %parallel_loop3A_155 = arith.addi %parallel_loop3A_154, %convert_element_type3A : vector<16xi32>
            %parallel_loop3A_156 = tpu.vector_load_idx %arg7[%parallel_loop3A_155] : memref<128xi32, #tpu.memory_space<vmem>>[vector<16xi32>], vector<16xi32>,
            %parallel_loop3A_157 = arith.constant 8 : i32
            %parallel_loop3A_158 = vector.broadcast %parallel_loop3A_157 : i32 to vector<16xi32>
            %parallel_loop3A_159 = arith.muli %parallel_loop3A_156, %parallel_loop3A_158 : vector<16xi32>
            %parallel_loop3A_160 = arith.addi %parallel_loop3A_159, %and3A_2 : vector<16xi32>
            %parallel_loop3A_161 = arith.constant 128 : i32
            %parallel_loop3A_162 = arith.muli %parallel_loop3A_98, %parallel_loop3A_161 : i32
            %parallel_loop3A_163 = arith.constant 48 : i32
            %parallel_loop3A_164 = arith.addi %parallel_loop3A_162, %parallel_loop3A_163 : i32
            %parallel_loop3A_165 = arith.index_cast %parallel_loop3A_164 : i32 to index
            %parallel_loop3A_166 = tpu.vector_load %arg6[%parallel_loop3A_165] {strides = array<i32>} : memref<1024xf32, #tpu.memory_space<vmem>>, vector<16xf32>,
            tpu.vector_store_idx %arg5[%parallel_loop3A_160], %parallel_loop3A_166 masked %lt3A_6 {add = true} : memref<81920xf32, #tpu.memory_space<vmem>>[vector<16xi32>], vector<16xf32>, vector<16xi1>
            tpu.vector_store_idx %arg5[%parallel_loop3A_160], %parallel_loop3A_166 masked %ge3A_9 {add = true} : memref<81920xf32, #tpu.memory_space<vmem>>[vector<16xi32>], vector<16xf32>, vector<16xi1>
            %parallel_loop3A_167 = arith.constant 16 : i32
            %parallel_loop3A_168 = arith.muli %parallel_loop3A_98, %parallel_loop3A_167 : i32
            %parallel_loop3A_169 = arith.constant 8 : i32
            %parallel_loop3A_170 = arith.addi %parallel_loop3A_168, %parallel_loop3A_169 : i32
            %parallel_loop3A_171 = vector.broadcast %parallel_loop3A_170 : i32 to vector<16xi32>
            %parallel_loop3A_172 = arith.addi %parallel_loop3A_171, %convert_element_type3A : vector<16xi32>
            %parallel_loop3A_173 = tpu.vector_load_idx %arg7[%parallel_loop3A_172] : memref<128xi32, #tpu.memory_space<vmem>>[vector<16xi32>], vector<16xi32>,
            %parallel_loop3A_174 = arith.constant 8 : i32
            %parallel_loop3A_175 = vector.broadcast %parallel_loop3A_174 : i32 to vector<16xi32>
            %parallel_loop3A_176 = arith.muli %parallel_loop3A_173, %parallel_loop3A_175 : vector<16xi32>
            %parallel_loop3A_177 = arith.addi %parallel_loop3A_176, %and3A_2 : vector<16xi32>
            %parallel_loop3A_178 = arith.constant 128 : i32
            %parallel_loop3A_179 = arith.muli %parallel_loop3A_98, %parallel_loop3A_178 : i32
            %parallel_loop3A_180 = arith.constant 64 : i32
            %parallel_loop3A_181 = arith.addi %parallel_loop3A_179, %parallel_loop3A_180 : i32
            %parallel_loop3A_182 = arith.index_cast %parallel_loop3A_181 : i32 to index
            %parallel_loop3A_183 = tpu.vector_load %arg6[%parallel_loop3A_182] {strides = array<i32>} : memref<1024xf32, #tpu.memory_space<vmem>>, vector<16xf32>,
            tpu.vector_store_idx %arg5[%parallel_loop3A_177], %parallel_loop3A_183 masked %lt3A_6 {add = true} : memref<81920xf32, #tpu.memory_space<vmem>>[vector<16xi32>], vector<16xf32>, vector<16xi1>
            tpu.vector_store_idx %arg5[%parallel_loop3A_177], %parallel_loop3A_183 masked %ge3A_9 {add = true} : memref<81920xf32, #tpu.memory_space<vmem>>[vector<16xi32>], vector<16xf32>, vector<16xi1>
            %parallel_loop3A_184 = arith.constant 16 : i32
            %parallel_loop3A_185 = arith.muli %parallel_loop3A_98, %parallel_loop3A_184 : i32
            %parallel_loop3A_186 = arith.constant 10 : i32
            %parallel_loop3A_187 = arith.addi %parallel_loop3A_185, %parallel_loop3A_186 : i32
            %parallel_loop3A_188 = vector.broadcast %parallel_loop3A_187 : i32 to vector<16xi32>
            %parallel_loop3A_189 = arith.addi %parallel_loop3A_188, %convert_element_type3A : vector<16xi32>
            %parallel_loop3A_190 = tpu.vector_load_idx %arg7[%parallel_loop3A_189] : memref<128xi32, #tpu.memory_space<vmem>>[vector<16xi32>], vector<16xi32>,
            %parallel_loop3A_191 = arith.constant 8 : i32
            %parallel_loop3A_192 = vector.broadcast %parallel_loop3A_191 : i32 to vector<16xi32>
            %parallel_loop3A_193 = arith.muli %parallel_loop3A_190, %parallel_loop3A_192 : vector<16xi32>
            %parallel_loop3A_194 = arith.addi %parallel_loop3A_193, %and3A_2 : vector<16xi32>
            %parallel_loop3A_195 = arith.constant 128 : i32
            %parallel_loop3A_196 = arith.muli %parallel_loop3A_98, %parallel_loop3A_195 : i32
            %parallel_loop3A_197 = arith.constant 80 : i32
            %parallel_loop3A_198 = arith.addi %parallel_loop3A_196, %parallel_loop3A_197 : i32
            %parallel_loop3A_199 = arith.index_cast %parallel_loop3A_198 : i32 to index
            %parallel_loop3A_200 = tpu.vector_load %arg6[%parallel_loop3A_199] {strides = array<i32>} : memref<1024xf32, #tpu.memory_space<vmem>>, vector<16xf32>,
            tpu.vector_store_idx %arg5[%parallel_loop3A_194], %parallel_loop3A_200 masked %lt3A_6 {add = true} : memref<81920xf32, #tpu.memory_space<vmem>>[vector<16xi32>], vector<16xf32>, vector<16xi1>
            tpu.vector_store_idx %arg5[%parallel_loop3A_194], %parallel_loop3A_200 masked %ge3A_9 {add = true} : memref<81920xf32, #tpu.memory_space<vmem>>[vector<16xi32>], vector<16xf32>, vector<16xi1>
            %parallel_loop3A_201 = arith.constant 16 : i32
            %parallel_loop3A_202 = arith.muli %parallel_loop3A_98, %parallel_loop3A_201 : i32
            %parallel_loop3A_203 = arith.constant 12 : i32
            %parallel_loop3A_204 = arith.addi %parallel_loop3A_202, %parallel_loop3A_203 : i32
            %parallel_loop3A_205 = vector.broadcast %parallel_loop3A_204 : i32 to vector<16xi32>
            %parallel_loop3A_206 = arith.addi %parallel_loop3A_205, %convert_element_type3A : vector<16xi32>
            %parallel_loop3A_207 = tpu.vector_load_idx %arg7[%parallel_loop3A_206] : memref<128xi32, #tpu.memory_space<vmem>>[vector<16xi32>], vector<16xi32>,
            %parallel_loop3A_208 = arith.constant 8 : i32
            %parallel_loop3A_209 = vector.broadcast %parallel_loop3A_208 : i32 to vector<16xi32>
            %parallel_loop3A_210 = arith.muli %parallel_loop3A_207, %parallel_loop3A_209 : vector<16xi32>
            %parallel_loop3A_211 = arith.addi %parallel_loop3A_210, %and3A_2 : vector<16xi32>
            %parallel_loop3A_212 = arith.constant 128 : i32
            %parallel_loop3A_213 = arith.muli %parallel_loop3A_98, %parallel_loop3A_212 : i32
            %parallel_loop3A_214 = arith.constant 96 : i32
            %parallel_loop3A_215 = arith.addi %parallel_loop3A_213, %parallel_loop3A_214 : i32
            %parallel_loop3A_216 = arith.index_cast %parallel_loop3A_215 : i32 to index
            %parallel_loop3A_217 = tpu.vector_load %arg6[%parallel_loop3A_216] {strides = array<i32>} : memref<1024xf32, #tpu.memory_space<vmem>>, vector<16xf32>,
            tpu.vector_store_idx %arg5[%parallel_loop3A_211], %parallel_loop3A_217 masked %lt3A_6 {add = true} : memref<81920xf32, #tpu.memory_space<vmem>>[vector<16xi32>], vector<16xf32>, vector<16xi1>
            tpu.vector_store_idx %arg5[%parallel_loop3A_211], %parallel_loop3A_217 masked %ge3A_9 {add = true} : memref<81920xf32, #tpu.memory_space<vmem>>[vector<16xi32>], vector<16xf32>, vector<16xi1>
            %parallel_loop3A_218 = arith.constant 16 : i32
            %parallel_loop3A_219 = arith.muli %parallel_loop3A_98, %parallel_loop3A_218 : i32
            %parallel_loop3A_220 = arith.constant 14 : i32
            %parallel_loop3A_221 = arith.addi %parallel_loop3A_219, %parallel_loop3A_220 : i32
            %parallel_loop3A_222 = vector.broadcast %parallel_loop3A_221 : i32 to vector<16xi32>
            %parallel_loop3A_223 = arith.addi %parallel_loop3A_222, %convert_element_type3A : vector<16xi32>
            %parallel_loop3A_224 = tpu.vector_load_idx %arg7[%parallel_loop3A_223] : memref<128xi32, #tpu.memory_space<vmem>>[vector<16xi32>], vector<16xi32>,
            %parallel_loop3A_225 = arith.constant 8 : i32
            %parallel_loop3A_226 = vector.broadcast %parallel_loop3A_225 : i32 to vector<16xi32>
            %parallel_loop3A_227 = arith.muli %parallel_loop3A_224, %parallel_loop3A_226 : vector<16xi32>
            %parallel_loop3A_228 = arith.addi %parallel_loop3A_227, %and3A_2 : vector<16xi32>
            %parallel_loop3A_229 = arith.constant 128 : i32
            %parallel_loop3A_230 = arith.muli %parallel_loop3A_98, %parallel_loop3A_229 : i32
            %parallel_loop3A_231 = arith.constant 112 : i32
            %parallel_loop3A_232 = arith.addi %parallel_loop3A_230, %parallel_loop3A_231 : i32
            %parallel_loop3A_233 = arith.index_cast %parallel_loop3A_232 : i32 to index
            %parallel_loop3A_234 = tpu.vector_load %arg6[%parallel_loop3A_233] {strides = array<i32>} : memref<1024xf32, #tpu.memory_space<vmem>>, vector<16xf32>,
            tpu.vector_store_idx %arg5[%parallel_loop3A_228], %parallel_loop3A_234 masked %lt3A_6 {add = true} : memref<81920xf32, #tpu.memory_space<vmem>>[vector<16xi32>], vector<16xf32>, vector<16xi1>
            tpu.vector_store_idx %arg5[%parallel_loop3A_228], %parallel_loop3A_234 masked %ge3A_9 {add = true} : memref<81920xf32, #tpu.memory_space<vmem>>[vector<16xi32>], vector<16xf32>, vector<16xi1>
          } {sc.loop_unroll_factor = 2 : i64, sc.parallel_access}
        }
        %scan3A_67 = arith.constant 320 : i32
        "tpu.region"() ({
          %run_scoped3A = tpu.sem_alloc : memref<!tpu.dma_semaphore, #tpu.memory_space<semaphore_mem>>
          %dma_start3A = arith.constant 0 : i32
          %dma_start3A_68 = tpu.memref_slice %arg4[%add3A_21, %dma_start3A] : memref<132x81920xf32, #tpu.memory_space<hbm>> -> memref<1x81920xf32, #tpu.memory_space<hbm>>
          %dma_start3A_69 = tpu.memref_squeeze %dma_start3A_68 : memref<1x81920xf32, #tpu.memory_space<hbm>> -> memref<81920xf32, #tpu.memory_space<hbm>>
          %dma_start3A_70 = arith.constant 0 : i32
          %dma_start3A_71 = tpu.memref_slice %arg4[%add3A_21, %dma_start3A_70] : memref<132x81920xf32, #tpu.memory_space<hbm>> -> memref<1x81920xf32, #tpu.memory_space<hbm>>
          %dma_start3A_72 = tpu.memref_squeeze %dma_start3A_71 : memref<1x81920xf32, #tpu.memory_space<hbm>> -> memref<81920xf32, #tpu.memory_space<hbm>>
          tpu.enqueue_dma source(%arg5 : memref<81920xf32, #tpu.memory_space<vmem>>) target(%dma_start3A_72 : memref<81920xf32, #tpu.memory_space<hbm>>) target_semaphore(%run_scoped3A : memref<!tpu.dma_semaphore, #tpu.memory_space<semaphore_mem>>)
          %dma_wait3A = arith.constant 0 : i32
          %dma_wait3A_73 = tpu.memref_slice %arg4[%add3A_21, %dma_wait3A] : memref<132x81920xf32, #tpu.memory_space<hbm>> -> memref<1x81920xf32, #tpu.memory_space<hbm>>
          %dma_wait3A_74 = tpu.memref_squeeze %dma_wait3A_73 : memref<1x81920xf32, #tpu.memory_space<hbm>> -> memref<81920xf32, #tpu.memory_space<hbm>>
          %dma_wait3A_75 = arith.constant 0 : i32
          %dma_wait3A_76 = tpu.memref_slice %arg4[%add3A_21, %dma_wait3A_75] : memref<132x81920xf32, #tpu.memory_space<hbm>> -> memref<1x81920xf32, #tpu.memory_space<hbm>>
          %dma_wait3A_77 = tpu.memref_squeeze %dma_wait3A_76 : memref<1x81920xf32, #tpu.memory_space<hbm>> -> memref<81920xf32, #tpu.memory_space<hbm>>
          tpu.wait_dma2 semaphore(%run_scoped3A : memref<!tpu.dma_semaphore, #tpu.memory_space<semaphore_mem>>) src(%arg5 : memref<81920xf32, #tpu.memory_space<vmem>>) dst(%dma_wait3A_77 : memref<81920xf32, #tpu.memory_space<hbm>>)
          tpu.yield
        }) : () -> ()
      } else {
      }
    }
    %scan3A_13 = arith.constant 5 : i32
    return
  }
}

#map = affine_map<(d0, d1) -> (0, 0)>
module attributes {stable_mosaic.version = 14 : i64} {
  func.func @k(%arg0: i32, %arg1: i32, %arg2: memref<10000x128xf32, #tpu.memory_space<hbm>>, %arg3: memref<10000x128xf32, #tpu.memory_space<hbm>>, %arg4: memref<1280x128xi32, #tpu.memory_space<hbm>>, %arg5: memref<1280x128xi32, #tpu.memory_space<hbm>>, %arg6: memref<163840x128xf32, #tpu.memory_space<hbm>>, %arg7: memref<163840x128xf32, #tpu.memory_space<hbm>>, %arg8: memref<128xi32, #tpu.memory_space<vmem>>, %arg9: memref<128xi32, #tpu.memory_space<vmem>>, %arg10: memref<128x128xf32, #tpu.memory_space<vmem>>, %arg11: memref<128x128xf32, #tpu.memory_space<vmem>>, %arg12: memref<!tpu.dma_semaphore, #tpu.memory_space<semaphore_mem>>, %arg13: memref<!tpu.dma_semaphore, #tpu.memory_space<semaphore_mem>>) attributes {dimension_semantics = [#tpu.dimension_semantics<core_parallel>, #tpu.dimension_semantics<subcore_parallel>], iteration_bounds = array<i64: 2, 16>, scalar_prefetch = 0 : i64, scratch_operands = 6 : i64, tpu.core_type = #tpu.core_type<sc_vector_subcore>, window_params = [{transform_indices = #map}, {transform_indices = #map}, {transform_indices = #map}, {transform_indices = #map}, {transform_indices = #map}, {transform_indices = #map}]} {
    %mul3A = arith.constant 2 : i32
    %mul3A_0 = arith.muli %arg1, %mul3A : i32
    %add3A = arith.addi %mul3A_0, %arg0 : i32
    %scan3A = arith.constant 0 : i32
    %scan3A_1 = arith.constant 40 : i32
    %scan3A_2 = arith.addi %scan3A, %scan3A_1 : i32
    %scan3A_3 = arith.constant 1 : i32
    scf.for %scan3A_5 = %scan3A to %scan3A_2 step %scan3A_3  : i32 {
      %mul3A_6 = arith.constant 1 : i32
      %mul3A_7 = arith.muli %scan3A_5, %mul3A_6 : i32
      %add3A_8 = arith.constant 0 : i32
      %add3A_9 = arith.addi %add3A_8, %mul3A_7 : i32
      %mul3A_10 = arith.constant 40 : i32
      %mul3A_11 = arith.muli %add3A, %mul3A_10 : i32
      %add3A_12 = arith.addi %mul3A_11, %add3A_9 : i32
      %mul3A_13 = arith.constant 128 : i32
      %mul3A_14 = arith.muli %add3A_12, %mul3A_13 : i32
      "tpu.region"() ({
        %run_scoped3A = tpu.sem_alloc : memref<!tpu.dma_semaphore, #tpu.memory_space<semaphore_mem>>
        %dma_start3A_25 = arith.constant 0 : i32
        %dma_start3A_26 = tpu.memref_slice %arg4[%add3A_12, %dma_start3A_25] : memref<1280x128xi32, #tpu.memory_space<hbm>> -> memref<1x128xi32, #tpu.memory_space<hbm>>
        %dma_start3A_27 = tpu.memref_squeeze %dma_start3A_26 : memref<1x128xi32, #tpu.memory_space<hbm>> -> memref<128xi32, #tpu.memory_space<hbm>>
        %dma_start3A_28 = arith.constant 0 : i32
        %dma_start3A_29 = tpu.memref_slice %arg4[%add3A_12, %dma_start3A_28] : memref<1280x128xi32, #tpu.memory_space<hbm>> -> memref<1x128xi32, #tpu.memory_space<hbm>>
        %dma_start3A_30 = tpu.memref_squeeze %dma_start3A_29 : memref<1x128xi32, #tpu.memory_space<hbm>> -> memref<128xi32, #tpu.memory_space<hbm>>
        tpu.enqueue_dma source(%dma_start3A_30 : memref<128xi32, #tpu.memory_space<hbm>>) target(%arg8 : memref<128xi32, #tpu.memory_space<vmem>>) target_semaphore(%run_scoped3A : memref<!tpu.dma_semaphore, #tpu.memory_space<semaphore_mem>>)
        %dma_wait3A_31 = arith.constant 0 : i32
        %dma_wait3A_32 = tpu.memref_slice %arg4[%add3A_12, %dma_wait3A_31] : memref<1280x128xi32, #tpu.memory_space<hbm>> -> memref<1x128xi32, #tpu.memory_space<hbm>>
        %dma_wait3A_33 = tpu.memref_squeeze %dma_wait3A_32 : memref<1x128xi32, #tpu.memory_space<hbm>> -> memref<128xi32, #tpu.memory_space<hbm>>
        %dma_wait3A_34 = arith.constant 0 : i32
        %dma_wait3A_35 = tpu.memref_slice %arg4[%add3A_12, %dma_wait3A_34] : memref<1280x128xi32, #tpu.memory_space<hbm>> -> memref<1x128xi32, #tpu.memory_space<hbm>>
        %dma_wait3A_36 = tpu.memref_squeeze %dma_wait3A_35 : memref<1x128xi32, #tpu.memory_space<hbm>> -> memref<128xi32, #tpu.memory_space<hbm>>
        tpu.wait_dma2 semaphore(%run_scoped3A : memref<!tpu.dma_semaphore, #tpu.memory_space<semaphore_mem>>) src(%dma_wait3A_36 : memref<128xi32, #tpu.memory_space<hbm>>) dst(%arg8 : memref<128xi32, #tpu.memory_space<vmem>>)
        tpu.yield
      }) : () -> ()
      "tpu.region"() ({
        %run_scoped3A = tpu.sem_alloc : memref<!tpu.dma_semaphore, #tpu.memory_space<semaphore_mem>>
        %dma_start3A_25 = arith.constant 0 : i32
        %dma_start3A_26 = tpu.memref_slice %arg5[%add3A_12, %dma_start3A_25] : memref<1280x128xi32, #tpu.memory_space<hbm>> -> memref<1x128xi32, #tpu.memory_space<hbm>>
        %dma_start3A_27 = tpu.memref_squeeze %dma_start3A_26 : memref<1x128xi32, #tpu.memory_space<hbm>> -> memref<128xi32, #tpu.memory_space<hbm>>
        %dma_start3A_28 = arith.constant 0 : i32
        %dma_start3A_29 = tpu.memref_slice %arg5[%add3A_12, %dma_start3A_28] : memref<1280x128xi32, #tpu.memory_space<hbm>> -> memref<1x128xi32, #tpu.memory_space<hbm>>
        %dma_start3A_30 = tpu.memref_squeeze %dma_start3A_29 : memref<1x128xi32, #tpu.memory_space<hbm>> -> memref<128xi32, #tpu.memory_space<hbm>>
        tpu.enqueue_dma source(%dma_start3A_30 : memref<128xi32, #tpu.memory_space<hbm>>) target(%arg9 : memref<128xi32, #tpu.memory_space<vmem>>) target_semaphore(%run_scoped3A : memref<!tpu.dma_semaphore, #tpu.memory_space<semaphore_mem>>)
        %dma_wait3A_31 = arith.constant 0 : i32
        %dma_wait3A_32 = tpu.memref_slice %arg5[%add3A_12, %dma_wait3A_31] : memref<1280x128xi32, #tpu.memory_space<hbm>> -> memref<1x128xi32, #tpu.memory_space<hbm>>
        %dma_wait3A_33 = tpu.memref_squeeze %dma_wait3A_32 : memref<1x128xi32, #tpu.memory_space<hbm>> -> memref<128xi32, #tpu.memory_space<hbm>>
        %dma_wait3A_34 = arith.constant 0 : i32
        %dma_wait3A_35 = tpu.memref_slice %arg5[%add3A_12, %dma_wait3A_34] : memref<1280x128xi32, #tpu.memory_space<hbm>> -> memref<1x128xi32, #tpu.memory_space<hbm>>
        %dma_wait3A_36 = tpu.memref_squeeze %dma_wait3A_35 : memref<1x128xi32, #tpu.memory_space<hbm>> -> memref<128xi32, #tpu.memory_space<hbm>>
        tpu.wait_dma2 semaphore(%run_scoped3A : memref<!tpu.dma_semaphore, #tpu.memory_space<semaphore_mem>>) src(%dma_wait3A_36 : memref<128xi32, #tpu.memory_space<hbm>>) dst(%arg9 : memref<128xi32, #tpu.memory_space<vmem>>)
        tpu.yield
      }) : () -> ()
      %dma_start3A = arith.constant 0 : i32
      %dma_start3A_15 = arith.constant 0 : i32
      %dma_start3A_16 = tpu.memref_slice %arg2[%dma_start3A, %dma_start3A_15] : memref<10000x128xf32, #tpu.memory_space<hbm>> -> memref<10000x128xf32, #tpu.memory_space<hbm>>
      tpu.enqueue_indirect_dma source(%dma_start3A_16 : memref<10000x128xf32, #tpu.memory_space<hbm>>) target(%arg10 : memref<128x128xf32, #tpu.memory_space<vmem>>) offsets(%arg8 : memref<128xi32, #tpu.memory_space<vmem>>) semaphore(%arg12 : memref<!tpu.dma_semaphore, #tpu.memory_space<semaphore_mem>>)
      %dma_start3A_17 = arith.constant 0 : i32
      %dma_start3A_18 = arith.constant 0 : i32
      %dma_start3A_19 = tpu.memref_slice %arg3[%dma_start3A_17, %dma_start3A_18] : memref<10000x128xf32, #tpu.memory_space<hbm>> -> memref<10000x128xf32, #tpu.memory_space<hbm>>
      tpu.enqueue_indirect_dma source(%dma_start3A_19 : memref<10000x128xf32, #tpu.memory_space<hbm>>) target(%arg11 : memref<128x128xf32, #tpu.memory_space<vmem>>) offsets(%arg9 : memref<128xi32, #tpu.memory_space<vmem>>) semaphore(%arg13 : memref<!tpu.dma_semaphore, #tpu.memory_space<semaphore_mem>>)
      %dma_wait3A = arith.constant 0 : i32
      %dma_wait3A_20 = arith.constant 0 : i32
      %dma_wait3A_21 = tpu.memref_slice %arg2[%dma_wait3A, %dma_wait3A_20] : memref<10000x128xf32, #tpu.memory_space<hbm>> -> memref<10000x128xf32, #tpu.memory_space<hbm>>
      tpu.wait_indirect_dma semaphore(%arg12 : memref<!tpu.dma_semaphore, #tpu.memory_space<semaphore_mem>>) src(%dma_wait3A_21 : memref<10000x128xf32, #tpu.memory_space<hbm>>) dst(%arg10 : memref<128x128xf32, #tpu.memory_space<vmem>>)
      "tpu.region"() ({
        %run_scoped3A = tpu.sem_alloc : memref<!tpu.dma_semaphore, #tpu.memory_space<semaphore_mem>>
        %dma_start3A_25 = arith.constant 0 : i32
        %dma_start3A_26 = tpu.memref_slice %arg6[%mul3A_14, %dma_start3A_25] : memref<163840x128xf32, #tpu.memory_space<hbm>> -> memref<128x128xf32, #tpu.memory_space<hbm>>
        %dma_start3A_27 = arith.constant 0 : i32
        %dma_start3A_28 = tpu.memref_slice %arg6[%mul3A_14, %dma_start3A_27] : memref<163840x128xf32, #tpu.memory_space<hbm>> -> memref<128x128xf32, #tpu.memory_space<hbm>>
        tpu.enqueue_dma source(%arg10 : memref<128x128xf32, #tpu.memory_space<vmem>>) target(%dma_start3A_28 : memref<128x128xf32, #tpu.memory_space<hbm>>) target_semaphore(%run_scoped3A : memref<!tpu.dma_semaphore, #tpu.memory_space<semaphore_mem>>)
        %dma_wait3A_29 = arith.constant 0 : i32
        %dma_wait3A_30 = tpu.memref_slice %arg6[%mul3A_14, %dma_wait3A_29] : memref<163840x128xf32, #tpu.memory_space<hbm>> -> memref<128x128xf32, #tpu.memory_space<hbm>>
        %dma_wait3A_31 = arith.constant 0 : i32
        %dma_wait3A_32 = tpu.memref_slice %arg6[%mul3A_14, %dma_wait3A_31] : memref<163840x128xf32, #tpu.memory_space<hbm>> -> memref<128x128xf32, #tpu.memory_space<hbm>>
        tpu.wait_dma2 semaphore(%run_scoped3A : memref<!tpu.dma_semaphore, #tpu.memory_space<semaphore_mem>>) src(%arg10 : memref<128x128xf32, #tpu.memory_space<vmem>>) dst(%dma_wait3A_32 : memref<128x128xf32, #tpu.memory_space<hbm>>)
        tpu.yield
      }) : () -> ()
      %dma_wait3A_22 = arith.constant 0 : i32
      %dma_wait3A_23 = arith.constant 0 : i32
      %dma_wait3A_24 = tpu.memref_slice %arg3[%dma_wait3A_22, %dma_wait3A_23] : memref<10000x128xf32, #tpu.memory_space<hbm>> -> memref<10000x128xf32, #tpu.memory_space<hbm>>
      tpu.wait_indirect_dma semaphore(%arg13 : memref<!tpu.dma_semaphore, #tpu.memory_space<semaphore_mem>>) src(%dma_wait3A_24 : memref<10000x128xf32, #tpu.memory_space<hbm>>) dst(%arg11 : memref<128x128xf32, #tpu.memory_space<vmem>>)
      "tpu.region"() ({
        %run_scoped3A = tpu.sem_alloc : memref<!tpu.dma_semaphore, #tpu.memory_space<semaphore_mem>>
        %dma_start3A_25 = arith.constant 0 : i32
        %dma_start3A_26 = tpu.memref_slice %arg7[%mul3A_14, %dma_start3A_25] : memref<163840x128xf32, #tpu.memory_space<hbm>> -> memref<128x128xf32, #tpu.memory_space<hbm>>
        %dma_start3A_27 = arith.constant 0 : i32
        %dma_start3A_28 = tpu.memref_slice %arg7[%mul3A_14, %dma_start3A_27] : memref<163840x128xf32, #tpu.memory_space<hbm>> -> memref<128x128xf32, #tpu.memory_space<hbm>>
        tpu.enqueue_dma source(%arg11 : memref<128x128xf32, #tpu.memory_space<vmem>>) target(%dma_start3A_28 : memref<128x128xf32, #tpu.memory_space<hbm>>) target_semaphore(%run_scoped3A : memref<!tpu.dma_semaphore, #tpu.memory_space<semaphore_mem>>)
        %dma_wait3A_29 = arith.constant 0 : i32
        %dma_wait3A_30 = tpu.memref_slice %arg7[%mul3A_14, %dma_wait3A_29] : memref<163840x128xf32, #tpu.memory_space<hbm>> -> memref<128x128xf32, #tpu.memory_space<hbm>>
        %dma_wait3A_31 = arith.constant 0 : i32
        %dma_wait3A_32 = tpu.memref_slice %arg7[%mul3A_14, %dma_wait3A_31] : memref<163840x128xf32, #tpu.memory_space<hbm>> -> memref<128x128xf32, #tpu.memory_space<hbm>>
        tpu.wait_dma2 semaphore(%run_scoped3A : memref<!tpu.dma_semaphore, #tpu.memory_space<semaphore_mem>>) src(%arg11 : memref<128x128xf32, #tpu.memory_space<vmem>>) dst(%dma_wait3A_32 : memref<128x128xf32, #tpu.memory_space<hbm>>)
        tpu.yield
      }) : () -> ()
    }
    %scan3A_4 = arith.constant 40 : i32
    return
  }
}

#map = affine_map<(d0, d1) -> (0, 0)>
module attributes {stable_mosaic.version = 14 : i64} {
  func.func @k(%arg0: i32, %arg1: i32, %arg2: memref<9x1310720xf32, #tpu.memory_space<hbm>>, %arg3: memref<1280x128xi32, #tpu.memory_space<hbm>>, %arg4: memref<36x81920xf32, #tpu.memory_space<hbm>>, %arg5: memref<81920xf32, #tpu.memory_space<vmem>>, %arg6: memref<1024xf32, #tpu.memory_space<vmem>>, %arg7: memref<128xi32, #tpu.memory_space<vmem>>, %arg8: memref<!tpu.dma_semaphore, #tpu.memory_space<semaphore_mem>>, %arg9: memref<!tpu.dma_semaphore, #tpu.memory_space<semaphore_mem>>) attributes {dimension_semantics = [#tpu.dimension_semantics<core_parallel>, #tpu.dimension_semantics<subcore_parallel>], iteration_bounds = array<i64: 2, 16>, scalar_prefetch = 0 : i64, scratch_operands = 5 : i64, tpu.core_type = #tpu.core_type<sc_vector_subcore>, window_params = [{transform_indices = #map}, {transform_indices = #map}, {transform_indices = #map}]} {
    %mul3A = arith.constant 2 : i32
    %mul3A_0 = arith.muli %arg1, %mul3A : i32
    %add3A = arith.addi %mul3A_0, %arg0 : i32
    %iota3A = tpu.iota {dimensions = array<i32: 0>} : vector<16xi32>
    %and3A = arith.constant 7 : i32
    %and3A_1 = vector.broadcast %and3A : i32 to vector<16xi32>
    %and3A_2 = arith.andi %iota3A, %and3A_1 : vector<16xi32>
    %ge3A = arith.constant 8 : i32
    %ge3A_3 = vector.broadcast %ge3A : i32 to vector<16xi32>
    %ge3A_4 = arith.cmpi sge, %iota3A, %ge3A_3 : vector<16xi32>
    %convert_element_type3A = arith.extui %ge3A_4 : vector<16xi1> to vector<16xi32>
    %lt3A = arith.constant 8 : i32
    %lt3A_5 = vector.broadcast %lt3A : i32 to vector<16xi32>
    %lt3A_6 = arith.cmpi slt, %iota3A, %lt3A_5 : vector<16xi32>
    %ge3A_7 = arith.constant 8 : i32
    %ge3A_8 = vector.broadcast %ge3A_7 : i32 to vector<16xi32>
    %ge3A_9 = arith.cmpi sge, %iota3A, %ge3A_8 : vector<16xi32>
    %scan3A = arith.constant 0 : i32
    %scan3A_10 = arith.constant 2 : i32
    %scan3A_11 = arith.addi %scan3A, %scan3A_10 : i32
    %scan3A_12 = arith.constant 1 : i32
    scf.for %scan3A_14 = %scan3A to %scan3A_11 step %scan3A_12  : i32 {
      %mul3A_15 = arith.constant 1 : i32
      %mul3A_16 = arith.muli %scan3A_14, %mul3A_15 : i32
      %add3A_17 = arith.constant 0 : i32
      %add3A_18 = arith.addi %add3A_17, %mul3A_16 : i32
      %mul3A_19 = arith.constant 32 : i32
      %mul3A_20 = arith.muli %add3A_18, %mul3A_19 : i32
      %add3A_21 = arith.addi %add3A, %mul3A_20 : i32
      %lt3A_22 = arith.constant 36 : i32
      %lt3A_23 = arith.cmpi slt, %add3A_21, %lt3A_22 : i32
      %convert_element_type3A_24 = arith.extui %lt3A_23 : i1 to i32
      %cond3A = arith.constant 0 : i32
      %cond3A_25 = arith.cmpi ne, %convert_element_type3A_24, %cond3A : i32
      scf.if %cond3A_25 {
        %jit3A = arith.constant 9 : i32
        %eq3A = arith.constant 0 : i32
        %eq3A_26 = arith.cmpi eq, %jit3A, %eq3A : i32
        %jit3A_27 = arith.constant 1 : i32
        %select_n3A = arith.select %eq3A_26, %jit3A_27, %jit3A : i32
        %rem3A = arith.remsi %add3A_21, %select_n3A : i32
        %ne3A = arith.constant 0 : i32
        %ne3A_28 = arith.cmpi ne, %rem3A, %ne3A : i32
        %lt3A_29 = arith.constant 0 : i32
        %lt3A_30 = arith.cmpi slt, %rem3A, %lt3A_29 : i32
        %lt3A_31 = arith.constant 0 : i32
        %lt3A_32 = arith.cmpi slt, %select_n3A, %lt3A_31 : i32
        %ne3A_33 = arith.xori %lt3A_30, %lt3A_32 : i1
        %and3A_34 = arith.andi %ne3A_33, %ne3A_28 : i1
        %add3A_35 = arith.addi %rem3A, %select_n3A : i32
        %select_n3A_36 = arith.select %and3A_34, %add3A_35, %rem3A : i32
        %jit3A_37 = arith.constant 9 : i32
        %div3A = arith.divsi %add3A_21, %jit3A_37 : i32
        %sign3A = arith.constant 0 : i32
        %sign3A_38 = arith.cmpi sgt, %add3A_21, %sign3A : i32
        %sign3A_39 = arith.extui %sign3A_38 : i1 to i32
        %sign3A_40 = arith.constant 0 : i32
        %sign3A_41 = arith.cmpi slt, %add3A_21, %sign3A_40 : i32
        %sign3A_42 = arith.extui %sign3A_41 : i1 to i32
        %sign3A_43 = arith.subi %sign3A_39, %sign3A_42 : i32
        %sign3A_44 = arith.constant 0 : i32
        %sign3A_45 = arith.cmpi sgt, %jit3A_37, %sign3A_44 : i32
        %sign3A_46 = arith.extui %sign3A_45 : i1 to i32
        %sign3A_47 = arith.constant 0 : i32
        %sign3A_48 = arith.cmpi slt, %jit3A_37, %sign3A_47 : i32
        %sign3A_49 = arith.extui %sign3A_48 : i1 to i32
        %sign3A_50 = arith.subi %sign3A_46, %sign3A_49 : i32
        %ne3A_51 = arith.cmpi ne, %sign3A_43, %sign3A_50 : i32
        %rem3A_52 = arith.remsi %add3A_21, %jit3A_37 : i32
        %ne3A_53 = arith.constant 0 : i32
        %ne3A_54 = arith.cmpi ne, %rem3A_52, %ne3A_53 : i32
        %and3A_55 = arith.andi %ne3A_51, %ne3A_54 : i1
        %sub3A = arith.constant 1 : i32
        %sub3A_56 = arith.subi %div3A, %sub3A : i32
        %select_n3A_57 = arith.select %and3A_55, %sub3A_56, %div3A : i32
        %scan3A_58 = arith.constant 0 : i32
        %scan3A_59 = arith.constant 5120 : i32
        %scan3A_60 = arith.addi %scan3A_58, %scan3A_59 : i32
        %scan3A_61 = arith.constant 1 : i32
        scf.for %scan3A_68 = %scan3A_58 to %scan3A_60 step %scan3A_61  : i32 {
          %mul3A_69 = arith.constant 16 : i32
          %mul3A_70 = arith.muli %scan3A_68, %mul3A_69 : i32
          %add3A_71 = arith.constant 0 : i32
          %add3A_72 = arith.addi %add3A_71, %mul3A_70 : i32
          %broadcast_in_dim3A = arith.constant 0.000000e+00 : f32
          %broadcast_in_dim3A_73 = vector.broadcast %broadcast_in_dim3A : f32 to vector<16xf32>
          %swap3A = arith.index_cast %add3A_72 : i32 to index
          %swap3A_74 = tpu.vector_load %arg5[%swap3A] {strides = array<i32>} : memref<81920xf32, #tpu.memory_space<vmem>>, vector<16xf32>,
          tpu.vector_store %arg5[%swap3A], %broadcast_in_dim3A_73 {strides = array<i32>} : memref<81920xf32, #tpu.memory_space<vmem>>, vector<16xf32>,
        }
        %scan3A_62 = arith.constant 5120 : i32
        %scan3A_63 = arith.constant 0 : i32
        %scan3A_64 = arith.constant 320 : i32
        %scan3A_65 = arith.addi %scan3A_63, %scan3A_64 : i32
        %scan3A_66 = arith.constant 1 : i32
        scf.for %scan3A_68 = %scan3A_63 to %scan3A_65 step %scan3A_66  : i32 {
          %mul3A_69 = arith.constant 1 : i32
          %mul3A_70 = arith.muli %scan3A_68, %mul3A_69 : i32
          %add3A_71 = arith.constant 0 : i32
          %add3A_72 = arith.addi %add3A_71, %mul3A_70 : i32
          %mul3A_73 = arith.constant 320 : i32
          %mul3A_74 = arith.muli %select_n3A_57, %mul3A_73 : i32
          %add3A_75 = arith.addi %mul3A_74, %add3A_72 : i32
          %dma_start3A = arith.constant 0 : i32
          %dma_start3A_76 = tpu.memref_slice %arg3[%add3A_75, %dma_start3A] : memref<1280x128xi32, #tpu.memory_space<hbm>> -> memref<1x128xi32, #tpu.memory_space<hbm>>
          %dma_start3A_77 = tpu.memref_squeeze %dma_start3A_76 : memref<1x128xi32, #tpu.memory_space<hbm>> -> memref<128xi32, #tpu.memory_space<hbm>>
          %dma_start3A_78 = arith.constant 0 : i32
          %dma_start3A_79 = tpu.memref_slice %arg3[%add3A_75, %dma_start3A_78] : memref<1280x128xi32, #tpu.memory_space<hbm>> -> memref<1x128xi32, #tpu.memory_space<hbm>>
          %dma_start3A_80 = tpu.memref_squeeze %dma_start3A_79 : memref<1x128xi32, #tpu.memory_space<hbm>> -> memref<128xi32, #tpu.memory_space<hbm>>
          tpu.enqueue_dma source(%dma_start3A_80 : memref<128xi32, #tpu.memory_space<hbm>>) target(%arg7 : memref<128xi32, #tpu.memory_space<vmem>>) target_semaphore(%arg8 : memref<!tpu.dma_semaphore, #tpu.memory_space<semaphore_mem>>)
          %mul3A_81 = arith.constant 1024 : i32
          %mul3A_82 = arith.muli %add3A_75, %mul3A_81 : i32
          %dma_start3A_83 = tpu.memref_slice %arg2[%select_n3A_36, %mul3A_82] : memref<9x1310720xf32, #tpu.memory_space<hbm>> -> memref<1x1024xf32, #tpu.memory_space<hbm>>
          %dma_start3A_84 = tpu.memref_squeeze %dma_start3A_83 : memref<1x1024xf32, #tpu.memory_space<hbm>> -> memref<1024xf32, #tpu.memory_space<hbm>>
          %dma_start3A_85 = tpu.memref_slice %arg2[%select_n3A_36, %mul3A_82] : memref<9x1310720xf32, #tpu.memory_space<hbm>> -> memref<1x1024xf32, #tpu.memory_space<hbm>>
          %dma_start3A_86 = tpu.memref_squeeze %dma_start3A_85 : memref<1x1024xf32, #tpu.memory_space<hbm>> -> memref<1024xf32, #tpu.memory_space<hbm>>
          tpu.enqueue_dma source(%dma_start3A_86 : memref<1024xf32, #tpu.memory_space<hbm>>) target(%arg6 : memref<1024xf32, #tpu.memory_space<vmem>>) target_semaphore(%arg9 : memref<!tpu.dma_semaphore, #tpu.memory_space<semaphore_mem>>)
          %dma_wait3A = arith.constant 0 : i32
          %dma_wait3A_87 = tpu.memref_slice %arg3[%add3A_75, %dma_wait3A] : memref<1280x128xi32, #tpu.memory_space<hbm>> -> memref<1x128xi32, #tpu.memory_space<hbm>>
          %dma_wait3A_88 = tpu.memref_squeeze %dma_wait3A_87 : memref<1x128xi32, #tpu.memory_space<hbm>> -> memref<128xi32, #tpu.memory_space<hbm>>
          %dma_wait3A_89 = arith.constant 0 : i32
          %dma_wait3A_90 = tpu.memref_slice %arg3[%add3A_75, %dma_wait3A_89] : memref<1280x128xi32, #tpu.memory_space<hbm>> -> memref<1x128xi32, #tpu.memory_space<hbm>>
          %dma_wait3A_91 = tpu.memref_squeeze %dma_wait3A_90 : memref<1x128xi32, #tpu.memory_space<hbm>> -> memref<128xi32, #tpu.memory_space<hbm>>
          tpu.wait_dma2 semaphore(%arg8 : memref<!tpu.dma_semaphore, #tpu.memory_space<semaphore_mem>>) src(%dma_wait3A_91 : memref<128xi32, #tpu.memory_space<hbm>>) dst(%arg7 : memref<128xi32, #tpu.memory_space<vmem>>)
          %dma_wait3A_92 = tpu.memref_slice %arg2[%select_n3A_36, %mul3A_82] : memref<9x1310720xf32, #tpu.memory_space<hbm>> -> memref<1x1024xf32, #tpu.memory_space<hbm>>
          %dma_wait3A_93 = tpu.memref_squeeze %dma_wait3A_92 : memref<1x1024xf32, #tpu.memory_space<hbm>> -> memref<1024xf32, #tpu.memory_space<hbm>>
          %dma_wait3A_94 = tpu.memref_slice %arg2[%select_n3A_36, %mul3A_82] : memref<9x1310720xf32, #tpu.memory_space<hbm>> -> memref<1x1024xf32, #tpu.memory_space<hbm>>
          %dma_wait3A_95 = tpu.memref_squeeze %dma_wait3A_94 : memref<1x1024xf32, #tpu.memory_space<hbm>> -> memref<1024xf32, #tpu.memory_space<hbm>>
          tpu.wait_dma2 semaphore(%arg9 : memref<!tpu.dma_semaphore, #tpu.memory_space<semaphore_mem>>) src(%dma_wait3A_95 : memref<1024xf32, #tpu.memory_space<hbm>>) dst(%arg6 : memref<1024xf32, #tpu.memory_space<vmem>>)
          %parallel_loop3A = arith.constant 0 : i32
          %parallel_loop3A_96 = arith.constant 8 : i32
          %parallel_loop3A_97 = arith.constant 1 : i32
          scf.for %parallel_loop3A_98 = %parallel_loop3A to %parallel_loop3A_96 step %parallel_loop3A_97  : i32 {
            %parallel_loop3A_99 = arith.constant 16 : i32
            %parallel_loop3A_100 = arith.muli %parallel_loop3A_98, %parallel_loop3A_99 : i32
            %parallel_loop3A_101 = arith.constant 0 : i32
            %parallel_loop3A_102 = arith.addi %parallel_loop3A_100, %parallel_loop3A_101 : i32
            %parallel_loop3A_103 = vector.broadcast %parallel_loop3A_102 : i32 to vector<16xi32>
            %parallel_loop3A_104 = arith.addi %parallel_loop3A_103, %convert_element_type3A : vector<16xi32>
            %parallel_loop3A_105 = tpu.vector_load_idx %arg7[%parallel_loop3A_104] : memref<128xi32, #tpu.memory_space<vmem>>[vector<16xi32>], vector<16xi32>,
            %parallel_loop3A_106 = arith.constant 8 : i32
            %parallel_loop3A_107 = vector.broadcast %parallel_loop3A_106 : i32 to vector<16xi32>
            %parallel_loop3A_108 = arith.muli %parallel_loop3A_105, %parallel_loop3A_107 : vector<16xi32>
            %parallel_loop3A_109 = arith.addi %parallel_loop3A_108, %and3A_2 : vector<16xi32>
            %parallel_loop3A_110 = arith.constant 128 : i32
            %parallel_loop3A_111 = arith.muli %parallel_loop3A_98, %parallel_loop3A_110 : i32
            %parallel_loop3A_112 = arith.constant 0 : i32
            %parallel_loop3A_113 = arith.addi %parallel_loop3A_111, %parallel_loop3A_112 : i32
            %parallel_loop3A_114 = arith.index_cast %parallel_loop3A_113 : i32 to index
            %parallel_loop3A_115 = tpu.vector_load %arg6[%parallel_loop3A_114] {strides = array<i32>} : memref<1024xf32, #tpu.memory_space<vmem>>, vector<16xf32>,
            tpu.vector_store_idx %arg5[%parallel_loop3A_109], %parallel_loop3A_115 masked %lt3A_6 {add = true} : memref<81920xf32, #tpu.memory_space<vmem>>[vector<16xi32>], vector<16xf32>, vector<16xi1>
            tpu.vector_store_idx %arg5[%parallel_loop3A_109], %parallel_loop3A_115 masked %ge3A_9 {add = true} : memref<81920xf32, #tpu.memory_space<vmem>>[vector<16xi32>], vector<16xf32>, vector<16xi1>
            %parallel_loop3A_116 = arith.constant 16 : i32
            %parallel_loop3A_117 = arith.muli %parallel_loop3A_98, %parallel_loop3A_116 : i32
            %parallel_loop3A_118 = arith.constant 2 : i32
            %parallel_loop3A_119 = arith.addi %parallel_loop3A_117, %parallel_loop3A_118 : i32
            %parallel_loop3A_120 = vector.broadcast %parallel_loop3A_119 : i32 to vector<16xi32>
            %parallel_loop3A_121 = arith.addi %parallel_loop3A_120, %convert_element_type3A : vector<16xi32>
            %parallel_loop3A_122 = tpu.vector_load_idx %arg7[%parallel_loop3A_121] : memref<128xi32, #tpu.memory_space<vmem>>[vector<16xi32>], vector<16xi32>,
            %parallel_loop3A_123 = arith.constant 8 : i32
            %parallel_loop3A_124 = vector.broadcast %parallel_loop3A_123 : i32 to vector<16xi32>
            %parallel_loop3A_125 = arith.muli %parallel_loop3A_122, %parallel_loop3A_124 : vector<16xi32>
            %parallel_loop3A_126 = arith.addi %parallel_loop3A_125, %and3A_2 : vector<16xi32>
            %parallel_loop3A_127 = arith.constant 128 : i32
            %parallel_loop3A_128 = arith.muli %parallel_loop3A_98, %parallel_loop3A_127 : i32
            %parallel_loop3A_129 = arith.constant 16 : i32
            %parallel_loop3A_130 = arith.addi %parallel_loop3A_128, %parallel_loop3A_129 : i32
            %parallel_loop3A_131 = arith.index_cast %parallel_loop3A_130 : i32 to index
            %parallel_loop3A_132 = tpu.vector_load %arg6[%parallel_loop3A_131] {strides = array<i32>} : memref<1024xf32, #tpu.memory_space<vmem>>, vector<16xf32>,
            tpu.vector_store_idx %arg5[%parallel_loop3A_126], %parallel_loop3A_132 masked %lt3A_6 {add = true} : memref<81920xf32, #tpu.memory_space<vmem>>[vector<16xi32>], vector<16xf32>, vector<16xi1>
            tpu.vector_store_idx %arg5[%parallel_loop3A_126], %parallel_loop3A_132 masked %ge3A_9 {add = true} : memref<81920xf32, #tpu.memory_space<vmem>>[vector<16xi32>], vector<16xf32>, vector<16xi1>
            %parallel_loop3A_133 = arith.constant 16 : i32
            %parallel_loop3A_134 = arith.muli %parallel_loop3A_98, %parallel_loop3A_133 : i32
            %parallel_loop3A_135 = arith.constant 4 : i32
            %parallel_loop3A_136 = arith.addi %parallel_loop3A_134, %parallel_loop3A_135 : i32
            %parallel_loop3A_137 = vector.broadcast %parallel_loop3A_136 : i32 to vector<16xi32>
            %parallel_loop3A_138 = arith.addi %parallel_loop3A_137, %convert_element_type3A : vector<16xi32>
            %parallel_loop3A_139 = tpu.vector_load_idx %arg7[%parallel_loop3A_138] : memref<128xi32, #tpu.memory_space<vmem>>[vector<16xi32>], vector<16xi32>,
            %parallel_loop3A_140 = arith.constant 8 : i32
            %parallel_loop3A_141 = vector.broadcast %parallel_loop3A_140 : i32 to vector<16xi32>
            %parallel_loop3A_142 = arith.muli %parallel_loop3A_139, %parallel_loop3A_141 : vector<16xi32>
            %parallel_loop3A_143 = arith.addi %parallel_loop3A_142, %and3A_2 : vector<16xi32>
            %parallel_loop3A_144 = arith.constant 128 : i32
            %parallel_loop3A_145 = arith.muli %parallel_loop3A_98, %parallel_loop3A_144 : i32
            %parallel_loop3A_146 = arith.constant 32 : i32
            %parallel_loop3A_147 = arith.addi %parallel_loop3A_145, %parallel_loop3A_146 : i32
            %parallel_loop3A_148 = arith.index_cast %parallel_loop3A_147 : i32 to index
            %parallel_loop3A_149 = tpu.vector_load %arg6[%parallel_loop3A_148] {strides = array<i32>} : memref<1024xf32, #tpu.memory_space<vmem>>, vector<16xf32>,
            tpu.vector_store_idx %arg5[%parallel_loop3A_143], %parallel_loop3A_149 masked %lt3A_6 {add = true} : memref<81920xf32, #tpu.memory_space<vmem>>[vector<16xi32>], vector<16xf32>, vector<16xi1>
            tpu.vector_store_idx %arg5[%parallel_loop3A_143], %parallel_loop3A_149 masked %ge3A_9 {add = true} : memref<81920xf32, #tpu.memory_space<vmem>>[vector<16xi32>], vector<16xf32>, vector<16xi1>
            %parallel_loop3A_150 = arith.constant 16 : i32
            %parallel_loop3A_151 = arith.muli %parallel_loop3A_98, %parallel_loop3A_150 : i32
            %parallel_loop3A_152 = arith.constant 6 : i32
            %parallel_loop3A_153 = arith.addi %parallel_loop3A_151, %parallel_loop3A_152 : i32
            %parallel_loop3A_154 = vector.broadcast %parallel_loop3A_153 : i32 to vector<16xi32>
            %parallel_loop3A_155 = arith.addi %parallel_loop3A_154, %convert_element_type3A : vector<16xi32>
            %parallel_loop3A_156 = tpu.vector_load_idx %arg7[%parallel_loop3A_155] : memref<128xi32, #tpu.memory_space<vmem>>[vector<16xi32>], vector<16xi32>,
            %parallel_loop3A_157 = arith.constant 8 : i32
            %parallel_loop3A_158 = vector.broadcast %parallel_loop3A_157 : i32 to vector<16xi32>
            %parallel_loop3A_159 = arith.muli %parallel_loop3A_156, %parallel_loop3A_158 : vector<16xi32>
            %parallel_loop3A_160 = arith.addi %parallel_loop3A_159, %and3A_2 : vector<16xi32>
            %parallel_loop3A_161 = arith.constant 128 : i32
            %parallel_loop3A_162 = arith.muli %parallel_loop3A_98, %parallel_loop3A_161 : i32
            %parallel_loop3A_163 = arith.constant 48 : i32
            %parallel_loop3A_164 = arith.addi %parallel_loop3A_162, %parallel_loop3A_163 : i32
            %parallel_loop3A_165 = arith.index_cast %parallel_loop3A_164 : i32 to index
            %parallel_loop3A_166 = tpu.vector_load %arg6[%parallel_loop3A_165] {strides = array<i32>} : memref<1024xf32, #tpu.memory_space<vmem>>, vector<16xf32>,
            tpu.vector_store_idx %arg5[%parallel_loop3A_160], %parallel_loop3A_166 masked %lt3A_6 {add = true} : memref<81920xf32, #tpu.memory_space<vmem>>[vector<16xi32>], vector<16xf32>, vector<16xi1>
            tpu.vector_store_idx %arg5[%parallel_loop3A_160], %parallel_loop3A_166 masked %ge3A_9 {add = true} : memref<81920xf32, #tpu.memory_space<vmem>>[vector<16xi32>], vector<16xf32>, vector<16xi1>
            %parallel_loop3A_167 = arith.constant 16 : i32
            %parallel_loop3A_168 = arith.muli %parallel_loop3A_98, %parallel_loop3A_167 : i32
            %parallel_loop3A_169 = arith.constant 8 : i32
            %parallel_loop3A_170 = arith.addi %parallel_loop3A_168, %parallel_loop3A_169 : i32
            %parallel_loop3A_171 = vector.broadcast %parallel_loop3A_170 : i32 to vector<16xi32>
            %parallel_loop3A_172 = arith.addi %parallel_loop3A_171, %convert_element_type3A : vector<16xi32>
            %parallel_loop3A_173 = tpu.vector_load_idx %arg7[%parallel_loop3A_172] : memref<128xi32, #tpu.memory_space<vmem>>[vector<16xi32>], vector<16xi32>,
            %parallel_loop3A_174 = arith.constant 8 : i32
            %parallel_loop3A_175 = vector.broadcast %parallel_loop3A_174 : i32 to vector<16xi32>
            %parallel_loop3A_176 = arith.muli %parallel_loop3A_173, %parallel_loop3A_175 : vector<16xi32>
            %parallel_loop3A_177 = arith.addi %parallel_loop3A_176, %and3A_2 : vector<16xi32>
            %parallel_loop3A_178 = arith.constant 128 : i32
            %parallel_loop3A_179 = arith.muli %parallel_loop3A_98, %parallel_loop3A_178 : i32
            %parallel_loop3A_180 = arith.constant 64 : i32
            %parallel_loop3A_181 = arith.addi %parallel_loop3A_179, %parallel_loop3A_180 : i32
            %parallel_loop3A_182 = arith.index_cast %parallel_loop3A_181 : i32 to index
            %parallel_loop3A_183 = tpu.vector_load %arg6[%parallel_loop3A_182] {strides = array<i32>} : memref<1024xf32, #tpu.memory_space<vmem>>, vector<16xf32>,
            tpu.vector_store_idx %arg5[%parallel_loop3A_177], %parallel_loop3A_183 masked %lt3A_6 {add = true} : memref<81920xf32, #tpu.memory_space<vmem>>[vector<16xi32>], vector<16xf32>, vector<16xi1>
            tpu.vector_store_idx %arg5[%parallel_loop3A_177], %parallel_loop3A_183 masked %ge3A_9 {add = true} : memref<81920xf32, #tpu.memory_space<vmem>>[vector<16xi32>], vector<16xf32>, vector<16xi1>
            %parallel_loop3A_184 = arith.constant 16 : i32
            %parallel_loop3A_185 = arith.muli %parallel_loop3A_98, %parallel_loop3A_184 : i32
            %parallel_loop3A_186 = arith.constant 10 : i32
            %parallel_loop3A_187 = arith.addi %parallel_loop3A_185, %parallel_loop3A_186 : i32
            %parallel_loop3A_188 = vector.broadcast %parallel_loop3A_187 : i32 to vector<16xi32>
            %parallel_loop3A_189 = arith.addi %parallel_loop3A_188, %convert_element_type3A : vector<16xi32>
            %parallel_loop3A_190 = tpu.vector_load_idx %arg7[%parallel_loop3A_189] : memref<128xi32, #tpu.memory_space<vmem>>[vector<16xi32>], vector<16xi32>,
            %parallel_loop3A_191 = arith.constant 8 : i32
            %parallel_loop3A_192 = vector.broadcast %parallel_loop3A_191 : i32 to vector<16xi32>
            %parallel_loop3A_193 = arith.muli %parallel_loop3A_190, %parallel_loop3A_192 : vector<16xi32>
            %parallel_loop3A_194 = arith.addi %parallel_loop3A_193, %and3A_2 : vector<16xi32>
            %parallel_loop3A_195 = arith.constant 128 : i32
            %parallel_loop3A_196 = arith.muli %parallel_loop3A_98, %parallel_loop3A_195 : i32
            %parallel_loop3A_197 = arith.constant 80 : i32
            %parallel_loop3A_198 = arith.addi %parallel_loop3A_196, %parallel_loop3A_197 : i32
            %parallel_loop3A_199 = arith.index_cast %parallel_loop3A_198 : i32 to index
            %parallel_loop3A_200 = tpu.vector_load %arg6[%parallel_loop3A_199] {strides = array<i32>} : memref<1024xf32, #tpu.memory_space<vmem>>, vector<16xf32>,
            tpu.vector_store_idx %arg5[%parallel_loop3A_194], %parallel_loop3A_200 masked %lt3A_6 {add = true} : memref<81920xf32, #tpu.memory_space<vmem>>[vector<16xi32>], vector<16xf32>, vector<16xi1>
            tpu.vector_store_idx %arg5[%parallel_loop3A_194], %parallel_loop3A_200 masked %ge3A_9 {add = true} : memref<81920xf32, #tpu.memory_space<vmem>>[vector<16xi32>], vector<16xf32>, vector<16xi1>
            %parallel_loop3A_201 = arith.constant 16 : i32
            %parallel_loop3A_202 = arith.muli %parallel_loop3A_98, %parallel_loop3A_201 : i32
            %parallel_loop3A_203 = arith.constant 12 : i32
            %parallel_loop3A_204 = arith.addi %parallel_loop3A_202, %parallel_loop3A_203 : i32
            %parallel_loop3A_205 = vector.broadcast %parallel_loop3A_204 : i32 to vector<16xi32>
            %parallel_loop3A_206 = arith.addi %parallel_loop3A_205, %convert_element_type3A : vector<16xi32>
            %parallel_loop3A_207 = tpu.vector_load_idx %arg7[%parallel_loop3A_206] : memref<128xi32, #tpu.memory_space<vmem>>[vector<16xi32>], vector<16xi32>,
            %parallel_loop3A_208 = arith.constant 8 : i32
            %parallel_loop3A_209 = vector.broadcast %parallel_loop3A_208 : i32 to vector<16xi32>
            %parallel_loop3A_210 = arith.muli %parallel_loop3A_207, %parallel_loop3A_209 : vector<16xi32>
            %parallel_loop3A_211 = arith.addi %parallel_loop3A_210, %and3A_2 : vector<16xi32>
            %parallel_loop3A_212 = arith.constant 128 : i32
            %parallel_loop3A_213 = arith.muli %parallel_loop3A_98, %parallel_loop3A_212 : i32
            %parallel_loop3A_214 = arith.constant 96 : i32
            %parallel_loop3A_215 = arith.addi %parallel_loop3A_213, %parallel_loop3A_214 : i32
            %parallel_loop3A_216 = arith.index_cast %parallel_loop3A_215 : i32 to index
            %parallel_loop3A_217 = tpu.vector_load %arg6[%parallel_loop3A_216] {strides = array<i32>} : memref<1024xf32, #tpu.memory_space<vmem>>, vector<16xf32>,
            tpu.vector_store_idx %arg5[%parallel_loop3A_211], %parallel_loop3A_217 masked %lt3A_6 {add = true} : memref<81920xf32, #tpu.memory_space<vmem>>[vector<16xi32>], vector<16xf32>, vector<16xi1>
            tpu.vector_store_idx %arg5[%parallel_loop3A_211], %parallel_loop3A_217 masked %ge3A_9 {add = true} : memref<81920xf32, #tpu.memory_space<vmem>>[vector<16xi32>], vector<16xf32>, vector<16xi1>
            %parallel_loop3A_218 = arith.constant 16 : i32
            %parallel_loop3A_219 = arith.muli %parallel_loop3A_98, %parallel_loop3A_218 : i32
            %parallel_loop3A_220 = arith.constant 14 : i32
            %parallel_loop3A_221 = arith.addi %parallel_loop3A_219, %parallel_loop3A_220 : i32
            %parallel_loop3A_222 = vector.broadcast %parallel_loop3A_221 : i32 to vector<16xi32>
            %parallel_loop3A_223 = arith.addi %parallel_loop3A_222, %convert_element_type3A : vector<16xi32>
            %parallel_loop3A_224 = tpu.vector_load_idx %arg7[%parallel_loop3A_223] : memref<128xi32, #tpu.memory_space<vmem>>[vector<16xi32>], vector<16xi32>,
            %parallel_loop3A_225 = arith.constant 8 : i32
            %parallel_loop3A_226 = vector.broadcast %parallel_loop3A_225 : i32 to vector<16xi32>
            %parallel_loop3A_227 = arith.muli %parallel_loop3A_224, %parallel_loop3A_226 : vector<16xi32>
            %parallel_loop3A_228 = arith.addi %parallel_loop3A_227, %and3A_2 : vector<16xi32>
            %parallel_loop3A_229 = arith.constant 128 : i32
            %parallel_loop3A_230 = arith.muli %parallel_loop3A_98, %parallel_loop3A_229 : i32
            %parallel_loop3A_231 = arith.constant 112 : i32
            %parallel_loop3A_232 = arith.addi %parallel_loop3A_230, %parallel_loop3A_231 : i32
            %parallel_loop3A_233 = arith.index_cast %parallel_loop3A_232 : i32 to index
            %parallel_loop3A_234 = tpu.vector_load %arg6[%parallel_loop3A_233] {strides = array<i32>} : memref<1024xf32, #tpu.memory_space<vmem>>, vector<16xf32>,
            tpu.vector_store_idx %arg5[%parallel_loop3A_228], %parallel_loop3A_234 masked %lt3A_6 {add = true} : memref<81920xf32, #tpu.memory_space<vmem>>[vector<16xi32>], vector<16xf32>, vector<16xi1>
            tpu.vector_store_idx %arg5[%parallel_loop3A_228], %parallel_loop3A_234 masked %ge3A_9 {add = true} : memref<81920xf32, #tpu.memory_space<vmem>>[vector<16xi32>], vector<16xf32>, vector<16xi1>
          } {sc.loop_unroll_factor = 2 : i64, sc.parallel_access}
        }
        %scan3A_67 = arith.constant 320 : i32
        "tpu.region"() ({
          %run_scoped3A = tpu.sem_alloc : memref<!tpu.dma_semaphore, #tpu.memory_space<semaphore_mem>>
          %dma_start3A = arith.constant 0 : i32
          %dma_start3A_68 = tpu.memref_slice %arg4[%add3A_21, %dma_start3A] : memref<36x81920xf32, #tpu.memory_space<hbm>> -> memref<1x81920xf32, #tpu.memory_space<hbm>>
          %dma_start3A_69 = tpu.memref_squeeze %dma_start3A_68 : memref<1x81920xf32, #tpu.memory_space<hbm>> -> memref<81920xf32, #tpu.memory_space<hbm>>
          %dma_start3A_70 = arith.constant 0 : i32
          %dma_start3A_71 = tpu.memref_slice %arg4[%add3A_21, %dma_start3A_70] : memref<36x81920xf32, #tpu.memory_space<hbm>> -> memref<1x81920xf32, #tpu.memory_space<hbm>>
          %dma_start3A_72 = tpu.memref_squeeze %dma_start3A_71 : memref<1x81920xf32, #tpu.memory_space<hbm>> -> memref<81920xf32, #tpu.memory_space<hbm>>
          tpu.enqueue_dma source(%arg5 : memref<81920xf32, #tpu.memory_space<vmem>>) target(%dma_start3A_72 : memref<81920xf32, #tpu.memory_space<hbm>>) target_semaphore(%run_scoped3A : memref<!tpu.dma_semaphore, #tpu.memory_space<semaphore_mem>>)
          %dma_wait3A = arith.constant 0 : i32
          %dma_wait3A_73 = tpu.memref_slice %arg4[%add3A_21, %dma_wait3A] : memref<36x81920xf32, #tpu.memory_space<hbm>> -> memref<1x81920xf32, #tpu.memory_space<hbm>>
          %dma_wait3A_74 = tpu.memref_squeeze %dma_wait3A_73 : memref<1x81920xf32, #tpu.memory_space<hbm>> -> memref<81920xf32, #tpu.memory_space<hbm>>
          %dma_wait3A_75 = arith.constant 0 : i32
          %dma_wait3A_76 = tpu.memref_slice %arg4[%add3A_21, %dma_wait3A_75] : memref<36x81920xf32, #tpu.memory_space<hbm>> -> memref<1x81920xf32, #tpu.memory_space<hbm>>
          %dma_wait3A_77 = tpu.memref_squeeze %dma_wait3A_76 : memref<1x81920xf32, #tpu.memory_space<hbm>> -> memref<81920xf32, #tpu.memory_space<hbm>>
          tpu.wait_dma2 semaphore(%run_scoped3A : memref<!tpu.dma_semaphore, #tpu.memory_space<semaphore_mem>>) src(%arg5 : memref<81920xf32, #tpu.memory_space<vmem>>) dst(%dma_wait3A_77 : memref<81920xf32, #tpu.memory_space<hbm>>)
          tpu.yield
        }) : () -> ()
      } else {
      }
    }
    %scan3A_13 = arith.constant 2 : i32
    return
  }
}

#map = affine_map<(d0, d1) -> (0, 0)>
module attributes {stable_mosaic.version = 14 : i64} {
  func.func @k(%arg0: i32, %arg1: i32, %arg2: memref<10000x256xf32, #tpu.memory_space<hbm>>, %arg3: memref<10000x256xf32, #tpu.memory_space<hbm>>, %arg4: memref<1280x128xi32, #tpu.memory_space<hbm>>, %arg5: memref<1280x128xi32, #tpu.memory_space<hbm>>, %arg6: memref<163840x256xf32, #tpu.memory_space<hbm>>, %arg7: memref<163840x256xf32, #tpu.memory_space<hbm>>, %arg8: memref<128xi32, #tpu.memory_space<vmem>>, %arg9: memref<128xi32, #tpu.memory_space<vmem>>, %arg10: memref<128x256xf32, #tpu.memory_space<vmem>>, %arg11: memref<128x256xf32, #tpu.memory_space<vmem>>, %arg12: memref<!tpu.dma_semaphore, #tpu.memory_space<semaphore_mem>>, %arg13: memref<!tpu.dma_semaphore, #tpu.memory_space<semaphore_mem>>) attributes {dimension_semantics = [#tpu.dimension_semantics<core_parallel>, #tpu.dimension_semantics<subcore_parallel>], iteration_bounds = array<i64: 2, 16>, scalar_prefetch = 0 : i64, scratch_operands = 6 : i64, tpu.core_type = #tpu.core_type<sc_vector_subcore>, window_params = [{transform_indices = #map}, {transform_indices = #map}, {transform_indices = #map}, {transform_indices = #map}, {transform_indices = #map}, {transform_indices = #map}]} {
    %mul3A = arith.constant 2 : i32
    %mul3A_0 = arith.muli %arg1, %mul3A : i32
    %add3A = arith.addi %mul3A_0, %arg0 : i32
    %scan3A = arith.constant 0 : i32
    %scan3A_1 = arith.constant 40 : i32
    %scan3A_2 = arith.addi %scan3A, %scan3A_1 : i32
    %scan3A_3 = arith.constant 1 : i32
    scf.for %scan3A_5 = %scan3A to %scan3A_2 step %scan3A_3  : i32 {
      %mul3A_6 = arith.constant 1 : i32
      %mul3A_7 = arith.muli %scan3A_5, %mul3A_6 : i32
      %add3A_8 = arith.constant 0 : i32
      %add3A_9 = arith.addi %add3A_8, %mul3A_7 : i32
      %mul3A_10 = arith.constant 40 : i32
      %mul3A_11 = arith.muli %add3A, %mul3A_10 : i32
      %add3A_12 = arith.addi %mul3A_11, %add3A_9 : i32
      %mul3A_13 = arith.constant 128 : i32
      %mul3A_14 = arith.muli %add3A_12, %mul3A_13 : i32
      "tpu.region"() ({
        %run_scoped3A = tpu.sem_alloc : memref<!tpu.dma_semaphore, #tpu.memory_space<semaphore_mem>>
        %dma_start3A_25 = arith.constant 0 : i32
        %dma_start3A_26 = tpu.memref_slice %arg4[%add3A_12, %dma_start3A_25] : memref<1280x128xi32, #tpu.memory_space<hbm>> -> memref<1x128xi32, #tpu.memory_space<hbm>>
        %dma_start3A_27 = tpu.memref_squeeze %dma_start3A_26 : memref<1x128xi32, #tpu.memory_space<hbm>> -> memref<128xi32, #tpu.memory_space<hbm>>
        %dma_start3A_28 = arith.constant 0 : i32
        %dma_start3A_29 = tpu.memref_slice %arg4[%add3A_12, %dma_start3A_28] : memref<1280x128xi32, #tpu.memory_space<hbm>> -> memref<1x128xi32, #tpu.memory_space<hbm>>
        %dma_start3A_30 = tpu.memref_squeeze %dma_start3A_29 : memref<1x128xi32, #tpu.memory_space<hbm>> -> memref<128xi32, #tpu.memory_space<hbm>>
        tpu.enqueue_dma source(%dma_start3A_30 : memref<128xi32, #tpu.memory_space<hbm>>) target(%arg8 : memref<128xi32, #tpu.memory_space<vmem>>) target_semaphore(%run_scoped3A : memref<!tpu.dma_semaphore, #tpu.memory_space<semaphore_mem>>)
        %dma_wait3A_31 = arith.constant 0 : i32
        %dma_wait3A_32 = tpu.memref_slice %arg4[%add3A_12, %dma_wait3A_31] : memref<1280x128xi32, #tpu.memory_space<hbm>> -> memref<1x128xi32, #tpu.memory_space<hbm>>
        %dma_wait3A_33 = tpu.memref_squeeze %dma_wait3A_32 : memref<1x128xi32, #tpu.memory_space<hbm>> -> memref<128xi32, #tpu.memory_space<hbm>>
        %dma_wait3A_34 = arith.constant 0 : i32
        %dma_wait3A_35 = tpu.memref_slice %arg4[%add3A_12, %dma_wait3A_34] : memref<1280x128xi32, #tpu.memory_space<hbm>> -> memref<1x128xi32, #tpu.memory_space<hbm>>
        %dma_wait3A_36 = tpu.memref_squeeze %dma_wait3A_35 : memref<1x128xi32, #tpu.memory_space<hbm>> -> memref<128xi32, #tpu.memory_space<hbm>>
        tpu.wait_dma2 semaphore(%run_scoped3A : memref<!tpu.dma_semaphore, #tpu.memory_space<semaphore_mem>>) src(%dma_wait3A_36 : memref<128xi32, #tpu.memory_space<hbm>>) dst(%arg8 : memref<128xi32, #tpu.memory_space<vmem>>)
        tpu.yield
      }) : () -> ()
      "tpu.region"() ({
        %run_scoped3A = tpu.sem_alloc : memref<!tpu.dma_semaphore, #tpu.memory_space<semaphore_mem>>
        %dma_start3A_25 = arith.constant 0 : i32
        %dma_start3A_26 = tpu.memref_slice %arg5[%add3A_12, %dma_start3A_25] : memref<1280x128xi32, #tpu.memory_space<hbm>> -> memref<1x128xi32, #tpu.memory_space<hbm>>
        %dma_start3A_27 = tpu.memref_squeeze %dma_start3A_26 : memref<1x128xi32, #tpu.memory_space<hbm>> -> memref<128xi32, #tpu.memory_space<hbm>>
        %dma_start3A_28 = arith.constant 0 : i32
        %dma_start3A_29 = tpu.memref_slice %arg5[%add3A_12, %dma_start3A_28] : memref<1280x128xi32, #tpu.memory_space<hbm>> -> memref<1x128xi32, #tpu.memory_space<hbm>>
        %dma_start3A_30 = tpu.memref_squeeze %dma_start3A_29 : memref<1x128xi32, #tpu.memory_space<hbm>> -> memref<128xi32, #tpu.memory_space<hbm>>
        tpu.enqueue_dma source(%dma_start3A_30 : memref<128xi32, #tpu.memory_space<hbm>>) target(%arg9 : memref<128xi32, #tpu.memory_space<vmem>>) target_semaphore(%run_scoped3A : memref<!tpu.dma_semaphore, #tpu.memory_space<semaphore_mem>>)
        %dma_wait3A_31 = arith.constant 0 : i32
        %dma_wait3A_32 = tpu.memref_slice %arg5[%add3A_12, %dma_wait3A_31] : memref<1280x128xi32, #tpu.memory_space<hbm>> -> memref<1x128xi32, #tpu.memory_space<hbm>>
        %dma_wait3A_33 = tpu.memref_squeeze %dma_wait3A_32 : memref<1x128xi32, #tpu.memory_space<hbm>> -> memref<128xi32, #tpu.memory_space<hbm>>
        %dma_wait3A_34 = arith.constant 0 : i32
        %dma_wait3A_35 = tpu.memref_slice %arg5[%add3A_12, %dma_wait3A_34] : memref<1280x128xi32, #tpu.memory_space<hbm>> -> memref<1x128xi32, #tpu.memory_space<hbm>>
        %dma_wait3A_36 = tpu.memref_squeeze %dma_wait3A_35 : memref<1x128xi32, #tpu.memory_space<hbm>> -> memref<128xi32, #tpu.memory_space<hbm>>
        tpu.wait_dma2 semaphore(%run_scoped3A : memref<!tpu.dma_semaphore, #tpu.memory_space<semaphore_mem>>) src(%dma_wait3A_36 : memref<128xi32, #tpu.memory_space<hbm>>) dst(%arg9 : memref<128xi32, #tpu.memory_space<vmem>>)
        tpu.yield
      }) : () -> ()
      %dma_start3A = arith.constant 0 : i32
      %dma_start3A_15 = arith.constant 0 : i32
      %dma_start3A_16 = tpu.memref_slice %arg2[%dma_start3A, %dma_start3A_15] : memref<10000x256xf32, #tpu.memory_space<hbm>> -> memref<10000x256xf32, #tpu.memory_space<hbm>>
      tpu.enqueue_indirect_dma source(%dma_start3A_16 : memref<10000x256xf32, #tpu.memory_space<hbm>>) target(%arg10 : memref<128x256xf32, #tpu.memory_space<vmem>>) offsets(%arg8 : memref<128xi32, #tpu.memory_space<vmem>>) semaphore(%arg12 : memref<!tpu.dma_semaphore, #tpu.memory_space<semaphore_mem>>)
      %dma_start3A_17 = arith.constant 0 : i32
      %dma_start3A_18 = arith.constant 0 : i32
      %dma_start3A_19 = tpu.memref_slice %arg3[%dma_start3A_17, %dma_start3A_18] : memref<10000x256xf32, #tpu.memory_space<hbm>> -> memref<10000x256xf32, #tpu.memory_space<hbm>>
      tpu.enqueue_indirect_dma source(%dma_start3A_19 : memref<10000x256xf32, #tpu.memory_space<hbm>>) target(%arg11 : memref<128x256xf32, #tpu.memory_space<vmem>>) offsets(%arg9 : memref<128xi32, #tpu.memory_space<vmem>>) semaphore(%arg13 : memref<!tpu.dma_semaphore, #tpu.memory_space<semaphore_mem>>)
      %dma_wait3A = arith.constant 0 : i32
      %dma_wait3A_20 = arith.constant 0 : i32
      %dma_wait3A_21 = tpu.memref_slice %arg2[%dma_wait3A, %dma_wait3A_20] : memref<10000x256xf32, #tpu.memory_space<hbm>> -> memref<10000x256xf32, #tpu.memory_space<hbm>>
      tpu.wait_indirect_dma semaphore(%arg12 : memref<!tpu.dma_semaphore, #tpu.memory_space<semaphore_mem>>) src(%dma_wait3A_21 : memref<10000x256xf32, #tpu.memory_space<hbm>>) dst(%arg10 : memref<128x256xf32, #tpu.memory_space<vmem>>)
      "tpu.region"() ({
        %run_scoped3A = tpu.sem_alloc : memref<!tpu.dma_semaphore, #tpu.memory_space<semaphore_mem>>
        %dma_start3A_25 = arith.constant 0 : i32
        %dma_start3A_26 = tpu.memref_slice %arg6[%mul3A_14, %dma_start3A_25] : memref<163840x256xf32, #tpu.memory_space<hbm>> -> memref<128x256xf32, #tpu.memory_space<hbm>>
        %dma_start3A_27 = arith.constant 0 : i32
        %dma_start3A_28 = tpu.memref_slice %arg6[%mul3A_14, %dma_start3A_27] : memref<163840x256xf32, #tpu.memory_space<hbm>> -> memref<128x256xf32, #tpu.memory_space<hbm>>
        tpu.enqueue_dma source(%arg10 : memref<128x256xf32, #tpu.memory_space<vmem>>) target(%dma_start3A_28 : memref<128x256xf32, #tpu.memory_space<hbm>>) target_semaphore(%run_scoped3A : memref<!tpu.dma_semaphore, #tpu.memory_space<semaphore_mem>>)
        %dma_wait3A_29 = arith.constant 0 : i32
        %dma_wait3A_30 = tpu.memref_slice %arg6[%mul3A_14, %dma_wait3A_29] : memref<163840x256xf32, #tpu.memory_space<hbm>> -> memref<128x256xf32, #tpu.memory_space<hbm>>
        %dma_wait3A_31 = arith.constant 0 : i32
        %dma_wait3A_32 = tpu.memref_slice %arg6[%mul3A_14, %dma_wait3A_31] : memref<163840x256xf32, #tpu.memory_space<hbm>> -> memref<128x256xf32, #tpu.memory_space<hbm>>
        tpu.wait_dma2 semaphore(%run_scoped3A : memref<!tpu.dma_semaphore, #tpu.memory_space<semaphore_mem>>) src(%arg10 : memref<128x256xf32, #tpu.memory_space<vmem>>) dst(%dma_wait3A_32 : memref<128x256xf32, #tpu.memory_space<hbm>>)
        tpu.yield
      }) : () -> ()
      %dma_wait3A_22 = arith.constant 0 : i32
      %dma_wait3A_23 = arith.constant 0 : i32
      %dma_wait3A_24 = tpu.memref_slice %arg3[%dma_wait3A_22, %dma_wait3A_23] : memref<10000x256xf32, #tpu.memory_space<hbm>> -> memref<10000x256xf32, #tpu.memory_space<hbm>>
      tpu.wait_indirect_dma semaphore(%arg13 : memref<!tpu.dma_semaphore, #tpu.memory_space<semaphore_mem>>) src(%dma_wait3A_24 : memref<10000x256xf32, #tpu.memory_space<hbm>>) dst(%arg11 : memref<128x256xf32, #tpu.memory_space<vmem>>)
      "tpu.region"() ({
        %run_scoped3A = tpu.sem_alloc : memref<!tpu.dma_semaphore, #tpu.memory_space<semaphore_mem>>
        %dma_start3A_25 = arith.constant 0 : i32
        %dma_start3A_26 = tpu.memref_slice %arg7[%mul3A_14, %dma_start3A_25] : memref<163840x256xf32, #tpu.memory_space<hbm>> -> memref<128x256xf32, #tpu.memory_space<hbm>>
        %dma_start3A_27 = arith.constant 0 : i32
        %dma_start3A_28 = tpu.memref_slice %arg7[%mul3A_14, %dma_start3A_27] : memref<163840x256xf32, #tpu.memory_space<hbm>> -> memref<128x256xf32, #tpu.memory_space<hbm>>
        tpu.enqueue_dma source(%arg11 : memref<128x256xf32, #tpu.memory_space<vmem>>) target(%dma_start3A_28 : memref<128x256xf32, #tpu.memory_space<hbm>>) target_semaphore(%run_scoped3A : memref<!tpu.dma_semaphore, #tpu.memory_space<semaphore_mem>>)
        %dma_wait3A_29 = arith.constant 0 : i32
        %dma_wait3A_30 = tpu.memref_slice %arg7[%mul3A_14, %dma_wait3A_29] : memref<163840x256xf32, #tpu.memory_space<hbm>> -> memref<128x256xf32, #tpu.memory_space<hbm>>
        %dma_wait3A_31 = arith.constant 0 : i32
        %dma_wait3A_32 = tpu.memref_slice %arg7[%mul3A_14, %dma_wait3A_31] : memref<163840x256xf32, #tpu.memory_space<hbm>> -> memref<128x256xf32, #tpu.memory_space<hbm>>
        tpu.wait_dma2 semaphore(%run_scoped3A : memref<!tpu.dma_semaphore, #tpu.memory_space<semaphore_mem>>) src(%arg11 : memref<128x256xf32, #tpu.memory_space<vmem>>) dst(%dma_wait3A_32 : memref<128x256xf32, #tpu.memory_space<hbm>>)
        tpu.yield
      }) : () -> ()
    }
    %scan3A_4 = arith.constant 40 : i32
    return
  }
}

module attributes {stable_mosaic.version = 14 : i64} {
  func.func @body(%arg0: i32, %arg1: memref<1000x256xf32, #tpu.memory_space<vmem>>, %arg2: memref<256x256xf32, #tpu.memory_space<vmem>>, %arg3: memref<256x256xf32, #tpu.memory_space<vmem>>, %arg4: memref<1000x256xf32, #tpu.memory_space<vmem>>, %arg5: memref<1000x256xf32, #tpu.memory_space<vmem>>) attributes {dimension_semantics = [#tpu.dimension_semantics<arbitrary>], iteration_bounds = array<i64: 10>, scalar_prefetch = 0 : i64, scratch_operands = 0 : i64, tpu.core_type = #tpu.core_type<tc>, window_params = [{transform_indices = @transform_0, window_bounds = array<i64: 1000, 256>}, {pipeline_mode = #tpu.pipeline_mode<synchronous>, transform_indices = @transform_1, window_bounds = array<i64: 256, 256>}, {pipeline_mode = #tpu.pipeline_mode<synchronous>, transform_indices = @transform_2, window_bounds = array<i64: 256, 256>}, {transform_indices = @transform_3, window_bounds = array<i64: 1000, 256>}, {transform_indices = @transform_4, window_bounds = array<i64: 1000, 256>}]} {
    %get3A = arith.constant 0 : index
    %get3A_0 = arith.constant 0 : index
    %get3A_1 = vector.load %arg1[%get3A, %get3A_0] : memref<1000x256xf32, #tpu.memory_space<vmem>>, vector<1000x256xf32>
    %get3A_2 = arith.constant 0 : index
    %get3A_3 = arith.constant 0 : index
    %get3A_4 = vector.load %arg2[%get3A_2, %get3A_3] : memref<256x256xf32, #tpu.memory_space<vmem>>, vector<256x256xf32>
    %dot_general3A = arith.constant dense<0.000000e+00> : vector<1000x256xf32>
    %dot_general3A_5 = tpu.matmul %get3A_1, %get3A_4, %dot_general3A {dimension_numbers = #tpu.dot_dimension_numbers<[1], [0], [0], [1], [0, 0, 1, 1], [], []>, precision = #tpu.contract_precision<fp32>, transpose_lhs_hint = false} : vector<1000x256xf32>, vector<256x256xf32>, vector<1000x256xf32> -> vector<1000x256xf32>
    %swap3A = arith.constant 0 : index
    %swap3A_6 = arith.constant 0 : index
    %swap3A_7 = vector.load %arg4[%swap3A, %swap3A_6] : memref<1000x256xf32, #tpu.memory_space<vmem>>, vector<1000x256xf32>
    tpu.vector_store %arg4[%swap3A, %swap3A_6], %dot_general3A_5 {strides = array<i32>} : memref<1000x256xf32, #tpu.memory_space<vmem>>, vector<1000x256xf32>,
    %get3A_8 = arith.constant 0 : index
    %get3A_9 = arith.constant 0 : index
    %get3A_10 = vector.load %arg3[%get3A_8, %get3A_9] : memref<256x256xf32, #tpu.memory_space<vmem>>, vector<256x256xf32>
    %dot_general3A_11 = arith.constant dense<0.000000e+00> : vector<1000x256xf32>
    %dot_general3A_12 = tpu.matmul %get3A_1, %get3A_10, %dot_general3A_11 {dimension_numbers = #tpu.dot_dimension_numbers<[1], [0], [0], [1], [0, 0, 1, 1], [], []>, precision = #tpu.contract_precision<fp32>, transpose_lhs_hint = false} : vector<1000x256xf32>, vector<256x256xf32>, vector<1000x256xf32> -> vector<1000x256xf32>
    %swap3A_13 = arith.constant 0 : index
    %swap3A_14 = arith.constant 0 : index
    %swap3A_15 = vector.load %arg5[%swap3A_13, %swap3A_14] : memref<1000x256xf32, #tpu.memory_space<vmem>>, vector<1000x256xf32>
    tpu.vector_store %arg5[%swap3A_13, %swap3A_14], %dot_general3A_12 {strides = array<i32>} : memref<1000x256xf32, #tpu.memory_space<vmem>>, vector<1000x256xf32>,
    return
  }
  func.func @transform_0(%arg0: i32) -> (i32, i32) {
    %c0_i32 = arith.constant 0 : i32
    %c0_i32_0 = arith.constant 0 : i32
    return %arg0, %c0_i32 : i32, i32
  }
  func.func @transform_1(%arg0: i32) -> (i32, i32) {
    %c0_i32 = arith.constant 0 : i32
    %c0_i32_0 = arith.constant 0 : i32
    %c0_i32_1 = arith.constant 0 : i32
    return %c0_i32, %c0_i32_0 : i32, i32
  }
  func.func @transform_2(%arg0: i32) -> (i32, i32) {
    %c0_i32 = arith.constant 0 : i32
    %c0_i32_0 = arith.constant 0 : i32
    %c0_i32_1 = arith.constant 0 : i32
    return %c0_i32, %c0_i32_0 : i32, i32
  }
  func.func @transform_3(%arg0: i32) -> (i32, i32) {
    %c0_i32 = arith.constant 0 : i32
    %c0_i32_0 = arith.constant 0 : i32
    return %arg0, %c0_i32 : i32, i32
  }
  func.func @transform_4(%arg0: i32) -> (i32, i32) {
    %c0_i32 = arith.constant 0 : i32
    %c0_i32_0 = arith.constant 0 : i32
    return %arg0, %c0_i32 : i32, i32
  }
}

module attributes {stable_mosaic.version = 14 : i64} {
  func.func @body(%arg0: i32, %arg1: memref<256x256xf32, #tpu.memory_space<vmem>>, %arg2: memref<256x256xf32, #tpu.memory_space<vmem>>, %arg3: memref<256x8xf32, #tpu.memory_space<vmem>>, %arg4: memref<8x256xf32, #tpu.memory_space<vmem>>, %arg5: memref<33x256x8xf32, #tpu.memory_space<vmem>>) attributes {dimension_semantics = [#tpu.dimension_semantics<arbitrary>], iteration_bounds = array<i64: 640>, scalar_prefetch = 0 : i64, scratch_operands = 0 : i64, tpu.core_type = #tpu.core_type<tc>, window_params = [{transform_indices = @transform_0, window_bounds = array<i64: 256, 256>}, {transform_indices = @transform_1, window_bounds = array<i64: 256, 256>}, {pipeline_mode = #tpu.pipeline_mode<synchronous>, transform_indices = @transform_2, window_bounds = array<i64: 256, 8>}, {pipeline_mode = #tpu.pipeline_mode<synchronous>, transform_indices = @transform_3, window_bounds = array<i64: 8, 256>}, {transform_indices = @transform_4, window_bounds = array<i64: 33, 256, 8>}]} {
    %get3A = arith.constant 0 : index
    %get3A_0 = arith.constant 0 : index
    %get3A_1 = vector.load %arg1[%get3A, %get3A_0] : memref<256x256xf32, #tpu.memory_space<vmem>>, vector<256x256xf32>
    %get3A_2 = arith.constant 0 : index
    %get3A_3 = arith.constant 0 : index
    %get3A_4 = vector.load %arg2[%get3A_2, %get3A_3] : memref<256x256xf32, #tpu.memory_space<vmem>>, vector<256x256xf32>
    %add3A = arith.addf %get3A_1, %get3A_4 : vector<256x256xf32>
    %gt3A = arith.constant 0.000000e+00 : f32
    %gt3A_5 = vector.broadcast %gt3A : f32 to vector<256x256xf32>
    %gt3A_6 = arith.cmpf ogt, %add3A, %gt3A_5 : vector<256x256xf32>
    %mul3A = arith.constant 2.000000e-01 : f32
    %mul3A_7 = vector.broadcast %mul3A : f32 to vector<256x256xf32>
    %mul3A_8 = arith.mulf %mul3A_7, %add3A : vector<256x256xf32>
    %select_n3A = arith.select %gt3A_6, %add3A, %mul3A_8 : vector<256x256xi1>, vector<256x256xf32>
    %get3A_9 = arith.constant 0 : index
    %get3A_10 = arith.constant 0 : index
    %get3A_11 = vector.load %arg3[%get3A_9, %get3A_10] : memref<256x8xf32, #tpu.memory_space<vmem>>, vector<256x8xf32>
    %dot_general3A = arith.constant dense<0.000000e+00> : vector<256x8xf32>
    %dot_general3A_12 = tpu.matmul %select_n3A, %get3A_11, %dot_general3A {dimension_numbers = #tpu.dot_dimension_numbers<[1], [0], [0], [1], [0, 0, 1, 1], [], []>, precision = #tpu.contract_precision<fp32>, transpose_lhs_hint = false} : vector<256x256xf32>, vector<256x8xf32>, vector<256x8xf32> -> vector<256x8xf32>
    %exp3A = math.exp %dot_general3A_12 : vector<256x8xf32>
    %get3A_13 = arith.constant 0 : index
    %get3A_14 = arith.constant 0 : index
    %get3A_15 = vector.load %arg4[%get3A_13, %get3A_14] : memref<8x256xf32, #tpu.memory_space<vmem>>, vector<8x256xf32>
    %dot_general3A_16 = arith.constant dense<0.000000e+00> : vector<256x256xf32>
    %dot_general3A_17 = tpu.matmul %exp3A, %get3A_15, %dot_general3A_16 {dimension_numbers = #tpu.dot_dimension_numbers<[1], [0], [0], [1], [0, 0, 1, 1], [], []>, precision = #tpu.contract_precision<fp32>, transpose_lhs_hint = false} : vector<256x8xf32>, vector<8x256xf32>, vector<256x256xf32> -> vector<256x256xf32>
    %mul3A_18 = arith.mulf %get3A_1, %dot_general3A_17 : vector<256x256xf32>
    %slice3A = vector.extract_strided_slice %mul3A_18 {offsets = [0, 0], sizes = [256, 8], strides = [1, 1]} : vector<256x256xf32> to vector<256x8xf32>
    %swap3A = arith.constant 0 : index
    %swap3A_19 = arith.constant 0 : index
    %swap3A_20 = arith.constant 0 : index
    %swap3A_21 = vector.load %arg5[%swap3A, %swap3A_19, %swap3A_20] : memref<33x256x8xf32, #tpu.memory_space<vmem>>, vector<1x256x8xf32>
    %swap3A_22 = vector.shape_cast %swap3A_21 : vector<1x256x8xf32> to vector<256x8xf32>
    %swap3A_23 = vector.shape_cast %slice3A : vector<256x8xf32> to vector<1x256x8xf32>
    tpu.vector_store %arg5[%swap3A, %swap3A_19, %swap3A_20], %swap3A_23 {strides = array<i32>} : memref<33x256x8xf32, #tpu.memory_space<vmem>>, vector<1x256x8xf32>,
    %slice3A_24 = vector.extract_strided_slice %mul3A_18 {offsets = [0, 8], sizes = [256, 8], strides = [1, 1]} : vector<256x256xf32> to vector<256x8xf32>
    %swap3A_25 = arith.constant 1 : index
    %swap3A_26 = arith.constant 0 : index
    %swap3A_27 = arith.constant 0 : index
    %swap3A_28 = vector.load %arg5[%swap3A_25, %swap3A_26, %swap3A_27] : memref<33x256x8xf32, #tpu.memory_space<vmem>>, vector<1x256x8xf32>
    %swap3A_29 = vector.shape_cast %swap3A_28 : vector<1x256x8xf32> to vector<256x8xf32>
    %swap3A_30 = vector.shape_cast %slice3A_24 : vector<256x8xf32> to vector<1x256x8xf32>
    tpu.vector_store %arg5[%swap3A_25, %swap3A_26, %swap3A_27], %swap3A_30 {strides = array<i32>} : memref<33x256x8xf32, #tpu.memory_space<vmem>>, vector<1x256x8xf32>,
    %slice3A_31 = vector.extract_strided_slice %mul3A_18 {offsets = [0, 16], sizes = [256, 8], strides = [1, 1]} : vector<256x256xf32> to vector<256x8xf32>
    %swap3A_32 = arith.constant 2 : index
    %swap3A_33 = arith.constant 0 : index
    %swap3A_34 = arith.constant 0 : index
    %swap3A_35 = vector.load %arg5[%swap3A_32, %swap3A_33, %swap3A_34] : memref<33x256x8xf32, #tpu.memory_space<vmem>>, vector<1x256x8xf32>
    %swap3A_36 = vector.shape_cast %swap3A_35 : vector<1x256x8xf32> to vector<256x8xf32>
    %swap3A_37 = vector.shape_cast %slice3A_31 : vector<256x8xf32> to vector<1x256x8xf32>
    tpu.vector_store %arg5[%swap3A_32, %swap3A_33, %swap3A_34], %swap3A_37 {strides = array<i32>} : memref<33x256x8xf32, #tpu.memory_space<vmem>>, vector<1x256x8xf32>,
    %slice3A_38 = vector.extract_strided_slice %mul3A_18 {offsets = [0, 24], sizes = [256, 8], strides = [1, 1]} : vector<256x256xf32> to vector<256x8xf32>
    %swap3A_39 = arith.constant 3 : index
    %swap3A_40 = arith.constant 0 : index
    %swap3A_41 = arith.constant 0 : index
    %swap3A_42 = vector.load %arg5[%swap3A_39, %swap3A_40, %swap3A_41] : memref<33x256x8xf32, #tpu.memory_space<vmem>>, vector<1x256x8xf32>
    %swap3A_43 = vector.shape_cast %swap3A_42 : vector<1x256x8xf32> to vector<256x8xf32>
    %swap3A_44 = vector.shape_cast %slice3A_38 : vector<256x8xf32> to vector<1x256x8xf32>
    tpu.vector_store %arg5[%swap3A_39, %swap3A_40, %swap3A_41], %swap3A_44 {strides = array<i32>} : memref<33x256x8xf32, #tpu.memory_space<vmem>>, vector<1x256x8xf32>,
    %slice3A_45 = vector.extract_strided_slice %mul3A_18 {offsets = [0, 32], sizes = [256, 8], strides = [1, 1]} : vector<256x256xf32> to vector<256x8xf32>
    %swap3A_46 = arith.constant 4 : index
    %swap3A_47 = arith.constant 0 : index
    %swap3A_48 = arith.constant 0 : index
    %swap3A_49 = vector.load %arg5[%swap3A_46, %swap3A_47, %swap3A_48] : memref<33x256x8xf32, #tpu.memory_space<vmem>>, vector<1x256x8xf32>
    %swap3A_50 = vector.shape_cast %swap3A_49 : vector<1x256x8xf32> to vector<256x8xf32>
    %swap3A_51 = vector.shape_cast %slice3A_45 : vector<256x8xf32> to vector<1x256x8xf32>
    tpu.vector_store %arg5[%swap3A_46, %swap3A_47, %swap3A_48], %swap3A_51 {strides = array<i32>} : memref<33x256x8xf32, #tpu.memory_space<vmem>>, vector<1x256x8xf32>,
    %slice3A_52 = vector.extract_strided_slice %mul3A_18 {offsets = [0, 40], sizes = [256, 8], strides = [1, 1]} : vector<256x256xf32> to vector<256x8xf32>
    %swap3A_53 = arith.constant 5 : index
    %swap3A_54 = arith.constant 0 : index
    %swap3A_55 = arith.constant 0 : index
    %swap3A_56 = vector.load %arg5[%swap3A_53, %swap3A_54, %swap3A_55] : memref<33x256x8xf32, #tpu.memory_space<vmem>>, vector<1x256x8xf32>
    %swap3A_57 = vector.shape_cast %swap3A_56 : vector<1x256x8xf32> to vector<256x8xf32>
    %swap3A_58 = vector.shape_cast %slice3A_52 : vector<256x8xf32> to vector<1x256x8xf32>
    tpu.vector_store %arg5[%swap3A_53, %swap3A_54, %swap3A_55], %swap3A_58 {strides = array<i32>} : memref<33x256x8xf32, #tpu.memory_space<vmem>>, vector<1x256x8xf32>,
    %slice3A_59 = vector.extract_strided_slice %mul3A_18 {offsets = [0, 48], sizes = [256, 8], strides = [1, 1]} : vector<256x256xf32> to vector<256x8xf32>
    %swap3A_60 = arith.constant 6 : index
    %swap3A_61 = arith.constant 0 : index
    %swap3A_62 = arith.constant 0 : index
    %swap3A_63 = vector.load %arg5[%swap3A_60, %swap3A_61, %swap3A_62] : memref<33x256x8xf32, #tpu.memory_space<vmem>>, vector<1x256x8xf32>
    %swap3A_64 = vector.shape_cast %swap3A_63 : vector<1x256x8xf32> to vector<256x8xf32>
    %swap3A_65 = vector.shape_cast %slice3A_59 : vector<256x8xf32> to vector<1x256x8xf32>
    tpu.vector_store %arg5[%swap3A_60, %swap3A_61, %swap3A_62], %swap3A_65 {strides = array<i32>} : memref<33x256x8xf32, #tpu.memory_space<vmem>>, vector<1x256x8xf32>,
    %slice3A_66 = vector.extract_strided_slice %mul3A_18 {offsets = [0, 56], sizes = [256, 8], strides = [1, 1]} : vector<256x256xf32> to vector<256x8xf32>
    %swap3A_67 = arith.constant 7 : index
    %swap3A_68 = arith.constant 0 : index
    %swap3A_69 = arith.constant 0 : index
    %swap3A_70 = vector.load %arg5[%swap3A_67, %swap3A_68, %swap3A_69] : memref<33x256x8xf32, #tpu.memory_space<vmem>>, vector<1x256x8xf32>
    %swap3A_71 = vector.shape_cast %swap3A_70 : vector<1x256x8xf32> to vector<256x8xf32>
    %swap3A_72 = vector.shape_cast %slice3A_66 : vector<256x8xf32> to vector<1x256x8xf32>
    tpu.vector_store %arg5[%swap3A_67, %swap3A_68, %swap3A_69], %swap3A_72 {strides = array<i32>} : memref<33x256x8xf32, #tpu.memory_space<vmem>>, vector<1x256x8xf32>,
    %slice3A_73 = vector.extract_strided_slice %mul3A_18 {offsets = [0, 64], sizes = [256, 8], strides = [1, 1]} : vector<256x256xf32> to vector<256x8xf32>
    %swap3A_74 = arith.constant 8 : index
    %swap3A_75 = arith.constant 0 : index
    %swap3A_76 = arith.constant 0 : index
    %swap3A_77 = vector.load %arg5[%swap3A_74, %swap3A_75, %swap3A_76] : memref<33x256x8xf32, #tpu.memory_space<vmem>>, vector<1x256x8xf32>
    %swap3A_78 = vector.shape_cast %swap3A_77 : vector<1x256x8xf32> to vector<256x8xf32>
    %swap3A_79 = vector.shape_cast %slice3A_73 : vector<256x8xf32> to vector<1x256x8xf32>
    tpu.vector_store %arg5[%swap3A_74, %swap3A_75, %swap3A_76], %swap3A_79 {strides = array<i32>} : memref<33x256x8xf32, #tpu.memory_space<vmem>>, vector<1x256x8xf32>,
    %slice3A_80 = vector.extract_strided_slice %mul3A_18 {offsets = [0, 72], sizes = [256, 8], strides = [1, 1]} : vector<256x256xf32> to vector<256x8xf32>
    %swap3A_81 = arith.constant 9 : index
    %swap3A_82 = arith.constant 0 : index
    %swap3A_83 = arith.constant 0 : index
    %swap3A_84 = vector.load %arg5[%swap3A_81, %swap3A_82, %swap3A_83] : memref<33x256x8xf32, #tpu.memory_space<vmem>>, vector<1x256x8xf32>
    %swap3A_85 = vector.shape_cast %swap3A_84 : vector<1x256x8xf32> to vector<256x8xf32>
    %swap3A_86 = vector.shape_cast %slice3A_80 : vector<256x8xf32> to vector<1x256x8xf32>
    tpu.vector_store %arg5[%swap3A_81, %swap3A_82, %swap3A_83], %swap3A_86 {strides = array<i32>} : memref<33x256x8xf32, #tpu.memory_space<vmem>>, vector<1x256x8xf32>,
    %slice3A_87 = vector.extract_strided_slice %mul3A_18 {offsets = [0, 80], sizes = [256, 8], strides = [1, 1]} : vector<256x256xf32> to vector<256x8xf32>
    %swap3A_88 = arith.constant 10 : index
    %swap3A_89 = arith.constant 0 : index
    %swap3A_90 = arith.constant 0 : index
    %swap3A_91 = vector.load %arg5[%swap3A_88, %swap3A_89, %swap3A_90] : memref<33x256x8xf32, #tpu.memory_space<vmem>>, vector<1x256x8xf32>
    %swap3A_92 = vector.shape_cast %swap3A_91 : vector<1x256x8xf32> to vector<256x8xf32>
    %swap3A_93 = vector.shape_cast %slice3A_87 : vector<256x8xf32> to vector<1x256x8xf32>
    tpu.vector_store %arg5[%swap3A_88, %swap3A_89, %swap3A_90], %swap3A_93 {strides = array<i32>} : memref<33x256x8xf32, #tpu.memory_space<vmem>>, vector<1x256x8xf32>,
    %slice3A_94 = vector.extract_strided_slice %mul3A_18 {offsets = [0, 88], sizes = [256, 8], strides = [1, 1]} : vector<256x256xf32> to vector<256x8xf32>
    %swap3A_95 = arith.constant 11 : index
    %swap3A_96 = arith.constant 0 : index
    %swap3A_97 = arith.constant 0 : index
    %swap3A_98 = vector.load %arg5[%swap3A_95, %swap3A_96, %swap3A_97] : memref<33x256x8xf32, #tpu.memory_space<vmem>>, vector<1x256x8xf32>
    %swap3A_99 = vector.shape_cast %swap3A_98 : vector<1x256x8xf32> to vector<256x8xf32>
    %swap3A_100 = vector.shape_cast %slice3A_94 : vector<256x8xf32> to vector<1x256x8xf32>
    tpu.vector_store %arg5[%swap3A_95, %swap3A_96, %swap3A_97], %swap3A_100 {strides = array<i32>} : memref<33x256x8xf32, #tpu.memory_space<vmem>>, vector<1x256x8xf32>,
    %slice3A_101 = vector.extract_strided_slice %mul3A_18 {offsets = [0, 96], sizes = [256, 8], strides = [1, 1]} : vector<256x256xf32> to vector<256x8xf32>
    %swap3A_102 = arith.constant 12 : index
    %swap3A_103 = arith.constant 0 : index
    %swap3A_104 = arith.constant 0 : index
    %swap3A_105 = vector.load %arg5[%swap3A_102, %swap3A_103, %swap3A_104] : memref<33x256x8xf32, #tpu.memory_space<vmem>>, vector<1x256x8xf32>
    %swap3A_106 = vector.shape_cast %swap3A_105 : vector<1x256x8xf32> to vector<256x8xf32>
    %swap3A_107 = vector.shape_cast %slice3A_101 : vector<256x8xf32> to vector<1x256x8xf32>
    tpu.vector_store %arg5[%swap3A_102, %swap3A_103, %swap3A_104], %swap3A_107 {strides = array<i32>} : memref<33x256x8xf32, #tpu.memory_space<vmem>>, vector<1x256x8xf32>,
    %slice3A_108 = vector.extract_strided_slice %mul3A_18 {offsets = [0, 104], sizes = [256, 8], strides = [1, 1]} : vector<256x256xf32> to vector<256x8xf32>
    %swap3A_109 = arith.constant 13 : index
    %swap3A_110 = arith.constant 0 : index
    %swap3A_111 = arith.constant 0 : index
    %swap3A_112 = vector.load %arg5[%swap3A_109, %swap3A_110, %swap3A_111] : memref<33x256x8xf32, #tpu.memory_space<vmem>>, vector<1x256x8xf32>
    %swap3A_113 = vector.shape_cast %swap3A_112 : vector<1x256x8xf32> to vector<256x8xf32>
    %swap3A_114 = vector.shape_cast %slice3A_108 : vector<256x8xf32> to vector<1x256x8xf32>
    tpu.vector_store %arg5[%swap3A_109, %swap3A_110, %swap3A_111], %swap3A_114 {strides = array<i32>} : memref<33x256x8xf32, #tpu.memory_space<vmem>>, vector<1x256x8xf32>,
    %slice3A_115 = vector.extract_strided_slice %mul3A_18 {offsets = [0, 112], sizes = [256, 8], strides = [1, 1]} : vector<256x256xf32> to vector<256x8xf32>
    %swap3A_116 = arith.constant 14 : index
    %swap3A_117 = arith.constant 0 : index
    %swap3A_118 = arith.constant 0 : index
    %swap3A_119 = vector.load %arg5[%swap3A_116, %swap3A_117, %swap3A_118] : memref<33x256x8xf32, #tpu.memory_space<vmem>>, vector<1x256x8xf32>
    %swap3A_120 = vector.shape_cast %swap3A_119 : vector<1x256x8xf32> to vector<256x8xf32>
    %swap3A_121 = vector.shape_cast %slice3A_115 : vector<256x8xf32> to vector<1x256x8xf32>
    tpu.vector_store %arg5[%swap3A_116, %swap3A_117, %swap3A_118], %swap3A_121 {strides = array<i32>} : memref<33x256x8xf32, #tpu.memory_space<vmem>>, vector<1x256x8xf32>,
    %slice3A_122 = vector.extract_strided_slice %mul3A_18 {offsets = [0, 120], sizes = [256, 8], strides = [1, 1]} : vector<256x256xf32> to vector<256x8xf32>
    %swap3A_123 = arith.constant 15 : index
    %swap3A_124 = arith.constant 0 : index
    %swap3A_125 = arith.constant 0 : index
    %swap3A_126 = vector.load %arg5[%swap3A_123, %swap3A_124, %swap3A_125] : memref<33x256x8xf32, #tpu.memory_space<vmem>>, vector<1x256x8xf32>
    %swap3A_127 = vector.shape_cast %swap3A_126 : vector<1x256x8xf32> to vector<256x8xf32>
    %swap3A_128 = vector.shape_cast %slice3A_122 : vector<256x8xf32> to vector<1x256x8xf32>
    tpu.vector_store %arg5[%swap3A_123, %swap3A_124, %swap3A_125], %swap3A_128 {strides = array<i32>} : memref<33x256x8xf32, #tpu.memory_space<vmem>>, vector<1x256x8xf32>,
    %slice3A_129 = vector.extract_strided_slice %mul3A_18 {offsets = [0, 128], sizes = [256, 8], strides = [1, 1]} : vector<256x256xf32> to vector<256x8xf32>
    %swap3A_130 = arith.constant 16 : index
    %swap3A_131 = arith.constant 0 : index
    %swap3A_132 = arith.constant 0 : index
    %swap3A_133 = vector.load %arg5[%swap3A_130, %swap3A_131, %swap3A_132] : memref<33x256x8xf32, #tpu.memory_space<vmem>>, vector<1x256x8xf32>
    %swap3A_134 = vector.shape_cast %swap3A_133 : vector<1x256x8xf32> to vector<256x8xf32>
    %swap3A_135 = vector.shape_cast %slice3A_129 : vector<256x8xf32> to vector<1x256x8xf32>
    tpu.vector_store %arg5[%swap3A_130, %swap3A_131, %swap3A_132], %swap3A_135 {strides = array<i32>} : memref<33x256x8xf32, #tpu.memory_space<vmem>>, vector<1x256x8xf32>,
    %slice3A_136 = vector.extract_strided_slice %mul3A_18 {offsets = [0, 136], sizes = [256, 8], strides = [1, 1]} : vector<256x256xf32> to vector<256x8xf32>
    %swap3A_137 = arith.constant 17 : index
    %swap3A_138 = arith.constant 0 : index
    %swap3A_139 = arith.constant 0 : index
    %swap3A_140 = vector.load %arg5[%swap3A_137, %swap3A_138, %swap3A_139] : memref<33x256x8xf32, #tpu.memory_space<vmem>>, vector<1x256x8xf32>
    %swap3A_141 = vector.shape_cast %swap3A_140 : vector<1x256x8xf32> to vector<256x8xf32>
    %swap3A_142 = vector.shape_cast %slice3A_136 : vector<256x8xf32> to vector<1x256x8xf32>
    tpu.vector_store %arg5[%swap3A_137, %swap3A_138, %swap3A_139], %swap3A_142 {strides = array<i32>} : memref<33x256x8xf32, #tpu.memory_space<vmem>>, vector<1x256x8xf32>,
    %slice3A_143 = vector.extract_strided_slice %mul3A_18 {offsets = [0, 144], sizes = [256, 8], strides = [1, 1]} : vector<256x256xf32> to vector<256x8xf32>
    %swap3A_144 = arith.constant 18 : index
    %swap3A_145 = arith.constant 0 : index
    %swap3A_146 = arith.constant 0 : index
    %swap3A_147 = vector.load %arg5[%swap3A_144, %swap3A_145, %swap3A_146] : memref<33x256x8xf32, #tpu.memory_space<vmem>>, vector<1x256x8xf32>
    %swap3A_148 = vector.shape_cast %swap3A_147 : vector<1x256x8xf32> to vector<256x8xf32>
    %swap3A_149 = vector.shape_cast %slice3A_143 : vector<256x8xf32> to vector<1x256x8xf32>
    tpu.vector_store %arg5[%swap3A_144, %swap3A_145, %swap3A_146], %swap3A_149 {strides = array<i32>} : memref<33x256x8xf32, #tpu.memory_space<vmem>>, vector<1x256x8xf32>,
    %slice3A_150 = vector.extract_strided_slice %mul3A_18 {offsets = [0, 152], sizes = [256, 8], strides = [1, 1]} : vector<256x256xf32> to vector<256x8xf32>
    %swap3A_151 = arith.constant 19 : index
    %swap3A_152 = arith.constant 0 : index
    %swap3A_153 = arith.constant 0 : index
    %swap3A_154 = vector.load %arg5[%swap3A_151, %swap3A_152, %swap3A_153] : memref<33x256x8xf32, #tpu.memory_space<vmem>>, vector<1x256x8xf32>
    %swap3A_155 = vector.shape_cast %swap3A_154 : vector<1x256x8xf32> to vector<256x8xf32>
    %swap3A_156 = vector.shape_cast %slice3A_150 : vector<256x8xf32> to vector<1x256x8xf32>
    tpu.vector_store %arg5[%swap3A_151, %swap3A_152, %swap3A_153], %swap3A_156 {strides = array<i32>} : memref<33x256x8xf32, #tpu.memory_space<vmem>>, vector<1x256x8xf32>,
    %slice3A_157 = vector.extract_strided_slice %mul3A_18 {offsets = [0, 160], sizes = [256, 8], strides = [1, 1]} : vector<256x256xf32> to vector<256x8xf32>
    %swap3A_158 = arith.constant 20 : index
    %swap3A_159 = arith.constant 0 : index
    %swap3A_160 = arith.constant 0 : index
    %swap3A_161 = vector.load %arg5[%swap3A_158, %swap3A_159, %swap3A_160] : memref<33x256x8xf32, #tpu.memory_space<vmem>>, vector<1x256x8xf32>
    %swap3A_162 = vector.shape_cast %swap3A_161 : vector<1x256x8xf32> to vector<256x8xf32>
    %swap3A_163 = vector.shape_cast %slice3A_157 : vector<256x8xf32> to vector<1x256x8xf32>
    tpu.vector_store %arg5[%swap3A_158, %swap3A_159, %swap3A_160], %swap3A_163 {strides = array<i32>} : memref<33x256x8xf32, #tpu.memory_space<vmem>>, vector<1x256x8xf32>,
    %slice3A_164 = vector.extract_strided_slice %mul3A_18 {offsets = [0, 168], sizes = [256, 8], strides = [1, 1]} : vector<256x256xf32> to vector<256x8xf32>
    %swap3A_165 = arith.constant 21 : index
    %swap3A_166 = arith.constant 0 : index
    %swap3A_167 = arith.constant 0 : index
    %swap3A_168 = vector.load %arg5[%swap3A_165, %swap3A_166, %swap3A_167] : memref<33x256x8xf32, #tpu.memory_space<vmem>>, vector<1x256x8xf32>
    %swap3A_169 = vector.shape_cast %swap3A_168 : vector<1x256x8xf32> to vector<256x8xf32>
    %swap3A_170 = vector.shape_cast %slice3A_164 : vector<256x8xf32> to vector<1x256x8xf32>
    tpu.vector_store %arg5[%swap3A_165, %swap3A_166, %swap3A_167], %swap3A_170 {strides = array<i32>} : memref<33x256x8xf32, #tpu.memory_space<vmem>>, vector<1x256x8xf32>,
    %slice3A_171 = vector.extract_strided_slice %mul3A_18 {offsets = [0, 176], sizes = [256, 8], strides = [1, 1]} : vector<256x256xf32> to vector<256x8xf32>
    %swap3A_172 = arith.constant 22 : index
    %swap3A_173 = arith.constant 0 : index
    %swap3A_174 = arith.constant 0 : index
    %swap3A_175 = vector.load %arg5[%swap3A_172, %swap3A_173, %swap3A_174] : memref<33x256x8xf32, #tpu.memory_space<vmem>>, vector<1x256x8xf32>
    %swap3A_176 = vector.shape_cast %swap3A_175 : vector<1x256x8xf32> to vector<256x8xf32>
    %swap3A_177 = vector.shape_cast %slice3A_171 : vector<256x8xf32> to vector<1x256x8xf32>
    tpu.vector_store %arg5[%swap3A_172, %swap3A_173, %swap3A_174], %swap3A_177 {strides = array<i32>} : memref<33x256x8xf32, #tpu.memory_space<vmem>>, vector<1x256x8xf32>,
    %slice3A_178 = vector.extract_strided_slice %mul3A_18 {offsets = [0, 184], sizes = [256, 8], strides = [1, 1]} : vector<256x256xf32> to vector<256x8xf32>
    %swap3A_179 = arith.constant 23 : index
    %swap3A_180 = arith.constant 0 : index
    %swap3A_181 = arith.constant 0 : index
    %swap3A_182 = vector.load %arg5[%swap3A_179, %swap3A_180, %swap3A_181] : memref<33x256x8xf32, #tpu.memory_space<vmem>>, vector<1x256x8xf32>
    %swap3A_183 = vector.shape_cast %swap3A_182 : vector<1x256x8xf32> to vector<256x8xf32>
    %swap3A_184 = vector.shape_cast %slice3A_178 : vector<256x8xf32> to vector<1x256x8xf32>
    tpu.vector_store %arg5[%swap3A_179, %swap3A_180, %swap3A_181], %swap3A_184 {strides = array<i32>} : memref<33x256x8xf32, #tpu.memory_space<vmem>>, vector<1x256x8xf32>,
    %slice3A_185 = vector.extract_strided_slice %mul3A_18 {offsets = [0, 192], sizes = [256, 8], strides = [1, 1]} : vector<256x256xf32> to vector<256x8xf32>
    %swap3A_186 = arith.constant 24 : index
    %swap3A_187 = arith.constant 0 : index
    %swap3A_188 = arith.constant 0 : index
    %swap3A_189 = vector.load %arg5[%swap3A_186, %swap3A_187, %swap3A_188] : memref<33x256x8xf32, #tpu.memory_space<vmem>>, vector<1x256x8xf32>
    %swap3A_190 = vector.shape_cast %swap3A_189 : vector<1x256x8xf32> to vector<256x8xf32>
    %swap3A_191 = vector.shape_cast %slice3A_185 : vector<256x8xf32> to vector<1x256x8xf32>
    tpu.vector_store %arg5[%swap3A_186, %swap3A_187, %swap3A_188], %swap3A_191 {strides = array<i32>} : memref<33x256x8xf32, #tpu.memory_space<vmem>>, vector<1x256x8xf32>,
    %slice3A_192 = vector.extract_strided_slice %mul3A_18 {offsets = [0, 200], sizes = [256, 8], strides = [1, 1]} : vector<256x256xf32> to vector<256x8xf32>
    %swap3A_193 = arith.constant 25 : index
    %swap3A_194 = arith.constant 0 : index
    %swap3A_195 = arith.constant 0 : index
    %swap3A_196 = vector.load %arg5[%swap3A_193, %swap3A_194, %swap3A_195] : memref<33x256x8xf32, #tpu.memory_space<vmem>>, vector<1x256x8xf32>
    %swap3A_197 = vector.shape_cast %swap3A_196 : vector<1x256x8xf32> to vector<256x8xf32>
    %swap3A_198 = vector.shape_cast %slice3A_192 : vector<256x8xf32> to vector<1x256x8xf32>
    tpu.vector_store %arg5[%swap3A_193, %swap3A_194, %swap3A_195], %swap3A_198 {strides = array<i32>} : memref<33x256x8xf32, #tpu.memory_space<vmem>>, vector<1x256x8xf32>,
    %slice3A_199 = vector.extract_strided_slice %mul3A_18 {offsets = [0, 208], sizes = [256, 8], strides = [1, 1]} : vector<256x256xf32> to vector<256x8xf32>
    %swap3A_200 = arith.constant 26 : index
    %swap3A_201 = arith.constant 0 : index
    %swap3A_202 = arith.constant 0 : index
    %swap3A_203 = vector.load %arg5[%swap3A_200, %swap3A_201, %swap3A_202] : memref<33x256x8xf32, #tpu.memory_space<vmem>>, vector<1x256x8xf32>
    %swap3A_204 = vector.shape_cast %swap3A_203 : vector<1x256x8xf32> to vector<256x8xf32>
    %swap3A_205 = vector.shape_cast %slice3A_199 : vector<256x8xf32> to vector<1x256x8xf32>
    tpu.vector_store %arg5[%swap3A_200, %swap3A_201, %swap3A_202], %swap3A_205 {strides = array<i32>} : memref<33x256x8xf32, #tpu.memory_space<vmem>>, vector<1x256x8xf32>,
    %slice3A_206 = vector.extract_strided_slice %mul3A_18 {offsets = [0, 216], sizes = [256, 8], strides = [1, 1]} : vector<256x256xf32> to vector<256x8xf32>
    %swap3A_207 = arith.constant 27 : index
    %swap3A_208 = arith.constant 0 : index
    %swap3A_209 = arith.constant 0 : index
    %swap3A_210 = vector.load %arg5[%swap3A_207, %swap3A_208, %swap3A_209] : memref<33x256x8xf32, #tpu.memory_space<vmem>>, vector<1x256x8xf32>
    %swap3A_211 = vector.shape_cast %swap3A_210 : vector<1x256x8xf32> to vector<256x8xf32>
    %swap3A_212 = vector.shape_cast %slice3A_206 : vector<256x8xf32> to vector<1x256x8xf32>
    tpu.vector_store %arg5[%swap3A_207, %swap3A_208, %swap3A_209], %swap3A_212 {strides = array<i32>} : memref<33x256x8xf32, #tpu.memory_space<vmem>>, vector<1x256x8xf32>,
    %slice3A_213 = vector.extract_strided_slice %mul3A_18 {offsets = [0, 224], sizes = [256, 8], strides = [1, 1]} : vector<256x256xf32> to vector<256x8xf32>
    %swap3A_214 = arith.constant 28 : index
    %swap3A_215 = arith.constant 0 : index
    %swap3A_216 = arith.constant 0 : index
    %swap3A_217 = vector.load %arg5[%swap3A_214, %swap3A_215, %swap3A_216] : memref<33x256x8xf32, #tpu.memory_space<vmem>>, vector<1x256x8xf32>
    %swap3A_218 = vector.shape_cast %swap3A_217 : vector<1x256x8xf32> to vector<256x8xf32>
    %swap3A_219 = vector.shape_cast %slice3A_213 : vector<256x8xf32> to vector<1x256x8xf32>
    tpu.vector_store %arg5[%swap3A_214, %swap3A_215, %swap3A_216], %swap3A_219 {strides = array<i32>} : memref<33x256x8xf32, #tpu.memory_space<vmem>>, vector<1x256x8xf32>,
    %slice3A_220 = vector.extract_strided_slice %mul3A_18 {offsets = [0, 232], sizes = [256, 8], strides = [1, 1]} : vector<256x256xf32> to vector<256x8xf32>
    %swap3A_221 = arith.constant 29 : index
    %swap3A_222 = arith.constant 0 : index
    %swap3A_223 = arith.constant 0 : index
    %swap3A_224 = vector.load %arg5[%swap3A_221, %swap3A_222, %swap3A_223] : memref<33x256x8xf32, #tpu.memory_space<vmem>>, vector<1x256x8xf32>
    %swap3A_225 = vector.shape_cast %swap3A_224 : vector<1x256x8xf32> to vector<256x8xf32>
    %swap3A_226 = vector.shape_cast %slice3A_220 : vector<256x8xf32> to vector<1x256x8xf32>
    tpu.vector_store %arg5[%swap3A_221, %swap3A_222, %swap3A_223], %swap3A_226 {strides = array<i32>} : memref<33x256x8xf32, #tpu.memory_space<vmem>>, vector<1x256x8xf32>,
    %slice3A_227 = vector.extract_strided_slice %mul3A_18 {offsets = [0, 240], sizes = [256, 8], strides = [1, 1]} : vector<256x256xf32> to vector<256x8xf32>
    %swap3A_228 = arith.constant 30 : index
    %swap3A_229 = arith.constant 0 : index
    %swap3A_230 = arith.constant 0 : index
    %swap3A_231 = vector.load %arg5[%swap3A_228, %swap3A_229, %swap3A_230] : memref<33x256x8xf32, #tpu.memory_space<vmem>>, vector<1x256x8xf32>
    %swap3A_232 = vector.shape_cast %swap3A_231 : vector<1x256x8xf32> to vector<256x8xf32>
    %swap3A_233 = vector.shape_cast %slice3A_227 : vector<256x8xf32> to vector<1x256x8xf32>
    tpu.vector_store %arg5[%swap3A_228, %swap3A_229, %swap3A_230], %swap3A_233 {strides = array<i32>} : memref<33x256x8xf32, #tpu.memory_space<vmem>>, vector<1x256x8xf32>,
    %slice3A_234 = vector.extract_strided_slice %mul3A_18 {offsets = [0, 248], sizes = [256, 8], strides = [1, 1]} : vector<256x256xf32> to vector<256x8xf32>
    %swap3A_235 = arith.constant 31 : index
    %swap3A_236 = arith.constant 0 : index
    %swap3A_237 = arith.constant 0 : index
    %swap3A_238 = vector.load %arg5[%swap3A_235, %swap3A_236, %swap3A_237] : memref<33x256x8xf32, #tpu.memory_space<vmem>>, vector<1x256x8xf32>
    %swap3A_239 = vector.shape_cast %swap3A_238 : vector<1x256x8xf32> to vector<256x8xf32>
    %swap3A_240 = vector.shape_cast %slice3A_234 : vector<256x8xf32> to vector<1x256x8xf32>
    tpu.vector_store %arg5[%swap3A_235, %swap3A_236, %swap3A_237], %swap3A_240 {strides = array<i32>} : memref<33x256x8xf32, #tpu.memory_space<vmem>>, vector<1x256x8xf32>,
    %swap3A_241 = arith.constant 32 : index
    %swap3A_242 = arith.constant 0 : index
    %swap3A_243 = arith.constant 0 : index
    %swap3A_244 = vector.load %arg5[%swap3A_241, %swap3A_242, %swap3A_243] : memref<33x256x8xf32, #tpu.memory_space<vmem>>, vector<1x256x8xf32>
    %swap3A_245 = vector.shape_cast %swap3A_244 : vector<1x256x8xf32> to vector<256x8xf32>
    %swap3A_246 = vector.shape_cast %exp3A : vector<256x8xf32> to vector<1x256x8xf32>
    tpu.vector_store %arg5[%swap3A_241, %swap3A_242, %swap3A_243], %swap3A_246 {strides = array<i32>} : memref<33x256x8xf32, #tpu.memory_space<vmem>>, vector<1x256x8xf32>,
    return
  }
  func.func @transform_0(%arg0: i32) -> (i32, i32) {
    %c0_i32 = arith.constant 0 : i32
    %c0_i32_0 = arith.constant 0 : i32
    return %arg0, %c0_i32 : i32, i32
  }
  func.func @transform_1(%arg0: i32) -> (i32, i32) {
    %c0_i32 = arith.constant 0 : i32
    %c0_i32_0 = arith.constant 0 : i32
    return %arg0, %c0_i32 : i32, i32
  }
  func.func @transform_2(%arg0: i32) -> (i32, i32) {
    %c0_i32 = arith.constant 0 : i32
    %c0_i32_0 = arith.constant 0 : i32
    %c0_i32_1 = arith.constant 0 : i32
    return %c0_i32, %c0_i32_0 : i32, i32
  }
  func.func @transform_3(%arg0: i32) -> (i32, i32) {
    %c0_i32 = arith.constant 0 : i32
    %c0_i32_0 = arith.constant 0 : i32
    %c0_i32_1 = arith.constant 0 : i32
    return %c0_i32, %c0_i32_0 : i32, i32
  }
  func.func @transform_4(%arg0: i32) -> (i32, i32, i32) {
    %c0_i32 = arith.constant 0 : i32
    %c0_i32_0 = arith.constant 0 : i32
    %c0_i32_1 = arith.constant 0 : i32
    return %c0_i32, %arg0, %c0_i32_0 : i32, i32, i32
  }
}

module attributes {stable_mosaic.version = 14 : i64} {
  func.func @body(%arg0: i32, %arg1: memref<132x200x8xf32, #tpu.memory_space<vmem>>, %arg2: memref<8x256xf32, #tpu.memory_space<vmem>>, %arg3: memref<1x256xf32, #tpu.memory_space<vmem>>, %arg4: memref<200x256xf32, #tpu.memory_space<vmem>>) attributes {dimension_semantics = [#tpu.dimension_semantics<arbitrary>], iteration_bounds = array<i64: 50>, scalar_prefetch = 0 : i64, scratch_operands = 0 : i64, tpu.core_type = #tpu.core_type<tc>, window_params = [{transform_indices = @transform_0, window_bounds = array<i64: 132, 200, 8>}, {pipeline_mode = #tpu.pipeline_mode<synchronous>, transform_indices = @transform_1, window_bounds = array<i64: 8, 256>}, {pipeline_mode = #tpu.pipeline_mode<synchronous>, transform_indices = @transform_2, window_bounds = array<i64: 1, 256>}, {transform_indices = @transform_3, window_bounds = array<i64: 200, 256>}]} {
    %get3A = arith.constant 0 : index
    %get3A_0 = arith.constant 0 : index
    %get3A_1 = arith.constant 0 : index
    %get3A_2 = vector.load %arg1[%get3A, %get3A_0, %get3A_1] : memref<132x200x8xf32, #tpu.memory_space<vmem>>, vector<1x200x8xf32>
    %get3A_3 = vector.shape_cast %get3A_2 : vector<1x200x8xf32> to vector<200x8xf32>
    %get3A_4 = arith.constant 33 : index
    %get3A_5 = arith.constant 0 : index
    %get3A_6 = arith.constant 0 : index
    %get3A_7 = vector.load %arg1[%get3A_4, %get3A_5, %get3A_6] : memref<132x200x8xf32, #tpu.memory_space<vmem>>, vector<1x200x8xf32>
    %get3A_8 = vector.shape_cast %get3A_7 : vector<1x200x8xf32> to vector<200x8xf32>
    %add3A = arith.addf %get3A_3, %get3A_8 : vector<200x8xf32>
    %get3A_9 = arith.constant 66 : index
    %get3A_10 = arith.constant 0 : index
    %get3A_11 = arith.constant 0 : index
    %get3A_12 = vector.load %arg1[%get3A_9, %get3A_10, %get3A_11] : memref<132x200x8xf32, #tpu.memory_space<vmem>>, vector<1x200x8xf32>
    %get3A_13 = vector.shape_cast %get3A_12 : vector<1x200x8xf32> to vector<200x8xf32>
    %add3A_14 = arith.addf %add3A, %get3A_13 : vector<200x8xf32>
    %get3A_15 = arith.constant 99 : index
    %get3A_16 = arith.constant 0 : index
    %get3A_17 = arith.constant 0 : index
    %get3A_18 = vector.load %arg1[%get3A_15, %get3A_16, %get3A_17] : memref<132x200x8xf32, #tpu.memory_space<vmem>>, vector<1x200x8xf32>
    %get3A_19 = vector.shape_cast %get3A_18 : vector<1x200x8xf32> to vector<200x8xf32>
    %add3A_20 = arith.addf %add3A_14, %get3A_19 : vector<200x8xf32>
    %get3A_21 = arith.constant 1 : index
    %get3A_22 = arith.constant 0 : index
    %get3A_23 = arith.constant 0 : index
    %get3A_24 = vector.load %arg1[%get3A_21, %get3A_22, %get3A_23] : memref<132x200x8xf32, #tpu.memory_space<vmem>>, vector<1x200x8xf32>
    %get3A_25 = vector.shape_cast %get3A_24 : vector<1x200x8xf32> to vector<200x8xf32>
    %get3A_26 = arith.constant 34 : index
    %get3A_27 = arith.constant 0 : index
    %get3A_28 = arith.constant 0 : index
    %get3A_29 = vector.load %arg1[%get3A_26, %get3A_27, %get3A_28] : memref<132x200x8xf32, #tpu.memory_space<vmem>>, vector<1x200x8xf32>
    %get3A_30 = vector.shape_cast %get3A_29 : vector<1x200x8xf32> to vector<200x8xf32>
    %add3A_31 = arith.addf %get3A_25, %get3A_30 : vector<200x8xf32>
    %get3A_32 = arith.constant 67 : index
    %get3A_33 = arith.constant 0 : index
    %get3A_34 = arith.constant 0 : index
    %get3A_35 = vector.load %arg1[%get3A_32, %get3A_33, %get3A_34] : memref<132x200x8xf32, #tpu.memory_space<vmem>>, vector<1x200x8xf32>
    %get3A_36 = vector.shape_cast %get3A_35 : vector<1x200x8xf32> to vector<200x8xf32>
    %add3A_37 = arith.addf %add3A_31, %get3A_36 : vector<200x8xf32>
    %get3A_38 = arith.constant 100 : index
    %get3A_39 = arith.constant 0 : index
    %get3A_40 = arith.constant 0 : index
    %get3A_41 = vector.load %arg1[%get3A_38, %get3A_39, %get3A_40] : memref<132x200x8xf32, #tpu.memory_space<vmem>>, vector<1x200x8xf32>
    %get3A_42 = vector.shape_cast %get3A_41 : vector<1x200x8xf32> to vector<200x8xf32>
    %add3A_43 = arith.addf %add3A_37, %get3A_42 : vector<200x8xf32>
    %get3A_44 = arith.constant 2 : index
    %get3A_45 = arith.constant 0 : index
    %get3A_46 = arith.constant 0 : index
    %get3A_47 = vector.load %arg1[%get3A_44, %get3A_45, %get3A_46] : memref<132x200x8xf32, #tpu.memory_space<vmem>>, vector<1x200x8xf32>
    %get3A_48 = vector.shape_cast %get3A_47 : vector<1x200x8xf32> to vector<200x8xf32>
    %get3A_49 = arith.constant 35 : index
    %get3A_50 = arith.constant 0 : index
    %get3A_51 = arith.constant 0 : index
    %get3A_52 = vector.load %arg1[%get3A_49, %get3A_50, %get3A_51] : memref<132x200x8xf32, #tpu.memory_space<vmem>>, vector<1x200x8xf32>
    %get3A_53 = vector.shape_cast %get3A_52 : vector<1x200x8xf32> to vector<200x8xf32>
    %add3A_54 = arith.addf %get3A_48, %get3A_53 : vector<200x8xf32>
    %get3A_55 = arith.constant 68 : index
    %get3A_56 = arith.constant 0 : index
    %get3A_57 = arith.constant 0 : index
    %get3A_58 = vector.load %arg1[%get3A_55, %get3A_56, %get3A_57] : memref<132x200x8xf32, #tpu.memory_space<vmem>>, vector<1x200x8xf32>
    %get3A_59 = vector.shape_cast %get3A_58 : vector<1x200x8xf32> to vector<200x8xf32>
    %add3A_60 = arith.addf %add3A_54, %get3A_59 : vector<200x8xf32>
    %get3A_61 = arith.constant 101 : index
    %get3A_62 = arith.constant 0 : index
    %get3A_63 = arith.constant 0 : index
    %get3A_64 = vector.load %arg1[%get3A_61, %get3A_62, %get3A_63] : memref<132x200x8xf32, #tpu.memory_space<vmem>>, vector<1x200x8xf32>
    %get3A_65 = vector.shape_cast %get3A_64 : vector<1x200x8xf32> to vector<200x8xf32>
    %add3A_66 = arith.addf %add3A_60, %get3A_65 : vector<200x8xf32>
    %get3A_67 = arith.constant 3 : index
    %get3A_68 = arith.constant 0 : index
    %get3A_69 = arith.constant 0 : index
    %get3A_70 = vector.load %arg1[%get3A_67, %get3A_68, %get3A_69] : memref<132x200x8xf32, #tpu.memory_space<vmem>>, vector<1x200x8xf32>
    %get3A_71 = vector.shape_cast %get3A_70 : vector<1x200x8xf32> to vector<200x8xf32>
    %get3A_72 = arith.constant 36 : index
    %get3A_73 = arith.constant 0 : index
    %get3A_74 = arith.constant 0 : index
    %get3A_75 = vector.load %arg1[%get3A_72, %get3A_73, %get3A_74] : memref<132x200x8xf32, #tpu.memory_space<vmem>>, vector<1x200x8xf32>
    %get3A_76 = vector.shape_cast %get3A_75 : vector<1x200x8xf32> to vector<200x8xf32>
    %add3A_77 = arith.addf %get3A_71, %get3A_76 : vector<200x8xf32>
    %get3A_78 = arith.constant 69 : index
    %get3A_79 = arith.constant 0 : index
    %get3A_80 = arith.constant 0 : index
    %get3A_81 = vector.load %arg1[%get3A_78, %get3A_79, %get3A_80] : memref<132x200x8xf32, #tpu.memory_space<vmem>>, vector<1x200x8xf32>
    %get3A_82 = vector.shape_cast %get3A_81 : vector<1x200x8xf32> to vector<200x8xf32>
    %add3A_83 = arith.addf %add3A_77, %get3A_82 : vector<200x8xf32>
    %get3A_84 = arith.constant 102 : index
    %get3A_85 = arith.constant 0 : index
    %get3A_86 = arith.constant 0 : index
    %get3A_87 = vector.load %arg1[%get3A_84, %get3A_85, %get3A_86] : memref<132x200x8xf32, #tpu.memory_space<vmem>>, vector<1x200x8xf32>
    %get3A_88 = vector.shape_cast %get3A_87 : vector<1x200x8xf32> to vector<200x8xf32>
    %add3A_89 = arith.addf %add3A_83, %get3A_88 : vector<200x8xf32>
    %get3A_90 = arith.constant 4 : index
    %get3A_91 = arith.constant 0 : index
    %get3A_92 = arith.constant 0 : index
    %get3A_93 = vector.load %arg1[%get3A_90, %get3A_91, %get3A_92] : memref<132x200x8xf32, #tpu.memory_space<vmem>>, vector<1x200x8xf32>
    %get3A_94 = vector.shape_cast %get3A_93 : vector<1x200x8xf32> to vector<200x8xf32>
    %get3A_95 = arith.constant 37 : index
    %get3A_96 = arith.constant 0 : index
    %get3A_97 = arith.constant 0 : index
    %get3A_98 = vector.load %arg1[%get3A_95, %get3A_96, %get3A_97] : memref<132x200x8xf32, #tpu.memory_space<vmem>>, vector<1x200x8xf32>
    %get3A_99 = vector.shape_cast %get3A_98 : vector<1x200x8xf32> to vector<200x8xf32>
    %add3A_100 = arith.addf %get3A_94, %get3A_99 : vector<200x8xf32>
    %get3A_101 = arith.constant 70 : index
    %get3A_102 = arith.constant 0 : index
    %get3A_103 = arith.constant 0 : index
    %get3A_104 = vector.load %arg1[%get3A_101, %get3A_102, %get3A_103] : memref<132x200x8xf32, #tpu.memory_space<vmem>>, vector<1x200x8xf32>
    %get3A_105 = vector.shape_cast %get3A_104 : vector<1x200x8xf32> to vector<200x8xf32>
    %add3A_106 = arith.addf %add3A_100, %get3A_105 : vector<200x8xf32>
    %get3A_107 = arith.constant 103 : index
    %get3A_108 = arith.constant 0 : index
    %get3A_109 = arith.constant 0 : index
    %get3A_110 = vector.load %arg1[%get3A_107, %get3A_108, %get3A_109] : memref<132x200x8xf32, #tpu.memory_space<vmem>>, vector<1x200x8xf32>
    %get3A_111 = vector.shape_cast %get3A_110 : vector<1x200x8xf32> to vector<200x8xf32>
    %add3A_112 = arith.addf %add3A_106, %get3A_111 : vector<200x8xf32>
    %get3A_113 = arith.constant 5 : index
    %get3A_114 = arith.constant 0 : index
    %get3A_115 = arith.constant 0 : index
    %get3A_116 = vector.load %arg1[%get3A_113, %get3A_114, %get3A_115] : memref<132x200x8xf32, #tpu.memory_space<vmem>>, vector<1x200x8xf32>
    %get3A_117 = vector.shape_cast %get3A_116 : vector<1x200x8xf32> to vector<200x8xf32>
    %get3A_118 = arith.constant 38 : index
    %get3A_119 = arith.constant 0 : index
    %get3A_120 = arith.constant 0 : index
    %get3A_121 = vector.load %arg1[%get3A_118, %get3A_119, %get3A_120] : memref<132x200x8xf32, #tpu.memory_space<vmem>>, vector<1x200x8xf32>
    %get3A_122 = vector.shape_cast %get3A_121 : vector<1x200x8xf32> to vector<200x8xf32>
    %add3A_123 = arith.addf %get3A_117, %get3A_122 : vector<200x8xf32>
    %get3A_124 = arith.constant 71 : index
    %get3A_125 = arith.constant 0 : index
    %get3A_126 = arith.constant 0 : index
    %get3A_127 = vector.load %arg1[%get3A_124, %get3A_125, %get3A_126] : memref<132x200x8xf32, #tpu.memory_space<vmem>>, vector<1x200x8xf32>
    %get3A_128 = vector.shape_cast %get3A_127 : vector<1x200x8xf32> to vector<200x8xf32>
    %add3A_129 = arith.addf %add3A_123, %get3A_128 : vector<200x8xf32>
    %get3A_130 = arith.constant 104 : index
    %get3A_131 = arith.constant 0 : index
    %get3A_132 = arith.constant 0 : index
    %get3A_133 = vector.load %arg1[%get3A_130, %get3A_131, %get3A_132] : memref<132x200x8xf32, #tpu.memory_space<vmem>>, vector<1x200x8xf32>
    %get3A_134 = vector.shape_cast %get3A_133 : vector<1x200x8xf32> to vector<200x8xf32>
    %add3A_135 = arith.addf %add3A_129, %get3A_134 : vector<200x8xf32>
    %get3A_136 = arith.constant 6 : index
    %get3A_137 = arith.constant 0 : index
    %get3A_138 = arith.constant 0 : index
    %get3A_139 = vector.load %arg1[%get3A_136, %get3A_137, %get3A_138] : memref<132x200x8xf32, #tpu.memory_space<vmem>>, vector<1x200x8xf32>
    %get3A_140 = vector.shape_cast %get3A_139 : vector<1x200x8xf32> to vector<200x8xf32>
    %get3A_141 = arith.constant 39 : index
    %get3A_142 = arith.constant 0 : index
    %get3A_143 = arith.constant 0 : index
    %get3A_144 = vector.load %arg1[%get3A_141, %get3A_142, %get3A_143] : memref<132x200x8xf32, #tpu.memory_space<vmem>>, vector<1x200x8xf32>
    %get3A_145 = vector.shape_cast %get3A_144 : vector<1x200x8xf32> to vector<200x8xf32>
    %add3A_146 = arith.addf %get3A_140, %get3A_145 : vector<200x8xf32>
    %get3A_147 = arith.constant 72 : index
    %get3A_148 = arith.constant 0 : index
    %get3A_149 = arith.constant 0 : index
    %get3A_150 = vector.load %arg1[%get3A_147, %get3A_148, %get3A_149] : memref<132x200x8xf32, #tpu.memory_space<vmem>>, vector<1x200x8xf32>
    %get3A_151 = vector.shape_cast %get3A_150 : vector<1x200x8xf32> to vector<200x8xf32>
    %add3A_152 = arith.addf %add3A_146, %get3A_151 : vector<200x8xf32>
    %get3A_153 = arith.constant 105 : index
    %get3A_154 = arith.constant 0 : index
    %get3A_155 = arith.constant 0 : index
    %get3A_156 = vector.load %arg1[%get3A_153, %get3A_154, %get3A_155] : memref<132x200x8xf32, #tpu.memory_space<vmem>>, vector<1x200x8xf32>
    %get3A_157 = vector.shape_cast %get3A_156 : vector<1x200x8xf32> to vector<200x8xf32>
    %add3A_158 = arith.addf %add3A_152, %get3A_157 : vector<200x8xf32>
    %get3A_159 = arith.constant 7 : index
    %get3A_160 = arith.constant 0 : index
    %get3A_161 = arith.constant 0 : index
    %get3A_162 = vector.load %arg1[%get3A_159, %get3A_160, %get3A_161] : memref<132x200x8xf32, #tpu.memory_space<vmem>>, vector<1x200x8xf32>
    %get3A_163 = vector.shape_cast %get3A_162 : vector<1x200x8xf32> to vector<200x8xf32>
    %get3A_164 = arith.constant 40 : index
    %get3A_165 = arith.constant 0 : index
    %get3A_166 = arith.constant 0 : index
    %get3A_167 = vector.load %arg1[%get3A_164, %get3A_165, %get3A_166] : memref<132x200x8xf32, #tpu.memory_space<vmem>>, vector<1x200x8xf32>
    %get3A_168 = vector.shape_cast %get3A_167 : vector<1x200x8xf32> to vector<200x8xf32>
    %add3A_169 = arith.addf %get3A_163, %get3A_168 : vector<200x8xf32>
    %get3A_170 = arith.constant 73 : index
    %get3A_171 = arith.constant 0 : index
    %get3A_172 = arith.constant 0 : index
    %get3A_173 = vector.load %arg1[%get3A_170, %get3A_171, %get3A_172] : memref<132x200x8xf32, #tpu.memory_space<vmem>>, vector<1x200x8xf32>
    %get3A_174 = vector.shape_cast %get3A_173 : vector<1x200x8xf32> to vector<200x8xf32>
    %add3A_175 = arith.addf %add3A_169, %get3A_174 : vector<200x8xf32>
    %get3A_176 = arith.constant 106 : index
    %get3A_177 = arith.constant 0 : index
    %get3A_178 = arith.constant 0 : index
    %get3A_179 = vector.load %arg1[%get3A_176, %get3A_177, %get3A_178] : memref<132x200x8xf32, #tpu.memory_space<vmem>>, vector<1x200x8xf32>
    %get3A_180 = vector.shape_cast %get3A_179 : vector<1x200x8xf32> to vector<200x8xf32>
    %add3A_181 = arith.addf %add3A_175, %get3A_180 : vector<200x8xf32>
    %get3A_182 = arith.constant 8 : index
    %get3A_183 = arith.constant 0 : index
    %get3A_184 = arith.constant 0 : index
    %get3A_185 = vector.load %arg1[%get3A_182, %get3A_183, %get3A_184] : memref<132x200x8xf32, #tpu.memory_space<vmem>>, vector<1x200x8xf32>
    %get3A_186 = vector.shape_cast %get3A_185 : vector<1x200x8xf32> to vector<200x8xf32>
    %get3A_187 = arith.constant 41 : index
    %get3A_188 = arith.constant 0 : index
    %get3A_189 = arith.constant 0 : index
    %get3A_190 = vector.load %arg1[%get3A_187, %get3A_188, %get3A_189] : memref<132x200x8xf32, #tpu.memory_space<vmem>>, vector<1x200x8xf32>
    %get3A_191 = vector.shape_cast %get3A_190 : vector<1x200x8xf32> to vector<200x8xf32>
    %add3A_192 = arith.addf %get3A_186, %get3A_191 : vector<200x8xf32>
    %get3A_193 = arith.constant 74 : index
    %get3A_194 = arith.constant 0 : index
    %get3A_195 = arith.constant 0 : index
    %get3A_196 = vector.load %arg1[%get3A_193, %get3A_194, %get3A_195] : memref<132x200x8xf32, #tpu.memory_space<vmem>>, vector<1x200x8xf32>
    %get3A_197 = vector.shape_cast %get3A_196 : vector<1x200x8xf32> to vector<200x8xf32>
    %add3A_198 = arith.addf %add3A_192, %get3A_197 : vector<200x8xf32>
    %get3A_199 = arith.constant 107 : index
    %get3A_200 = arith.constant 0 : index
    %get3A_201 = arith.constant 0 : index
    %get3A_202 = vector.load %arg1[%get3A_199, %get3A_200, %get3A_201] : memref<132x200x8xf32, #tpu.memory_space<vmem>>, vector<1x200x8xf32>
    %get3A_203 = vector.shape_cast %get3A_202 : vector<1x200x8xf32> to vector<200x8xf32>
    %add3A_204 = arith.addf %add3A_198, %get3A_203 : vector<200x8xf32>
    %get3A_205 = arith.constant 9 : index
    %get3A_206 = arith.constant 0 : index
    %get3A_207 = arith.constant 0 : index
    %get3A_208 = vector.load %arg1[%get3A_205, %get3A_206, %get3A_207] : memref<132x200x8xf32, #tpu.memory_space<vmem>>, vector<1x200x8xf32>
    %get3A_209 = vector.shape_cast %get3A_208 : vector<1x200x8xf32> to vector<200x8xf32>
    %get3A_210 = arith.constant 42 : index
    %get3A_211 = arith.constant 0 : index
    %get3A_212 = arith.constant 0 : index
    %get3A_213 = vector.load %arg1[%get3A_210, %get3A_211, %get3A_212] : memref<132x200x8xf32, #tpu.memory_space<vmem>>, vector<1x200x8xf32>
    %get3A_214 = vector.shape_cast %get3A_213 : vector<1x200x8xf32> to vector<200x8xf32>
    %add3A_215 = arith.addf %get3A_209, %get3A_214 : vector<200x8xf32>
    %get3A_216 = arith.constant 75 : index
    %get3A_217 = arith.constant 0 : index
    %get3A_218 = arith.constant 0 : index
    %get3A_219 = vector.load %arg1[%get3A_216, %get3A_217, %get3A_218] : memref<132x200x8xf32, #tpu.memory_space<vmem>>, vector<1x200x8xf32>
    %get3A_220 = vector.shape_cast %get3A_219 : vector<1x200x8xf32> to vector<200x8xf32>
    %add3A_221 = arith.addf %add3A_215, %get3A_220 : vector<200x8xf32>
    %get3A_222 = arith.constant 108 : index
    %get3A_223 = arith.constant 0 : index
    %get3A_224 = arith.constant 0 : index
    %get3A_225 = vector.load %arg1[%get3A_222, %get3A_223, %get3A_224] : memref<132x200x8xf32, #tpu.memory_space<vmem>>, vector<1x200x8xf32>
    %get3A_226 = vector.shape_cast %get3A_225 : vector<1x200x8xf32> to vector<200x8xf32>
    %add3A_227 = arith.addf %add3A_221, %get3A_226 : vector<200x8xf32>
    %get3A_228 = arith.constant 10 : index
    %get3A_229 = arith.constant 0 : index
    %get3A_230 = arith.constant 0 : index
    %get3A_231 = vector.load %arg1[%get3A_228, %get3A_229, %get3A_230] : memref<132x200x8xf32, #tpu.memory_space<vmem>>, vector<1x200x8xf32>
    %get3A_232 = vector.shape_cast %get3A_231 : vector<1x200x8xf32> to vector<200x8xf32>
    %get3A_233 = arith.constant 43 : index
    %get3A_234 = arith.constant 0 : index
    %get3A_235 = arith.constant 0 : index
    %get3A_236 = vector.load %arg1[%get3A_233, %get3A_234, %get3A_235] : memref<132x200x8xf32, #tpu.memory_space<vmem>>, vector<1x200x8xf32>
    %get3A_237 = vector.shape_cast %get3A_236 : vector<1x200x8xf32> to vector<200x8xf32>
    %add3A_238 = arith.addf %get3A_232, %get3A_237 : vector<200x8xf32>
    %get3A_239 = arith.constant 76 : index
    %get3A_240 = arith.constant 0 : index
    %get3A_241 = arith.constant 0 : index
    %get3A_242 = vector.load %arg1[%get3A_239, %get3A_240, %get3A_241] : memref<132x200x8xf32, #tpu.memory_space<vmem>>, vector<1x200x8xf32>
    %get3A_243 = vector.shape_cast %get3A_242 : vector<1x200x8xf32> to vector<200x8xf32>
    %add3A_244 = arith.addf %add3A_238, %get3A_243 : vector<200x8xf32>
    %get3A_245 = arith.constant 109 : index
    %get3A_246 = arith.constant 0 : index
    %get3A_247 = arith.constant 0 : index
    %get3A_248 = vector.load %arg1[%get3A_245, %get3A_246, %get3A_247] : memref<132x200x8xf32, #tpu.memory_space<vmem>>, vector<1x200x8xf32>
    %get3A_249 = vector.shape_cast %get3A_248 : vector<1x200x8xf32> to vector<200x8xf32>
    %add3A_250 = arith.addf %add3A_244, %get3A_249 : vector<200x8xf32>
    %get3A_251 = arith.constant 11 : index
    %get3A_252 = arith.constant 0 : index
    %get3A_253 = arith.constant 0 : index
    %get3A_254 = vector.load %arg1[%get3A_251, %get3A_252, %get3A_253] : memref<132x200x8xf32, #tpu.memory_space<vmem>>, vector<1x200x8xf32>
    %get3A_255 = vector.shape_cast %get3A_254 : vector<1x200x8xf32> to vector<200x8xf32>
    %get3A_256 = arith.constant 44 : index
    %get3A_257 = arith.constant 0 : index
    %get3A_258 = arith.constant 0 : index
    %get3A_259 = vector.load %arg1[%get3A_256, %get3A_257, %get3A_258] : memref<132x200x8xf32, #tpu.memory_space<vmem>>, vector<1x200x8xf32>
    %get3A_260 = vector.shape_cast %get3A_259 : vector<1x200x8xf32> to vector<200x8xf32>
    %add3A_261 = arith.addf %get3A_255, %get3A_260 : vector<200x8xf32>
    %get3A_262 = arith.constant 77 : index
    %get3A_263 = arith.constant 0 : index
    %get3A_264 = arith.constant 0 : index
    %get3A_265 = vector.load %arg1[%get3A_262, %get3A_263, %get3A_264] : memref<132x200x8xf32, #tpu.memory_space<vmem>>, vector<1x200x8xf32>
    %get3A_266 = vector.shape_cast %get3A_265 : vector<1x200x8xf32> to vector<200x8xf32>
    %add3A_267 = arith.addf %add3A_261, %get3A_266 : vector<200x8xf32>
    %get3A_268 = arith.constant 110 : index
    %get3A_269 = arith.constant 0 : index
    %get3A_270 = arith.constant 0 : index
    %get3A_271 = vector.load %arg1[%get3A_268, %get3A_269, %get3A_270] : memref<132x200x8xf32, #tpu.memory_space<vmem>>, vector<1x200x8xf32>
    %get3A_272 = vector.shape_cast %get3A_271 : vector<1x200x8xf32> to vector<200x8xf32>
    %add3A_273 = arith.addf %add3A_267, %get3A_272 : vector<200x8xf32>
    %get3A_274 = arith.constant 12 : index
    %get3A_275 = arith.constant 0 : index
    %get3A_276 = arith.constant 0 : index
    %get3A_277 = vector.load %arg1[%get3A_274, %get3A_275, %get3A_276] : memref<132x200x8xf32, #tpu.memory_space<vmem>>, vector<1x200x8xf32>
    %get3A_278 = vector.shape_cast %get3A_277 : vector<1x200x8xf32> to vector<200x8xf32>
    %get3A_279 = arith.constant 45 : index
    %get3A_280 = arith.constant 0 : index
    %get3A_281 = arith.constant 0 : index
    %get3A_282 = vector.load %arg1[%get3A_279, %get3A_280, %get3A_281] : memref<132x200x8xf32, #tpu.memory_space<vmem>>, vector<1x200x8xf32>
    %get3A_283 = vector.shape_cast %get3A_282 : vector<1x200x8xf32> to vector<200x8xf32>
    %add3A_284 = arith.addf %get3A_278, %get3A_283 : vector<200x8xf32>
    %get3A_285 = arith.constant 78 : index
    %get3A_286 = arith.constant 0 : index
    %get3A_287 = arith.constant 0 : index
    %get3A_288 = vector.load %arg1[%get3A_285, %get3A_286, %get3A_287] : memref<132x200x8xf32, #tpu.memory_space<vmem>>, vector<1x200x8xf32>
    %get3A_289 = vector.shape_cast %get3A_288 : vector<1x200x8xf32> to vector<200x8xf32>
    %add3A_290 = arith.addf %add3A_284, %get3A_289 : vector<200x8xf32>
    %get3A_291 = arith.constant 111 : index
    %get3A_292 = arith.constant 0 : index
    %get3A_293 = arith.constant 0 : index
    %get3A_294 = vector.load %arg1[%get3A_291, %get3A_292, %get3A_293] : memref<132x200x8xf32, #tpu.memory_space<vmem>>, vector<1x200x8xf32>
    %get3A_295 = vector.shape_cast %get3A_294 : vector<1x200x8xf32> to vector<200x8xf32>
    %add3A_296 = arith.addf %add3A_290, %get3A_295 : vector<200x8xf32>
    %get3A_297 = arith.constant 13 : index
    %get3A_298 = arith.constant 0 : index
    %get3A_299 = arith.constant 0 : index
    %get3A_300 = vector.load %arg1[%get3A_297, %get3A_298, %get3A_299] : memref<132x200x8xf32, #tpu.memory_space<vmem>>, vector<1x200x8xf32>
    %get3A_301 = vector.shape_cast %get3A_300 : vector<1x200x8xf32> to vector<200x8xf32>
    %get3A_302 = arith.constant 46 : index
    %get3A_303 = arith.constant 0 : index
    %get3A_304 = arith.constant 0 : index
    %get3A_305 = vector.load %arg1[%get3A_302, %get3A_303, %get3A_304] : memref<132x200x8xf32, #tpu.memory_space<vmem>>, vector<1x200x8xf32>
    %get3A_306 = vector.shape_cast %get3A_305 : vector<1x200x8xf32> to vector<200x8xf32>
    %add3A_307 = arith.addf %get3A_301, %get3A_306 : vector<200x8xf32>
    %get3A_308 = arith.constant 79 : index
    %get3A_309 = arith.constant 0 : index
    %get3A_310 = arith.constant 0 : index
    %get3A_311 = vector.load %arg1[%get3A_308, %get3A_309, %get3A_310] : memref<132x200x8xf32, #tpu.memory_space<vmem>>, vector<1x200x8xf32>
    %get3A_312 = vector.shape_cast %get3A_311 : vector<1x200x8xf32> to vector<200x8xf32>
    %add3A_313 = arith.addf %add3A_307, %get3A_312 : vector<200x8xf32>
    %get3A_314 = arith.constant 112 : index
    %get3A_315 = arith.constant 0 : index
    %get3A_316 = arith.constant 0 : index
    %get3A_317 = vector.load %arg1[%get3A_314, %get3A_315, %get3A_316] : memref<132x200x8xf32, #tpu.memory_space<vmem>>, vector<1x200x8xf32>
    %get3A_318 = vector.shape_cast %get3A_317 : vector<1x200x8xf32> to vector<200x8xf32>
    %add3A_319 = arith.addf %add3A_313, %get3A_318 : vector<200x8xf32>
    %get3A_320 = arith.constant 14 : index
    %get3A_321 = arith.constant 0 : index
    %get3A_322 = arith.constant 0 : index
    %get3A_323 = vector.load %arg1[%get3A_320, %get3A_321, %get3A_322] : memref<132x200x8xf32, #tpu.memory_space<vmem>>, vector<1x200x8xf32>
    %get3A_324 = vector.shape_cast %get3A_323 : vector<1x200x8xf32> to vector<200x8xf32>
    %get3A_325 = arith.constant 47 : index
    %get3A_326 = arith.constant 0 : index
    %get3A_327 = arith.constant 0 : index
    %get3A_328 = vector.load %arg1[%get3A_325, %get3A_326, %get3A_327] : memref<132x200x8xf32, #tpu.memory_space<vmem>>, vector<1x200x8xf32>
    %get3A_329 = vector.shape_cast %get3A_328 : vector<1x200x8xf32> to vector<200x8xf32>
    %add3A_330 = arith.addf %get3A_324, %get3A_329 : vector<200x8xf32>
    %get3A_331 = arith.constant 80 : index
    %get3A_332 = arith.constant 0 : index
    %get3A_333 = arith.constant 0 : index
    %get3A_334 = vector.load %arg1[%get3A_331, %get3A_332, %get3A_333] : memref<132x200x8xf32, #tpu.memory_space<vmem>>, vector<1x200x8xf32>
    %get3A_335 = vector.shape_cast %get3A_334 : vector<1x200x8xf32> to vector<200x8xf32>
    %add3A_336 = arith.addf %add3A_330, %get3A_335 : vector<200x8xf32>
    %get3A_337 = arith.constant 113 : index
    %get3A_338 = arith.constant 0 : index
    %get3A_339 = arith.constant 0 : index
    %get3A_340 = vector.load %arg1[%get3A_337, %get3A_338, %get3A_339] : memref<132x200x8xf32, #tpu.memory_space<vmem>>, vector<1x200x8xf32>
    %get3A_341 = vector.shape_cast %get3A_340 : vector<1x200x8xf32> to vector<200x8xf32>
    %add3A_342 = arith.addf %add3A_336, %get3A_341 : vector<200x8xf32>
    %get3A_343 = arith.constant 15 : index
    %get3A_344 = arith.constant 0 : index
    %get3A_345 = arith.constant 0 : index
    %get3A_346 = vector.load %arg1[%get3A_343, %get3A_344, %get3A_345] : memref<132x200x8xf32, #tpu.memory_space<vmem>>, vector<1x200x8xf32>
    %get3A_347 = vector.shape_cast %get3A_346 : vector<1x200x8xf32> to vector<200x8xf32>
    %get3A_348 = arith.constant 48 : index
    %get3A_349 = arith.constant 0 : index
    %get3A_350 = arith.constant 0 : index
    %get3A_351 = vector.load %arg1[%get3A_348, %get3A_349, %get3A_350] : memref<132x200x8xf32, #tpu.memory_space<vmem>>, vector<1x200x8xf32>
    %get3A_352 = vector.shape_cast %get3A_351 : vector<1x200x8xf32> to vector<200x8xf32>
    %add3A_353 = arith.addf %get3A_347, %get3A_352 : vector<200x8xf32>
    %get3A_354 = arith.constant 81 : index
    %get3A_355 = arith.constant 0 : index
    %get3A_356 = arith.constant 0 : index
    %get3A_357 = vector.load %arg1[%get3A_354, %get3A_355, %get3A_356] : memref<132x200x8xf32, #tpu.memory_space<vmem>>, vector<1x200x8xf32>
    %get3A_358 = vector.shape_cast %get3A_357 : vector<1x200x8xf32> to vector<200x8xf32>
    %add3A_359 = arith.addf %add3A_353, %get3A_358 : vector<200x8xf32>
    %get3A_360 = arith.constant 114 : index
    %get3A_361 = arith.constant 0 : index
    %get3A_362 = arith.constant 0 : index
    %get3A_363 = vector.load %arg1[%get3A_360, %get3A_361, %get3A_362] : memref<132x200x8xf32, #tpu.memory_space<vmem>>, vector<1x200x8xf32>
    %get3A_364 = vector.shape_cast %get3A_363 : vector<1x200x8xf32> to vector<200x8xf32>
    %add3A_365 = arith.addf %add3A_359, %get3A_364 : vector<200x8xf32>
    %get3A_366 = arith.constant 16 : index
    %get3A_367 = arith.constant 0 : index
    %get3A_368 = arith.constant 0 : index
    %get3A_369 = vector.load %arg1[%get3A_366, %get3A_367, %get3A_368] : memref<132x200x8xf32, #tpu.memory_space<vmem>>, vector<1x200x8xf32>
    %get3A_370 = vector.shape_cast %get3A_369 : vector<1x200x8xf32> to vector<200x8xf32>
    %get3A_371 = arith.constant 49 : index
    %get3A_372 = arith.constant 0 : index
    %get3A_373 = arith.constant 0 : index
    %get3A_374 = vector.load %arg1[%get3A_371, %get3A_372, %get3A_373] : memref<132x200x8xf32, #tpu.memory_space<vmem>>, vector<1x200x8xf32>
    %get3A_375 = vector.shape_cast %get3A_374 : vector<1x200x8xf32> to vector<200x8xf32>
    %add3A_376 = arith.addf %get3A_370, %get3A_375 : vector<200x8xf32>
    %get3A_377 = arith.constant 82 : index
    %get3A_378 = arith.constant 0 : index
    %get3A_379 = arith.constant 0 : index
    %get3A_380 = vector.load %arg1[%get3A_377, %get3A_378, %get3A_379] : memref<132x200x8xf32, #tpu.memory_space<vmem>>, vector<1x200x8xf32>
    %get3A_381 = vector.shape_cast %get3A_380 : vector<1x200x8xf32> to vector<200x8xf32>
    %add3A_382 = arith.addf %add3A_376, %get3A_381 : vector<200x8xf32>
    %get3A_383 = arith.constant 115 : index
    %get3A_384 = arith.constant 0 : index
    %get3A_385 = arith.constant 0 : index
    %get3A_386 = vector.load %arg1[%get3A_383, %get3A_384, %get3A_385] : memref<132x200x8xf32, #tpu.memory_space<vmem>>, vector<1x200x8xf32>
    %get3A_387 = vector.shape_cast %get3A_386 : vector<1x200x8xf32> to vector<200x8xf32>
    %add3A_388 = arith.addf %add3A_382, %get3A_387 : vector<200x8xf32>
    %get3A_389 = arith.constant 17 : index
    %get3A_390 = arith.constant 0 : index
    %get3A_391 = arith.constant 0 : index
    %get3A_392 = vector.load %arg1[%get3A_389, %get3A_390, %get3A_391] : memref<132x200x8xf32, #tpu.memory_space<vmem>>, vector<1x200x8xf32>
    %get3A_393 = vector.shape_cast %get3A_392 : vector<1x200x8xf32> to vector<200x8xf32>
    %get3A_394 = arith.constant 50 : index
    %get3A_395 = arith.constant 0 : index
    %get3A_396 = arith.constant 0 : index
    %get3A_397 = vector.load %arg1[%get3A_394, %get3A_395, %get3A_396] : memref<132x200x8xf32, #tpu.memory_space<vmem>>, vector<1x200x8xf32>
    %get3A_398 = vector.shape_cast %get3A_397 : vector<1x200x8xf32> to vector<200x8xf32>
    %add3A_399 = arith.addf %get3A_393, %get3A_398 : vector<200x8xf32>
    %get3A_400 = arith.constant 83 : index
    %get3A_401 = arith.constant 0 : index
    %get3A_402 = arith.constant 0 : index
    %get3A_403 = vector.load %arg1[%get3A_400, %get3A_401, %get3A_402] : memref<132x200x8xf32, #tpu.memory_space<vmem>>, vector<1x200x8xf32>
    %get3A_404 = vector.shape_cast %get3A_403 : vector<1x200x8xf32> to vector<200x8xf32>
    %add3A_405 = arith.addf %add3A_399, %get3A_404 : vector<200x8xf32>
    %get3A_406 = arith.constant 116 : index
    %get3A_407 = arith.constant 0 : index
    %get3A_408 = arith.constant 0 : index
    %get3A_409 = vector.load %arg1[%get3A_406, %get3A_407, %get3A_408] : memref<132x200x8xf32, #tpu.memory_space<vmem>>, vector<1x200x8xf32>
    %get3A_410 = vector.shape_cast %get3A_409 : vector<1x200x8xf32> to vector<200x8xf32>
    %add3A_411 = arith.addf %add3A_405, %get3A_410 : vector<200x8xf32>
    %get3A_412 = arith.constant 18 : index
    %get3A_413 = arith.constant 0 : index
    %get3A_414 = arith.constant 0 : index
    %get3A_415 = vector.load %arg1[%get3A_412, %get3A_413, %get3A_414] : memref<132x200x8xf32, #tpu.memory_space<vmem>>, vector<1x200x8xf32>
    %get3A_416 = vector.shape_cast %get3A_415 : vector<1x200x8xf32> to vector<200x8xf32>
    %get3A_417 = arith.constant 51 : index
    %get3A_418 = arith.constant 0 : index
    %get3A_419 = arith.constant 0 : index
    %get3A_420 = vector.load %arg1[%get3A_417, %get3A_418, %get3A_419] : memref<132x200x8xf32, #tpu.memory_space<vmem>>, vector<1x200x8xf32>
    %get3A_421 = vector.shape_cast %get3A_420 : vector<1x200x8xf32> to vector<200x8xf32>
    %add3A_422 = arith.addf %get3A_416, %get3A_421 : vector<200x8xf32>
    %get3A_423 = arith.constant 84 : index
    %get3A_424 = arith.constant 0 : index
    %get3A_425 = arith.constant 0 : index
    %get3A_426 = vector.load %arg1[%get3A_423, %get3A_424, %get3A_425] : memref<132x200x8xf32, #tpu.memory_space<vmem>>, vector<1x200x8xf32>
    %get3A_427 = vector.shape_cast %get3A_426 : vector<1x200x8xf32> to vector<200x8xf32>
    %add3A_428 = arith.addf %add3A_422, %get3A_427 : vector<200x8xf32>
    %get3A_429 = arith.constant 117 : index
    %get3A_430 = arith.constant 0 : index
    %get3A_431 = arith.constant 0 : index
    %get3A_432 = vector.load %arg1[%get3A_429, %get3A_430, %get3A_431] : memref<132x200x8xf32, #tpu.memory_space<vmem>>, vector<1x200x8xf32>
    %get3A_433 = vector.shape_cast %get3A_432 : vector<1x200x8xf32> to vector<200x8xf32>
    %add3A_434 = arith.addf %add3A_428, %get3A_433 : vector<200x8xf32>
    %get3A_435 = arith.constant 19 : index
    %get3A_436 = arith.constant 0 : index
    %get3A_437 = arith.constant 0 : index
    %get3A_438 = vector.load %arg1[%get3A_435, %get3A_436, %get3A_437] : memref<132x200x8xf32, #tpu.memory_space<vmem>>, vector<1x200x8xf32>
    %get3A_439 = vector.shape_cast %get3A_438 : vector<1x200x8xf32> to vector<200x8xf32>
    %get3A_440 = arith.constant 52 : index
    %get3A_441 = arith.constant 0 : index
    %get3A_442 = arith.constant 0 : index
    %get3A_443 = vector.load %arg1[%get3A_440, %get3A_441, %get3A_442] : memref<132x200x8xf32, #tpu.memory_space<vmem>>, vector<1x200x8xf32>
    %get3A_444 = vector.shape_cast %get3A_443 : vector<1x200x8xf32> to vector<200x8xf32>
    %add3A_445 = arith.addf %get3A_439, %get3A_444 : vector<200x8xf32>
    %get3A_446 = arith.constant 85 : index
    %get3A_447 = arith.constant 0 : index
    %get3A_448 = arith.constant 0 : index
    %get3A_449 = vector.load %arg1[%get3A_446, %get3A_447, %get3A_448] : memref<132x200x8xf32, #tpu.memory_space<vmem>>, vector<1x200x8xf32>
    %get3A_450 = vector.shape_cast %get3A_449 : vector<1x200x8xf32> to vector<200x8xf32>
    %add3A_451 = arith.addf %add3A_445, %get3A_450 : vector<200x8xf32>
    %get3A_452 = arith.constant 118 : index
    %get3A_453 = arith.constant 0 : index
    %get3A_454 = arith.constant 0 : index
    %get3A_455 = vector.load %arg1[%get3A_452, %get3A_453, %get3A_454] : memref<132x200x8xf32, #tpu.memory_space<vmem>>, vector<1x200x8xf32>
    %get3A_456 = vector.shape_cast %get3A_455 : vector<1x200x8xf32> to vector<200x8xf32>
    %add3A_457 = arith.addf %add3A_451, %get3A_456 : vector<200x8xf32>
    %get3A_458 = arith.constant 20 : index
    %get3A_459 = arith.constant 0 : index
    %get3A_460 = arith.constant 0 : index
    %get3A_461 = vector.load %arg1[%get3A_458, %get3A_459, %get3A_460] : memref<132x200x8xf32, #tpu.memory_space<vmem>>, vector<1x200x8xf32>
    %get3A_462 = vector.shape_cast %get3A_461 : vector<1x200x8xf32> to vector<200x8xf32>
    %get3A_463 = arith.constant 53 : index
    %get3A_464 = arith.constant 0 : index
    %get3A_465 = arith.constant 0 : index
    %get3A_466 = vector.load %arg1[%get3A_463, %get3A_464, %get3A_465] : memref<132x200x8xf32, #tpu.memory_space<vmem>>, vector<1x200x8xf32>
    %get3A_467 = vector.shape_cast %get3A_466 : vector<1x200x8xf32> to vector<200x8xf32>
    %add3A_468 = arith.addf %get3A_462, %get3A_467 : vector<200x8xf32>
    %get3A_469 = arith.constant 86 : index
    %get3A_470 = arith.constant 0 : index
    %get3A_471 = arith.constant 0 : index
    %get3A_472 = vector.load %arg1[%get3A_469, %get3A_470, %get3A_471] : memref<132x200x8xf32, #tpu.memory_space<vmem>>, vector<1x200x8xf32>
    %get3A_473 = vector.shape_cast %get3A_472 : vector<1x200x8xf32> to vector<200x8xf32>
    %add3A_474 = arith.addf %add3A_468, %get3A_473 : vector<200x8xf32>
    %get3A_475 = arith.constant 119 : index
    %get3A_476 = arith.constant 0 : index
    %get3A_477 = arith.constant 0 : index
    %get3A_478 = vector.load %arg1[%get3A_475, %get3A_476, %get3A_477] : memref<132x200x8xf32, #tpu.memory_space<vmem>>, vector<1x200x8xf32>
    %get3A_479 = vector.shape_cast %get3A_478 : vector<1x200x8xf32> to vector<200x8xf32>
    %add3A_480 = arith.addf %add3A_474, %get3A_479 : vector<200x8xf32>
    %get3A_481 = arith.constant 21 : index
    %get3A_482 = arith.constant 0 : index
    %get3A_483 = arith.constant 0 : index
    %get3A_484 = vector.load %arg1[%get3A_481, %get3A_482, %get3A_483] : memref<132x200x8xf32, #tpu.memory_space<vmem>>, vector<1x200x8xf32>
    %get3A_485 = vector.shape_cast %get3A_484 : vector<1x200x8xf32> to vector<200x8xf32>
    %get3A_486 = arith.constant 54 : index
    %get3A_487 = arith.constant 0 : index
    %get3A_488 = arith.constant 0 : index
    %get3A_489 = vector.load %arg1[%get3A_486, %get3A_487, %get3A_488] : memref<132x200x8xf32, #tpu.memory_space<vmem>>, vector<1x200x8xf32>
    %get3A_490 = vector.shape_cast %get3A_489 : vector<1x200x8xf32> to vector<200x8xf32>
    %add3A_491 = arith.addf %get3A_485, %get3A_490 : vector<200x8xf32>
    %get3A_492 = arith.constant 87 : index
    %get3A_493 = arith.constant 0 : index
    %get3A_494 = arith.constant 0 : index
    %get3A_495 = vector.load %arg1[%get3A_492, %get3A_493, %get3A_494] : memref<132x200x8xf32, #tpu.memory_space<vmem>>, vector<1x200x8xf32>
    %get3A_496 = vector.shape_cast %get3A_495 : vector<1x200x8xf32> to vector<200x8xf32>
    %add3A_497 = arith.addf %add3A_491, %get3A_496 : vector<200x8xf32>
    %get3A_498 = arith.constant 120 : index
    %get3A_499 = arith.constant 0 : index
    %get3A_500 = arith.constant 0 : index
    %get3A_501 = vector.load %arg1[%get3A_498, %get3A_499, %get3A_500] : memref<132x200x8xf32, #tpu.memory_space<vmem>>, vector<1x200x8xf32>
    %get3A_502 = vector.shape_cast %get3A_501 : vector<1x200x8xf32> to vector<200x8xf32>
    %add3A_503 = arith.addf %add3A_497, %get3A_502 : vector<200x8xf32>
    %get3A_504 = arith.constant 22 : index
    %get3A_505 = arith.constant 0 : index
    %get3A_506 = arith.constant 0 : index
    %get3A_507 = vector.load %arg1[%get3A_504, %get3A_505, %get3A_506] : memref<132x200x8xf32, #tpu.memory_space<vmem>>, vector<1x200x8xf32>
    %get3A_508 = vector.shape_cast %get3A_507 : vector<1x200x8xf32> to vector<200x8xf32>
    %get3A_509 = arith.constant 55 : index
    %get3A_510 = arith.constant 0 : index
    %get3A_511 = arith.constant 0 : index
    %get3A_512 = vector.load %arg1[%get3A_509, %get3A_510, %get3A_511] : memref<132x200x8xf32, #tpu.memory_space<vmem>>, vector<1x200x8xf32>
    %get3A_513 = vector.shape_cast %get3A_512 : vector<1x200x8xf32> to vector<200x8xf32>
    %add3A_514 = arith.addf %get3A_508, %get3A_513 : vector<200x8xf32>
    %get3A_515 = arith.constant 88 : index
    %get3A_516 = arith.constant 0 : index
    %get3A_517 = arith.constant 0 : index
    %get3A_518 = vector.load %arg1[%get3A_515, %get3A_516, %get3A_517] : memref<132x200x8xf32, #tpu.memory_space<vmem>>, vector<1x200x8xf32>
    %get3A_519 = vector.shape_cast %get3A_518 : vector<1x200x8xf32> to vector<200x8xf32>
    %add3A_520 = arith.addf %add3A_514, %get3A_519 : vector<200x8xf32>
    %get3A_521 = arith.constant 121 : index
    %get3A_522 = arith.constant 0 : index
    %get3A_523 = arith.constant 0 : index
    %get3A_524 = vector.load %arg1[%get3A_521, %get3A_522, %get3A_523] : memref<132x200x8xf32, #tpu.memory_space<vmem>>, vector<1x200x8xf32>
    %get3A_525 = vector.shape_cast %get3A_524 : vector<1x200x8xf32> to vector<200x8xf32>
    %add3A_526 = arith.addf %add3A_520, %get3A_525 : vector<200x8xf32>
    %get3A_527 = arith.constant 23 : index
    %get3A_528 = arith.constant 0 : index
    %get3A_529 = arith.constant 0 : index
    %get3A_530 = vector.load %arg1[%get3A_527, %get3A_528, %get3A_529] : memref<132x200x8xf32, #tpu.memory_space<vmem>>, vector<1x200x8xf32>
    %get3A_531 = vector.shape_cast %get3A_530 : vector<1x200x8xf32> to vector<200x8xf32>
    %get3A_532 = arith.constant 56 : index
    %get3A_533 = arith.constant 0 : index
    %get3A_534 = arith.constant 0 : index
    %get3A_535 = vector.load %arg1[%get3A_532, %get3A_533, %get3A_534] : memref<132x200x8xf32, #tpu.memory_space<vmem>>, vector<1x200x8xf32>
    %get3A_536 = vector.shape_cast %get3A_535 : vector<1x200x8xf32> to vector<200x8xf32>
    %add3A_537 = arith.addf %get3A_531, %get3A_536 : vector<200x8xf32>
    %get3A_538 = arith.constant 89 : index
    %get3A_539 = arith.constant 0 : index
    %get3A_540 = arith.constant 0 : index
    %get3A_541 = vector.load %arg1[%get3A_538, %get3A_539, %get3A_540] : memref<132x200x8xf32, #tpu.memory_space<vmem>>, vector<1x200x8xf32>
    %get3A_542 = vector.shape_cast %get3A_541 : vector<1x200x8xf32> to vector<200x8xf32>
    %add3A_543 = arith.addf %add3A_537, %get3A_542 : vector<200x8xf32>
    %get3A_544 = arith.constant 122 : index
    %get3A_545 = arith.constant 0 : index
    %get3A_546 = arith.constant 0 : index
    %get3A_547 = vector.load %arg1[%get3A_544, %get3A_545, %get3A_546] : memref<132x200x8xf32, #tpu.memory_space<vmem>>, vector<1x200x8xf32>
    %get3A_548 = vector.shape_cast %get3A_547 : vector<1x200x8xf32> to vector<200x8xf32>
    %add3A_549 = arith.addf %add3A_543, %get3A_548 : vector<200x8xf32>
    %get3A_550 = arith.constant 24 : index
    %get3A_551 = arith.constant 0 : index
    %get3A_552 = arith.constant 0 : index
    %get3A_553 = vector.load %arg1[%get3A_550, %get3A_551, %get3A_552] : memref<132x200x8xf32, #tpu.memory_space<vmem>>, vector<1x200x8xf32>
    %get3A_554 = vector.shape_cast %get3A_553 : vector<1x200x8xf32> to vector<200x8xf32>
    %get3A_555 = arith.constant 57 : index
    %get3A_556 = arith.constant 0 : index
    %get3A_557 = arith.constant 0 : index
    %get3A_558 = vector.load %arg1[%get3A_555, %get3A_556, %get3A_557] : memref<132x200x8xf32, #tpu.memory_space<vmem>>, vector<1x200x8xf32>
    %get3A_559 = vector.shape_cast %get3A_558 : vector<1x200x8xf32> to vector<200x8xf32>
    %add3A_560 = arith.addf %get3A_554, %get3A_559 : vector<200x8xf32>
    %get3A_561 = arith.constant 90 : index
    %get3A_562 = arith.constant 0 : index
    %get3A_563 = arith.constant 0 : index
    %get3A_564 = vector.load %arg1[%get3A_561, %get3A_562, %get3A_563] : memref<132x200x8xf32, #tpu.memory_space<vmem>>, vector<1x200x8xf32>
    %get3A_565 = vector.shape_cast %get3A_564 : vector<1x200x8xf32> to vector<200x8xf32>
    %add3A_566 = arith.addf %add3A_560, %get3A_565 : vector<200x8xf32>
    %get3A_567 = arith.constant 123 : index
    %get3A_568 = arith.constant 0 : index
    %get3A_569 = arith.constant 0 : index
    %get3A_570 = vector.load %arg1[%get3A_567, %get3A_568, %get3A_569] : memref<132x200x8xf32, #tpu.memory_space<vmem>>, vector<1x200x8xf32>
    %get3A_571 = vector.shape_cast %get3A_570 : vector<1x200x8xf32> to vector<200x8xf32>
    %add3A_572 = arith.addf %add3A_566, %get3A_571 : vector<200x8xf32>
    %get3A_573 = arith.constant 25 : index
    %get3A_574 = arith.constant 0 : index
    %get3A_575 = arith.constant 0 : index
    %get3A_576 = vector.load %arg1[%get3A_573, %get3A_574, %get3A_575] : memref<132x200x8xf32, #tpu.memory_space<vmem>>, vector<1x200x8xf32>
    %get3A_577 = vector.shape_cast %get3A_576 : vector<1x200x8xf32> to vector<200x8xf32>
    %get3A_578 = arith.constant 58 : index
    %get3A_579 = arith.constant 0 : index
    %get3A_580 = arith.constant 0 : index
    %get3A_581 = vector.load %arg1[%get3A_578, %get3A_579, %get3A_580] : memref<132x200x8xf32, #tpu.memory_space<vmem>>, vector<1x200x8xf32>
    %get3A_582 = vector.shape_cast %get3A_581 : vector<1x200x8xf32> to vector<200x8xf32>
    %add3A_583 = arith.addf %get3A_577, %get3A_582 : vector<200x8xf32>
    %get3A_584 = arith.constant 91 : index
    %get3A_585 = arith.constant 0 : index
    %get3A_586 = arith.constant 0 : index
    %get3A_587 = vector.load %arg1[%get3A_584, %get3A_585, %get3A_586] : memref<132x200x8xf32, #tpu.memory_space<vmem>>, vector<1x200x8xf32>
    %get3A_588 = vector.shape_cast %get3A_587 : vector<1x200x8xf32> to vector<200x8xf32>
    %add3A_589 = arith.addf %add3A_583, %get3A_588 : vector<200x8xf32>
    %get3A_590 = arith.constant 124 : index
    %get3A_591 = arith.constant 0 : index
    %get3A_592 = arith.constant 0 : index
    %get3A_593 = vector.load %arg1[%get3A_590, %get3A_591, %get3A_592] : memref<132x200x8xf32, #tpu.memory_space<vmem>>, vector<1x200x8xf32>
    %get3A_594 = vector.shape_cast %get3A_593 : vector<1x200x8xf32> to vector<200x8xf32>
    %add3A_595 = arith.addf %add3A_589, %get3A_594 : vector<200x8xf32>
    %get3A_596 = arith.constant 26 : index
    %get3A_597 = arith.constant 0 : index
    %get3A_598 = arith.constant 0 : index
    %get3A_599 = vector.load %arg1[%get3A_596, %get3A_597, %get3A_598] : memref<132x200x8xf32, #tpu.memory_space<vmem>>, vector<1x200x8xf32>
    %get3A_600 = vector.shape_cast %get3A_599 : vector<1x200x8xf32> to vector<200x8xf32>
    %get3A_601 = arith.constant 59 : index
    %get3A_602 = arith.constant 0 : index
    %get3A_603 = arith.constant 0 : index
    %get3A_604 = vector.load %arg1[%get3A_601, %get3A_602, %get3A_603] : memref<132x200x8xf32, #tpu.memory_space<vmem>>, vector<1x200x8xf32>
    %get3A_605 = vector.shape_cast %get3A_604 : vector<1x200x8xf32> to vector<200x8xf32>
    %add3A_606 = arith.addf %get3A_600, %get3A_605 : vector<200x8xf32>
    %get3A_607 = arith.constant 92 : index
    %get3A_608 = arith.constant 0 : index
    %get3A_609 = arith.constant 0 : index
    %get3A_610 = vector.load %arg1[%get3A_607, %get3A_608, %get3A_609] : memref<132x200x8xf32, #tpu.memory_space<vmem>>, vector<1x200x8xf32>
    %get3A_611 = vector.shape_cast %get3A_610 : vector<1x200x8xf32> to vector<200x8xf32>
    %add3A_612 = arith.addf %add3A_606, %get3A_611 : vector<200x8xf32>
    %get3A_613 = arith.constant 125 : index
    %get3A_614 = arith.constant 0 : index
    %get3A_615 = arith.constant 0 : index
    %get3A_616 = vector.load %arg1[%get3A_613, %get3A_614, %get3A_615] : memref<132x200x8xf32, #tpu.memory_space<vmem>>, vector<1x200x8xf32>
    %get3A_617 = vector.shape_cast %get3A_616 : vector<1x200x8xf32> to vector<200x8xf32>
    %add3A_618 = arith.addf %add3A_612, %get3A_617 : vector<200x8xf32>
    %get3A_619 = arith.constant 27 : index
    %get3A_620 = arith.constant 0 : index
    %get3A_621 = arith.constant 0 : index
    %get3A_622 = vector.load %arg1[%get3A_619, %get3A_620, %get3A_621] : memref<132x200x8xf32, #tpu.memory_space<vmem>>, vector<1x200x8xf32>
    %get3A_623 = vector.shape_cast %get3A_622 : vector<1x200x8xf32> to vector<200x8xf32>
    %get3A_624 = arith.constant 60 : index
    %get3A_625 = arith.constant 0 : index
    %get3A_626 = arith.constant 0 : index
    %get3A_627 = vector.load %arg1[%get3A_624, %get3A_625, %get3A_626] : memref<132x200x8xf32, #tpu.memory_space<vmem>>, vector<1x200x8xf32>
    %get3A_628 = vector.shape_cast %get3A_627 : vector<1x200x8xf32> to vector<200x8xf32>
    %add3A_629 = arith.addf %get3A_623, %get3A_628 : vector<200x8xf32>
    %get3A_630 = arith.constant 93 : index
    %get3A_631 = arith.constant 0 : index
    %get3A_632 = arith.constant 0 : index
    %get3A_633 = vector.load %arg1[%get3A_630, %get3A_631, %get3A_632] : memref<132x200x8xf32, #tpu.memory_space<vmem>>, vector<1x200x8xf32>
    %get3A_634 = vector.shape_cast %get3A_633 : vector<1x200x8xf32> to vector<200x8xf32>
    %add3A_635 = arith.addf %add3A_629, %get3A_634 : vector<200x8xf32>
    %get3A_636 = arith.constant 126 : index
    %get3A_637 = arith.constant 0 : index
    %get3A_638 = arith.constant 0 : index
    %get3A_639 = vector.load %arg1[%get3A_636, %get3A_637, %get3A_638] : memref<132x200x8xf32, #tpu.memory_space<vmem>>, vector<1x200x8xf32>
    %get3A_640 = vector.shape_cast %get3A_639 : vector<1x200x8xf32> to vector<200x8xf32>
    %add3A_641 = arith.addf %add3A_635, %get3A_640 : vector<200x8xf32>
    %get3A_642 = arith.constant 28 : index
    %get3A_643 = arith.constant 0 : index
    %get3A_644 = arith.constant 0 : index
    %get3A_645 = vector.load %arg1[%get3A_642, %get3A_643, %get3A_644] : memref<132x200x8xf32, #tpu.memory_space<vmem>>, vector<1x200x8xf32>
    %get3A_646 = vector.shape_cast %get3A_645 : vector<1x200x8xf32> to vector<200x8xf32>
    %get3A_647 = arith.constant 61 : index
    %get3A_648 = arith.constant 0 : index
    %get3A_649 = arith.constant 0 : index
    %get3A_650 = vector.load %arg1[%get3A_647, %get3A_648, %get3A_649] : memref<132x200x8xf32, #tpu.memory_space<vmem>>, vector<1x200x8xf32>
    %get3A_651 = vector.shape_cast %get3A_650 : vector<1x200x8xf32> to vector<200x8xf32>
    %add3A_652 = arith.addf %get3A_646, %get3A_651 : vector<200x8xf32>
    %get3A_653 = arith.constant 94 : index
    %get3A_654 = arith.constant 0 : index
    %get3A_655 = arith.constant 0 : index
    %get3A_656 = vector.load %arg1[%get3A_653, %get3A_654, %get3A_655] : memref<132x200x8xf32, #tpu.memory_space<vmem>>, vector<1x200x8xf32>
    %get3A_657 = vector.shape_cast %get3A_656 : vector<1x200x8xf32> to vector<200x8xf32>
    %add3A_658 = arith.addf %add3A_652, %get3A_657 : vector<200x8xf32>
    %get3A_659 = arith.constant 127 : index
    %get3A_660 = arith.constant 0 : index
    %get3A_661 = arith.constant 0 : index
    %get3A_662 = vector.load %arg1[%get3A_659, %get3A_660, %get3A_661] : memref<132x200x8xf32, #tpu.memory_space<vmem>>, vector<1x200x8xf32>
    %get3A_663 = vector.shape_cast %get3A_662 : vector<1x200x8xf32> to vector<200x8xf32>
    %add3A_664 = arith.addf %add3A_658, %get3A_663 : vector<200x8xf32>
    %get3A_665 = arith.constant 29 : index
    %get3A_666 = arith.constant 0 : index
    %get3A_667 = arith.constant 0 : index
    %get3A_668 = vector.load %arg1[%get3A_665, %get3A_666, %get3A_667] : memref<132x200x8xf32, #tpu.memory_space<vmem>>, vector<1x200x8xf32>
    %get3A_669 = vector.shape_cast %get3A_668 : vector<1x200x8xf32> to vector<200x8xf32>
    %get3A_670 = arith.constant 62 : index
    %get3A_671 = arith.constant 0 : index
    %get3A_672 = arith.constant 0 : index
    %get3A_673 = vector.load %arg1[%get3A_670, %get3A_671, %get3A_672] : memref<132x200x8xf32, #tpu.memory_space<vmem>>, vector<1x200x8xf32>
    %get3A_674 = vector.shape_cast %get3A_673 : vector<1x200x8xf32> to vector<200x8xf32>
    %add3A_675 = arith.addf %get3A_669, %get3A_674 : vector<200x8xf32>
    %get3A_676 = arith.constant 95 : index
    %get3A_677 = arith.constant 0 : index
    %get3A_678 = arith.constant 0 : index
    %get3A_679 = vector.load %arg1[%get3A_676, %get3A_677, %get3A_678] : memref<132x200x8xf32, #tpu.memory_space<vmem>>, vector<1x200x8xf32>
    %get3A_680 = vector.shape_cast %get3A_679 : vector<1x200x8xf32> to vector<200x8xf32>
    %add3A_681 = arith.addf %add3A_675, %get3A_680 : vector<200x8xf32>
    %get3A_682 = arith.constant 128 : index
    %get3A_683 = arith.constant 0 : index
    %get3A_684 = arith.constant 0 : index
    %get3A_685 = vector.load %arg1[%get3A_682, %get3A_683, %get3A_684] : memref<132x200x8xf32, #tpu.memory_space<vmem>>, vector<1x200x8xf32>
    %get3A_686 = vector.shape_cast %get3A_685 : vector<1x200x8xf32> to vector<200x8xf32>
    %add3A_687 = arith.addf %add3A_681, %get3A_686 : vector<200x8xf32>
    %get3A_688 = arith.constant 30 : index
    %get3A_689 = arith.constant 0 : index
    %get3A_690 = arith.constant 0 : index
    %get3A_691 = vector.load %arg1[%get3A_688, %get3A_689, %get3A_690] : memref<132x200x8xf32, #tpu.memory_space<vmem>>, vector<1x200x8xf32>
    %get3A_692 = vector.shape_cast %get3A_691 : vector<1x200x8xf32> to vector<200x8xf32>
    %get3A_693 = arith.constant 63 : index
    %get3A_694 = arith.constant 0 : index
    %get3A_695 = arith.constant 0 : index
    %get3A_696 = vector.load %arg1[%get3A_693, %get3A_694, %get3A_695] : memref<132x200x8xf32, #tpu.memory_space<vmem>>, vector<1x200x8xf32>
    %get3A_697 = vector.shape_cast %get3A_696 : vector<1x200x8xf32> to vector<200x8xf32>
    %add3A_698 = arith.addf %get3A_692, %get3A_697 : vector<200x8xf32>
    %get3A_699 = arith.constant 96 : index
    %get3A_700 = arith.constant 0 : index
    %get3A_701 = arith.constant 0 : index
    %get3A_702 = vector.load %arg1[%get3A_699, %get3A_700, %get3A_701] : memref<132x200x8xf32, #tpu.memory_space<vmem>>, vector<1x200x8xf32>
    %get3A_703 = vector.shape_cast %get3A_702 : vector<1x200x8xf32> to vector<200x8xf32>
    %add3A_704 = arith.addf %add3A_698, %get3A_703 : vector<200x8xf32>
    %get3A_705 = arith.constant 129 : index
    %get3A_706 = arith.constant 0 : index
    %get3A_707 = arith.constant 0 : index
    %get3A_708 = vector.load %arg1[%get3A_705, %get3A_706, %get3A_707] : memref<132x200x8xf32, #tpu.memory_space<vmem>>, vector<1x200x8xf32>
    %get3A_709 = vector.shape_cast %get3A_708 : vector<1x200x8xf32> to vector<200x8xf32>
    %add3A_710 = arith.addf %add3A_704, %get3A_709 : vector<200x8xf32>
    %get3A_711 = arith.constant 31 : index
    %get3A_712 = arith.constant 0 : index
    %get3A_713 = arith.constant 0 : index
    %get3A_714 = vector.load %arg1[%get3A_711, %get3A_712, %get3A_713] : memref<132x200x8xf32, #tpu.memory_space<vmem>>, vector<1x200x8xf32>
    %get3A_715 = vector.shape_cast %get3A_714 : vector<1x200x8xf32> to vector<200x8xf32>
    %get3A_716 = arith.constant 64 : index
    %get3A_717 = arith.constant 0 : index
    %get3A_718 = arith.constant 0 : index
    %get3A_719 = vector.load %arg1[%get3A_716, %get3A_717, %get3A_718] : memref<132x200x8xf32, #tpu.memory_space<vmem>>, vector<1x200x8xf32>
    %get3A_720 = vector.shape_cast %get3A_719 : vector<1x200x8xf32> to vector<200x8xf32>
    %add3A_721 = arith.addf %get3A_715, %get3A_720 : vector<200x8xf32>
    %get3A_722 = arith.constant 97 : index
    %get3A_723 = arith.constant 0 : index
    %get3A_724 = arith.constant 0 : index
    %get3A_725 = vector.load %arg1[%get3A_722, %get3A_723, %get3A_724] : memref<132x200x8xf32, #tpu.memory_space<vmem>>, vector<1x200x8xf32>
    %get3A_726 = vector.shape_cast %get3A_725 : vector<1x200x8xf32> to vector<200x8xf32>
    %add3A_727 = arith.addf %add3A_721, %get3A_726 : vector<200x8xf32>
    %get3A_728 = arith.constant 130 : index
    %get3A_729 = arith.constant 0 : index
    %get3A_730 = arith.constant 0 : index
    %get3A_731 = vector.load %arg1[%get3A_728, %get3A_729, %get3A_730] : memref<132x200x8xf32, #tpu.memory_space<vmem>>, vector<1x200x8xf32>
    %get3A_732 = vector.shape_cast %get3A_731 : vector<1x200x8xf32> to vector<200x8xf32>
    %add3A_733 = arith.addf %add3A_727, %get3A_732 : vector<200x8xf32>
    %concatenate3A = tpu.concatenate %add3A_20, %add3A_43, %add3A_66, %add3A_89, %add3A_112, %add3A_135, %add3A_158, %add3A_181, %add3A_204, %add3A_227, %add3A_250, %add3A_273, %add3A_296, %add3A_319, %add3A_342, %add3A_365, %add3A_388, %add3A_411, %add3A_434, %add3A_457, %add3A_480, %add3A_503, %add3A_526, %add3A_549, %add3A_572, %add3A_595, %add3A_618, %add3A_641, %add3A_664, %add3A_687, %add3A_710, %add3A_733 in 1 : vector<200x8xf32>, vector<200x8xf32>, vector<200x8xf32>, vector<200x8xf32>, vector<200x8xf32>, vector<200x8xf32>, vector<200x8xf32>, vector<200x8xf32>, vector<200x8xf32>, vector<200x8xf32>, vector<200x8xf32>, vector<200x8xf32>, vector<200x8xf32>, vector<200x8xf32>, vector<200x8xf32>, vector<200x8xf32>, vector<200x8xf32>, vector<200x8xf32>, vector<200x8xf32>, vector<200x8xf32>, vector<200x8xf32>, vector<200x8xf32>, vector<200x8xf32>, vector<200x8xf32>, vector<200x8xf32>, vector<200x8xf32>, vector<200x8xf32>, vector<200x8xf32>, vector<200x8xf32>, vector<200x8xf32>, vector<200x8xf32>, vector<200x8xf32> -> vector<200x256xf32>
    %get3A_734 = arith.constant 32 : index
    %get3A_735 = arith.constant 0 : index
    %get3A_736 = arith.constant 0 : index
    %get3A_737 = vector.load %arg1[%get3A_734, %get3A_735, %get3A_736] : memref<132x200x8xf32, #tpu.memory_space<vmem>>, vector<1x200x8xf32>
    %get3A_738 = vector.shape_cast %get3A_737 : vector<1x200x8xf32> to vector<200x8xf32>
    %get3A_739 = arith.constant 65 : index
    %get3A_740 = arith.constant 0 : index
    %get3A_741 = arith.constant 0 : index
    %get3A_742 = vector.load %arg1[%get3A_739, %get3A_740, %get3A_741] : memref<132x200x8xf32, #tpu.memory_space<vmem>>, vector<1x200x8xf32>
    %get3A_743 = vector.shape_cast %get3A_742 : vector<1x200x8xf32> to vector<200x8xf32>
    %add3A_744 = arith.addf %get3A_738, %get3A_743 : vector<200x8xf32>
    %get3A_745 = arith.constant 98 : index
    %get3A_746 = arith.constant 0 : index
    %get3A_747 = arith.constant 0 : index
    %get3A_748 = vector.load %arg1[%get3A_745, %get3A_746, %get3A_747] : memref<132x200x8xf32, #tpu.memory_space<vmem>>, vector<1x200x8xf32>
    %get3A_749 = vector.shape_cast %get3A_748 : vector<1x200x8xf32> to vector<200x8xf32>
    %add3A_750 = arith.addf %add3A_744, %get3A_749 : vector<200x8xf32>
    %get3A_751 = arith.constant 131 : index
    %get3A_752 = arith.constant 0 : index
    %get3A_753 = arith.constant 0 : index
    %get3A_754 = vector.load %arg1[%get3A_751, %get3A_752, %get3A_753] : memref<132x200x8xf32, #tpu.memory_space<vmem>>, vector<1x200x8xf32>
    %get3A_755 = vector.shape_cast %get3A_754 : vector<1x200x8xf32> to vector<200x8xf32>
    %add3A_756 = arith.addf %add3A_750, %get3A_755 : vector<200x8xf32>
    %get3A_757 = arith.constant 0 : index
    %get3A_758 = arith.constant 0 : index
    %get3A_759 = vector.load %arg2[%get3A_757, %get3A_758] : memref<8x256xf32, #tpu.memory_space<vmem>>, vector<8x256xf32>
    %dot_general3A = arith.constant dense<0.000000e+00> : vector<200x256xf32>
    %dot_general3A_760 = tpu.matmul %add3A_756, %get3A_759, %dot_general3A {dimension_numbers = #tpu.dot_dimension_numbers<[1], [0], [0], [1], [0, 0, 1, 1], [], []>, precision = #tpu.contract_precision<fp32>, transpose_lhs_hint = false} : vector<200x8xf32>, vector<8x256xf32>, vector<200x256xf32> -> vector<200x256xf32>
    %add3A_761 = arith.constant 1.000000e-16 : f32
    %add3A_762 = vector.broadcast %add3A_761 : f32 to vector<200x256xf32>
    %add3A_763 = arith.addf %dot_general3A_760, %add3A_762 : vector<200x256xf32>
    %div3A = arith.divf %concatenate3A, %add3A_763 : vector<200x256xf32>
    %get3A_764 = arith.constant 0 : index
    %get3A_765 = arith.constant 0 : index
    %get3A_766 = vector.load %arg3[%get3A_764, %get3A_765] : memref<1x256xf32, #tpu.memory_space<vmem>>, vector<1x256xf32>
    %add3A_767 = vector.broadcast %get3A_766 : vector<1x256xf32> to vector<200x256xf32>
    %add3A_768 = arith.addf %div3A, %add3A_767 : vector<200x256xf32>
    %gt3A = arith.constant 0.000000e+00 : f32
    %gt3A_769 = vector.broadcast %gt3A : f32 to vector<200x256xf32>
    %gt3A_770 = arith.cmpf ogt, %add3A_768, %gt3A_769 : vector<200x256xf32>
    %exp3A = math.exp %add3A_768 : vector<200x256xf32>
    %sub3A = arith.constant 1.000000e+00 : f32
    %sub3A_771 = vector.broadcast %sub3A : f32 to vector<200x256xf32>
    %sub3A_772 = arith.subf %exp3A, %sub3A_771 : vector<200x256xf32>
    %select_n3A = arith.select %gt3A_770, %add3A_768, %sub3A_772 : vector<200x256xi1>, vector<200x256xf32>
    %swap3A = arith.constant 0 : index
    %swap3A_773 = arith.constant 0 : index
    %swap3A_774 = vector.load %arg4[%swap3A, %swap3A_773] : memref<200x256xf32, #tpu.memory_space<vmem>>, vector<200x256xf32>
    tpu.vector_store %arg4[%swap3A, %swap3A_773], %select_n3A {strides = array<i32>} : memref<200x256xf32, #tpu.memory_space<vmem>>, vector<200x256xf32>,
    return
  }
  func.func @transform_0(%arg0: i32) -> (i32, i32, i32) {
    %c0_i32 = arith.constant 0 : i32
    %c0_i32_0 = arith.constant 0 : i32
    %c0_i32_1 = arith.constant 0 : i32
    return %c0_i32, %arg0, %c0_i32_0 : i32, i32, i32
  }
  func.func @transform_1(%arg0: i32) -> (i32, i32) {
    %c0_i32 = arith.constant 0 : i32
    %c0_i32_0 = arith.constant 0 : i32
    %c0_i32_1 = arith.constant 0 : i32
    return %c0_i32, %c0_i32_0 : i32, i32
  }
  func.func @transform_2(%arg0: i32) -> (i32, i32) {
    %c0_i32 = arith.constant 0 : i32
    %c0_i32_0 = arith.constant 0 : i32
    %c0_i32_1 = arith.constant 0 : i32
    return %c0_i32, %c0_i32_0 : i32, i32
  }
  func.func @transform_3(%arg0: i32) -> (i32, i32) {
    %c0_i32 = arith.constant 0 : i32
    %c0_i32_0 = arith.constant 0 : i32
    return %arg0, %c0_i32 : i32, i32
  }
}

module attributes {stable_mosaic.version = 14 : i64} {
  func.func @body(%arg0: i32, %arg1: memref<1000x256xf32, #tpu.memory_space<vmem>>, %arg2: memref<256x128xf32, #tpu.memory_space<vmem>>, %arg3: memref<256x128xf32, #tpu.memory_space<vmem>>, %arg4: memref<1000x128xf32, #tpu.memory_space<vmem>>, %arg5: memref<1000x128xf32, #tpu.memory_space<vmem>>) attributes {dimension_semantics = [#tpu.dimension_semantics<arbitrary>], iteration_bounds = array<i64: 10>, scalar_prefetch = 0 : i64, scratch_operands = 0 : i64, tpu.core_type = #tpu.core_type<tc>, window_params = [{transform_indices = @transform_0, window_bounds = array<i64: 1000, 256>}, {pipeline_mode = #tpu.pipeline_mode<synchronous>, transform_indices = @transform_1, window_bounds = array<i64: 256, 128>}, {pipeline_mode = #tpu.pipeline_mode<synchronous>, transform_indices = @transform_2, window_bounds = array<i64: 256, 128>}, {transform_indices = @transform_3, window_bounds = array<i64: 1000, 128>}, {transform_indices = @transform_4, window_bounds = array<i64: 1000, 128>}]} {
    %get3A = arith.constant 0 : index
    %get3A_0 = arith.constant 0 : index
    %get3A_1 = vector.load %arg1[%get3A, %get3A_0] : memref<1000x256xf32, #tpu.memory_space<vmem>>, vector<1000x256xf32>
    %get3A_2 = arith.constant 0 : index
    %get3A_3 = arith.constant 0 : index
    %get3A_4 = vector.load %arg2[%get3A_2, %get3A_3] : memref<256x128xf32, #tpu.memory_space<vmem>>, vector<256x128xf32>
    %dot_general3A = arith.constant dense<0.000000e+00> : vector<1000x128xf32>
    %dot_general3A_5 = tpu.matmul %get3A_1, %get3A_4, %dot_general3A {dimension_numbers = #tpu.dot_dimension_numbers<[1], [0], [0], [1], [0, 0, 1, 1], [], []>, precision = #tpu.contract_precision<fp32>, transpose_lhs_hint = false} : vector<1000x256xf32>, vector<256x128xf32>, vector<1000x128xf32> -> vector<1000x128xf32>
    %swap3A = arith.constant 0 : index
    %swap3A_6 = arith.constant 0 : index
    %swap3A_7 = vector.load %arg4[%swap3A, %swap3A_6] : memref<1000x128xf32, #tpu.memory_space<vmem>>, vector<1000x128xf32>
    tpu.vector_store %arg4[%swap3A, %swap3A_6], %dot_general3A_5 {strides = array<i32>} : memref<1000x128xf32, #tpu.memory_space<vmem>>, vector<1000x128xf32>,
    %get3A_8 = arith.constant 0 : index
    %get3A_9 = arith.constant 0 : index
    %get3A_10 = vector.load %arg3[%get3A_8, %get3A_9] : memref<256x128xf32, #tpu.memory_space<vmem>>, vector<256x128xf32>
    %dot_general3A_11 = arith.constant dense<0.000000e+00> : vector<1000x128xf32>
    %dot_general3A_12 = tpu.matmul %get3A_1, %get3A_10, %dot_general3A_11 {dimension_numbers = #tpu.dot_dimension_numbers<[1], [0], [0], [1], [0, 0, 1, 1], [], []>, precision = #tpu.contract_precision<fp32>, transpose_lhs_hint = false} : vector<1000x256xf32>, vector<256x128xf32>, vector<1000x128xf32> -> vector<1000x128xf32>
    %swap3A_13 = arith.constant 0 : index
    %swap3A_14 = arith.constant 0 : index
    %swap3A_15 = vector.load %arg5[%swap3A_13, %swap3A_14] : memref<1000x128xf32, #tpu.memory_space<vmem>>, vector<1000x128xf32>
    tpu.vector_store %arg5[%swap3A_13, %swap3A_14], %dot_general3A_12 {strides = array<i32>} : memref<1000x128xf32, #tpu.memory_space<vmem>>, vector<1000x128xf32>,
    return
  }
  func.func @transform_0(%arg0: i32) -> (i32, i32) {
    %c0_i32 = arith.constant 0 : i32
    %c0_i32_0 = arith.constant 0 : i32
    return %arg0, %c0_i32 : i32, i32
  }
  func.func @transform_1(%arg0: i32) -> (i32, i32) {
    %c0_i32 = arith.constant 0 : i32
    %c0_i32_0 = arith.constant 0 : i32
    %c0_i32_1 = arith.constant 0 : i32
    return %c0_i32, %c0_i32_0 : i32, i32
  }
  func.func @transform_2(%arg0: i32) -> (i32, i32) {
    %c0_i32 = arith.constant 0 : i32
    %c0_i32_0 = arith.constant 0 : i32
    %c0_i32_1 = arith.constant 0 : i32
    return %c0_i32, %c0_i32_0 : i32, i32
  }
  func.func @transform_3(%arg0: i32) -> (i32, i32) {
    %c0_i32 = arith.constant 0 : i32
    %c0_i32_0 = arith.constant 0 : i32
    return %arg0, %c0_i32 : i32, i32
  }
  func.func @transform_4(%arg0: i32) -> (i32, i32) {
    %c0_i32 = arith.constant 0 : i32
    %c0_i32_0 = arith.constant 0 : i32
    return %arg0, %c0_i32 : i32, i32
  }
}

module attributes {stable_mosaic.version = 14 : i64} {
  func.func @body(%arg0: i32, %arg1: memref<256x128xf32, #tpu.memory_space<vmem>>, %arg2: memref<256x128xf32, #tpu.memory_space<vmem>>, %arg3: memref<128x1xf32, #tpu.memory_space<vmem>>, %arg4: memref<1x128xf32, #tpu.memory_space<vmem>>, %arg5: memref<9x256x8xf32, #tpu.memory_space<vmem>>) attributes {dimension_semantics = [#tpu.dimension_semantics<arbitrary>], iteration_bounds = array<i64: 640>, scalar_prefetch = 0 : i64, scratch_operands = 0 : i64, tpu.core_type = #tpu.core_type<tc>, window_params = [{transform_indices = @transform_0, window_bounds = array<i64: 256, 128>}, {transform_indices = @transform_1, window_bounds = array<i64: 256, 128>}, {pipeline_mode = #tpu.pipeline_mode<synchronous>, transform_indices = @transform_2, window_bounds = array<i64: 128, 1>}, {pipeline_mode = #tpu.pipeline_mode<synchronous>, transform_indices = @transform_3, window_bounds = array<i64: 1, 128>}, {transform_indices = @transform_4, window_bounds = array<i64: 9, 256, 8>}]} {
    %get3A = arith.constant 0 : index
    %get3A_0 = arith.constant 0 : index
    %get3A_1 = vector.load %arg1[%get3A, %get3A_0] : memref<256x128xf32, #tpu.memory_space<vmem>>, vector<256x128xf32>
    %get3A_2 = arith.constant 0 : index
    %get3A_3 = arith.constant 0 : index
    %get3A_4 = vector.load %arg2[%get3A_2, %get3A_3] : memref<256x128xf32, #tpu.memory_space<vmem>>, vector<256x128xf32>
    %add3A = arith.addf %get3A_1, %get3A_4 : vector<256x128xf32>
    %gt3A = arith.constant 0.000000e+00 : f32
    %gt3A_5 = vector.broadcast %gt3A : f32 to vector<256x128xf32>
    %gt3A_6 = arith.cmpf ogt, %add3A, %gt3A_5 : vector<256x128xf32>
    %mul3A = arith.constant 2.000000e-01 : f32
    %mul3A_7 = vector.broadcast %mul3A : f32 to vector<256x128xf32>
    %mul3A_8 = arith.mulf %mul3A_7, %add3A : vector<256x128xf32>
    %select_n3A = arith.select %gt3A_6, %add3A, %mul3A_8 : vector<256x128xi1>, vector<256x128xf32>
    %get3A_9 = arith.constant 0 : index
    %get3A_10 = arith.constant 0 : index
    %get3A_11 = vector.load %arg3[%get3A_9, %get3A_10] : memref<128x1xf32, #tpu.memory_space<vmem>>, vector<128x1xf32>
    %dot_general3A = arith.constant dense<0.000000e+00> : vector<256x1xf32>
    %dot_general3A_12 = tpu.matmul %select_n3A, %get3A_11, %dot_general3A {dimension_numbers = #tpu.dot_dimension_numbers<[1], [0], [0], [1], [0, 0, 1, 1], [], []>, precision = #tpu.contract_precision<fp32>, transpose_lhs_hint = false} : vector<256x128xf32>, vector<128x1xf32>, vector<256x1xf32> -> vector<256x1xf32>
    %exp3A = math.exp %dot_general3A_12 : vector<256x1xf32>
    %get3A_13 = arith.constant 0 : index
    %get3A_14 = arith.constant 0 : index
    %get3A_15 = vector.load %arg4[%get3A_13, %get3A_14] : memref<1x128xf32, #tpu.memory_space<vmem>>, vector<1x128xf32>
    %dot_general3A_16 = arith.constant dense<0.000000e+00> : vector<256x128xf32>
    %dot_general3A_17 = tpu.matmul %exp3A, %get3A_15, %dot_general3A_16 {dimension_numbers = #tpu.dot_dimension_numbers<[1], [0], [0], [1], [0, 0, 1, 1], [], []>, precision = #tpu.contract_precision<fp32>, transpose_lhs_hint = false} : vector<256x1xf32>, vector<1x128xf32>, vector<256x128xf32> -> vector<256x128xf32>
    %mul3A_18 = arith.mulf %get3A_1, %dot_general3A_17 : vector<256x128xf32>
    %slice3A = vector.extract_strided_slice %mul3A_18 {offsets = [0, 0], sizes = [256, 8], strides = [1, 1]} : vector<256x128xf32> to vector<256x8xf32>
    %swap3A = arith.constant 0 : index
    %swap3A_19 = arith.constant 0 : index
    %swap3A_20 = arith.constant 0 : index
    %swap3A_21 = vector.load %arg5[%swap3A, %swap3A_19, %swap3A_20] : memref<9x256x8xf32, #tpu.memory_space<vmem>>, vector<1x256x8xf32>
    %swap3A_22 = vector.shape_cast %swap3A_21 : vector<1x256x8xf32> to vector<256x8xf32>
    %swap3A_23 = vector.shape_cast %slice3A : vector<256x8xf32> to vector<1x256x8xf32>
    tpu.vector_store %arg5[%swap3A, %swap3A_19, %swap3A_20], %swap3A_23 {strides = array<i32>} : memref<9x256x8xf32, #tpu.memory_space<vmem>>, vector<1x256x8xf32>,
    %slice3A_24 = vector.extract_strided_slice %mul3A_18 {offsets = [0, 8], sizes = [256, 8], strides = [1, 1]} : vector<256x128xf32> to vector<256x8xf32>
    %swap3A_25 = arith.constant 1 : index
    %swap3A_26 = arith.constant 0 : index
    %swap3A_27 = arith.constant 0 : index
    %swap3A_28 = vector.load %arg5[%swap3A_25, %swap3A_26, %swap3A_27] : memref<9x256x8xf32, #tpu.memory_space<vmem>>, vector<1x256x8xf32>
    %swap3A_29 = vector.shape_cast %swap3A_28 : vector<1x256x8xf32> to vector<256x8xf32>
    %swap3A_30 = vector.shape_cast %slice3A_24 : vector<256x8xf32> to vector<1x256x8xf32>
    tpu.vector_store %arg5[%swap3A_25, %swap3A_26, %swap3A_27], %swap3A_30 {strides = array<i32>} : memref<9x256x8xf32, #tpu.memory_space<vmem>>, vector<1x256x8xf32>,
    %slice3A_31 = vector.extract_strided_slice %mul3A_18 {offsets = [0, 16], sizes = [256, 8], strides = [1, 1]} : vector<256x128xf32> to vector<256x8xf32>
    %swap3A_32 = arith.constant 2 : index
    %swap3A_33 = arith.constant 0 : index
    %swap3A_34 = arith.constant 0 : index
    %swap3A_35 = vector.load %arg5[%swap3A_32, %swap3A_33, %swap3A_34] : memref<9x256x8xf32, #tpu.memory_space<vmem>>, vector<1x256x8xf32>
    %swap3A_36 = vector.shape_cast %swap3A_35 : vector<1x256x8xf32> to vector<256x8xf32>
    %swap3A_37 = vector.shape_cast %slice3A_31 : vector<256x8xf32> to vector<1x256x8xf32>
    tpu.vector_store %arg5[%swap3A_32, %swap3A_33, %swap3A_34], %swap3A_37 {strides = array<i32>} : memref<9x256x8xf32, #tpu.memory_space<vmem>>, vector<1x256x8xf32>,
    %slice3A_38 = vector.extract_strided_slice %mul3A_18 {offsets = [0, 24], sizes = [256, 8], strides = [1, 1]} : vector<256x128xf32> to vector<256x8xf32>
    %swap3A_39 = arith.constant 3 : index
    %swap3A_40 = arith.constant 0 : index
    %swap3A_41 = arith.constant 0 : index
    %swap3A_42 = vector.load %arg5[%swap3A_39, %swap3A_40, %swap3A_41] : memref<9x256x8xf32, #tpu.memory_space<vmem>>, vector<1x256x8xf32>
    %swap3A_43 = vector.shape_cast %swap3A_42 : vector<1x256x8xf32> to vector<256x8xf32>
    %swap3A_44 = vector.shape_cast %slice3A_38 : vector<256x8xf32> to vector<1x256x8xf32>
    tpu.vector_store %arg5[%swap3A_39, %swap3A_40, %swap3A_41], %swap3A_44 {strides = array<i32>} : memref<9x256x8xf32, #tpu.memory_space<vmem>>, vector<1x256x8xf32>,
    %slice3A_45 = vector.extract_strided_slice %mul3A_18 {offsets = [0, 32], sizes = [256, 8], strides = [1, 1]} : vector<256x128xf32> to vector<256x8xf32>
    %swap3A_46 = arith.constant 4 : index
    %swap3A_47 = arith.constant 0 : index
    %swap3A_48 = arith.constant 0 : index
    %swap3A_49 = vector.load %arg5[%swap3A_46, %swap3A_47, %swap3A_48] : memref<9x256x8xf32, #tpu.memory_space<vmem>>, vector<1x256x8xf32>
    %swap3A_50 = vector.shape_cast %swap3A_49 : vector<1x256x8xf32> to vector<256x8xf32>
    %swap3A_51 = vector.shape_cast %slice3A_45 : vector<256x8xf32> to vector<1x256x8xf32>
    tpu.vector_store %arg5[%swap3A_46, %swap3A_47, %swap3A_48], %swap3A_51 {strides = array<i32>} : memref<9x256x8xf32, #tpu.memory_space<vmem>>, vector<1x256x8xf32>,
    %slice3A_52 = vector.extract_strided_slice %mul3A_18 {offsets = [0, 40], sizes = [256, 8], strides = [1, 1]} : vector<256x128xf32> to vector<256x8xf32>
    %swap3A_53 = arith.constant 5 : index
    %swap3A_54 = arith.constant 0 : index
    %swap3A_55 = arith.constant 0 : index
    %swap3A_56 = vector.load %arg5[%swap3A_53, %swap3A_54, %swap3A_55] : memref<9x256x8xf32, #tpu.memory_space<vmem>>, vector<1x256x8xf32>
    %swap3A_57 = vector.shape_cast %swap3A_56 : vector<1x256x8xf32> to vector<256x8xf32>
    %swap3A_58 = vector.shape_cast %slice3A_52 : vector<256x8xf32> to vector<1x256x8xf32>
    tpu.vector_store %arg5[%swap3A_53, %swap3A_54, %swap3A_55], %swap3A_58 {strides = array<i32>} : memref<9x256x8xf32, #tpu.memory_space<vmem>>, vector<1x256x8xf32>,
    %slice3A_59 = vector.extract_strided_slice %mul3A_18 {offsets = [0, 48], sizes = [256, 8], strides = [1, 1]} : vector<256x128xf32> to vector<256x8xf32>
    %swap3A_60 = arith.constant 6 : index
    %swap3A_61 = arith.constant 0 : index
    %swap3A_62 = arith.constant 0 : index
    %swap3A_63 = vector.load %arg5[%swap3A_60, %swap3A_61, %swap3A_62] : memref<9x256x8xf32, #tpu.memory_space<vmem>>, vector<1x256x8xf32>
    %swap3A_64 = vector.shape_cast %swap3A_63 : vector<1x256x8xf32> to vector<256x8xf32>
    %swap3A_65 = vector.shape_cast %slice3A_59 : vector<256x8xf32> to vector<1x256x8xf32>
    tpu.vector_store %arg5[%swap3A_60, %swap3A_61, %swap3A_62], %swap3A_65 {strides = array<i32>} : memref<9x256x8xf32, #tpu.memory_space<vmem>>, vector<1x256x8xf32>,
    %slice3A_66 = vector.extract_strided_slice %mul3A_18 {offsets = [0, 56], sizes = [256, 8], strides = [1, 1]} : vector<256x128xf32> to vector<256x8xf32>
    %swap3A_67 = arith.constant 7 : index
    %swap3A_68 = arith.constant 0 : index
    %swap3A_69 = arith.constant 0 : index
    %swap3A_70 = vector.load %arg5[%swap3A_67, %swap3A_68, %swap3A_69] : memref<9x256x8xf32, #tpu.memory_space<vmem>>, vector<1x256x8xf32>
    %swap3A_71 = vector.shape_cast %swap3A_70 : vector<1x256x8xf32> to vector<256x8xf32>
    %swap3A_72 = vector.shape_cast %slice3A_66 : vector<256x8xf32> to vector<1x256x8xf32>
    tpu.vector_store %arg5[%swap3A_67, %swap3A_68, %swap3A_69], %swap3A_72 {strides = array<i32>} : memref<9x256x8xf32, #tpu.memory_space<vmem>>, vector<1x256x8xf32>,
    %broadcast_in_dim3A = arith.constant 0.000000e+00 : f32
    %broadcast_in_dim3A_73 = vector.broadcast %broadcast_in_dim3A : f32 to vector<256x7xf32>
    %concatenate3A = tpu.concatenate %exp3A, %broadcast_in_dim3A_73 in 1 : vector<256x1xf32>, vector<256x7xf32> -> vector<256x8xf32>
    %swap3A_74 = arith.constant 8 : index
    %swap3A_75 = arith.constant 0 : index
    %swap3A_76 = arith.constant 0 : index
    %swap3A_77 = vector.load %arg5[%swap3A_74, %swap3A_75, %swap3A_76] : memref<9x256x8xf32, #tpu.memory_space<vmem>>, vector<1x256x8xf32>
    %swap3A_78 = vector.shape_cast %swap3A_77 : vector<1x256x8xf32> to vector<256x8xf32>
    %swap3A_79 = vector.shape_cast %concatenate3A : vector<256x8xf32> to vector<1x256x8xf32>
    tpu.vector_store %arg5[%swap3A_74, %swap3A_75, %swap3A_76], %swap3A_79 {strides = array<i32>} : memref<9x256x8xf32, #tpu.memory_space<vmem>>, vector<1x256x8xf32>,
    return
  }
  func.func @transform_0(%arg0: i32) -> (i32, i32) {
    %c0_i32 = arith.constant 0 : i32
    %c0_i32_0 = arith.constant 0 : i32
    return %arg0, %c0_i32 : i32, i32
  }
  func.func @transform_1(%arg0: i32) -> (i32, i32) {
    %c0_i32 = arith.constant 0 : i32
    %c0_i32_0 = arith.constant 0 : i32
    return %arg0, %c0_i32 : i32, i32
  }
  func.func @transform_2(%arg0: i32) -> (i32, i32) {
    %c0_i32 = arith.constant 0 : i32
    %c0_i32_0 = arith.constant 0 : i32
    %c0_i32_1 = arith.constant 0 : i32
    return %c0_i32, %c0_i32_0 : i32, i32
  }
  func.func @transform_3(%arg0: i32) -> (i32, i32) {
    %c0_i32 = arith.constant 0 : i32
    %c0_i32_0 = arith.constant 0 : i32
    %c0_i32_1 = arith.constant 0 : i32
    return %c0_i32, %c0_i32_0 : i32, i32
  }
  func.func @transform_4(%arg0: i32) -> (i32, i32, i32) {
    %c0_i32 = arith.constant 0 : i32
    %c0_i32_0 = arith.constant 0 : i32
    %c0_i32_1 = arith.constant 0 : i32
    return %c0_i32, %arg0, %c0_i32_0 : i32, i32, i32
  }
}

module attributes {stable_mosaic.version = 14 : i64} {
  func.func @body(%arg0: i32, %arg1: memref<36x200x8xf32, #tpu.memory_space<vmem>>, %arg2: memref<1x64xf32, #tpu.memory_space<vmem>>, %arg3: memref<1x64xf32, #tpu.memory_space<vmem>>, %arg4: memref<200x64xf32, #tpu.memory_space<vmem>>) attributes {dimension_semantics = [#tpu.dimension_semantics<arbitrary>], iteration_bounds = array<i64: 50>, scalar_prefetch = 0 : i64, scratch_operands = 0 : i64, tpu.core_type = #tpu.core_type<tc>, window_params = [{transform_indices = @transform_0, window_bounds = array<i64: 36, 200, 8>}, {pipeline_mode = #tpu.pipeline_mode<synchronous>, transform_indices = @transform_1, window_bounds = array<i64: 1, 64>}, {pipeline_mode = #tpu.pipeline_mode<synchronous>, transform_indices = @transform_2, window_bounds = array<i64: 1, 64>}, {transform_indices = @transform_3, window_bounds = array<i64: 200, 64>}]} {
    %get3A = arith.constant 0 : index
    %get3A_0 = arith.constant 0 : index
    %get3A_1 = arith.constant 0 : index
    %get3A_2 = vector.load %arg1[%get3A, %get3A_0, %get3A_1] : memref<36x200x8xf32, #tpu.memory_space<vmem>>, vector<1x200x8xf32>
    %get3A_3 = vector.shape_cast %get3A_2 : vector<1x200x8xf32> to vector<200x8xf32>
    %get3A_4 = arith.constant 9 : index
    %get3A_5 = arith.constant 0 : index
    %get3A_6 = arith.constant 0 : index
    %get3A_7 = vector.load %arg1[%get3A_4, %get3A_5, %get3A_6] : memref<36x200x8xf32, #tpu.memory_space<vmem>>, vector<1x200x8xf32>
    %get3A_8 = vector.shape_cast %get3A_7 : vector<1x200x8xf32> to vector<200x8xf32>
    %add3A = arith.addf %get3A_3, %get3A_8 : vector<200x8xf32>
    %get3A_9 = arith.constant 18 : index
    %get3A_10 = arith.constant 0 : index
    %get3A_11 = arith.constant 0 : index
    %get3A_12 = vector.load %arg1[%get3A_9, %get3A_10, %get3A_11] : memref<36x200x8xf32, #tpu.memory_space<vmem>>, vector<1x200x8xf32>
    %get3A_13 = vector.shape_cast %get3A_12 : vector<1x200x8xf32> to vector<200x8xf32>
    %add3A_14 = arith.addf %add3A, %get3A_13 : vector<200x8xf32>
    %get3A_15 = arith.constant 27 : index
    %get3A_16 = arith.constant 0 : index
    %get3A_17 = arith.constant 0 : index
    %get3A_18 = vector.load %arg1[%get3A_15, %get3A_16, %get3A_17] : memref<36x200x8xf32, #tpu.memory_space<vmem>>, vector<1x200x8xf32>
    %get3A_19 = vector.shape_cast %get3A_18 : vector<1x200x8xf32> to vector<200x8xf32>
    %add3A_20 = arith.addf %add3A_14, %get3A_19 : vector<200x8xf32>
    %get3A_21 = arith.constant 1 : index
    %get3A_22 = arith.constant 0 : index
    %get3A_23 = arith.constant 0 : index
    %get3A_24 = vector.load %arg1[%get3A_21, %get3A_22, %get3A_23] : memref<36x200x8xf32, #tpu.memory_space<vmem>>, vector<1x200x8xf32>
    %get3A_25 = vector.shape_cast %get3A_24 : vector<1x200x8xf32> to vector<200x8xf32>
    %get3A_26 = arith.constant 10 : index
    %get3A_27 = arith.constant 0 : index
    %get3A_28 = arith.constant 0 : index
    %get3A_29 = vector.load %arg1[%get3A_26, %get3A_27, %get3A_28] : memref<36x200x8xf32, #tpu.memory_space<vmem>>, vector<1x200x8xf32>
    %get3A_30 = vector.shape_cast %get3A_29 : vector<1x200x8xf32> to vector<200x8xf32>
    %add3A_31 = arith.addf %get3A_25, %get3A_30 : vector<200x8xf32>
    %get3A_32 = arith.constant 19 : index
    %get3A_33 = arith.constant 0 : index
    %get3A_34 = arith.constant 0 : index
    %get3A_35 = vector.load %arg1[%get3A_32, %get3A_33, %get3A_34] : memref<36x200x8xf32, #tpu.memory_space<vmem>>, vector<1x200x8xf32>
    %get3A_36 = vector.shape_cast %get3A_35 : vector<1x200x8xf32> to vector<200x8xf32>
    %add3A_37 = arith.addf %add3A_31, %get3A_36 : vector<200x8xf32>
    %get3A_38 = arith.constant 28 : index
    %get3A_39 = arith.constant 0 : index
    %get3A_40 = arith.constant 0 : index
    %get3A_41 = vector.load %arg1[%get3A_38, %get3A_39, %get3A_40] : memref<36x200x8xf32, #tpu.memory_space<vmem>>, vector<1x200x8xf32>
    %get3A_42 = vector.shape_cast %get3A_41 : vector<1x200x8xf32> to vector<200x8xf32>
    %add3A_43 = arith.addf %add3A_37, %get3A_42 : vector<200x8xf32>
    %get3A_44 = arith.constant 2 : index
    %get3A_45 = arith.constant 0 : index
    %get3A_46 = arith.constant 0 : index
    %get3A_47 = vector.load %arg1[%get3A_44, %get3A_45, %get3A_46] : memref<36x200x8xf32, #tpu.memory_space<vmem>>, vector<1x200x8xf32>
    %get3A_48 = vector.shape_cast %get3A_47 : vector<1x200x8xf32> to vector<200x8xf32>
    %get3A_49 = arith.constant 11 : index
    %get3A_50 = arith.constant 0 : index
    %get3A_51 = arith.constant 0 : index
    %get3A_52 = vector.load %arg1[%get3A_49, %get3A_50, %get3A_51] : memref<36x200x8xf32, #tpu.memory_space<vmem>>, vector<1x200x8xf32>
    %get3A_53 = vector.shape_cast %get3A_52 : vector<1x200x8xf32> to vector<200x8xf32>
    %add3A_54 = arith.addf %get3A_48, %get3A_53 : vector<200x8xf32>
    %get3A_55 = arith.constant 20 : index
    %get3A_56 = arith.constant 0 : index
    %get3A_57 = arith.constant 0 : index
    %get3A_58 = vector.load %arg1[%get3A_55, %get3A_56, %get3A_57] : memref<36x200x8xf32, #tpu.memory_space<vmem>>, vector<1x200x8xf32>
    %get3A_59 = vector.shape_cast %get3A_58 : vector<1x200x8xf32> to vector<200x8xf32>
    %add3A_60 = arith.addf %add3A_54, %get3A_59 : vector<200x8xf32>
    %get3A_61 = arith.constant 29 : index
    %get3A_62 = arith.constant 0 : index
    %get3A_63 = arith.constant 0 : index
    %get3A_64 = vector.load %arg1[%get3A_61, %get3A_62, %get3A_63] : memref<36x200x8xf32, #tpu.memory_space<vmem>>, vector<1x200x8xf32>
    %get3A_65 = vector.shape_cast %get3A_64 : vector<1x200x8xf32> to vector<200x8xf32>
    %add3A_66 = arith.addf %add3A_60, %get3A_65 : vector<200x8xf32>
    %get3A_67 = arith.constant 3 : index
    %get3A_68 = arith.constant 0 : index
    %get3A_69 = arith.constant 0 : index
    %get3A_70 = vector.load %arg1[%get3A_67, %get3A_68, %get3A_69] : memref<36x200x8xf32, #tpu.memory_space<vmem>>, vector<1x200x8xf32>
    %get3A_71 = vector.shape_cast %get3A_70 : vector<1x200x8xf32> to vector<200x8xf32>
    %get3A_72 = arith.constant 12 : index
    %get3A_73 = arith.constant 0 : index
    %get3A_74 = arith.constant 0 : index
    %get3A_75 = vector.load %arg1[%get3A_72, %get3A_73, %get3A_74] : memref<36x200x8xf32, #tpu.memory_space<vmem>>, vector<1x200x8xf32>
    %get3A_76 = vector.shape_cast %get3A_75 : vector<1x200x8xf32> to vector<200x8xf32>
    %add3A_77 = arith.addf %get3A_71, %get3A_76 : vector<200x8xf32>
    %get3A_78 = arith.constant 21 : index
    %get3A_79 = arith.constant 0 : index
    %get3A_80 = arith.constant 0 : index
    %get3A_81 = vector.load %arg1[%get3A_78, %get3A_79, %get3A_80] : memref<36x200x8xf32, #tpu.memory_space<vmem>>, vector<1x200x8xf32>
    %get3A_82 = vector.shape_cast %get3A_81 : vector<1x200x8xf32> to vector<200x8xf32>
    %add3A_83 = arith.addf %add3A_77, %get3A_82 : vector<200x8xf32>
    %get3A_84 = arith.constant 30 : index
    %get3A_85 = arith.constant 0 : index
    %get3A_86 = arith.constant 0 : index
    %get3A_87 = vector.load %arg1[%get3A_84, %get3A_85, %get3A_86] : memref<36x200x8xf32, #tpu.memory_space<vmem>>, vector<1x200x8xf32>
    %get3A_88 = vector.shape_cast %get3A_87 : vector<1x200x8xf32> to vector<200x8xf32>
    %add3A_89 = arith.addf %add3A_83, %get3A_88 : vector<200x8xf32>
    %get3A_90 = arith.constant 4 : index
    %get3A_91 = arith.constant 0 : index
    %get3A_92 = arith.constant 0 : index
    %get3A_93 = vector.load %arg1[%get3A_90, %get3A_91, %get3A_92] : memref<36x200x8xf32, #tpu.memory_space<vmem>>, vector<1x200x8xf32>
    %get3A_94 = vector.shape_cast %get3A_93 : vector<1x200x8xf32> to vector<200x8xf32>
    %get3A_95 = arith.constant 13 : index
    %get3A_96 = arith.constant 0 : index
    %get3A_97 = arith.constant 0 : index
    %get3A_98 = vector.load %arg1[%get3A_95, %get3A_96, %get3A_97] : memref<36x200x8xf32, #tpu.memory_space<vmem>>, vector<1x200x8xf32>
    %get3A_99 = vector.shape_cast %get3A_98 : vector<1x200x8xf32> to vector<200x8xf32>
    %add3A_100 = arith.addf %get3A_94, %get3A_99 : vector<200x8xf32>
    %get3A_101 = arith.constant 22 : index
    %get3A_102 = arith.constant 0 : index
    %get3A_103 = arith.constant 0 : index
    %get3A_104 = vector.load %arg1[%get3A_101, %get3A_102, %get3A_103] : memref<36x200x8xf32, #tpu.memory_space<vmem>>, vector<1x200x8xf32>
    %get3A_105 = vector.shape_cast %get3A_104 : vector<1x200x8xf32> to vector<200x8xf32>
    %add3A_106 = arith.addf %add3A_100, %get3A_105 : vector<200x8xf32>
    %get3A_107 = arith.constant 31 : index
    %get3A_108 = arith.constant 0 : index
    %get3A_109 = arith.constant 0 : index
    %get3A_110 = vector.load %arg1[%get3A_107, %get3A_108, %get3A_109] : memref<36x200x8xf32, #tpu.memory_space<vmem>>, vector<1x200x8xf32>
    %get3A_111 = vector.shape_cast %get3A_110 : vector<1x200x8xf32> to vector<200x8xf32>
    %add3A_112 = arith.addf %add3A_106, %get3A_111 : vector<200x8xf32>
    %get3A_113 = arith.constant 5 : index
    %get3A_114 = arith.constant 0 : index
    %get3A_115 = arith.constant 0 : index
    %get3A_116 = vector.load %arg1[%get3A_113, %get3A_114, %get3A_115] : memref<36x200x8xf32, #tpu.memory_space<vmem>>, vector<1x200x8xf32>
    %get3A_117 = vector.shape_cast %get3A_116 : vector<1x200x8xf32> to vector<200x8xf32>
    %get3A_118 = arith.constant 14 : index
    %get3A_119 = arith.constant 0 : index
    %get3A_120 = arith.constant 0 : index
    %get3A_121 = vector.load %arg1[%get3A_118, %get3A_119, %get3A_120] : memref<36x200x8xf32, #tpu.memory_space<vmem>>, vector<1x200x8xf32>
    %get3A_122 = vector.shape_cast %get3A_121 : vector<1x200x8xf32> to vector<200x8xf32>
    %add3A_123 = arith.addf %get3A_117, %get3A_122 : vector<200x8xf32>
    %get3A_124 = arith.constant 23 : index
    %get3A_125 = arith.constant 0 : index
    %get3A_126 = arith.constant 0 : index
    %get3A_127 = vector.load %arg1[%get3A_124, %get3A_125, %get3A_126] : memref<36x200x8xf32, #tpu.memory_space<vmem>>, vector<1x200x8xf32>
    %get3A_128 = vector.shape_cast %get3A_127 : vector<1x200x8xf32> to vector<200x8xf32>
    %add3A_129 = arith.addf %add3A_123, %get3A_128 : vector<200x8xf32>
    %get3A_130 = arith.constant 32 : index
    %get3A_131 = arith.constant 0 : index
    %get3A_132 = arith.constant 0 : index
    %get3A_133 = vector.load %arg1[%get3A_130, %get3A_131, %get3A_132] : memref<36x200x8xf32, #tpu.memory_space<vmem>>, vector<1x200x8xf32>
    %get3A_134 = vector.shape_cast %get3A_133 : vector<1x200x8xf32> to vector<200x8xf32>
    %add3A_135 = arith.addf %add3A_129, %get3A_134 : vector<200x8xf32>
    %get3A_136 = arith.constant 6 : index
    %get3A_137 = arith.constant 0 : index
    %get3A_138 = arith.constant 0 : index
    %get3A_139 = vector.load %arg1[%get3A_136, %get3A_137, %get3A_138] : memref<36x200x8xf32, #tpu.memory_space<vmem>>, vector<1x200x8xf32>
    %get3A_140 = vector.shape_cast %get3A_139 : vector<1x200x8xf32> to vector<200x8xf32>
    %get3A_141 = arith.constant 15 : index
    %get3A_142 = arith.constant 0 : index
    %get3A_143 = arith.constant 0 : index
    %get3A_144 = vector.load %arg1[%get3A_141, %get3A_142, %get3A_143] : memref<36x200x8xf32, #tpu.memory_space<vmem>>, vector<1x200x8xf32>
    %get3A_145 = vector.shape_cast %get3A_144 : vector<1x200x8xf32> to vector<200x8xf32>
    %add3A_146 = arith.addf %get3A_140, %get3A_145 : vector<200x8xf32>
    %get3A_147 = arith.constant 24 : index
    %get3A_148 = arith.constant 0 : index
    %get3A_149 = arith.constant 0 : index
    %get3A_150 = vector.load %arg1[%get3A_147, %get3A_148, %get3A_149] : memref<36x200x8xf32, #tpu.memory_space<vmem>>, vector<1x200x8xf32>
    %get3A_151 = vector.shape_cast %get3A_150 : vector<1x200x8xf32> to vector<200x8xf32>
    %add3A_152 = arith.addf %add3A_146, %get3A_151 : vector<200x8xf32>
    %get3A_153 = arith.constant 33 : index
    %get3A_154 = arith.constant 0 : index
    %get3A_155 = arith.constant 0 : index
    %get3A_156 = vector.load %arg1[%get3A_153, %get3A_154, %get3A_155] : memref<36x200x8xf32, #tpu.memory_space<vmem>>, vector<1x200x8xf32>
    %get3A_157 = vector.shape_cast %get3A_156 : vector<1x200x8xf32> to vector<200x8xf32>
    %add3A_158 = arith.addf %add3A_152, %get3A_157 : vector<200x8xf32>
    %get3A_159 = arith.constant 7 : index
    %get3A_160 = arith.constant 0 : index
    %get3A_161 = arith.constant 0 : index
    %get3A_162 = vector.load %arg1[%get3A_159, %get3A_160, %get3A_161] : memref<36x200x8xf32, #tpu.memory_space<vmem>>, vector<1x200x8xf32>
    %get3A_163 = vector.shape_cast %get3A_162 : vector<1x200x8xf32> to vector<200x8xf32>
    %get3A_164 = arith.constant 16 : index
    %get3A_165 = arith.constant 0 : index
    %get3A_166 = arith.constant 0 : index
    %get3A_167 = vector.load %arg1[%get3A_164, %get3A_165, %get3A_166] : memref<36x200x8xf32, #tpu.memory_space<vmem>>, vector<1x200x8xf32>
    %get3A_168 = vector.shape_cast %get3A_167 : vector<1x200x8xf32> to vector<200x8xf32>
    %add3A_169 = arith.addf %get3A_163, %get3A_168 : vector<200x8xf32>
    %get3A_170 = arith.constant 25 : index
    %get3A_171 = arith.constant 0 : index
    %get3A_172 = arith.constant 0 : index
    %get3A_173 = vector.load %arg1[%get3A_170, %get3A_171, %get3A_172] : memref<36x200x8xf32, #tpu.memory_space<vmem>>, vector<1x200x8xf32>
    %get3A_174 = vector.shape_cast %get3A_173 : vector<1x200x8xf32> to vector<200x8xf32>
    %add3A_175 = arith.addf %add3A_169, %get3A_174 : vector<200x8xf32>
    %get3A_176 = arith.constant 34 : index
    %get3A_177 = arith.constant 0 : index
    %get3A_178 = arith.constant 0 : index
    %get3A_179 = vector.load %arg1[%get3A_176, %get3A_177, %get3A_178] : memref<36x200x8xf32, #tpu.memory_space<vmem>>, vector<1x200x8xf32>
    %get3A_180 = vector.shape_cast %get3A_179 : vector<1x200x8xf32> to vector<200x8xf32>
    %add3A_181 = arith.addf %add3A_175, %get3A_180 : vector<200x8xf32>
    %concatenate3A = tpu.concatenate %add3A_20, %add3A_43, %add3A_66, %add3A_89, %add3A_112, %add3A_135, %add3A_158, %add3A_181 in 1 : vector<200x8xf32>, vector<200x8xf32>, vector<200x8xf32>, vector<200x8xf32>, vector<200x8xf32>, vector<200x8xf32>, vector<200x8xf32>, vector<200x8xf32> -> vector<200x64xf32>
    %get3A_182 = arith.constant 8 : index
    %get3A_183 = arith.constant 0 : index
    %get3A_184 = arith.constant 0 : index
    %get3A_185 = vector.load %arg1[%get3A_182, %get3A_183, %get3A_184] : memref<36x200x8xf32, #tpu.memory_space<vmem>>, vector<1x200x8xf32>
    %get3A_186 = vector.shape_cast %get3A_185 : vector<1x200x8xf32> to vector<200x8xf32>
    %get3A_187 = arith.constant 17 : index
    %get3A_188 = arith.constant 0 : index
    %get3A_189 = arith.constant 0 : index
    %get3A_190 = vector.load %arg1[%get3A_187, %get3A_188, %get3A_189] : memref<36x200x8xf32, #tpu.memory_space<vmem>>, vector<1x200x8xf32>
    %get3A_191 = vector.shape_cast %get3A_190 : vector<1x200x8xf32> to vector<200x8xf32>
    %add3A_192 = arith.addf %get3A_186, %get3A_191 : vector<200x8xf32>
    %get3A_193 = arith.constant 26 : index
    %get3A_194 = arith.constant 0 : index
    %get3A_195 = arith.constant 0 : index
    %get3A_196 = vector.load %arg1[%get3A_193, %get3A_194, %get3A_195] : memref<36x200x8xf32, #tpu.memory_space<vmem>>, vector<1x200x8xf32>
    %get3A_197 = vector.shape_cast %get3A_196 : vector<1x200x8xf32> to vector<200x8xf32>
    %add3A_198 = arith.addf %add3A_192, %get3A_197 : vector<200x8xf32>
    %get3A_199 = arith.constant 35 : index
    %get3A_200 = arith.constant 0 : index
    %get3A_201 = arith.constant 0 : index
    %get3A_202 = vector.load %arg1[%get3A_199, %get3A_200, %get3A_201] : memref<36x200x8xf32, #tpu.memory_space<vmem>>, vector<1x200x8xf32>
    %get3A_203 = vector.shape_cast %get3A_202 : vector<1x200x8xf32> to vector<200x8xf32>
    %add3A_204 = arith.addf %add3A_198, %get3A_203 : vector<200x8xf32>
    %slice3A = vector.extract_strided_slice %add3A_204 {offsets = [0, 0], sizes = [200, 1], strides = [1, 1]} : vector<200x8xf32> to vector<200x1xf32>
    %get3A_205 = arith.constant 0 : index
    %get3A_206 = arith.constant 0 : index
    %get3A_207 = vector.load %arg2[%get3A_205, %get3A_206] : memref<1x64xf32, #tpu.memory_space<vmem>>, vector<1x64xf32>
    %dot_general3A = arith.constant dense<0.000000e+00> : vector<200x64xf32>
    %dot_general3A_208 = tpu.matmul %slice3A, %get3A_207, %dot_general3A {dimension_numbers = #tpu.dot_dimension_numbers<[1], [0], [0], [1], [0, 0, 1, 1], [], []>, precision = #tpu.contract_precision<fp32>, transpose_lhs_hint = false} : vector<200x1xf32>, vector<1x64xf32>, vector<200x64xf32> -> vector<200x64xf32>
    %add3A_209 = arith.constant 1.000000e-16 : f32
    %add3A_210 = vector.broadcast %add3A_209 : f32 to vector<200x64xf32>
    %add3A_211 = arith.addf %dot_general3A_208, %add3A_210 : vector<200x64xf32>
    %div3A = arith.divf %concatenate3A, %add3A_211 : vector<200x64xf32>
    %get3A_212 = arith.constant 0 : index
    %get3A_213 = arith.constant 0 : index
    %get3A_214 = vector.load %arg3[%get3A_212, %get3A_213] : memref<1x64xf32, #tpu.memory_space<vmem>>, vector<1x64xf32>
    %add3A_215 = vector.broadcast %get3A_214 : vector<1x64xf32> to vector<200x64xf32>
    %add3A_216 = arith.addf %div3A, %add3A_215 : vector<200x64xf32>
    %reduce_max3A = arith.constant dense<0xFF800000> : vector<200xf32>
    %reduce_max3A_217 = vector.multi_reduction <maximumf>, %add3A_216, %reduce_max3A [1] : vector<200x64xf32> to vector<200xf32>
    %broadcast_in_dim3A = vector.shape_cast %reduce_max3A_217 : vector<200xf32> to vector<200x1xf32>
    %sub3A = vector.broadcast %broadcast_in_dim3A : vector<200x1xf32> to vector<200x64xf32>
    %sub3A_218 = arith.subf %add3A_216, %sub3A : vector<200x64xf32>
    %exp3A = math.exp %sub3A_218 : vector<200x64xf32>
    %reduce_sum3A = arith.constant dense<0.000000e+00> : vector<200xf32>
    %reduce_sum3A_219 = vector.multi_reduction <add>, %exp3A, %reduce_sum3A [1] : vector<200x64xf32> to vector<200xf32>
    %broadcast_in_dim3A_220 = vector.shape_cast %reduce_sum3A_219 : vector<200xf32> to vector<200x1xf32>
    %log3A = math.log %broadcast_in_dim3A_220 : vector<200x1xf32>
    %sub3A_221 = vector.broadcast %log3A : vector<200x1xf32> to vector<200x64xf32>
    %sub3A_222 = arith.subf %sub3A_218, %sub3A_221 : vector<200x64xf32>
    %swap3A = arith.constant 0 : index
    %swap3A_223 = arith.constant 0 : index
    %swap3A_224 = vector.load %arg4[%swap3A, %swap3A_223] : memref<200x64xf32, #tpu.memory_space<vmem>>, vector<200x64xf32>
    tpu.vector_store %arg4[%swap3A, %swap3A_223], %sub3A_222 {strides = array<i32>} : memref<200x64xf32, #tpu.memory_space<vmem>>, vector<200x64xf32>,
    return
  }
  func.func @transform_0(%arg0: i32) -> (i32, i32, i32) {
    %c0_i32 = arith.constant 0 : i32
    %c0_i32_0 = arith.constant 0 : i32
    %c0_i32_1 = arith.constant 0 : i32
    return %c0_i32, %arg0, %c0_i32_0 : i32, i32, i32
  }
  func.func @transform_1(%arg0: i32) -> (i32, i32) {
    %c0_i32 = arith.constant 0 : i32
    %c0_i32_0 = arith.constant 0 : i32
    %c0_i32_1 = arith.constant 0 : i32
    return %c0_i32, %c0_i32_0 : i32, i32
  }
  func.func @transform_2(%arg0: i32) -> (i32, i32) {
    %c0_i32 = arith.constant 0 : i32
    %c0_i32_0 = arith.constant 0 : i32
    %c0_i32_1 = arith.constant 0 : i32
    return %c0_i32, %c0_i32_0 : i32, i32
  }
  func.func @transform_3(%arg0: i32) -> (i32, i32) {
    %c0_i32 = arith.constant 0 : i32
    %c0_i32_0 = arith.constant 0 : i32
    return %arg0, %c0_i32 : i32, i32
  }
}

</mosaic_0001>

<sc_bundles>
// kernel: kernel.12.cloned.1.call-start
scs
__scs_entry_jumppad:
0x0: {  	(pc) =	sbr.rel $0x88, $3  }
0x1: {  	(tag) =	ssettag $0x0;
	lr =	simm.s32 $0x1  }
0x2: {  	[smem:$0x3F97] =	sst lr;
	_ =	strace $0xD0000000  }
0x3: {  	_ = 	snop  }
0x4: {  	_ = 	snop  }
0x5: {  	_ = 	snop  }
0x6: {  	_ = 	snop  }
0x7: {  	_ = 	snop  }
__scs_overlays_trampoline_lowered:
0x8: {  	[smem:$0x3FA6] =	sst s0  }
0x9: {  	[smem:$0x3FA7] =	sst s1  }
0xa: {  	[smem:$0x3FA8] =	sst s2  }
0xb: {  	[smem:$0x3FA9] =	sst s3  }
0xc: {  	[smem:$0x3FAA] =	sst s4  }
0xd: {  	[smem:$0x3FAB] =	sst s5  }
0xe: {  	[smem:$0x3FAC] =	sst s6  }
0xf: {  	[smem:$0x3FAD] =	sst s7  }
0x10: {  	[smem:$0x3FAE] =	sst s8  }
0x11: {  	[smem:$0x3FAF] =	sst s9;
	s0 =	simm.s32 @!p0 $0x0  }
0x12: {  	s1 =	sld [smem:$0x3F95];
	s0 =	simm.s32 @p0 $0x1  }
0x13: {  	[smem:$0x3FB0] =	sst s0;
	s0 =	simm.s32 @!p1 $0x0  }
0x14: {  	s2 =	sld [smem:$0x3F94];
	s0 =	simm.s32 @p1 $0x1  }
0x15: {  	[smem:$0x3FB1] =	sst s0;
	s0 =	simm.s32 @!p2 $0x0  }
0x16: {  	s3 =	sld [smem:$0x3FDB];
	s0 =	simm.s32 @p2 $0x1  }
0x17: {  	s4 =	simm.s32 $0x1BF5;
	[smem:$0x3FB3] =	sst s0  }
0x18: {  	s0 =	sld [smem:$0x3F96];
	_ =	swait.ge [sflag:s4], $0x0  }
0x19: {  	s7 =	sld [smem:$0x3F97]  }
0x1a: {  	s8 =	sadd.s32 $0xFFFFE003, lr  }
0x1b: {  	s9 =	sadd.s32 $0xFFFFFEF7, lr;
	s5 =	simm.s32 $0xFFFFFFFF;
	p2 =	slt.u32 s8, $0xFFFFF086  }
0x1c: {  	p1 =	slt.u32 s9, $0xF7A;
	s5 =	simm.s32 @!p2 $0x0  }
0x1d: {  	s5 =	simm.s32 @p1 $0x1;
	p0 =	seq.s32 s7, s2  }
0x1e: {  	s7 =	smul.u32 @!p0 $0xF7A, s2;
	p2 =	seq.s32 @!p0 s5, $0x0  }
0x1f: {  	s9 =	smul.u32 $0xF7A, s1;
	s8 =	simm.s32 @!p0 $0x1BF5;
	p2 =	por !p2, p0  }
0x20: {  	[sflag:s8] =	ssyncset.s32 @!p0 $0xFFFFF086;
	s6 =	sadd.s32 @!p0 s3, s7;
	s7 =	simm.s32 @!p0 $0x108  }
0x21: {  	s3 =	sadd.s32 s3, s9;
	s6 =	sadd.s32 @!p0 $0x88, s6;
	s7 =	simm.s32 @p2 $0x1082  }
0x22: {  	[simem:s7], [sflag:s8] =	dma.local @!p0 [hbm:s6], $0xF7A  }
0x23: {  	s9 =	sor.u32 $0xD0000000, s2;
	s6 =	simm.s32 $0x108;
	_ =	swait.ge @!p0 [sflag:s8], $0x0  }
0x24: {  	s3 =	sadd.s32 $0x88, s3;
	s6 =	simm.s32 @!p1 $0x1082;
	[sflag:s4] =	ssyncset.s32 $0xFFFFF086  }
0x25: {  	[simem:s6], [sflag:s4] =	dma.local [hbm:s3], $0xF7A  }
0x26: {  	[smem:$0x3F97] =	sst s1;
	(tag) =	ssettag s2;
	_ =	strace s9  }
0x27: {  	s1 =	sld [smem:$0x3FA7]  }
0x28: {  	s2 =	sld [smem:$0x3FA8]  }
0x29: {  	s4 =	sld [smem:$0x3FAA]  }
0x2a: {  	p0 =	seq.s32 s5, $0x0;
	s5 =	sld [smem:$0x3FAB]  }
0x2b: {  	s6 =	sld [smem:$0x3FAC]  }
0x2c: {  	s7 =	sld [smem:$0x3FAD]  }
0x2d: {  	s3 =	simm.s32 $0x108;
	s8 =	sld [smem:$0x3FAE]  }
0x2e: {  	s3 =	simm.s32 @!p0 $0x1082;
	s9 =	sld [smem:$0x3FAF]  }
0x2f: {  	lr =	sadd.s32 s0, s3;
	s0 =	sld [smem:$0x3FA6]  }
0x30: {  	s3 =	sld [smem:$0x3FA9]  }
0x31: {  	[smem:$0x3FB2] =	sst s10  }
0x32: {  	s10 =	sld [smem:$0x3FB0];
	_ =	sdelay $0x3  }
0x33: {  	p0 =	seq.s32 s10, $0x1;
	s10 =	sld [smem:$0x3FB2];
	_ =	sdelay $0x3  }
0x34: {  	[smem:$0x3FB2] =	sst s10  }
0x35: {  	s10 =	sld [smem:$0x3FB1];
	_ =	sdelay $0x3  }
0x36: {  	p1 =	seq.s32 s10, $0x1;
	s10 =	sld [smem:$0x3FB2];
	_ =	sdelay $0x3  }
0x37: {  	[smem:$0x3FB2] =	sst s10  }
0x38: {  	s10 =	sld [smem:$0x3FB3]  }
0x39: {  	_ = 	snop;
	(pc) =	sbr.ind lr, $3  }
0x3a: {  	_ = 	snop  }
0x3b: {  	_ = 	snop  }
0x3c: {  	p2 =	seq.s32 s10, $0x1;
	s10 =	sld [smem:$0x3FB2]  }
0x3d: {  	_ =	shalt  }
0x3e: {  	_ =	shalt  }
0x3f: {  	_ =	shalt  }
0x40: {  	_ =	shalt  }
0x41: {  	_ =	shalt  }
0x42: {  	_ =	shalt  }
0x43: {  	_ =	shalt  }
0x44: {  	_ =	shalt  }
0x45: {  	_ =	shalt  }
0x46: {  	_ =	shalt  }
0x47: {  	_ =	shalt  }
0x48: {  	_ =	shalt  }
0x49: {  	_ =	shalt  }
0x4a: {  	_ =	shalt  }
0x4b: {  	_ =	shalt  }
0x4c: {  	_ =	shalt  }
0x4d: {  	_ =	shalt  }
0x4e: {  	_ =	shalt  }
0x4f: {  	_ =	shalt  }
0x50: {  	_ =	shalt  }
0x51: {  	_ =	shalt  }
0x52: {  	_ =	shalt  }
0x53: {  	_ =	shalt  }
0x54: {  	_ =	shalt  }
0x55: {  	_ =	shalt  }
0x56: {  	_ =	shalt  }
0x57: {  	_ =	shalt  }
0x58: {  	_ =	shalt  }
0x59: {  	_ =	shalt  }
0x5a: {  	_ =	shalt  }
0x5b: {  	_ =	shalt  }
0x5c: {  	_ =	shalt  }
0x5d: {  	_ =	shalt  }
0x5e: {  	_ =	shalt  }
0x5f: {  	_ =	shalt  }
0x60: {  	_ =	shalt  }
0x61: {  	_ =	shalt  }
0x62: {  	_ =	shalt  }
0x63: {  	_ =	shalt  }
0x64: {  	_ =	shalt  }
0x65: {  	_ =	shalt  }
0x66: {  	_ =	shalt  }
0x67: {  	_ =	shalt  }
0x68: {  	_ =	shalt  }
0x69: {  	_ =	shalt  }
0x6a: {  	_ =	shalt  }
0x6b: {  	_ =	shalt  }
0x6c: {  	_ =	shalt  }
0x6d: {  	_ =	shalt  }
0x6e: {  	_ =	shalt  }
0x6f: {  	_ =	shalt  }
0x70: {  	_ =	shalt  }
0x71: {  	_ =	shalt  }
0x72: {  	_ =	shalt  }
0x73: {  	_ =	shalt  }
0x74: {  	_ =	shalt  }
0x75: {  	_ =	shalt  }
0x76: {  	_ =	shalt  }
0x77: {  	_ =	shalt  }
0x78: {  	_ =	shalt  }
0x79: {  	_ =	shalt  }
0x7a: {  	_ =	shalt  }
0x7b: {  	_ =	shalt  }
0x7c: {  	_ =	shalt  }
0x7d: {  	_ =	shalt  }
0x7e: {  	_ =	shalt  }
0x7f: {  	_ =	shalt  }
0x80: {  	_ =	shalt  }
0x81: {  	_ =	shalt  }
0x82: {  	_ =	shalt  }
0x83: {  	_ =	shalt  }
0x84: {  	_ =	shalt  }
0x85: {  	_ =	shalt  }
0x86: {  	_ =	shalt  }
0x87: {  	_ =	shalt  }
.Lfunc_end0:
.L_simem_size_0:
called_computation_lowered:
.L_overlay_start_0:
0x88: {  	s2 =	sld [smem:$0x3FD9]  }
0x89: {  	s3 =	sld [smem:$0x3FFE];
	_ =	sdelay $0x1  }
0x8a: {  	s1 =	srdreg.scid  }
0x8b: {  	s0 =	sand.u32 $0x1, s1  }
0x8c: {  	s17 =	sshll.u32 s0, $0xA;
	s2 =	sadd.s32 s3, s2  }
0x8d: {  	s2 =	sadd.s32 s2, s17  }
0x8e: {  	[smem:$0x3FBE] =	sst s2  }
0x8f: {  	_ = 	snop  }
0x90: {  	s2 =	sld [smem:$0x3FD0];
	(tm) =	ssettm $0x1  }
0x91: {  	s18 =	sld [smem:$0x3FFB];
	_ =	sdelay $0x3  }
0x92: {  	_ =	strace s18  }
0x93: {  	s3 =	sld [smem:$0x3FFC];
	_ =	sdelay $0x3  }
0x94: {  	_ =	strace s3  }
0x95: {  	s3 =	sld [smem:$0x3FFD];
	_ =	sdelay $0x3  }
0x96: {  	_ =	strace s3  }
0x97: {  	_ =	strace $0x8FFFFFFF  }
0x98: {  	s19 =	sld [smem:$0x3FDB];
	_ =	sdelay $0x1  }
0x99: {  	s4 =	simm.s32 $_scs_section_size  }
0x9a: {  	s5 =	simm.s32 $_size__tile_overlayer_lowered;
	s6 =	simm.s32 $_tile_overlayer_lowered  }
0x9b: {  	s22 =	simm.s32 $0x1BFF;
	s21 =	sshll.u32 s6, $0x1;
	s3 =	sadd.s32 s4, s19  }
0x9c: {  	s7 =	simm.s32 $0x0;
	s20 =	sshll.u32 s5, $0x1;
	s5 =	sadd.s32 s21, s3  }
0x9d: {  	[timem:s7], [sflag:s22] =	dma.local [hbm:s5], s20  }
0x9e: {  	_ =	swait.ge [sflag:s22], s20  }
0x9f: {  	s4 =	ssub.s32 $0x0, s20;
	[sflag:s22] =	ssyncset.done $0x0  }
0xa0: {  	[sflag:s22] =	ssyncadd.s32 s4;
	_ =	sdelay $0x1  }
0xa1: {  	s23 =	simm.s32 $0x1B8B  }
0xa2: {  	_ =	swait.ge [sflag:s23], $0x1  }
0xa3: {  	[sflag:s23] =	ssyncset.done $0x0  }
0xa4: {  	s25 =	simm.s32 $0x1B8E;
	s24 =	sld [smem:$0x3FFE];
	[sflag:s23] =	ssyncadd.s32 $0xFFFFFFFF  }
0xa5: {  	s26 =	simm.s32 $execute0_lowered;
	[smem:$0x3FD2] =	sst s25  }
0xa6: {  	s5 =	sshll.u32 s26, $0x1;
	_ =	strace $0x80000046;
	[dreg:$0x1] =	wrdreg $0xFFFFFFFF  }
0xa7: {  	s28 =	simm.s32 $_size_execute0_lowered;
	s3 =	sadd.s32 s3, s5;
	[dreg:$0x0] =	wrdreg $0x0  }
0xa8: {  	s5 =	sshll.u32 s28, $0x1;
	[dreg:$0x2] =	wrdreg s3  }
0xa9: {  	[dreg:$0x3] =	wrdreg s5  }
0xaa: {  	[dreg:$0x4] =	wrdreg $0xC0  }
0xab: {  	_ =	task [dreg:s7], $0x5FFFF  }
0xac: {  	[dreg:$0x1] =	wrdreg $0xFFFFFFFF  }
0xad: {  	[dreg:$0x0] =	wrdreg $0x60  }
0xae: {  	[dreg:$0x2] =	wrdreg s24  }
0xaf: {  	[dreg:$0x3] =	wrdreg s2  }
0xb0: {  	[dreg:$0x4] =	wrdreg $0x9  }
0xb1: {  	_ =	task.clear_ibuf [dreg:s7], $0x5FFFF;
	_ =	strace $0x90000046  }
0xb2: {  	s29 =	simm.s32 $0x9;
	_ =	strace $0x80000048  }
0xb3: {  	_ =	swait.ge [sflag:s29], $0x1  }
0xb4: {  	[sflag:s29] =	ssyncadd.s32 $0xFFFFFFFF  }
0xb5: {  	_ =	strace $0x90000048  }
0xb6: {  	_ =	sfence  }
0xb7: {  	s30 =	sld [smem:$0x0];
	_ =	sdelay $0x2  }
0xb8: {  	s31 =	sshll.u32 s1, $0xD;
	s1 =	sshrl.u32 s1, $0x2  }
0xb9: {  	s3 =	sand.u32 $0x4000, s31;
	s1 =	sadd.s32 s1, s30  }
0xba: {  	s0 =	sor.u32 s3, s0;
	s1 =	sshll.u32 s1, $0x11  }
0xbb: {  	s0 =	sor.u32 s1, s0  }
0xbc: {  	s0 =	sadd.s32 $0x8F2B, s0  }
0xbd: {  	[sflag:s0] =	ssyncadd.remote.s32 $0x1  }
0xbe: {  	_ =	sfence.sel $0xFFFF  }
0xbf: {  	[dreg:$0x0] =	wrdreg $0xFFFFFFFF;
	(pc) =	sbr.abs _section_cstart, $3  }
0xc0: {  	[dreg:$0x1] =	wrdreg $0xFFFFFFFF  }
0xc1: {  	_ =	task.clear_ibuf [dreg:s7], $0x2FFFF;
	_ =	strace $0x9FFFFFFF  }
0xc2: {  	(tm) =	ssettm $0x7FFFFFFF  }
0xc3: {  	_ =	shalt  }
tec
execute0_lowered:
.L_overlay_start_1:
0x0: {  	(tag) =	ssettag $0x1  }
0x1: {  	s5 =	rddreg [dreg:$0x0]  }
0x2: {  	s0 =	rddreg [dreg:$0x1]  }
0x3: {  	s2 =	simm.s32 $0x0;
	[dreg:$0x4] =	wrdreg s0  }
0x4: {  	[smem:$0x7FF] =	sst s2;
	s7 =	sadd.s32 $0x3A00, s5  }
0x5: {  	s12 =	simm.s32 $0x80;
	_ =	strace $0x80000047;
	[dreg:$0x3] =	wrdreg s7  }
0x6: {  	s13 =	simm.s32 $0x900;
	[dreg:$0x6] =	wrdreg s12  }
0x7: {  	s14 =	simm.s32 $0x1100;
	[dreg:$0x7] =	wrdreg s13  }
0x8: {  	s15 =	simm.s32 $0x1900;
	[dreg:$0x8] =	wrdreg s14  }
0x9: {  	s16 =	simm.s32 $0x2100;
	[dreg:$0x9] =	wrdreg s15  }
0xa: {  	s17 =	simm.s32 $0x2900;
	[dreg:$0xa] =	wrdreg s16  }
0xb: {  	s18 =	simm.s32 $0x3100;
	[dreg:$0xb] =	wrdreg s17  }
0xc: {  	s8 =	simm.s32 $0x3900;
	[dreg:$0xc] =	wrdreg s18  }
0xd: {  	s20 =	simm.s32 $0x4100;
	[dreg:$0xd] =	wrdreg s8  }
0xe: {  	s21 =	simm.s32 $0x4900;
	[dreg:$0xe] =	wrdreg s20  }
0xf: {  	s23 =	simm.s32 $0x5100;
	[dreg:$0xf] =	wrdreg s21  }
0x10: {  	s1 =	stileid.u32;
	s24 =	simm.s32 $0x5900;
	[dreg:$0x10] =	wrdreg s23  }
0x11: {  	s3 =	srdreg.scid;
	s25 =	simm.s32 $0x6100;
	[dreg:$0x11] =	wrdreg s24  }
0x12: {  	s26 =	simm.s32 $0x6900;
	s28 =	simm.s32 $0x7100;
	[dreg:$0x12] =	wrdreg s25  }
0x13: {  	s29 =	simm.s32 $0x7900;
	s30 =	simm.s32 $0x8900;
	[dreg:$0x13] =	wrdreg s26  }
0x14: {  	s31 =	simm.s32 $0x9100;
	s11 =	smul.u32 $0x500, s1;
	[dreg:$0x14] =	wrdreg s28  }
0x15: {  	s6 =	sand.u32 $0x1, s3;
	s19 =	smul.u32 $0x50000, s1;
	[dreg:$0x15] =	wrdreg s29  }
0x16: {  	s10 =	simm.s32 $0x8100;
	s4 =	smul.u32 $0x280, s6;
	[dreg:$0x16] =	wrdreg s30  }
0x17: {  	s22 =	ssub.s32 $0x2, s6;
	s6 =	smul.u32 $0x28000, s6;
	[dreg:$0x17] =	wrdreg s31  }
0x18: {  	s12 =	simm.s32 $0xA900;
	s13 =	simm.s32 $0xB100;
	s14 =	simm.s32 $0xB900  }
0x19: {  	s15 =	simm.s32 $0xC100;
	s16 =	simm.s32 $0xC900;
	s17 =	simm.s32 $0xD100  }
0x1a: {  	s18 =	simm.s32 $0xD900;
	s20 =	simm.s32 $0xE900;
	s21 =	simm.s32 $0xF100  }
0x1b: {  	s23 =	simm.s32 $0x1;
	s24 =	simm.s32 $0x2;
	s25 =	simm.s32 $0x0  }
0x1c: {  	s7 =	sadd.s32 s19, s5;
	s9 =	sshrl.u32 s22, $0x1;
	s19 =	simm.s32 $0xE100  }
0x1d: {  	s3 =	sadd.s32 s4, s11;
	s4 =	sadd.s32 $0x56C00, s5;
	s8 =	ssub.s32 s22, s9  }
0x1e: {  	s7 =	sadd.s32 s6, s7;
	s11 =	simm.s32 $0x9900;
	s9 =	simm.s32 $0x100  }
0x1f: {  	v2 =	vlaneseq.u32;
	s22 =	simm.s32 $0xF900;
	[dreg:$0x5] =	wrdreg s3;
	s3 =	sadd.s32 $0x8A00, s5  }
0x20: {  	vm0 =	vmmov $0xffff;
	v1 =	vshrl.u32 v2, $0x3;
	s5 =	smax.u32 s8, $0x1;
	s6 =	sadd.s32 $0x5A4E00, s7;
	s7 =	sadd.s32 $0xA4E00, s7  }
0x21: {  	v0 =	vand.u32 $0x7, v2;
	v2 =	vor.u32 $0x8, v2;
	v1 =	vmul.u32 $0x8, v1;
	s8 =	simm.s32 $0x3;
	[dreg:$0x18] =	wrdreg s11;
	s11 =	simm.s32 $0xA100  }
.LBB2_1:
0x22: {  	s26 =	smov.u32 s7;
	s28 =	smov.u32 s6;
	s29 =	simm.s32 $0x0  }
.LBB2_2:
0x23: {  	s30 =	rddreg [dreg:$0x5]  }
0x24: {  	s30 =	sadd.s32 s29, s30  }
0x25: {  	s0 =	sand.u32 $0x70, s29;
	s30 =	sand.u32 $0xFFFFF80, s30  }
0x26: {  	s31 =	rddreg [dreg:$0x3];
	s0 =	sor.u32 s0, s30  }
0x27: {  	s30 =	sadd.s32 s31, s0  }
0x28: {  	[tilespmem:s2], [sflag:$0x3] =	stream.linear.gather [hbm4b:s30+s2], $0x80, $0x38;
	[tilespmem:$0x10100] =	vst v63  }
0x29: {  	_ =	swait.ge [sflag:s8], $0x80  }
0x2a: {  	s30 =	rddreg [dreg:$0x4];
	[sflag:s8] =	ssyncset.done $0x0  }
0x2b: {  	s31 =	rddreg [dreg:$0x6];
	s0 =	sadd.s32 s30, s0;
	[sflag:s8] =	ssyncadd.s32 $0xFFFFFF80  }
0x2c: {  	[tilespmem:s31], [sflag:$0x3] =	stream.linear.gather [hbm4b:s0+s2], $0x80, $0x38;
	[tilespmem:$0x10100] =	vst v63  }
0x2d: {  	_ =	swait.ge [sflag:s8], $0x80  }
0x2e: {  	[sflag:s8] =	ssyncset.done $0x0  }
0x2f: {  	[sflag:s8] =	ssyncadd.s32 $0xFFFFFF80  }
0x30: {  	v3 =	vld [tilespmem:$0x0];
	_ =	sdelay $0x4  }
0x31: {  	v4 =	vshll.u32 v3, $0x1  }
0x32: {  	v3 =	vand.u32 $0x7, v3;
	v4 =	vand.u32 $0xFFFFFFF0, v4  }
0x33: {  	v3 =	vor.u32 v3, v4  }
0x34: {  	v4 =	vperm.xlane v3, v0;
	_ =	sdelay $0x1  }
0x35: {  	v3 =	vperm.xlane v3, v2;
	v4 =	vadd.s32 v1, v4;
	_ =	sdelay $0x1  }
0x36: {  	v3 =	vadd.s32 v1, v3;
	_ =	sdelay $0x2  }
0x37: {  	[tilespmem:s9], [sflag:$0x1] =	stream.indirect_vreg.gather [hbm4b:s3+s2], $0x80, v4, vm0, $0xb8;
	[tilespmem:$0x10100] =	vst v63  }
0x38: {  	s30 =	rddreg [dreg:$0x7]  }
0x39: {  	[tilespmem:s30], [sflag:$0x1] =	stream.indirect_vreg.gather [hbm4b:s3+s2], $0x80, v3, vm0, $0xb8;
	[tilespmem:$0x10100] =	vst v63  }
0x3a: {  	v3 =	vld [tilespmem:$0x10];
	_ =	sdelay $0x4  }
0x3b: {  	v49 =	vshll.u32 v3, $0x1  }
0x3c: {  	v3 =	vand.u32 $0x7, v3;
	v4 =	vand.u32 $0xFFFFFFF0, v49  }
0x3d: {  	v3 =	vor.u32 v3, v4  }
0x3e: {  	v4 =	vperm.xlane v3, v0;
	_ =	sdelay $0x1  }
0x3f: {  	v3 =	vperm.xlane v3, v2;
	v4 =	vadd.s32 v1, v4;
	_ =	sdelay $0x1  }
0x40: {  	v3 =	vadd.s32 v1, v3;
	_ =	sdelay $0x1  }
0x41: {  	s0 =	rddreg [dreg:$0x8]  }
0x42: {  	[tilespmem:s0], [sflag:$0x1] =	stream.indirect_vreg.gather [hbm4b:s3+s2], $0x80, v4, vm0, $0xb8;
	[tilespmem:$0x10100] =	vst v63  }
0x43: {  	s31 =	rddreg [dreg:$0x9]  }
0x44: {  	[tilespmem:s31], [sflag:$0x1] =	stream.indirect_vreg.gather [hbm4b:s3+s2], $0x80, v3, vm0, $0xb8;
	[tilespmem:$0x10100] =	vst v63  }
0x45: {  	v3 =	vld [tilespmem:$0x20];
	_ =	sdelay $0x4  }
0x46: {  	v50 =	vshll.u32 v3, $0x1  }
0x47: {  	v3 =	vand.u32 $0x7, v3;
	v4 =	vand.u32 $0xFFFFFFF0, v50  }
0x48: {  	v3 =	vor.u32 v3, v4  }
0x49: {  	v4 =	vperm.xlane v3, v0;
	_ =	sdelay $0x1  }
0x4a: {  	v3 =	vperm.xlane v3, v2;
	v4 =	vadd.s32 v1, v4;
	_ =	sdelay $0x1  }
0x4b: {  	v3 =	vadd.s32 v1, v3;
	_ =	sdelay $0x1  }
0x4c: {  	s0 =	rddreg [dreg:$0xa]  }
0x4d: {  	[tilespmem:s0], [sflag:$0x1] =	stream.indirect_vreg.gather [hbm4b:s3+s2], $0x80, v4, vm0, $0xb8;
	[tilespmem:$0x10100] =	vst v63  }
0x4e: {  	s31 =	rddreg [dreg:$0xb]  }
0x4f: {  	[tilespmem:s31], [sflag:$0x1] =	stream.indirect_vreg.gather [hbm4b:s3+s2], $0x80, v3, vm0, $0xb8;
	[tilespmem:$0x10100] =	vst v63  }
0x50: {  	v3 =	vld [tilespmem:$0x30];
	_ =	sdelay $0x4  }
0x51: {  	v51 =	vshll.u32 v3, $0x1  }
0x52: {  	v3 =	vand.u32 $0x7, v3;
	v4 =	vand.u32 $0xFFFFFFF0, v51  }
0x53: {  	v3 =	vor.u32 v3, v4  }
0x54: {  	v4 =	vperm.xlane v3, v0;
	_ =	sdelay $0x1  }
0x55: {  	v3 =	vperm.xlane v3, v2;
	v4 =	vadd.s32 v1, v4;
	_ =	sdelay $0x1  }
0x56: {  	v3 =	vadd.s32 v1, v3;
	_ =	sdelay $0x1  }
0x57: {  	s0 =	rddreg [dreg:$0xc]  }
0x58: {  	[tilespmem:s0], [sflag:$0x1] =	stream.indirect_vreg.gather [hbm4b:s3+s2], $0x80, v4, vm0, $0xb8;
	[tilespmem:$0x10100] =	vst v63  }
0x59: {  	s31 =	rddreg [dreg:$0xd]  }
0x5a: {  	[tilespmem:s31], [sflag:$0x1] =	stream.indirect_vreg.gather [hbm4b:s3+s2], $0x80, v3, vm0, $0xb8;
	[tilespmem:$0x10100] =	vst v63  }
0x5b: {  	v3 =	vld [tilespmem:$0x40];
	_ =	sdelay $0x4  }
0x5c: {  	v52 =	vshll.u32 v3, $0x1  }
0x5d: {  	v3 =	vand.u32 $0x7, v3;
	v4 =	vand.u32 $0xFFFFFFF0, v52  }
0x5e: {  	v3 =	vor.u32 v3, v4  }
0x5f: {  	v4 =	vperm.xlane v3, v0;
	_ =	sdelay $0x1  }
0x60: {  	v3 =	vperm.xlane v3, v2;
	v4 =	vadd.s32 v1, v4;
	_ =	sdelay $0x1  }
0x61: {  	v3 =	vadd.s32 v1, v3;
	_ =	sdelay $0x1  }
0x62: {  	s0 =	rddreg [dreg:$0xe]  }
0x63: {  	[tilespmem:s0], [sflag:$0x1] =	stream.indirect_vreg.gather [hbm4b:s3+s2], $0x80, v4, vm0, $0xb8;
	[tilespmem:$0x10100] =	vst v63  }
0x64: {  	s31 =	rddreg [dreg:$0xf]  }
0x65: {  	[tilespmem:s31], [sflag:$0x1] =	stream.indirect_vreg.gather [hbm4b:s3+s2], $0x80, v3, vm0, $0xb8;
	[tilespmem:$0x10100] =	vst v63  }
0x66: {  	v3 =	vld [tilespmem:$0x50];
	_ =	sdelay $0x4  }
0x67: {  	v53 =	vshll.u32 v3, $0x1  }
0x68: {  	v3 =	vand.u32 $0x7, v3;
	v4 =	vand.u32 $0xFFFFFFF0, v53  }
0x69: {  	v3 =	vor.u32 v3, v4  }
0x6a: {  	v4 =	vperm.xlane v3, v0;
	_ =	sdelay $0x1  }
0x6b: {  	v3 =	vperm.xlane v3, v2;
	v4 =	vadd.s32 v1, v4;
	_ =	sdelay $0x1  }
0x6c: {  	v3 =	vadd.s32 v1, v3;
	_ =	sdelay $0x1  }
0x6d: {  	s0 =	rddreg [dreg:$0x10]  }
0x6e: {  	[tilespmem:s0], [sflag:$0x1] =	stream.indirect_vreg.gather [hbm4b:s3+s2], $0x80, v4, vm0, $0xb8;
	[tilespmem:$0x10100] =	vst v63  }
0x6f: {  	s31 =	rddreg [dreg:$0x11]  }
0x70: {  	[tilespmem:s31], [sflag:$0x1] =	stream.indirect_vreg.gather [hbm4b:s3+s2], $0x80, v3, vm0, $0xb8;
	[tilespmem:$0x10100] =	vst v63  }
0x71: {  	v3 =	vld [tilespmem:$0x60];
	_ =	sdelay $0x4  }
0x72: {  	v54 =	vshll.u32 v3, $0x1  }
0x73: {  	v3 =	vand.u32 $0x7, v3;
	v4 =	vand.u32 $0xFFFFFFF0, v54  }
0x74: {  	v3 =	vor.u32 v3, v4  }
0x75: {  	v4 =	vperm.xlane v3, v0;
	_ =	sdelay $0x1  }
0x76: {  	v3 =	vperm.xlane v3, v2;
	v4 =	vadd.s32 v1, v4;
	_ =	sdelay $0x1  }
0x77: {  	v3 =	vadd.s32 v1, v3;
	_ =	sdelay $0x1  }
0x78: {  	s0 =	rddreg [dreg:$0x12]  }
0x79: {  	[tilespmem:s0], [sflag:$0x1] =	stream.indirect_vreg.gather [hbm4b:s3+s2], $0x80, v4, vm0, $0xb8;
	[tilespmem:$0x10100] =	vst v63  }
0x7a: {  	s31 =	rddreg [dreg:$0x13]  }
0x7b: {  	[tilespmem:s31], [sflag:$0x1] =	stream.indirect_vreg.gather [hbm4b:s3+s2], $0x80, v3, vm0, $0xb8;
	[tilespmem:$0x10100] =	vst v63  }
0x7c: {  	v3 =	vld [tilespmem:$0x70];
	_ =	sdelay $0x4  }
0x7d: {  	v55 =	vshll.u32 v3, $0x1  }
0x7e: {  	v3 =	vand.u32 $0x7, v3;
	v4 =	vand.u32 $0xFFFFFFF0, v55  }
0x7f: {  	v3 =	vor.u32 v3, v4  }
0x80: {  	v4 =	vperm.xlane v3, v0;
	_ =	sdelay $0x1  }
0x81: {  	v3 =	vperm.xlane v3, v2;
	v4 =	vadd.s32 v1, v4;
	_ =	sdelay $0x1  }
0x82: {  	v3 =	vadd.s32 v1, v3;
	_ =	sdelay $0x1  }
0x83: {  	s0 =	rddreg [dreg:$0x14]  }
0x84: {  	[tilespmem:s0], [sflag:$0x1] =	stream.indirect_vreg.gather [hbm4b:s3+s2], $0x80, v4, vm0, $0xb8;
	[tilespmem:$0x10100] =	vst v63  }
0x85: {  	s31 =	rddreg [dreg:$0x15]  }
0x86: {  	[tilespmem:s31], [sflag:$0x1] =	stream.indirect_vreg.gather [hbm4b:s3+s2], $0x80, v3, vm0, $0xb8;
	[tilespmem:$0x10100] =	vst v63  }
0x87: {  	v3 =	vld [tilespmem:$0x80];
	_ =	sdelay $0x4  }
0x88: {  	v56 =	vshll.u32 v3, $0x1  }
0x89: {  	v3 =	vand.u32 $0x7, v3;
	v4 =	vand.u32 $0xFFFFFFF0, v56  }
0x8a: {  	v3 =	vor.u32 v3, v4  }
0x8b: {  	v4 =	vperm.xlane v3, v0;
	_ =	sdelay $0x1  }
0x8c: {  	v3 =	vperm.xlane v3, v2;
	v4 =	vadd.s32 v1, v4;
	_ =	sdelay $0x1  }
0x8d: {  	v3 =	vadd.s32 v1, v3;
	_ =	sdelay $0x2  }
0x8e: {  	[tilespmem:s10], [sflag:$0x2] =	stream.indirect_vreg.gather [hbm4b:s4+s2], $0x80, v4, vm0, $0xb8;
	[tilespmem:$0x10100] =	vst v63  }
0x8f: {  	s30 =	rddreg [dreg:$0x16]  }
0x90: {  	[tilespmem:s30], [sflag:$0x2] =	stream.indirect_vreg.gather [hbm4b:s4+s2], $0x80, v3, vm0, $0xb8;
	[tilespmem:$0x10100] =	vst v63  }
0x91: {  	v3 =	vld [tilespmem:$0x90];
	_ =	sdelay $0x4  }
0x92: {  	v57 =	vshll.u32 v3, $0x1  }
0x93: {  	v3 =	vand.u32 $0x7, v3;
	v4 =	vand.u32 $0xFFFFFFF0, v57  }
0x94: {  	v3 =	vor.u32 v3, v4  }
0x95: {  	v4 =	vperm.xlane v3, v0;
	_ =	sdelay $0x1  }
0x96: {  	v3 =	vperm.xlane v3, v2;
	v4 =	vadd.s32 v1, v4;
	_ =	sdelay $0x1  }
0x97: {  	v3 =	vadd.s32 v1, v3;
	_ =	sdelay $0x1  }
0x98: {  	s0 =	rddreg [dreg:$0x17]  }
0x99: {  	[tilespmem:s0], [sflag:$0x2] =	stream.indirect_vreg.gather [hbm4b:s4+s2], $0x80, v4, vm0, $0xb8;
	[tilespmem:$0x10100] =	vst v63  }
0x9a: {  	s31 =	rddreg [dreg:$0x18]  }
0x9b: {  	[tilespmem:s31], [sflag:$0x2] =	stream.indirect_vreg.gather [hbm4b:s4+s2], $0x80, v3, vm0, $0xb8;
	[tilespmem:$0x10100] =	vst v63  }
0x9c: {  	v3 =	vld [tilespmem:$0xA0];
	_ =	sdelay $0x4  }
0x9d: {  	v58 =	vshll.u32 v3, $0x1  }
0x9e: {  	v3 =	vand.u32 $0x7, v3;
	v4 =	vand.u32 $0xFFFFFFF0, v58  }
0x9f: {  	v3 =	vor.u32 v3, v4  }
0xa0: {  	v4 =	vperm.xlane v3, v0;
	_ =	sdelay $0x1  }
0xa1: {  	v3 =	vperm.xlane v3, v2;
	v4 =	vadd.s32 v1, v4;
	_ =	sdelay $0x1  }
0xa2: {  	v3 =	vadd.s32 v1, v3;
	_ =	sdelay $0x2  }
0xa3: {  	[tilespmem:s11], [sflag:$0x2] =	stream.indirect_vreg.gather [hbm4b:s4+s2], $0x80, v4, vm0, $0xb8;
	[tilespmem:$0x10100] =	vst v63  }
0xa4: {  	_ = 	snop  }
0xa5: {  	[tilespmem:s12], [sflag:$0x2] =	stream.indirect_vreg.gather [hbm4b:s4+s2], $0x80, v3, vm0, $0xb8;
	[tilespmem:$0x10100] =	vst v63  }
0xa6: {  	v3 =	vld [tilespmem:$0xB0];
	_ =	sdelay $0x4  }
0xa7: {  	v59 =	vshll.u32 v3, $0x1  }
0xa8: {  	v3 =	vand.u32 $0x7, v3;
	v4 =	vand.u32 $0xFFFFFFF0, v59  }
0xa9: {  	v3 =	vor.u32 v3, v4  }
0xaa: {  	v4 =	vperm.xlane v3, v0;
	_ =	sdelay $0x1  }
0xab: {  	v3 =	vperm.xlane v3, v2;
	v4 =	vadd.s32 v1, v4;
	_ =	sdelay $0x1  }
0xac: {  	v3 =	vadd.s32 v1, v3;
	_ =	sdelay $0x2  }
0xad: {  	[tilespmem:s13], [sflag:$0x2] =	stream.indirect_vreg.gather [hbm4b:s4+s2], $0x80, v4, vm0, $0xb8;
	[tilespmem:$0x10100] =	vst v63  }
0xae: {  	_ = 	snop  }
0xaf: {  	[tilespmem:s14], [sflag:$0x2] =	stream.indirect_vreg.gather [hbm4b:s4+s2], $0x80, v3, vm0, $0xb8;
	[tilespmem:$0x10100] =	vst v63  }
0xb0: {  	v3 =	vld [tilespmem:$0xC0];
	_ =	sdelay $0x4  }
0xb1: {  	v60 =	vshll.u32 v3, $0x1  }
0xb2: {  	v3 =	vand.u32 $0x7, v3;
	v4 =	vand.u32 $0xFFFFFFF0, v60  }
0xb3: {  	v3 =	vor.u32 v3, v4  }
0xb4: {  	v4 =	vperm.xlane v3, v0;
	_ =	sdelay $0x1  }
0xb5: {  	v3 =	vperm.xlane v3, v2;
	v4 =	vadd.s32 v1, v4;
	_ =	sdelay $0x1  }
0xb6: {  	v3 =	vadd.s32 v1, v3;
	_ =	sdelay $0x2  }
0xb7: {  	[tilespmem:s15], [sflag:$0x2] =	stream.indirect_vreg.gather [hbm4b:s4+s2], $0x80, v4, vm0, $0xb8;
	[tilespmem:$0x10100] =	vst v63  }
0xb8: {  	_ = 	snop  }
0xb9: {  	[tilespmem:s16], [sflag:$0x2] =	stream.indirect_vreg.gather [hbm4b:s4+s2], $0x80, v3, vm0, $0xb8;
	[tilespmem:$0x10100] =	vst v63  }
0xba: {  	v3 =	vld [tilespmem:$0xD0];
	_ =	sdelay $0x4  }
0xbb: {  	v61 =	vshll.u32 v3, $0x1  }
0xbc: {  	v3 =	vand.u32 $0x7, v3;
	v4 =	vand.u32 $0xFFFFFFF0, v61  }
0xbd: {  	v3 =	vor.u32 v3, v4  }
0xbe: {  	v4 =	vperm.xlane v3, v0;
	_ =	sdelay $0x1  }
0xbf: {  	v3 =	vperm.xlane v3, v2;
	v4 =	vadd.s32 v1, v4;
	_ =	sdelay $0x1  }
0xc0: {  	v3 =	vadd.s32 v1, v3;
	_ =	sdelay $0x2  }
0xc1: {  	[tilespmem:s17], [sflag:$0x2] =	stream.indirect_vreg.gather [hbm4b:s4+s2], $0x80, v4, vm0, $0xb8;
	[tilespmem:$0x10100] =	vst v63  }
0xc2: {  	_ = 	snop  }
0xc3: {  	[tilespmem:s18], [sflag:$0x2] =	stream.indirect_vreg.gather [hbm4b:s4+s2], $0x80, v3, vm0, $0xb8;
	[tilespmem:$0x10100] =	vst v63  }
0xc4: {  	v3 =	vld [tilespmem:$0xE0];
	_ =	sdelay $0x4  }
0xc5: {  	v62 =	vshll.u32 v3, $0x1  }
0xc6: {  	v3 =	vand.u32 $0x7, v3;
	v4 =	vand.u32 $0xFFFFFFF0, v62  }
0xc7: {  	v3 =	vor.u32 v3, v4  }
0xc8: {  	v4 =	vperm.xlane v3, v0;
	_ =	sdelay $0x1  }
0xc9: {  	v3 =	vperm.xlane v3, v2;
	v4 =	vadd.s32 v1, v4;
	_ =	sdelay $0x1  }
0xca: {  	v3 =	vadd.s32 v1, v3;
	_ =	sdelay $0x2  }
0xcb: {  	[tilespmem:s19], [sflag:$0x2] =	stream.indirect_vreg.gather [hbm4b:s4+s2], $0x80, v4, vm0, $0xb8;
	[tilespmem:$0x10100] =	vst v63  }
0xcc: {  	_ = 	snop  }
0xcd: {  	[tilespmem:s20], [sflag:$0x2] =	stream.indirect_vreg.gather [hbm4b:s4+s2], $0x80, v3, vm0, $0xb8;
	[tilespmem:$0x10100] =	vst v63  }
0xce: {  	v3 =	vld [tilespmem:$0xF0];
	_ =	sdelay $0x4  }
0xcf: {  	v63 =	vshll.u32 v3, $0x1  }
0xd0: {  	v3 =	vand.u32 $0x7, v3;
	v4 =	vand.u32 $0xFFFFFFF0, v63  }
0xd1: {  	v3 =	vor.u32 v3, v4  }
0xd2: {  	v4 =	vperm.xlane v3, v0;
	_ =	sdelay $0x1  }
0xd3: {  	v3 =	vperm.xlane v3, v2;
	v4 =	vadd.s32 v1, v4;
	_ =	sdelay $0x1  }
0xd4: {  	v3 =	vadd.s32 v1, v3;
	_ =	sdelay $0x2  }
0xd5: {  	[tilespmem:s21], [sflag:$0x2] =	stream.indirect_vreg.gather [hbm4b:s4+s2], $0x80, v4, vm0, $0xb8;
	[tilespmem:$0x10100] =	vst v63  }
0xd6: {  	_ = 	snop  }
0xd7: {  	[tilespmem:s22], [sflag:$0x2] =	stream.indirect_vreg.gather [hbm4b:s4+s2], $0x80, v3, vm0, $0xb8;
	[tilespmem:$0x10100] =	vst v63  }
0xd8: {  	_ =	swait.ge [sflag:s23], $0x8000  }
0xd9: {  	[sflag:s23] =	ssyncset.done $0x0  }
0xda: {  	[sflag:s23] =	ssyncadd.s32 $0xFFFF8000  }
0xdb: {  	[hbm4b:s26+s2] =	stream.linear.scatter [tilespmem:s9], [sflag:$0x3], $0x8000, $0x38;
	[tilespmem:$0x10100] =	vst v63  }
0xdc: {  	_ =	swait.ge [sflag:s8], $0x8000  }
0xdd: {  	[sflag:s8] =	ssyncset.done $0x0  }
0xde: {  	[sflag:s8] =	ssyncadd.s32 $0xFFFF8000  }
0xdf: {  	_ =	swait.ge [sflag:s24], $0x8000  }
0xe0: {  	p0 =	sne.s32 s29, $0x270;
	[sflag:s24] =	ssyncset.done $0x0  }
.Ltmp0:
0xe1: {  	[sflag:s24] =	ssyncadd.s32 $0xFFFF8000;
	(pc) =	sbr.rel @p0 .LBB2_2-.Ltmp0, $4  }
0xe2: {  	[hbm4b:s28+s2] =	stream.linear.scatter [tilespmem:s10], [sflag:$0x3], $0x8000, $0x38;
	[tilespmem:$0x10100] =	vst v63  }
0xe3: {  	_ =	swait.ge [sflag:s8], $0x8000  }
0xe4: {  	s29 =	sadd.s32 $0x10, s29;
	[sflag:s8] =	ssyncset.done $0x0  }
0xe5: {  	s26 =	sadd.s32 $0x1000, s26;
	s28 =	sadd.s32 $0x1000, s28;
	[sflag:s8] =	ssyncadd.s32 $0xFFFF8000  }
0xe6: {  	s25 =	sadd.s32 $0x1, s25  }
0xe7: {  	p0 =	sne.s32 s25, s5  }
.Ltmp1:
0xe8: {  	_ = 	snop;
	(pc) =	sbr.rel @p0 .LBB2_1-.Ltmp1, $1  }
0xe9: {  	_ =	sdelay $0x3  }
0xea: {  	_ =	sfence.sel $0x180000  }
0xeb: {  	[bflag:$0x0] =	sbarrier.arrive $0xFFFF  }
0xec: {  	_ =	strace $0x90000047  }
0xed: {  	[bflag:$0x2] =	sbarrier.arrive $0xFFFF  }
0xee: {  	p0 =	sne.s32 s1, $0x0;
	s0 =	rddreg [dreg:$0x2]  }
0xef: {  	s0 =	sadd.s32 @!p0 $0x100000, s0  }
0xf0: {  	[sflag:s0] =	ssyncadd.tile.s32 @!p0 $0x1;
	_ =	shalt  }
.Lfunc_end2:
_tile_overlayer_lowered:
.L_overlay_start_2:
0xf1: {  	(tag) =	ssettag $0x2  }
0xf2: {  	s0 =	rddreg [dreg:$0x0];
	s2 =	stileid.u32  }
0xf3: {  	s1 =	rddreg [dreg:$0x1];
	p0 =	sne.s32 s2, $0x0  }
0xf4: {  	s3 =	rddreg [dreg:$0x2];
	[bflag:$0x3] =	sbarrier.arrive $0xFFFF;
	s2 =	simm.s32 @!p0 $0x1C03  }
0xf5: {  	[timem:s3], [sflag:s2] =	dma.local @!p0 [hbm:s0], s1  }
0xf6: {  	s0 =	simm.s32 @!p0 $0x3  }
0xf7: {  	_ =	swait.ge @!p0 [sflag:s0], s1  }
0xf8: {  	s1 =	ssub.s32 @!p0 $0x0, s1;
	[sflag:s0] =	ssyncset.done @!p0 $0x0  }
0xf9: {  	[sflag:s0] =	ssyncadd.s32 @!p0 s1  }
0xfa: {  	[bflag:$0x3] =	sbarrier.arrive $0xFFFF  }
0xfb: {  	_ =	shalt  }

// kernel: kernel.15.cloned.1.call-start
scs
__scs_entry_jumppad:
0x0: {  	(pc) =	sbr.rel $0x88, $3  }
0x1: {  	(tag) =	ssettag $0x0;
	lr =	simm.s32 $0x1  }
0x2: {  	[smem:$0x3F97] =	sst lr;
	_ =	strace $0xD0000000  }
0x3: {  	_ = 	snop  }
0x4: {  	_ = 	snop  }
0x5: {  	_ = 	snop  }
0x6: {  	_ = 	snop  }
0x7: {  	_ = 	snop  }
__scs_overlays_trampoline_lowered:
0x8: {  	[smem:$0x3FA6] =	sst s0  }
0x9: {  	[smem:$0x3FA7] =	sst s1  }
0xa: {  	[smem:$0x3FA8] =	sst s2  }
0xb: {  	[smem:$0x3FA9] =	sst s3  }
0xc: {  	[smem:$0x3FAA] =	sst s4  }
0xd: {  	[smem:$0x3FAB] =	sst s5  }
0xe: {  	[smem:$0x3FAC] =	sst s6  }
0xf: {  	[smem:$0x3FAD] =	sst s7  }
0x10: {  	[smem:$0x3FAE] =	sst s8  }
0x11: {  	[smem:$0x3FAF] =	sst s9;
	s0 =	simm.s32 @!p0 $0x0  }
0x12: {  	s1 =	sld [smem:$0x3F95];
	s0 =	simm.s32 @p0 $0x1  }
0x13: {  	[smem:$0x3FB0] =	sst s0;
	s0 =	simm.s32 @!p1 $0x0  }
0x14: {  	s2 =	sld [smem:$0x3F94];
	s0 =	simm.s32 @p1 $0x1  }
0x15: {  	[smem:$0x3FB1] =	sst s0;
	s0 =	simm.s32 @!p2 $0x0  }
0x16: {  	s3 =	sld [smem:$0x3FDB];
	s0 =	simm.s32 @p2 $0x1  }
0x17: {  	s4 =	simm.s32 $0x1BF5;
	[smem:$0x3FB3] =	sst s0  }
0x18: {  	s0 =	sld [smem:$0x3F96];
	_ =	swait.ge [sflag:s4], $0x0  }
0x19: {  	s7 =	sld [smem:$0x3F97]  }
0x1a: {  	s8 =	sadd.s32 $0xFFFFE003, lr  }
0x1b: {  	s9 =	sadd.s32 $0xFFFFFEF7, lr;
	s5 =	simm.s32 $0xFFFFFFFF;
	p2 =	slt.u32 s8, $0xFFFFF086  }
0x1c: {  	p1 =	slt.u32 s9, $0xF7A;
	s5 =	simm.s32 @!p2 $0x0  }
0x1d: {  	s5 =	simm.s32 @p1 $0x1;
	p0 =	seq.s32 s7, s2  }
0x1e: {  	s7 =	smul.u32 @!p0 $0xF7A, s2;
	p2 =	seq.s32 @!p0 s5, $0x0  }
0x1f: {  	s9 =	smul.u32 $0xF7A, s1;
	s8 =	simm.s32 @!p0 $0x1BF5;
	p2 =	por !p2, p0  }
0x20: {  	[sflag:s8] =	ssyncset.s32 @!p0 $0xFFFFF086;
	s6 =	sadd.s32 @!p0 s3, s7;
	s7 =	simm.s32 @!p0 $0x108  }
0x21: {  	s3 =	sadd.s32 s3, s9;
	s6 =	sadd.s32 @!p0 $0x88, s6;
	s7 =	simm.s32 @p2 $0x1082  }
0x22: {  	[simem:s7], [sflag:s8] =	dma.local @!p0 [hbm:s6], $0xF7A  }
0x23: {  	s9 =	sor.u32 $0xD0000000, s2;
	s6 =	simm.s32 $0x108;
	_ =	swait.ge @!p0 [sflag:s8], $0x0  }
0x24: {  	s3 =	sadd.s32 $0x88, s3;
	s6 =	simm.s32 @!p1 $0x1082;
	[sflag:s4] =	ssyncset.s32 $0xFFFFF086  }
0x25: {  	[simem:s6], [sflag:s4] =	dma.local [hbm:s3], $0xF7A  }
0x26: {  	[smem:$0x3F97] =	sst s1;
	(tag) =	ssettag s2;
	_ =	strace s9  }
0x27: {  	s1 =	sld [smem:$0x3FA7]  }
0x28: {  	s2 =	sld [smem:$0x3FA8]  }
0x29: {  	s4 =	sld [smem:$0x3FAA]  }
0x2a: {  	p0 =	seq.s32 s5, $0x0;
	s5 =	sld [smem:$0x3FAB]  }
0x2b: {  	s6 =	sld [smem:$0x3FAC]  }
0x2c: {  	s7 =	sld [smem:$0x3FAD]  }
0x2d: {  	s3 =	simm.s32 $0x108;
	s8 =	sld [smem:$0x3FAE]  }
0x2e: {  	s3 =	simm.s32 @!p0 $0x1082;
	s9 =	sld [smem:$0x3FAF]  }
0x2f: {  	lr =	sadd.s32 s0, s3;
	s0 =	sld [smem:$0x3FA6]  }
0x30: {  	s3 =	sld [smem:$0x3FA9]  }
0x31: {  	[smem:$0x3FB2] =	sst s10  }
0x32: {  	s10 =	sld [smem:$0x3FB0];
	_ =	sdelay $0x3  }
0x33: {  	p0 =	seq.s32 s10, $0x1;
	s10 =	sld [smem:$0x3FB2];
	_ =	sdelay $0x3  }
0x34: {  	[smem:$0x3FB2] =	sst s10  }
0x35: {  	s10 =	sld [smem:$0x3FB1];
	_ =	sdelay $0x3  }
0x36: {  	p1 =	seq.s32 s10, $0x1;
	s10 =	sld [smem:$0x3FB2];
	_ =	sdelay $0x3  }
0x37: {  	[smem:$0x3FB2] =	sst s10  }
0x38: {  	s10 =	sld [smem:$0x3FB3]  }
0x39: {  	_ = 	snop;
	(pc) =	sbr.ind lr, $3  }
0x3a: {  	_ = 	snop  }
0x3b: {  	_ = 	snop  }
0x3c: {  	p2 =	seq.s32 s10, $0x1;
	s10 =	sld [smem:$0x3FB2]  }
0x3d: {  	_ =	shalt  }
0x3e: {  	_ =	shalt  }
0x3f: {  	_ =	shalt  }
0x40: {  	_ =	shalt  }
0x41: {  	_ =	shalt  }
0x42: {  	_ =	shalt  }
0x43: {  	_ =	shalt  }
0x44: {  	_ =	shalt  }
0x45: {  	_ =	shalt  }
0x46: {  	_ =	shalt  }
0x47: {  	_ =	shalt  }
0x48: {  	_ =	shalt  }
0x49: {  	_ =	shalt  }
0x4a: {  	_ =	shalt  }
0x4b: {  	_ =	shalt  }
0x4c: {  	_ =	shalt  }
0x4d: {  	_ =	shalt  }
0x4e: {  	_ =	shalt  }
0x4f: {  	_ =	shalt  }
0x50: {  	_ =	shalt  }
0x51: {  	_ =	shalt  }
0x52: {  	_ =	shalt  }
0x53: {  	_ =	shalt  }
0x54: {  	_ =	shalt  }
0x55: {  	_ =	shalt  }
0x56: {  	_ =	shalt  }
0x57: {  	_ =	shalt  }
0x58: {  	_ =	shalt  }
0x59: {  	_ =	shalt  }
0x5a: {  	_ =	shalt  }
0x5b: {  	_ =	shalt  }
0x5c: {  	_ =	shalt  }
0x5d: {  	_ =	shalt  }
0x5e: {  	_ =	shalt  }
0x5f: {  	_ =	shalt  }
0x60: {  	_ =	shalt  }
0x61: {  	_ =	shalt  }
0x62: {  	_ =	shalt  }
0x63: {  	_ =	shalt  }
0x64: {  	_ =	shalt  }
0x65: {  	_ =	shalt  }
0x66: {  	_ =	shalt  }
0x67: {  	_ =	shalt  }
0x68: {  	_ =	shalt  }
0x69: {  	_ =	shalt  }
0x6a: {  	_ =	shalt  }
0x6b: {  	_ =	shalt  }
0x6c: {  	_ =	shalt  }
0x6d: {  	_ =	shalt  }
0x6e: {  	_ =	shalt  }
0x6f: {  	_ =	shalt  }
0x70: {  	_ =	shalt  }
0x71: {  	_ =	shalt  }
0x72: {  	_ =	shalt  }
0x73: {  	_ =	shalt  }
0x74: {  	_ =	shalt  }
0x75: {  	_ =	shalt  }
0x76: {  	_ =	shalt  }
0x77: {  	_ =	shalt  }
0x78: {  	_ =	shalt  }
0x79: {  	_ =	shalt  }
0x7a: {  	_ =	shalt  }
0x7b: {  	_ =	shalt  }
0x7c: {  	_ =	shalt  }
0x7d: {  	_ =	shalt  }
0x7e: {  	_ =	shalt  }
0x7f: {  	_ =	shalt  }
0x80: {  	_ =	shalt  }
0x81: {  	_ =	shalt  }
0x82: {  	_ =	shalt  }
0x83: {  	_ =	shalt  }
0x84: {  	_ =	shalt  }
0x85: {  	_ =	shalt  }
0x86: {  	_ =	shalt  }
0x87: {  	_ =	shalt  }
.Lfunc_end0:
.L_simem_size_0:
called_computation.1_lowered:
.L_overlay_start_0:
0x88: {  	s2 =	sld [smem:$0x3FD9]  }
0x89: {  	s3 =	sld [smem:$0x3FFE];
	_ =	sdelay $0x1  }
0x8a: {  	s1 =	srdreg.scid  }
0x8b: {  	s0 =	sand.u32 $0x1, s1  }
0x8c: {  	s17 =	sshll.u32 s0, $0xA;
	s2 =	sadd.s32 s3, s2  }
0x8d: {  	s2 =	sadd.s32 s2, s17  }
0x8e: {  	[smem:$0x3FBE] =	sst s2  }
0x8f: {  	_ = 	snop  }
0x90: {  	s2 =	sld [smem:$0x3FD0];
	(tm) =	ssettm $0x1  }
0x91: {  	s18 =	sld [smem:$0x3FFB];
	_ =	sdelay $0x3  }
0x92: {  	_ =	strace s18  }
0x93: {  	s3 =	sld [smem:$0x3FFC];
	_ =	sdelay $0x3  }
0x94: {  	_ =	strace s3  }
0x95: {  	s3 =	sld [smem:$0x3FFD];
	_ =	sdelay $0x3  }
0x96: {  	_ =	strace s3  }
0x97: {  	_ =	strace $0x8FFFFFFF  }
0x98: {  	s19 =	sld [smem:$0x3FDB];
	_ =	sdelay $0x1  }
0x99: {  	s4 =	simm.s32 $_scs_section_size  }
0x9a: {  	s5 =	simm.s32 $_size__tile_overlayer_lowered;
	s6 =	simm.s32 $_tile_overlayer_lowered  }
0x9b: {  	s22 =	simm.s32 $0x1BFF;
	s21 =	sshll.u32 s6, $0x1;
	s3 =	sadd.s32 s4, s19  }
0x9c: {  	s7 =	simm.s32 $0x0;
	s20 =	sshll.u32 s5, $0x1;
	s5 =	sadd.s32 s21, s3  }
0x9d: {  	[timem:s7], [sflag:s22] =	dma.local [hbm:s5], s20  }
0x9e: {  	_ =	swait.ge [sflag:s22], s20  }
0x9f: {  	s4 =	ssub.s32 $0x0, s20;
	[sflag:s22] =	ssyncset.done $0x0  }
0xa0: {  	[sflag:s22] =	ssyncadd.s32 s4;
	_ =	sdelay $0x1  }
0xa1: {  	s23 =	simm.s32 $0x1B8B  }
0xa2: {  	_ =	swait.ge [sflag:s23], $0x1  }
0xa3: {  	[sflag:s23] =	ssyncset.done $0x0  }
0xa4: {  	s25 =	simm.s32 $0x1B8E;
	s24 =	sld [smem:$0x3FFE];
	[sflag:s23] =	ssyncadd.s32 $0xFFFFFFFF  }
0xa5: {  	s26 =	simm.s32 $execute0_lowered;
	[smem:$0x3FD2] =	sst s25  }
0xa6: {  	s5 =	sshll.u32 s26, $0x1;
	_ =	strace $0x80000049;
	[dreg:$0x1] =	wrdreg $0xFFFFFFFF  }
0xa7: {  	s28 =	simm.s32 $_size_execute0_lowered;
	s3 =	sadd.s32 s3, s5;
	[dreg:$0x0] =	wrdreg $0x0  }
0xa8: {  	s5 =	sshll.u32 s28, $0x1;
	[dreg:$0x2] =	wrdreg s3  }
0xa9: {  	[dreg:$0x3] =	wrdreg s5  }
0xaa: {  	[dreg:$0x4] =	wrdreg $0xC0  }
0xab: {  	_ =	task [dreg:s7], $0x5FFFF  }
0xac: {  	[dreg:$0x1] =	wrdreg $0xFFFFFFFF  }
0xad: {  	[dreg:$0x0] =	wrdreg $0x60  }
0xae: {  	[dreg:$0x2] =	wrdreg s24  }
0xaf: {  	[dreg:$0x3] =	wrdreg s2  }
0xb0: {  	[dreg:$0x4] =	wrdreg $0x9  }
0xb1: {  	_ =	task.clear_ibuf [dreg:s7], $0x5FFFF;
	_ =	strace $0x90000049  }
0xb2: {  	s29 =	simm.s32 $0x9;
	_ =	strace $0x8000004B  }
0xb3: {  	_ =	swait.ge [sflag:s29], $0x1  }
0xb4: {  	[sflag:s29] =	ssyncadd.s32 $0xFFFFFFFF  }
0xb5: {  	_ =	strace $0x9000004B  }
0xb6: {  	_ =	sfence  }
0xb7: {  	s30 =	sld [smem:$0x0];
	_ =	sdelay $0x2  }
0xb8: {  	s31 =	sshll.u32 s1, $0xD;
	s1 =	sshrl.u32 s1, $0x2  }
0xb9: {  	s3 =	sand.u32 $0x4000, s31;
	s1 =	sadd.s32 s1, s30  }
0xba: {  	s0 =	sor.u32 s3, s0;
	s1 =	sshll.u32 s1, $0x11  }
0xbb: {  	s0 =	sor.u32 s1, s0  }
0xbc: {  	s0 =	sadd.s32 $0x8F2B, s0  }
0xbd: {  	[sflag:s0] =	ssyncadd.remote.s32 $0x1  }
0xbe: {  	_ =	sfence.sel $0xFFFF  }
0xbf: {  	[dreg:$0x0] =	wrdreg $0xFFFFFFFF;
	(pc) =	sbr.abs _section_cstart, $3  }
0xc0: {  	[dreg:$0x1] =	wrdreg $0xFFFFFFFF  }
0xc1: {  	_ =	task.clear_ibuf [dreg:s7], $0x2FFFF;
	_ =	strace $0x9FFFFFFF  }
0xc2: {  	(tm) =	ssettm $0x7FFFFFFF  }
0xc3: {  	_ =	shalt  }
tec
execute0_lowered:
.L_overlay_start_1:
0x0: {  	(tag) =	ssettag $0x1  }
0x1: {  	s6 =	rddreg [dreg:$0x0]  }
0x2: {  	s2 =	rddreg [dreg:$0x1];
	s3 =	simm.s32 $0x0  }
0x3: {  	s4 =	srdreg.scid;
	s1 =	stileid.u32;
	s10 =	simm.s32 $0x80  }
0x4: {  	s11 =	simm.s32 $0x400;
	s12 =	simm.s32 $0x14000;
	s13 =	simm.s32 $0x1  }
0x5: {  	s14 =	simm.s32 $0x2;
	s15 =	simm.s32 $0x3;
	s16 =	simm.s32 $0x0  }
.Ltmp0:
0x6: {  	[smem:$0x7FF] =	sst s3;
	s4 =	sand.u32 $0x1, s4;
	(pc) =	sbr.rel .LBB2_1-.Ltmp0, $4  }
0x7: {  	vm0 =	vcmask $0x3F20;
	s5 =	sshll.u32 s1, $0x1;
	_ =	strace $0x8000004A;
	s7 =	ssub.s32 $0x2, s4  }
0x8: {  	s4 =	sor.u32 s4, s5;
	s5 =	sadd.s32 $0x8A00, s6;
	s8 =	sshrl.u32 s7, $0x1  }
0x9: {  	v2 =	vlaneseq.u32;
	s6 =	sadd.s32 $0x648A00, s6;
	s9 =	sshll.u32 s4, $0x7;
	s8 =	ssub.s32 s7, s8  }
0xa: {  	v0 =	vimm.f32 $0.0e+00;
	v1 =	vshrl.u32 v2, $0x3;
	v2 =	vand.u32 $0x7, v2;
	s7 =	sand.u32 $0x380, s9;
	s9 =	simm.s32 $0x14400;
	s8 =	smax.u32 s8, $0x1  }
.LBB2_11:
0xb: {  	s16 =	sadd.s32 $0x1, s16  }
0xc: {  	p0 =	sne.s32 s16, s8  }
.Ltmp1:
0xd: {  	_ = 	snop;
	(pc) =	sbr.rel @!p0 .LBB2_12-.Ltmp1, $1  }
0xe: {  	_ =	sdelay $0x3  }
.LBB2_1:
.Ltmp2:
0xf: {  	(pc) =	sbr.rel .LBB2_2-.Ltmp2, $2  }
0x10: {  	_ =	sdelay $0x2  }
0x11: {  	s17 =	simm.s32 $0x0  }
.LBB2_10:
0x12: {  	s17 =	sadd.s32 $0x1, s17  }
0x13: {  	p0 =	sne.s32 s17, $0x5  }
.Ltmp3:
0x14: {  	_ = 	snop;
	(pc) =	sbr.rel @!p0 .LBB2_11-.Ltmp3, $1  }
0x15: {  	_ =	sdelay $0x3  }
.LBB2_2:
0x16: {  	s18 =	sshll.u32 s17, $0x5  }
0x17: {  	s18 =	sor.u32 s4, s18  }
0x18: {  	p0 =	slt.u32 s18, $0x84  }
.Ltmp4:
0x19: {  	_ = 	snop;
	(pc) =	sbr.rel @!p0 .LBB2_10-.Ltmp4, $1  }
0x1a: {  	_ =	sdelay $0x3  }
0x1b: {  	s19 =	simm.s32 $0x40;
	s20 =	simm.s32 $0x0  }
.LBB2_4:
0x1c: {  	p0 =	seq.s32 s19, $0x4FFC0;
	[tilespmem:s20+$0x0] =	vst v0;
	s20 =	smov.u32 s19;
	s19 =	sadd.s32 $0x40, s19  }
.Ltmp5:
0x1d: {  	(pc) =	sbr.rel @!p0 .LBB2_4-.Ltmp5, $2  }
0x1e: {  	_ =	sdelay $0x2  }
0x1f: {  	s20 =	sshra.s32 s20, $0x2  }
0x20: {  	s19 =	smul.u32 $0xF9, s18;
	_ =	sdelay $0x1  }
0x21: {  	s19 =	sshrl.u32 s19, $0xD  }
0x22: {  	s19 =	sand.u32 $0x7, s19  }
0x23: {  	s31 =	smul.u32 $0x21, s19;
	_ =	sdelay $0x1  }
0x24: {  	[tilespmem:s20+$0x0] =	vst v0;
	s20 =	ssub.s32 s18, s31  }
0x25: {  	s21 =	sand.u32 $0xF8, s20  }
0x26: {  	s21 =	sshrl.u32 s21, $0x3  }
0x27: {  	s20 =	sshll.u32 s20, $0x7;
	s21 =	smul.u32 $0xA00000, s21  }
0x28: {  	s20 =	sand.u32 $0x380, s20  }
0x29: {  	s19 =	smul.u32 $0x140, s19;
	s20 =	sor.u32 s20, s21;
	s21 =	simm.s32 $0x0  }
.LBB2_6:
0x2a: {  	_ = 	snop  }
0x2b: {  	s23 =	sshll.u32 s21, $0x4;
	s22 =	sadd.s32 s19, s21  }
0x2c: {  	s23 =	sand.u32 $0x70, s23;
	s24 =	sshll.u32 s22, $0x4;
	s22 =	sshll.u32 s22, $0xD  }
0x2d: {  	s23 =	sadd.s32 s2, s23;
	s24 =	sand.u32 $0x1FF80, s24;
	s22 =	sadd.s32 s20, s22  }
0x2e: {  	s23 =	sadd.s32 s24, s23;
	s22 =	sshrl.u32 s22, $0x3  }
0x2f: {  	[tilespmem:s9], [sflag:$0x1] =	stream.linear.gather [hbm4b:s23+s3], $0x80, $0x38;
	[tilespmem:$0x14480] =	vst v63  }
0x30: {  	s22 =	sadd.s32 s5, s22  }
0x31: {  	[tilespmem:s12], [sflag:$0x2] =	stream.strided.gather [hbm4b:s22+s10], $0x400, s11, s10, $0x38;
	[tilespmem:$0x14480] =	vst v63  }
0x32: {  	s31 =	simm.s32 $0x10;
	_ =	swait.ge [sflag:s13], $0x80  }
0x33: {  	s0 =	simm.s32 $0x0;
	v3 =	vor.u32 s31, v1;
	[sflag:s13] =	ssyncset.done $0x0  }
0x34: {  	v4 =	vor.u32 s0, v1;
	[sflag:s13] =	ssyncadd.s32 $0xFFFFFF80  }
0x35: {  	_ =	swait.ge [sflag:s14], $0x400  }
0x36: {  	[sflag:s14] =	ssyncset.done $0x0  }
0x37: {  	[sflag:s14] =	ssyncadd.s32 $0xFFFFFC00  }
0x38: {  	v3 =	vld.idx.msk [tilespmem:v3+s9+$0x0], $0xffff  }
0x39: {  	v4 =	vld.idx.msk [tilespmem:v4+s9+$0x0], $0xffff;
	_ =	sdelay $0x3  }
0x3a: {  	s24 =	simm.s32 $0x14080;
	v3 =	vshll.u32 v3, $0x3  }
0x3b: {  	v5 =	vld [tilespmem:s24+$0x0];
	v4 =	vshll.u32 v4, $0x3;
	v3 =	vor.u32 v2, v3  }
0x3c: {  	v7 =	vld [tilespmem:s24+$0xFFFFFF80];
	v4 =	vor.u32 v2, v4;
	_ =	sdelay $0x1  }
0x3d: {  	s23 =	simm.s32 $0x12  }
0x3e: {  	s25 =	simm.s32 $0x2;
	v6 =	vor.u32 s23, v1  }
0x3f: {  	v8 =	vor.u32 s25, v1;
	[tilespmem:v3+s3+$0x0] =	vst.idx.add.f32.msk $0xff, v5  }
0x40: {  	[tilespmem:v4+s3+$0x0] =	vst.idx.add.f32.msk $0xff, v7  }
0x41: {  	[tilespmem:v3+s3+$0x0] =	vst.idx.add.f32.msk vm0, v5  }
0x42: {  	[tilespmem:v4+s3+$0x0] =	vst.idx.add.f32.msk vm0, v7  }
0x43: {  	v3 =	vld.idx.msk [tilespmem:v6+s9+$0x0], $0xffff  }
0x44: {  	v4 =	vld.idx.msk [tilespmem:v8+s9+$0x0], $0xffff;
	_ =	sdelay $0x3  }
0x45: {  	v3 =	vshll.u32 v3, $0x3  }
0x46: {  	v5 =	vld [tilespmem:s24+$0x10];
	v4 =	vshll.u32 v4, $0x3;
	v3 =	vor.u32 v2, v3  }
0x47: {  	v7 =	vld [tilespmem:s24+$0xFFFFFF90];
	v4 =	vor.u32 v2, v4;
	_ =	sdelay $0x1  }
0x48: {  	s26 =	simm.s32 $0x14  }
0x49: {  	s29 =	simm.s32 $0x4;
	v6 =	vor.u32 s26, v1  }
0x4a: {  	v8 =	vor.u32 s29, v1;
	[tilespmem:v3+s3+$0x0] =	vst.idx.add.f32.msk $0xff, v5  }
0x4b: {  	[tilespmem:v4+s3+$0x0] =	vst.idx.add.f32.msk $0xff, v7  }
0x4c: {  	[tilespmem:v3+s3+$0x0] =	vst.idx.add.f32.msk vm0, v5  }
0x4d: {  	[tilespmem:v4+s3+$0x0] =	vst.idx.add.f32.msk vm0, v7  }
0x4e: {  	v3 =	vld.idx.msk [tilespmem:v6+s9+$0x0], $0xffff  }
0x4f: {  	v4 =	vld.idx.msk [tilespmem:v8+s9+$0x0], $0xffff;
	_ =	sdelay $0x3  }
0x50: {  	v3 =	vshll.u32 v3, $0x3  }
0x51: {  	v5 =	vld [tilespmem:s24+$0x20];
	v4 =	vshll.u32 v4, $0x3;
	v3 =	vor.u32 v2, v3  }
0x52: {  	v7 =	vld [tilespmem:s24+$0xFFFFFFA0];
	v4 =	vor.u32 v2, v4;
	_ =	sdelay $0x1  }
0x53: {  	s30 =	simm.s32 $0x16  }
0x54: {  	s31 =	simm.s32 $0x6;
	v6 =	vor.u32 s30, v1  }
0x55: {  	v8 =	vor.u32 s31, v1;
	[tilespmem:v3+s3+$0x0] =	vst.idx.add.f32.msk $0xff, v5  }
0x56: {  	[tilespmem:v4+s3+$0x0] =	vst.idx.add.f32.msk $0xff, v7  }
0x57: {  	[tilespmem:v3+s3+$0x0] =	vst.idx.add.f32.msk vm0, v5  }
0x58: {  	[tilespmem:v4+s3+$0x0] =	vst.idx.add.f32.msk vm0, v7  }
0x59: {  	v3 =	vld.idx.msk [tilespmem:v6+s9+$0x0], $0xffff  }
0x5a: {  	v4 =	vld.idx.msk [tilespmem:v8+s9+$0x0], $0xffff;
	_ =	sdelay $0x3  }
0x5b: {  	v3 =	vshll.u32 v3, $0x3  }
0x5c: {  	v5 =	vld [tilespmem:s24+$0x30];
	v4 =	vshll.u32 v4, $0x3;
	v3 =	vor.u32 v2, v3  }
0x5d: {  	v7 =	vld [tilespmem:s24+$0xFFFFFFB0];
	v4 =	vor.u32 v2, v4;
	_ =	sdelay $0x1  }
0x5e: {  	s0 =	simm.s32 $0x18  }
0x5f: {  	s23 =	simm.s32 $0x8;
	v6 =	vor.u32 s0, v1  }
0x60: {  	v8 =	vor.u32 s23, v1;
	[tilespmem:v3+s3+$0x0] =	vst.idx.add.f32.msk $0xff, v5  }
0x61: {  	[tilespmem:v4+s3+$0x0] =	vst.idx.add.f32.msk $0xff, v7  }
0x62: {  	[tilespmem:v3+s3+$0x0] =	vst.idx.add.f32.msk vm0, v5  }
0x63: {  	[tilespmem:v4+s3+$0x0] =	vst.idx.add.f32.msk vm0, v7  }
0x64: {  	s25 =	simm.s32 $0x30;
	v3 =	vld.idx.msk [tilespmem:v6+s9+$0x0], $0xffff  }
0x65: {  	v5 =	vor.u32 s25, v1;
	v6 =	vld.idx.msk [tilespmem:v8+s9+$0x0], $0xffff  }
0x66: {  	s26 =	simm.s32 $0x20  }
0x67: {  	v4 =	vor.u32 s26, v1;
	_ =	sdelay $0x1  }
0x68: {  	v7 =	vld [tilespmem:s24+$0x40];
	v3 =	vshll.u32 v3, $0x3  }
0x69: {  	v5 =	vld.idx.msk [tilespmem:v5+s9+$0x0], $0xffff;
	v6 =	vshll.u32 v6, $0x3;
	v3 =	vor.u32 v2, v3  }
0x6a: {  	v8 =	vld [tilespmem:s24+$0xFFFFFFC0];
	v6 =	vor.u32 v2, v6  }
0x6b: {  	v4 =	vld.idx.msk [tilespmem:v4+s9+$0x0], $0xffff  }
0x6c: {  	s22 =	simm.s32 $0x14180;
	s29 =	simm.s32 $0x1A  }
0x6d: {  	v10 =	vld [tilespmem:s22+$0x0];
	v9 =	vor.u32 s29, v1  }
0x6e: {  	v5 =	vshll.u32 v5, $0x3;
	[tilespmem:v3+s3+$0x0] =	vst.idx.add.f32.msk $0xff, v7  }
0x6f: {  	v5 =	vor.u32 v2, v5;
	[tilespmem:v6+s3+$0x0] =	vst.idx.add.f32.msk $0xff, v8  }
0x70: {  	v4 =	vshll.u32 v4, $0x3;
	[tilespmem:v3+s3+$0x0] =	vst.idx.add.f32.msk vm0, v7  }
0x71: {  	s30 =	simm.s32 $0x32;
	v4 =	vor.u32 v2, v4;
	v7 =	vld [tilespmem:s22+$0xFFFFFF80]  }
0x72: {  	v3 =	vld.idx.msk [tilespmem:v9+s9+$0x0], $0xffff;
	v9 =	vor.u32 s30, v1  }
0x73: {  	[tilespmem:v6+s3+$0x0] =	vst.idx.add.f32.msk vm0, v8  }
0x74: {  	[tilespmem:v5+s3+$0x0] =	vst.idx.add.f32.msk $0xff, v10  }
0x75: {  	s31 =	simm.s32 $0x22;
	[tilespmem:v5+s3+$0x0] =	vst.idx.add.f32.msk vm0, v10  }
0x76: {  	v6 =	vor.u32 s31, v1;
	[tilespmem:v4+s3+$0x0] =	vst.idx.add.f32.msk $0xff, v7  }
0x77: {  	s25 =	simm.s32 $0xA;
	v5 =	vld.idx.msk [tilespmem:v9+s9+$0x0], $0xffff  }
0x78: {  	v3 =	vshll.u32 v3, $0x3;
	[tilespmem:v4+s3+$0x0] =	vst.idx.add.f32.msk vm0, v7;
	v7 =	vor.u32 s25, v1  }
0x79: {  	v8 =	vld [tilespmem:s24+$0x50];
	v3 =	vor.u32 v2, v3  }
0x7a: {  	s0 =	simm.s32 $0x1C  }
0x7b: {  	v4 =	vor.u32 s0, v1;
	v6 =	vld.idx.msk [tilespmem:v6+s9+$0x0], $0xffff  }
0x7c: {  	v9 =	vld [tilespmem:s22+$0x10];
	v5 =	vshll.u32 v5, $0x3  }
0x7d: {  	v7 =	vld.idx.msk [tilespmem:v7+s9+$0x0], $0xffff;
	v5 =	vor.u32 v2, v5  }
0x7e: {  	s26 =	simm.s32 $0x34;
	[tilespmem:v3+s3+$0x0] =	vst.idx.add.f32.msk $0xff, v8  }
0x7f: {  	[tilespmem:v3+s3+$0x0] =	vst.idx.add.f32.msk vm0, v8;
	v8 =	vor.u32 s26, v1  }
0x80: {  	v6 =	vshll.u32 v6, $0x3;
	v3 =	vld.idx.msk [tilespmem:v4+s9+$0x0], $0xffff  }
0x81: {  	v6 =	vor.u32 v2, v6;
	v4 =	vld [tilespmem:s22+$0xFFFFFF90]  }
0x82: {  	[tilespmem:v5+s3+$0x0] =	vst.idx.add.f32.msk $0xff, v9  }
0x83: {  	s29 =	simm.s32 $0x24;
	[tilespmem:v5+s3+$0x0] =	vst.idx.add.f32.msk vm0, v9  }
0x84: {  	v11 =	vor.u32 s29, v1;
	v5 =	vld.idx.msk [tilespmem:v8+s9+$0x0], $0xffff  }
0x85: {  	v3 =	vshll.u32 v3, $0x3;
	v8 =	vld [tilespmem:s24+$0x60]  }
0x86: {  	[tilespmem:v6+s3+$0x0] =	vst.idx.add.f32.msk $0xff, v4;
	v3 =	vor.u32 v2, v3  }
0x87: {  	[tilespmem:v6+s3+$0x0] =	vst.idx.add.f32.msk vm0, v4;
	v6 =	vshll.u32 v7, $0x3  }
0x88: {  	s30 =	simm.s32 $0x1E;
	v10 =	vld [tilespmem:s24+$0xFFFFFFD0];
	v6 =	vor.u32 v2, v6  }
0x89: {  	v4 =	vor.u32 s30, v1;
	v7 =	vld.idx.msk [tilespmem:v11+s9+$0x0], $0xffff  }
0x8a: {  	v9 =	vld [tilespmem:s22+$0x20];
	v5 =	vshll.u32 v5, $0x3  }
0x8b: {  	[tilespmem:v3+s3+$0x0] =	vst.idx.add.f32.msk $0xff, v8;
	v5 =	vor.u32 v2, v5  }
0x8c: {  	[tilespmem:v3+s3+$0x0] =	vst.idx.add.f32.msk vm0, v8  }
0x8d: {  	s31 =	simm.s32 $0x36;
	[tilespmem:v6+s3+$0x0] =	vst.idx.add.f32.msk $0xff, v10  }
0x8e: {  	v7 =	vshll.u32 v7, $0x3;
	v8 =	vor.u32 s31, v1;
	v3 =	vld.idx.msk [tilespmem:v4+s9+$0x0], $0xffff  }
0x8f: {  	v4 =	vld [tilespmem:s22+$0xFFFFFFA0];
	v7 =	vor.u32 v2, v7  }
0x90: {  	s0 =	simm.s32 $0x26;
	[tilespmem:v5+s3+$0x0] =	vst.idx.add.f32.msk $0xff, v9  }
0x91: {  	v11 =	vor.u32 s0, v1;
	[tilespmem:v5+s3+$0x0] =	vst.idx.add.f32.msk vm0, v9  }
0x92: {  	s25 =	simm.s32 $0xC;
	v5 =	vld [tilespmem:s24+$0x70]  }
0x93: {  	v9 =	vor.u32 s25, v1;
	v8 =	vld.idx.msk [tilespmem:v8+s9+$0x0], $0xffff  }
0x94: {  	v3 =	vshll.u32 v3, $0x3;
	[tilespmem:v7+s3+$0x0] =	vst.idx.add.f32.msk $0xff, v4  }
0x95: {  	v3 =	vor.u32 v2, v3;
	[tilespmem:v7+s3+$0x0] =	vst.idx.add.f32.msk vm0, v4  }
0x96: {  	v4 =	vld.idx.msk [tilespmem:v11+s9+$0x0], $0xffff  }
0x97: {  	[tilespmem:v6+s3+$0x0] =	vst.idx.add.f32.msk vm0, v10  }
0x98: {  	v6 =	vld.idx.msk [tilespmem:v9+s9+$0x0], $0xffff;
	v7 =	vshll.u32 v8, $0x3  }
0x99: {  	v8 =	vld [tilespmem:s22+$0x30];
	v7 =	vor.u32 v2, v7  }
0x9a: {  	s26 =	simm.s32 $0x38;
	[tilespmem:v3+s3+$0x0] =	vst.idx.add.f32.msk $0xff, v5  }
0x9b: {  	[tilespmem:v3+s3+$0x0] =	vst.idx.add.f32.msk vm0, v5;
	v3 =	vshll.u32 v4, $0x3;
	v4 =	vor.u32 s26, v1  }
0x9c: {  	v5 =	vld [tilespmem:s22+$0xFFFFFFB0];
	v3 =	vor.u32 v2, v3  }
0x9d: {  	v9 =	vld [tilespmem:s24+$0xFFFFFFE0]  }
0x9e: {  	s29 =	simm.s32 $0x28;
	[tilespmem:v7+s3+$0x0] =	vst.idx.add.f32.msk $0xff, v8  }
0x9f: {  	v10 =	vor.u32 s29, v1;
	[tilespmem:v7+s3+$0x0] =	vst.idx.add.f32.msk vm0, v8  }
0xa0: {  	v6 =	vshll.u32 v6, $0x3;
	v4 =	vld.idx.msk [tilespmem:v4+s9+$0x0], $0xffff  }
0xa1: {  	s30 =	simm.s32 $0x50;
	v6 =	vor.u32 v2, v6;
	[tilespmem:v3+s3+$0x0] =	vst.idx.add.f32.msk $0xff, v5  }
0xa2: {  	v7 =	vor.u32 s30, v1;
	v11 =	vld [tilespmem:s22+$0x40]  }
0xa3: {  	[tilespmem:v3+s3+$0x0] =	vst.idx.add.f32.msk vm0, v5  }
0xa4: {  	s31 =	simm.s32 $0x40;
	v5 =	vld.idx.msk [tilespmem:v10+s9+$0x0], $0xffff  }
0xa5: {  	s0 =	simm.s32 $0xE;
	v3 =	vor.u32 s31, v1;
	v8 =	vld [tilespmem:s22+$0xFFFFFFC0]  }
0xa6: {  	v10 =	vor.u32 s0, v1;
	[tilespmem:v6+s3+$0x0] =	vst.idx.add.f32.msk $0xff, v9  }
0xa7: {  	v7 =	vld.idx.msk [tilespmem:v7+s9+$0x0], $0xffff;
	v4 =	vshll.u32 v4, $0x3  }
0xa8: {  	s23 =	simm.s32 $0x14280;
	[tilespmem:v6+s3+$0x0] =	vst.idx.add.f32.msk vm0, v9;
	v4 =	vor.u32 v2, v4  }
0xa9: {  	s25 =	simm.s32 $0x3A;
	v6 =	vld [tilespmem:s23+$0x0]  }
0xaa: {  	v12 =	vor.u32 s25, v1;
	v3 =	vld.idx.msk [tilespmem:v3+s9+$0x0], $0xffff;
	v5 =	vshll.u32 v5, $0x3  }
0xab: {  	v9 =	vld.idx.msk [tilespmem:v10+s9+$0x0], $0xffff;
	v5 =	vor.u32 v2, v5  }
0xac: {  	v10 =	vld [tilespmem:s23+$0xFFFFFF80];
	v7 =	vshll.u32 v7, $0x3  }
0xad: {  	v7 =	vor.u32 v2, v7;
	[tilespmem:v4+s3+$0x0] =	vst.idx.add.f32.msk $0xff, v11  }
0xae: {  	s25 =	simm.s32 $0x52;
	[tilespmem:v4+s3+$0x0] =	vst.idx.add.f32.msk vm0, v11  }
0xaf: {  	v11 =	vor.u32 s25, v1;
	v4 =	vld.idx.msk [tilespmem:v12+s9+$0x0], $0xffff  }
0xb0: {  	v3 =	vshll.u32 v3, $0x3;
	[tilespmem:v5+s3+$0x0] =	vst.idx.add.f32.msk $0xff, v8  }
0xb1: {  	v3 =	vor.u32 v2, v3;
	[tilespmem:v5+s3+$0x0] =	vst.idx.add.f32.msk vm0, v8  }
0xb2: {  	s26 =	simm.s32 $0x42;
	[tilespmem:v7+s3+$0x0] =	vst.idx.add.f32.msk $0xff, v6  }
0xb3: {  	v5 =	vor.u32 s26, v1;
	[tilespmem:v7+s3+$0x0] =	vst.idx.add.f32.msk vm0, v6  }
0xb4: {  	s30 =	simm.s32 $0x2A;
	v6 =	vld.idx.msk [tilespmem:v11+s9+$0x0], $0xffff  }
0xb5: {  	v8 =	vor.u32 s30, v1;
	v7 =	vld [tilespmem:s22+$0x50];
	v4 =	vshll.u32 v4, $0x3  }
0xb6: {  	[tilespmem:v3+s3+$0x0] =	vst.idx.add.f32.msk $0xff, v10;
	v4 =	vor.u32 v2, v4  }
0xb7: {  	s29 =	simm.s32 $0x3C;
	[tilespmem:v3+s3+$0x0] =	vst.idx.add.f32.msk vm0, v10  }
0xb8: {  	v3 =	vor.u32 s29, v1;
	v5 =	vld.idx.msk [tilespmem:v5+s9+$0x0], $0xffff  }
0xb9: {  	v10 =	vld [tilespmem:s23+$0x10];
	v6 =	vshll.u32 v6, $0x3  }
0xba: {  	v8 =	vld.idx.msk [tilespmem:v8+s9+$0x0], $0xffff;
	v6 =	vor.u32 v2, v6  }
0xbb: {  	s31 =	simm.s32 $0x54;
	[tilespmem:v4+s3+$0x0] =	vst.idx.add.f32.msk $0xff, v7  }
0xbc: {  	[tilespmem:v4+s3+$0x0] =	vst.idx.add.f32.msk vm0, v7;
	v7 =	vor.u32 s31, v1  }
0xbd: {  	v5 =	vshll.u32 v5, $0x3;
	v3 =	vld.idx.msk [tilespmem:v3+s9+$0x0], $0xffff  }
0xbe: {  	v4 =	vld [tilespmem:s23+$0xFFFFFF90];
	v5 =	vor.u32 v2, v5  }
0xbf: {  	[tilespmem:v6+s3+$0x0] =	vst.idx.add.f32.msk $0xff, v10  }
0xc0: {  	[tilespmem:v6+s3+$0x0] =	vst.idx.add.f32.msk vm0, v10  }
0xc1: {  	s0 =	simm.s32 $0x44;
	v6 =	vld.idx.msk [tilespmem:v7+s9+$0x0], $0xffff  }
0xc2: {  	v12 =	vor.u32 s0, v1;
	v7 =	vld [tilespmem:s22+$0x60];
	v3 =	vshll.u32 v3, $0x3  }
0xc3: {  	[tilespmem:v5+s3+$0x0] =	vst.idx.add.f32.msk $0xff, v4;
	v3 =	vor.u32 v2, v3  }
0xc4: {  	[tilespmem:v5+s3+$0x0] =	vst.idx.add.f32.msk vm0, v4;
	v5 =	vshll.u32 v8, $0x3  }
0xc5: {  	v11 =	vld [tilespmem:s22+$0xFFFFFFD0];
	v5 =	vor.u32 v2, v5  }
0xc6: {  	s26 =	simm.s32 $0x3E;
	v10 =	vld [tilespmem:s23+$0x20]  }
0xc7: {  	v4 =	vor.u32 s26, v1;
	v8 =	vld.idx.msk [tilespmem:v12+s9+$0x0], $0xffff  }
0xc8: {  	v6 =	vshll.u32 v6, $0x3;
	[tilespmem:v3+s3+$0x0] =	vst.idx.add.f32.msk $0xff, v7  }
0xc9: {  	[tilespmem:v3+s3+$0x0] =	vst.idx.add.f32.msk vm0, v7;
	v3 =	vor.u32 v2, v6  }
0xca: {  	[tilespmem:v5+s3+$0x0] =	vst.idx.add.f32.msk $0xff, v11  }
0xcb: {  	s29 =	simm.s32 $0x56;
	v6 =	vld [tilespmem:s23+$0xFFFFFFA0]  }
0xcc: {  	v8 =	vshll.u32 v8, $0x3;
	v7 =	vor.u32 s29, v1;
	v4 =	vld.idx.msk [tilespmem:v4+s9+$0x0], $0xffff  }
0xcd: {  	[tilespmem:v5+s3+$0x0] =	vst.idx.add.f32.msk vm0, v11;
	v5 =	vor.u32 v2, v8  }
0xce: {  	s30 =	simm.s32 $0x46;
	[tilespmem:v3+s3+$0x0] =	vst.idx.add.f32.msk $0xff, v10  }
0xcf: {  	s26 =	simm.s32 $0x2C;
	[tilespmem:v3+s3+$0x0] =	vst.idx.add.f32.msk vm0, v10;
	v3 =	vor.u32 s30, v1  }
0xd0: {  	v12 =	vor.u32 s26, v1;
	v8 =	vld [tilespmem:s22+$0x70]  }
0xd1: {  	v4 =	vshll.u32 v4, $0x3;
	v7 =	vld.idx.msk [tilespmem:v7+s9+$0x0], $0xffff  }
0xd2: {  	[tilespmem:v5+s3+$0x0] =	vst.idx.add.f32.msk $0xff, v6;
	v4 =	vor.u32 v2, v4  }
0xd3: {  	[tilespmem:v5+s3+$0x0] =	vst.idx.add.f32.msk vm0, v6  }
0xd4: {  	v14 =	vld.idx.msk [tilespmem:v3+s9+$0x0], $0xffff  }
0xd5: {  	v12 =	vld.idx.msk [tilespmem:v12+s9+$0x0], $0xffff  }
0xd6: {  	v16 =	vld [tilespmem:s23+$0x30];
	v3 =	vshll.u32 v7, $0x3  }
0xd7: {  	s31 =	simm.s32 $0x2E;
	[tilespmem:v4+s3+$0x0] =	vst.idx.add.f32.msk $0xff, v8;
	v17 =	vor.u32 v2, v3  }
0xd8: {  	[tilespmem:v4+s3+$0x0] =	vst.idx.add.f32.msk vm0, v8;
	v4 =	vor.u32 s31, v1;
	s31 =	simm.s32 $0x58  }
0xd9: {  	v10 =	vld [tilespmem:s24+$0xFFFFFFF0];
	v15 =	vor.u32 s31, v1;
	v14 =	vshll.u32 v14, $0x3  }
0xda: {  	s29 =	simm.s32 $0x4C;
	s30 =	simm.s32 $0x4E;
	v11 =	vld [tilespmem:s23+$0xFFFFFFB0];
	v14 =	vor.u32 v2, v14  }
0xdb: {  	s0 =	simm.s32 $0x48;
	v13 =	vld [tilespmem:s22+$0xFFFFFFE0];
	v6 =	vor.u32 s29, v1;
	v5 =	vor.u32 s30, v1  }
0xdc: {  	s28 =	simm.s32 $0x4A;
	s25 =	simm.s32 $0x5E;
	v8 =	vor.u32 s0, v1;
	v3 =	vshll.u32 v9, $0x3;
	v9 =	vshll.u32 v12, $0x3;
	[tilespmem:v17+s3+$0x0] =	vst.idx.add.f32.msk $0xff, v16  }
0xdd: {  	s26 =	simm.s32 $0x4;
	s24 =	simm.s32 $0x14280;
	v7 =	vor.u32 s28, v1;
	s28 =	simm.s32 $0x7E;
	v3 =	vor.u32 v2, v3;
	v12 =	vor.u32 v2, v9;
	[tilespmem:v17+s3+$0x0] =	vst.idx.add.f32.msk vm0, v16  }
.LBB2_7:
0xde: {  	s29 =	sadd.s32 $0xFFFFFFE2, s28;
	s30 =	sadd.s32 $0xFFFFFFE4, s28;
	s31 =	sadd.s32 $0xFFFFFFF2, s28;
	v15 =	vld.idx.msk [tilespmem:v15+s9+$0x0], $0xffff;
	v9 =	vmov v10  }
0xdf: {  	s0 =	sadd.s32 $0xFFFFFFEA, s28;
	v16 =	vor.u32 s29, v1;
	v17 =	vor.u32 s30, v1;
	s29 =	sadd.s32 $0xFFFFFFE6, s28;
	s30 =	sadd.s32 $0xFFFFFFE8, s28;
	v18 =	vor.u32 s31, v1;
	[tilespmem:v14+s3+$0x0] =	vst.idx.add.f32.msk $0xff, v11  }
0xe0: {  	v20 =	vor.u32 s0, v1;
	s0 =	sadd.s32 $0xFFFFFFEC, s28;
	v19 =	vor.u32 s29, v1;
	v10 =	vor.u32 s30, v1;
	s29 =	sadd.s32 $0xFFFFFFEE, s28;
	s30 =	sadd.s32 $0xFFFFFFF0, s28;
	[tilespmem:v14+s3+$0x0] =	vst.idx.add.f32.msk vm0, v11  }
0xe1: {  	v14 =	vor.u32 s0, v1;
	v11 =	vor.u32 s29, v1;
	v21 =	vor.u32 s30, v1;
	v22 =	vld.idx.msk [tilespmem:v8+s9+$0x0], $0xffff;
	v8 =	vmovc v20  }
0xe2: {  	v20 =	vld [tilespmem:s23+$0xFFFFFFC0]  }
0xe3: {  	[tilespmem:v12+s3+$0x0] =	vst.idx.add.f32.msk $0xff, v13  }
0xe4: {  	v15 =	vshll.u32 v15, $0x3;
	v18 =	vld.idx.msk [tilespmem:v18+s9+$0x0], $0xffff  }
0xe5: {  	v15 =	vor.u32 v2, v15;
	v23 =	vld [tilespmem:s23+$0x40]  }
0xe6: {  	s0 =	sadd.s32 $0xFFFFFFFC, s25;
	v16 =	vld.idx.msk [tilespmem:v16+s9+$0x0], $0xffff  }
0xe7: {  	v24 =	vor.u32 s0, v1;
	v22 =	vshll.u32 v22, $0x3;
	[tilespmem:v12+s3+$0x0] =	vst.idx.add.f32.msk vm0, v13  }
0xe8: {  	s26 =	sadd.s32 $0x2, s26;
	s23 =	sadd.s32 $0x100, s23;
	v12 =	vor.u32 v2, v22;
	v13 =	vld.idx.msk [tilespmem:v4+s9+$0x0], $0xffff;
	v4 =	vmov v5;
	v5 =	vmov v21  }
0xe9: {  	p0 =	slt.u32 s26, $0x6;
	v21 =	vld [tilespmem:s23+$0x0]  }
0xea: {  	v18 =	vshll.u32 v18, $0x3;
	[tilespmem:v15+s3+$0x0] =	vst.idx.add.f32.msk $0xff, v23  }
0xeb: {  	v18 =	vor.u32 v2, v18;
	[tilespmem:v15+s3+$0x0] =	vst.idx.add.f32.msk vm0, v23  }
0xec: {  	s0 =	sadd.s32 $0xFFFFFFF4, s28;
	v15 =	vshll.u32 v16, $0x3;
	v16 =	vld.idx.msk [tilespmem:v24+s9+$0x0], $0xffff  }
0xed: {  	v23 =	vor.u32 s0, v1;
	v15 =	vor.u32 v2, v15;
	v22 =	vld [tilespmem:s23+$0xFFFFFF80]  }
0xee: {  	v13 =	vshll.u32 v13, $0x3;
	[tilespmem:v12+s3+$0x0] =	vst.idx.add.f32.msk $0xff, v20  }
0xef: {  	[tilespmem:v12+s3+$0x0] =	vst.idx.add.f32.msk vm0, v20;
	v20 =	vor.u32 v2, v13  }
0xf0: {  	[tilespmem:v18+s3+$0x0] =	vst.idx.add.f32.msk $0xff, v21  }
0xf1: {  	[tilespmem:v18+s3+$0x0] =	vst.idx.add.f32.msk vm0, v21  }
0xf2: {  	v13 =	vshll.u32 v16, $0x3;
	v12 =	vld.idx.msk [tilespmem:v23+s9+$0x0], $0xffff  }
0xf3: {  	v13 =	vor.u32 v2, v13;
	v16 =	vld [tilespmem:s24+$0x50]  }
0xf4: {  	s0 =	sadd.s32 $0xFFFFFFFE, s25;
	[tilespmem:v15+s3+$0x0] =	vst.idx.add.f32.msk $0xff, v22  }
0xf5: {  	[tilespmem:v15+s3+$0x0] =	vst.idx.add.f32.msk vm0, v22;
	v15 =	vor.u32 s0, v1  }
0xf6: {  	v17 =	vld.idx.msk [tilespmem:v17+s9+$0x0], $0xffff  }
0xf7: {  	v18 =	vld [tilespmem:s23+$0x10]  }
0xf8: {  	v12 =	vshll.u32 v12, $0x3;
	[tilespmem:v13+s3+$0x0] =	vst.idx.add.f32.msk $0xff, v16  }
0xf9: {  	v12 =	vor.u32 v2, v12;
	[tilespmem:v13+s3+$0x0] =	vst.idx.add.f32.msk vm0, v16  }
0xfa: {  	s0 =	sadd.s32 $0xFFFFFFF6, s28;
	v13 =	vld.idx.msk [tilespmem:v15+s9+$0x0], $0xffff  }
0xfb: {  	v16 =	vor.u32 s0, v1;
	v15 =	vld [tilespmem:s23+$0xFFFFFF90]  }
0xfc: {  	v17 =	vshll.u32 v17, $0x3;
	v21 =	vld.idx.msk [tilespmem:v7+s9+$0x0], $0xffff;
	v7 =	vmov v14  }
0xfd: {  	v14 =	vor.u32 v2, v17;
	v17 =	vld [tilespmem:s24+$0xFFFFFFD0]  }
0xfe: {  	[tilespmem:v12+s3+$0x0] =	vst.idx.add.f32.msk $0xff, v18  }
0xff: {  	[tilespmem:v12+s3+$0x0] =	vst.idx.add.f32.msk vm0, v18  }
0x100: {  	v13 =	vshll.u32 v13, $0x3;
	v12 =	vld.idx.msk [tilespmem:v16+s9+$0x0], $0xffff  }
0x101: {  	v13 =	vor.u32 v2, v13;
	v16 =	vld [tilespmem:s24+$0x60]  }
0x102: {  	v18 =	vshll.u32 v21, $0x3;
	[tilespmem:v14+s3+$0x0] =	vst.idx.add.f32.msk $0xff, v15  }
0x103: {  	[tilespmem:v14+s3+$0x0] =	vst.idx.add.f32.msk vm0, v15;
	v14 =	vor.u32 v2, v18;
	v15 =	vor.u32 s25, v1;
	s25 =	smov.u32 s28  }
0x104: {  	v18 =	vld.idx.msk [tilespmem:v19+s9+$0x0], $0xffff  }
0x105: {  	v19 =	vld [tilespmem:s23+$0x20]  }
0x106: {  	[tilespmem:v13+s3+$0x0] =	vst.idx.add.f32.msk $0xff, v16  }
0x107: {  	v12 =	vshll.u32 v12, $0x3;
	[tilespmem:v13+s3+$0x0] =	vst.idx.add.f32.msk vm0, v16  }
0x108: {  	v12 =	vor.u32 v2, v12;
	v13 =	vld.idx.msk [tilespmem:v15+s9+$0x0], $0xffff  }
0x109: {  	v15 =	vld [tilespmem:s23+$0xFFFFFFA0]  }
0x10a: {  	s0 =	sadd.s32 $0xFFFFFFF8, s28;
	v16 =	vshll.u32 v18, $0x3;
	[tilespmem:v14+s3+$0x0] =	vst.idx.add.f32.msk $0xff, v17  }
0x10b: {  	v18 =	vor.u32 s0, v1;
	v16 =	vor.u32 v2, v16;
	[tilespmem:v14+s3+$0x0] =	vst.idx.add.f32.msk vm0, v17  }
0x10c: {  	v14 =	vld.idx.msk [tilespmem:v6+s9+$0x0], $0xffff;
	v6 =	vmov v11  }
0x10d: {  	[tilespmem:v12+s3+$0x0] =	vst.idx.add.f32.msk $0xff, v19  }
0x10e: {  	v11 =	vshll.u32 v13, $0x3;
	[tilespmem:v12+s3+$0x0] =	vst.idx.add.f32.msk vm0, v19  }
0x10f: {  	v11 =	vor.u32 v2, v11;
	v13 =	vld [tilespmem:s24+$0x70]  }
0x110: {  	v17 =	vld.idx.msk [tilespmem:v18+s9+$0x0], $0xffff  }
0x111: {  	[tilespmem:v16+s3+$0x0] =	vst.idx.add.f32.msk $0xff, v15  }
0x112: {  	v12 =	vshll.u32 v14, $0x3;
	[tilespmem:v16+s3+$0x0] =	vst.idx.add.f32.msk vm0, v15  }
0x113: {  	v12 =	vor.u32 v2, v12;
	v10 =	vld.idx.msk [tilespmem:v10+s9+$0x0], $0xffff  }
0x114: {  	[tilespmem:v11+s3+$0x0] =	vst.idx.add.f32.msk $0xff, v13  }
0x115: {  	[tilespmem:v11+s3+$0x0] =	vst.idx.add.f32.msk vm0, v13  }
0x116: {  	v13 =	vshll.u32 v17, $0x3;
	v11 =	vld [tilespmem:s23+$0xFFFFFFB0]  }
0x117: {  	v17 =	vor.u32 v2, v13;
	v16 =	vld [tilespmem:s23+$0x30]  }
0x118: {  	s0 =	sadd.s32 $0xFFFFFFFA, s28;
	v13 =	vld [tilespmem:s24+$0xFFFFFFE0]  }
.Ltmp6:
0x119: {  	v15 =	vor.u32 s0, v1;
	v14 =	vshll.u32 v10, $0x3;
	v10 =	vld [tilespmem:s22+$0xFFFFFFF0];
	s22 =	smov.u32 s24;
	s24 =	smov.u32 s23;
	(pc) =	sbr.rel @p0 .LBB2_7-.Ltmp6, $4  }
0x11a: {  	v14 =	vor.u32 v2, v14;
	[tilespmem:v3+s3+$0x0] =	vst.idx.add.f32.msk $0xff, v9  }
0x11b: {  	[tilespmem:v3+s3+$0x0] =	vst.idx.add.f32.msk vm0, v9;
	v3 =	vmov v20  }
0x11c: {  	[tilespmem:v17+s3+$0x0] =	vst.idx.add.f32.msk $0xff, v16  }
0x11d: {  	s28 =	sadd.s32 $0x20, s28;
	[tilespmem:v17+s3+$0x0] =	vst.idx.add.f32.msk vm0, v16  }
0x11e: {  	_ =	sdelay $0x3  }
0x11f: {  	v9 =	vld.idx.msk [tilespmem:v15+s9+$0x0], $0xffff  }
0x120: {  	[tilespmem:v14+s3+$0x0] =	vst.idx.add.f32.msk $0xff, v11  }
0x121: {  	[tilespmem:v14+s3+$0x0] =	vst.idx.add.f32.msk vm0, v11  }
0x122: {  	v8 =	vld.idx.msk [tilespmem:v8+s9+$0x0], $0xffff;
	_ =	sdelay $0x1  }
0x123: {  	v9 =	vshll.u32 v9, $0x3  }
0x124: {  	v54 =	vld [tilespmem:s23+$0x40];
	v9 =	vor.u32 v2, v9  }
0x125: {  	s0 =	sadd.s32 $0xFFFFFFFC, s25  }
0x126: {  	v55 =	vor.u32 s0, v1;
	v8 =	vshll.u32 v8, $0x3  }
0x127: {  	v56 =	vld [tilespmem:s23+$0xFFFFFFC0];
	v8 =	vor.u32 v2, v8;
	_ =	sdelay $0x1  }
0x128: {  	[tilespmem:v9+s3+$0x0] =	vst.idx.add.f32.msk $0xff, v54  }
0x129: {  	[tilespmem:v9+s3+$0x0] =	vst.idx.add.f32.msk vm0, v54  }
0x12a: {  	v9 =	vld.idx.msk [tilespmem:v55+s9+$0x0], $0xffff  }
0x12b: {  	[tilespmem:v8+s3+$0x0] =	vst.idx.add.f32.msk $0xff, v56  }
0x12c: {  	[tilespmem:v8+s3+$0x0] =	vst.idx.add.f32.msk vm0, v56  }
0x12d: {  	v7 =	vld.idx.msk [tilespmem:v7+s9+$0x0], $0xffff;
	_ =	sdelay $0x1  }
0x12e: {  	v9 =	vshll.u32 v9, $0x3  }
0x12f: {  	v11 =	vld [tilespmem:s24+$0x50];
	v9 =	vor.u32 v2, v9  }
0x130: {  	s31 =	sadd.s32 $0xFFFFFFFE, s25  }
0x131: {  	v57 =	vor.u32 s31, v1;
	v7 =	vshll.u32 v7, $0x3  }
0x132: {  	v58 =	vld [tilespmem:s24+$0xFFFFFFD0];
	v7 =	vor.u32 v2, v7;
	_ =	sdelay $0x1  }
0x133: {  	[tilespmem:v9+s3+$0x0] =	vst.idx.add.f32.msk $0xff, v11  }
0x134: {  	[tilespmem:v9+s3+$0x0] =	vst.idx.add.f32.msk vm0, v11  }
0x135: {  	v8 =	vld.idx.msk [tilespmem:v57+s9+$0x0], $0xffff  }
0x136: {  	[tilespmem:v7+s3+$0x0] =	vst.idx.add.f32.msk $0xff, v58  }
0x137: {  	[tilespmem:v7+s3+$0x0] =	vst.idx.add.f32.msk vm0, v58  }
0x138: {  	v6 =	vld.idx.msk [tilespmem:v6+s9+$0x0], $0xffff;
	_ =	sdelay $0x1  }
0x139: {  	v8 =	vshll.u32 v8, $0x3  }
0x13a: {  	v11 =	vld [tilespmem:s24+$0x60];
	v8 =	vor.u32 v2, v8  }
0x13b: {  	[tilespmem:v12+s3+$0x0] =	vst.idx.add.f32.msk $0xff, v13  }
0x13c: {  	v59 =	vor.u32 s25, v1;
	[tilespmem:v12+s3+$0x0] =	vst.idx.add.f32.msk vm0, v13;
	v6 =	vshll.u32 v6, $0x3  }
0x13d: {  	v60 =	vld [tilespmem:s24+$0xFFFFFFE0];
	v6 =	vor.u32 v2, v6  }
0x13e: {  	v4 =	vld.idx.msk [tilespmem:v4+s9+$0x0], $0xffff  }
0x13f: {  	[tilespmem:v8+s3+$0x0] =	vst.idx.add.f32.msk $0xff, v11  }
0x140: {  	[tilespmem:v8+s3+$0x0] =	vst.idx.add.f32.msk vm0, v11  }
0x141: {  	v7 =	vld.idx.msk [tilespmem:v59+s9+$0x0], $0xffff  }
0x142: {  	[tilespmem:v6+s3+$0x0] =	vst.idx.add.f32.msk $0xff, v60  }
0x143: {  	[tilespmem:v6+s3+$0x0] =	vst.idx.add.f32.msk vm0, v60  }
0x144: {  	v5 =	vld.idx.msk [tilespmem:v5+s9+$0x0], $0xffff  }
0x145: {  	v4 =	vshll.u32 v4, $0x3  }
0x146: {  	v62 =	vld [tilespmem:s22+$0xFFFFFFF0];
	v4 =	vor.u32 v2, v4  }
0x147: {  	[tilespmem:v3+s3+$0x0] =	vst.idx.add.f32.msk $0xff, v10;
	v7 =	vshll.u32 v7, $0x3  }
0x148: {  	v61 =	vld [tilespmem:s24+$0x70];
	v7 =	vor.u32 v2, v7  }
0x149: {  	[tilespmem:v3+s3+$0x0] =	vst.idx.add.f32.msk vm0, v10;
	v5 =	vshll.u32 v5, $0x3  }
0x14a: {  	s21 =	sadd.s32 $0x1, s21;
	v63 =	vld [tilespmem:s24+$0xFFFFFFF0];
	v5 =	vor.u32 v2, v5  }
0x14b: {  	p0 =	sne.s32 s21, $0x140;
	[tilespmem:v4+s3+$0x0] =	vst.idx.add.f32.msk $0xff, v62  }
.Ltmp7:
0x14c: {  	[tilespmem:v4+s3+$0x0] =	vst.idx.add.f32.msk vm0, v62;
	(pc) =	sbr.rel @p0 .LBB2_6-.Ltmp7, $4  }
0x14d: {  	[tilespmem:v7+s3+$0x0] =	vst.idx.add.f32.msk $0xff, v61  }
0x14e: {  	[tilespmem:v7+s3+$0x0] =	vst.idx.add.f32.msk vm0, v61  }
0x14f: {  	[tilespmem:v5+s3+$0x0] =	vst.idx.add.f32.msk $0xff, v63  }
0x150: {  	[tilespmem:v5+s3+$0x0] =	vst.idx.add.f32.msk vm0, v63  }
0x151: {  	s0 =	sshrl.u32 s18, $0x3  }
0x152: {  	s0 =	smul.u32 $0xA0000, s0;
	_ =	sdelay $0x1  }
0x153: {  	s0 =	sor.u32 s7, s0  }
0x154: {  	s0 =	sshrl.u32 s0, $0x3  }
.Ltmp8:
0x155: {  	s0 =	sadd.s32 s6, s0;
	(pc) =	sbr.rel .LBB2_10-.Ltmp8, $4  }
0x156: {  	[hbm4b:s0+s10] =	stream.strided.scatter [tilespmem:s3], [sflag:$0x3], $0x14000, s11, s10, $0x38;
	[tilespmem:$0x14480] =	vst v63  }
0x157: {  	_ =	swait.ge [sflag:s15], $0x14000  }
0x158: {  	[sflag:s15] =	ssyncset.done $0x0  }
0x159: {  	[sflag:s15] =	ssyncadd.s32 $0xFFFEC000  }
.LBB2_12:
0x15a: {  	_ =	sfence.sel $0x180000  }
0x15b: {  	[bflag:$0x0] =	sbarrier.arrive $0xFFFF  }
0x15c: {  	_ =	strace $0x9000004A  }
0x15d: {  	[bflag:$0x2] =	sbarrier.arrive $0xFFFF  }
0x15e: {  	p0 =	sne.s32 s1, $0x0;
	s0 =	rddreg [dreg:$0x2]  }
0x15f: {  	s0 =	sadd.s32 @!p0 $0x100000, s0  }
0x160: {  	[sflag:s0] =	ssyncadd.tile.s32 @!p0 $0x1;
	_ =	shalt  }
.Lfunc_end2:
_tile_overlayer_lowered:
.L_overlay_start_2:
0x161: {  	(tag) =	ssettag $0x2  }
0x162: {  	s0 =	rddreg [dreg:$0x0];
	s2 =	stileid.u32  }
0x163: {  	s1 =	rddreg [dreg:$0x1];
	p0 =	sne.s32 s2, $0x0  }
0x164: {  	s3 =	rddreg [dreg:$0x2];
	[bflag:$0x3] =	sbarrier.arrive $0xFFFF;
	s2 =	simm.s32 @!p0 $0x1C03  }
0x165: {  	[timem:s3], [sflag:s2] =	dma.local @!p0 [hbm:s0], s1  }
0x166: {  	s0 =	simm.s32 @!p0 $0x3  }
0x167: {  	_ =	swait.ge @!p0 [sflag:s0], s1  }
0x168: {  	s1 =	ssub.s32 @!p0 $0x0, s1;
	[sflag:s0] =	ssyncset.done @!p0 $0x0  }
0x169: {  	[sflag:s0] =	ssyncadd.s32 @!p0 s1  }
0x16a: {  	[bflag:$0x3] =	sbarrier.arrive $0xFFFF  }
0x16b: {  	_ =	shalt  }

// kernel: kernel.18.cloned.1.call-start
scs
__scs_entry_jumppad:
0x0: {  	(pc) =	sbr.rel $0x88, $3  }
0x1: {  	(tag) =	ssettag $0x0;
	lr =	simm.s32 $0x1  }
0x2: {  	[smem:$0x3F97] =	sst lr;
	_ =	strace $0xD0000000  }
0x3: {  	_ = 	snop  }
0x4: {  	_ = 	snop  }
0x5: {  	_ = 	snop  }
0x6: {  	_ = 	snop  }
0x7: {  	_ = 	snop  }
__scs_overlays_trampoline_lowered:
0x8: {  	[smem:$0x3FA6] =	sst s0  }
0x9: {  	[smem:$0x3FA7] =	sst s1  }
0xa: {  	[smem:$0x3FA8] =	sst s2  }
0xb: {  	[smem:$0x3FA9] =	sst s3  }
0xc: {  	[smem:$0x3FAA] =	sst s4  }
0xd: {  	[smem:$0x3FAB] =	sst s5  }
0xe: {  	[smem:$0x3FAC] =	sst s6  }
0xf: {  	[smem:$0x3FAD] =	sst s7  }
0x10: {  	[smem:$0x3FAE] =	sst s8  }
0x11: {  	[smem:$0x3FAF] =	sst s9;
	s0 =	simm.s32 @!p0 $0x0  }
0x12: {  	s1 =	sld [smem:$0x3F95];
	s0 =	simm.s32 @p0 $0x1  }
0x13: {  	[smem:$0x3FB0] =	sst s0;
	s0 =	simm.s32 @!p1 $0x0  }
0x14: {  	s2 =	sld [smem:$0x3F94];
	s0 =	simm.s32 @p1 $0x1  }
0x15: {  	[smem:$0x3FB1] =	sst s0;
	s0 =	simm.s32 @!p2 $0x0  }
0x16: {  	s3 =	sld [smem:$0x3FDB];
	s0 =	simm.s32 @p2 $0x1  }
0x17: {  	s4 =	simm.s32 $0x1BF5;
	[smem:$0x3FB3] =	sst s0  }
0x18: {  	s0 =	sld [smem:$0x3F96];
	_ =	swait.ge [sflag:s4], $0x0  }
0x19: {  	s7 =	sld [smem:$0x3F97]  }
0x1a: {  	s8 =	sadd.s32 $0xFFFFE003, lr  }
0x1b: {  	s9 =	sadd.s32 $0xFFFFFEF7, lr;
	s5 =	simm.s32 $0xFFFFFFFF;
	p2 =	slt.u32 s8, $0xFFFFF086  }
0x1c: {  	p1 =	slt.u32 s9, $0xF7A;
	s5 =	simm.s32 @!p2 $0x0  }
0x1d: {  	s5 =	simm.s32 @p1 $0x1;
	p0 =	seq.s32 s7, s2  }
0x1e: {  	s7 =	smul.u32 @!p0 $0xF7A, s2;
	p2 =	seq.s32 @!p0 s5, $0x0  }
0x1f: {  	s9 =	smul.u32 $0xF7A, s1;
	s8 =	simm.s32 @!p0 $0x1BF5;
	p2 =	por !p2, p0  }
0x20: {  	[sflag:s8] =	ssyncset.s32 @!p0 $0xFFFFF086;
	s6 =	sadd.s32 @!p0 s3, s7;
	s7 =	simm.s32 @!p0 $0x108  }
0x21: {  	s3 =	sadd.s32 s3, s9;
	s6 =	sadd.s32 @!p0 $0x88, s6;
	s7 =	simm.s32 @p2 $0x1082  }
0x22: {  	[simem:s7], [sflag:s8] =	dma.local @!p0 [hbm:s6], $0xF7A  }
0x23: {  	s9 =	sor.u32 $0xD0000000, s2;
	s6 =	simm.s32 $0x108;
	_ =	swait.ge @!p0 [sflag:s8], $0x0  }
0x24: {  	s3 =	sadd.s32 $0x88, s3;
	s6 =	simm.s32 @!p1 $0x1082;
	[sflag:s4] =	ssyncset.s32 $0xFFFFF086  }
0x25: {  	[simem:s6], [sflag:s4] =	dma.local [hbm:s3], $0xF7A  }
0x26: {  	[smem:$0x3F97] =	sst s1;
	(tag) =	ssettag s2;
	_ =	strace s9  }
0x27: {  	s1 =	sld [smem:$0x3FA7]  }
0x28: {  	s2 =	sld [smem:$0x3FA8]  }
0x29: {  	s4 =	sld [smem:$0x3FAA]  }
0x2a: {  	p0 =	seq.s32 s5, $0x0;
	s5 =	sld [smem:$0x3FAB]  }
0x2b: {  	s6 =	sld [smem:$0x3FAC]  }
0x2c: {  	s7 =	sld [smem:$0x3FAD]  }
0x2d: {  	s3 =	simm.s32 $0x108;
	s8 =	sld [smem:$0x3FAE]  }
0x2e: {  	s3 =	simm.s32 @!p0 $0x1082;
	s9 =	sld [smem:$0x3FAF]  }
0x2f: {  	lr =	sadd.s32 s0, s3;
	s0 =	sld [smem:$0x3FA6]  }
0x30: {  	s3 =	sld [smem:$0x3FA9]  }
0x31: {  	[smem:$0x3FB2] =	sst s10  }
0x32: {  	s10 =	sld [smem:$0x3FB0];
	_ =	sdelay $0x3  }
0x33: {  	p0 =	seq.s32 s10, $0x1;
	s10 =	sld [smem:$0x3FB2];
	_ =	sdelay $0x3  }
0x34: {  	[smem:$0x3FB2] =	sst s10  }
0x35: {  	s10 =	sld [smem:$0x3FB1];
	_ =	sdelay $0x3  }
0x36: {  	p1 =	seq.s32 s10, $0x1;
	s10 =	sld [smem:$0x3FB2];
	_ =	sdelay $0x3  }
0x37: {  	[smem:$0x3FB2] =	sst s10  }
0x38: {  	s10 =	sld [smem:$0x3FB3]  }
0x39: {  	_ = 	snop;
	(pc) =	sbr.ind lr, $3  }
0x3a: {  	_ = 	snop  }
0x3b: {  	_ = 	snop  }
0x3c: {  	p2 =	seq.s32 s10, $0x1;
	s10 =	sld [smem:$0x3FB2]  }
0x3d: {  	_ =	shalt  }
0x3e: {  	_ =	shalt  }
0x3f: {  	_ =	shalt  }
0x40: {  	_ =	shalt  }
0x41: {  	_ =	shalt  }
0x42: {  	_ =	shalt  }
0x43: {  	_ =	shalt  }
0x44: {  	_ =	shalt  }
0x45: {  	_ =	shalt  }
0x46: {  	_ =	shalt  }
0x47: {  	_ =	shalt  }
0x48: {  	_ =	shalt  }
0x49: {  	_ =	shalt  }
0x4a: {  	_ =	shalt  }
0x4b: {  	_ =	shalt  }
0x4c: {  	_ =	shalt  }
0x4d: {  	_ =	shalt  }
0x4e: {  	_ =	shalt  }
0x4f: {  	_ =	shalt  }
0x50: {  	_ =	shalt  }
0x51: {  	_ =	shalt  }
0x52: {  	_ =	shalt  }
0x53: {  	_ =	shalt  }
0x54: {  	_ =	shalt  }
0x55: {  	_ =	shalt  }
0x56: {  	_ =	shalt  }
0x57: {  	_ =	shalt  }
0x58: {  	_ =	shalt  }
0x59: {  	_ =	shalt  }
0x5a: {  	_ =	shalt  }
0x5b: {  	_ =	shalt  }
0x5c: {  	_ =	shalt  }
0x5d: {  	_ =	shalt  }
0x5e: {  	_ =	shalt  }
0x5f: {  	_ =	shalt  }
0x60: {  	_ =	shalt  }
0x61: {  	_ =	shalt  }
0x62: {  	_ =	shalt  }
0x63: {  	_ =	shalt  }
0x64: {  	_ =	shalt  }
0x65: {  	_ =	shalt  }
0x66: {  	_ =	shalt  }
0x67: {  	_ =	shalt  }
0x68: {  	_ =	shalt  }
0x69: {  	_ =	shalt  }
0x6a: {  	_ =	shalt  }
0x6b: {  	_ =	shalt  }
0x6c: {  	_ =	shalt  }
0x6d: {  	_ =	shalt  }
0x6e: {  	_ =	shalt  }
0x6f: {  	_ =	shalt  }
0x70: {  	_ =	shalt  }
0x71: {  	_ =	shalt  }
0x72: {  	_ =	shalt  }
0x73: {  	_ =	shalt  }
0x74: {  	_ =	shalt  }
0x75: {  	_ =	shalt  }
0x76: {  	_ =	shalt  }
0x77: {  	_ =	shalt  }
0x78: {  	_ =	shalt  }
0x79: {  	_ =	shalt  }
0x7a: {  	_ =	shalt  }
0x7b: {  	_ =	shalt  }
0x7c: {  	_ =	shalt  }
0x7d: {  	_ =	shalt  }
0x7e: {  	_ =	shalt  }
0x7f: {  	_ =	shalt  }
0x80: {  	_ =	shalt  }
0x81: {  	_ =	shalt  }
0x82: {  	_ =	shalt  }
0x83: {  	_ =	shalt  }
0x84: {  	_ =	shalt  }
0x85: {  	_ =	shalt  }
0x86: {  	_ =	shalt  }
0x87: {  	_ =	shalt  }
.Lfunc_end0:
.L_simem_size_0:
called_computation.2_lowered:
.L_overlay_start_0:
0x88: {  	s2 =	sld [smem:$0x3FD9]  }
0x89: {  	s3 =	sld [smem:$0x3FFE];
	_ =	sdelay $0x1  }
0x8a: {  	s1 =	srdreg.scid  }
0x8b: {  	s0 =	sand.u32 $0x1, s1  }
0x8c: {  	s17 =	sshll.u32 s0, $0xA;
	s2 =	sadd.s32 s3, s2  }
0x8d: {  	s2 =	sadd.s32 s2, s17  }
0x8e: {  	[smem:$0x3FBE] =	sst s2  }
0x8f: {  	_ = 	snop  }
0x90: {  	s2 =	sld [smem:$0x3FD0];
	(tm) =	ssettm $0x1  }
0x91: {  	s18 =	sld [smem:$0x3FFB];
	_ =	sdelay $0x3  }
0x92: {  	_ =	strace s18  }
0x93: {  	s3 =	sld [smem:$0x3FFC];
	_ =	sdelay $0x3  }
0x94: {  	_ =	strace s3  }
0x95: {  	s3 =	sld [smem:$0x3FFD];
	_ =	sdelay $0x3  }
0x96: {  	_ =	strace s3  }
0x97: {  	_ =	strace $0x8FFFFFFF  }
0x98: {  	s19 =	sld [smem:$0x3FDB];
	_ =	sdelay $0x1  }
0x99: {  	s4 =	simm.s32 $_scs_section_size  }
0x9a: {  	s5 =	simm.s32 $_size__tile_overlayer_lowered;
	s6 =	simm.s32 $_tile_overlayer_lowered  }
0x9b: {  	s22 =	simm.s32 $0x1BFF;
	s21 =	sshll.u32 s6, $0x1;
	s3 =	sadd.s32 s4, s19  }
0x9c: {  	s7 =	simm.s32 $0x0;
	s20 =	sshll.u32 s5, $0x1;
	s5 =	sadd.s32 s21, s3  }
0x9d: {  	[timem:s7], [sflag:s22] =	dma.local [hbm:s5], s20  }
0x9e: {  	_ =	swait.ge [sflag:s22], s20  }
0x9f: {  	s4 =	ssub.s32 $0x0, s20;
	[sflag:s22] =	ssyncset.done $0x0  }
0xa0: {  	[sflag:s22] =	ssyncadd.s32 s4;
	_ =	sdelay $0x1  }
0xa1: {  	s23 =	simm.s32 $0x1B8B  }
0xa2: {  	_ =	swait.ge [sflag:s23], $0x1  }
0xa3: {  	[sflag:s23] =	ssyncset.done $0x0  }
0xa4: {  	s25 =	simm.s32 $0x1B8E;
	s24 =	sld [smem:$0x3FFE];
	[sflag:s23] =	ssyncadd.s32 $0xFFFFFFFF  }
0xa5: {  	s26 =	simm.s32 $execute0_lowered;
	[smem:$0x3FD2] =	sst s25  }
0xa6: {  	s5 =	sshll.u32 s26, $0x1;
	_ =	strace $0x8000004C;
	[dreg:$0x1] =	wrdreg $0xFFFFFFFF  }
0xa7: {  	s28 =	simm.s32 $_size_execute0_lowered;
	s3 =	sadd.s32 s3, s5;
	[dreg:$0x0] =	wrdreg $0x0  }
0xa8: {  	s5 =	sshll.u32 s28, $0x1;
	[dreg:$0x2] =	wrdreg s3  }
0xa9: {  	[dreg:$0x3] =	wrdreg s5  }
0xaa: {  	[dreg:$0x4] =	wrdreg $0xC0  }
0xab: {  	_ =	task [dreg:s7], $0x5FFFF  }
0xac: {  	[dreg:$0x1] =	wrdreg $0xFFFFFFFF  }
0xad: {  	[dreg:$0x0] =	wrdreg $0x60  }
0xae: {  	[dreg:$0x2] =	wrdreg s24  }
0xaf: {  	[dreg:$0x3] =	wrdreg s2  }
0xb0: {  	[dreg:$0x4] =	wrdreg $0x9  }
0xb1: {  	_ =	task.clear_ibuf [dreg:s7], $0x5FFFF;
	_ =	strace $0x9000004C  }
0xb2: {  	s29 =	simm.s32 $0x9;
	_ =	strace $0x8000004E  }
0xb3: {  	_ =	swait.ge [sflag:s29], $0x1  }
0xb4: {  	[sflag:s29] =	ssyncadd.s32 $0xFFFFFFFF  }
0xb5: {  	_ =	strace $0x9000004E  }
0xb6: {  	_ =	sfence  }
0xb7: {  	s30 =	sld [smem:$0x0];
	_ =	sdelay $0x2  }
0xb8: {  	s31 =	sshll.u32 s1, $0xD;
	s1 =	sshrl.u32 s1, $0x2  }
0xb9: {  	s3 =	sand.u32 $0x4000, s31;
	s1 =	sadd.s32 s1, s30  }
0xba: {  	s0 =	sor.u32 s3, s0;
	s1 =	sshll.u32 s1, $0x11  }
0xbb: {  	s0 =	sor.u32 s1, s0  }
0xbc: {  	s0 =	sadd.s32 $0x8F2B, s0  }
0xbd: {  	[sflag:s0] =	ssyncadd.remote.s32 $0x1  }
0xbe: {  	_ =	sfence.sel $0xFFFF  }
0xbf: {  	[dreg:$0x0] =	wrdreg $0xFFFFFFFF;
	(pc) =	sbr.abs _section_cstart, $3  }
0xc0: {  	[dreg:$0x1] =	wrdreg $0xFFFFFFFF  }
0xc1: {  	_ =	task.clear_ibuf [dreg:s7], $0x2FFFF;
	_ =	strace $0x9FFFFFFF  }
0xc2: {  	(tm) =	ssettm $0x7FFFFFFF  }
0xc3: {  	_ =	shalt  }
tec
execute0_lowered:
.L_overlay_start_1:
0x0: {  	(tag) =	ssettag $0x1  }
0x1: {  	s6 =	rddreg [dreg:$0x0]  }
0x2: {  	s1 =	rddreg [dreg:$0x1]  }
0x3: {  	s0 =	rddreg [dreg:$0x2];
	s3 =	simm.s32 $0x0;
	s2 =	stileid.u32  }
0x4: {  	s5 =	srdreg.scid;
	s13 =	simm.s32 $0x100;
	s14 =	simm.s32 $0x4100  }
0x5: {  	s15 =	simm.s32 $0x1;
	s16 =	simm.s32 $0x2;
	s17 =	simm.s32 $0x0  }
0x6: {  	[smem:$0x7FF] =	sst s3;
	s4 =	sadd.s32 $0x8A00, s6;
	s7 =	smul.u32 $0x28000, s2  }
0x7: {  	s8 =	sand.u32 $0x1, s5;
	s5 =	sadd.s32 $0x2FC00, s6;
	s12 =	smul.u32 $0x500, s2  }
0x8: {  	_ =	strace $0x8000004D;
	s9 =	ssub.s32 $0x2, s8;
	s10 =	smul.u32 $0x14000, s8  }
0x9: {  	s31 =	smul.u32 $0x280, s8;
	s7 =	sadd.s32 s7, s6;
	s11 =	sshrl.u32 s9, $0x1  }
0xa: {  	s6 =	sadd.s32 $0x3A00, s6;
	s9 =	ssub.s32 s9, s11;
	s10 =	sadd.s32 s10, s7  }
0xb: {  	s11 =	simm.s32 $0x3;
	s7 =	smax.u32 s9, $0x1;
	s8 =	sadd.s32 $0x2D6E00, s10  }
0xc: {  	s9 =	sadd.s32 $0x56E00, s10;
	s10 =	sadd.s32 s31, s12;
	s12 =	simm.s32 $0x80  }
.LBB2_1:
0xd: {  	s18 =	sadd.s32 $0x0, s10  }
0xe: {  	s19 =	sand.u32 $0x70, s3;
	s18 =	sand.u32 $0xFFFFF80, s18  }
0xf: {  	s18 =	sor.u32 s19, s18  }
0x10: {  	s19 =	sadd.s32 s6, s18  }
0x11: {  	[tilespmem:s3], [sflag:$0x3] =	stream.linear.gather [hbm4b:s19+s3], $0x80, $0x38;
	[tilespmem:$0x8100] =	vst v63  }
0x12: {  	_ =	swait.ge [sflag:s11], $0x80  }
0x13: {  	[sflag:s11] =	ssyncset.done $0x0  }
0x14: {  	s18 =	sadd.s32 s1, s18;
	[sflag:s11] =	ssyncadd.s32 $0xFFFFFF80  }
0x15: {  	[tilespmem:s12], [sflag:$0x3] =	stream.linear.gather [hbm4b:s18+s3], $0x80, $0x38;
	[tilespmem:$0x8100] =	vst v63  }
0x16: {  	_ =	swait.ge [sflag:s11], $0x80  }
0x17: {  	[sflag:s11] =	ssyncset.done $0x0  }
0x18: {  	[sflag:s11] =	ssyncadd.s32 $0xFFFFFF80  }
0x19: {  	[tilespmem:s13], [sflag:$0x1] =	stream.indirect.gather [hbm4b:s4+s12], $0x80, s3, s12, $0xb8;
	[tilespmem:$0x8100] =	vst v63  }
0x1a: {  	_ = 	snop  }
0x1b: {  	[tilespmem:s14], [sflag:$0x2] =	stream.indirect.gather [hbm4b:s5+s12], $0x80, s12, s12, $0xb8;
	[tilespmem:$0x8100] =	vst v63  }
0x1c: {  	_ =	swait.ge [sflag:s15], $0x4000  }
0x1d: {  	[sflag:s15] =	ssyncset.done $0x0  }
0x1e: {  	[sflag:s15] =	ssyncadd.s32 $0xFFFFC000  }
0x1f: {  	[hbm4b:s9+s3] =	stream.linear.scatter [tilespmem:s13], [sflag:$0x3], $0x4000, $0x38;
	[tilespmem:$0x8100] =	vst v63  }
0x20: {  	_ =	swait.ge [sflag:s11], $0x4000  }
0x21: {  	[sflag:s11] =	ssyncset.done $0x0  }
0x22: {  	[sflag:s11] =	ssyncadd.s32 $0xFFFFC000  }
0x23: {  	_ =	swait.ge [sflag:s16], $0x4000  }
0x24: {  	s31 =	simm.s32 $0x10;
	s20 =	sadd.s32 $0x10, s10;
	[sflag:s16] =	ssyncset.done $0x0  }
0x25: {  	s20 =	sand.u32 $0xFFFFF80, s20;
	s19 =	sand.u32 $0x70, s31;
	[sflag:s16] =	ssyncadd.s32 $0xFFFFC000  }
0x26: {  	[hbm4b:s8+s3] =	stream.linear.scatter [tilespmem:s14], [sflag:$0x3], $0x4000, $0x38;
	[tilespmem:$0x8100] =	vst v63  }
0x27: {  	s21 =	simm.s32 $0x20;
	s20 =	sor.u32 s19, s20;
	_ =	swait.ge [sflag:s11], $0x4000  }
0x28: {  	s19 =	sadd.s32 $0x800, s8;
	s18 =	sadd.s32 $0x800, s9;
	[sflag:s11] =	ssyncset.done $0x0  }
.LBB2_2:
0x29: {  	s22 =	sadd.s32 s6, s20  }
0x2a: {  	[sflag:s11] =	ssyncadd.s32 $0xFFFFC000;
	s23 =	smov.u32 s21;
	s24 =	sadd.s32 $0x10, s21  }
0x2b: {  	[tilespmem:s3], [sflag:$0x3] =	stream.linear.gather [hbm4b:s22+s3], $0x80, $0x38;
	[tilespmem:$0x8100] =	vst v63  }
0x2c: {  	p0 =	sne.s32 s21, $0x270;
	_ =	swait.ge [sflag:s11], $0x80  }
0x2d: {  	[sflag:s11] =	ssyncset.done $0x0  }
0x2e: {  	s20 =	sadd.s32 s1, s20;
	[sflag:s11] =	ssyncadd.s32 $0xFFFFFF80  }
0x2f: {  	[tilespmem:s12], [sflag:$0x3] =	stream.linear.gather [hbm4b:s20+s3], $0x80, $0x38;
	[tilespmem:$0x8100] =	vst v63  }
0x30: {  	_ =	swait.ge [sflag:s11], $0x80  }
0x31: {  	[sflag:s11] =	ssyncset.done $0x0  }
0x32: {  	[sflag:s11] =	ssyncadd.s32 $0xFFFFFF80  }
0x33: {  	[tilespmem:s13], [sflag:$0x1] =	stream.indirect.gather [hbm4b:s4+s12], $0x80, s3, s12, $0xb8;
	[tilespmem:$0x8100] =	vst v63  }
0x34: {  	_ = 	snop  }
0x35: {  	[tilespmem:s14], [sflag:$0x2] =	stream.indirect.gather [hbm4b:s5+s12], $0x80, s12, s12, $0xb8;
	[tilespmem:$0x8100] =	vst v63  }
0x36: {  	_ =	swait.ge [sflag:s15], $0x4000  }
0x37: {  	[sflag:s15] =	ssyncset.done $0x0  }
0x38: {  	[sflag:s15] =	ssyncadd.s32 $0xFFFFC000  }
0x39: {  	[hbm4b:s18+s3] =	stream.linear.scatter [tilespmem:s13], [sflag:$0x3], $0x4000, $0x38;
	[tilespmem:$0x8100] =	vst v63  }
0x3a: {  	_ =	swait.ge [sflag:s11], $0x4000  }
0x3b: {  	[sflag:s11] =	ssyncset.done $0x0  }
0x3c: {  	[sflag:s11] =	ssyncadd.s32 $0xFFFFC000  }
0x3d: {  	s21 =	sand.u32 $0x70, s23;
	_ =	swait.ge [sflag:s16], $0x4000  }
.Ltmp0:
0x3e: {  	s20 =	sadd.s32 s23, s10;
	[sflag:s16] =	ssyncset.done $0x0;
	(pc) =	sbr.rel @p0 .LBB2_2-.Ltmp0, $4  }
0x3f: {  	s20 =	sand.u32 $0xFFFFF80, s20;
	s18 =	sadd.s32 $0x800, s18;
	[sflag:s16] =	ssyncadd.s32 $0xFFFFC000  }
0x40: {  	[hbm4b:s19+s3] =	stream.linear.scatter [tilespmem:s14], [sflag:$0x3], $0x4000, $0x38;
	[tilespmem:$0x8100] =	vst v63  }
0x41: {  	s20 =	sor.u32 s21, s20;
	_ =	swait.ge [sflag:s11], $0x4000  }
0x42: {  	s21 =	smov.u32 s24;
	s19 =	sadd.s32 $0x800, s19;
	[sflag:s11] =	ssyncset.done $0x0  }
0x43: {  	s21 =	sadd.s32 s6, s20;
	[sflag:s11] =	ssyncadd.s32 $0xFFFFC000  }
0x44: {  	[tilespmem:s3], [sflag:$0x3] =	stream.linear.gather [hbm4b:s21+s3], $0x80, $0x38;
	[tilespmem:$0x8100] =	vst v63  }
0x45: {  	_ =	swait.ge [sflag:s11], $0x80  }
0x46: {  	[sflag:s11] =	ssyncset.done $0x0  }
0x47: {  	s31 =	sadd.s32 s1, s20;
	[sflag:s11] =	ssyncadd.s32 $0xFFFFFF80  }
0x48: {  	[tilespmem:s12], [sflag:$0x3] =	stream.linear.gather [hbm4b:s31+s3], $0x80, $0x38;
	[tilespmem:$0x8100] =	vst v63  }
0x49: {  	_ =	swait.ge [sflag:s11], $0x80  }
0x4a: {  	[sflag:s11] =	ssyncset.done $0x0  }
0x4b: {  	[sflag:s11] =	ssyncadd.s32 $0xFFFFFF80  }
0x4c: {  	[tilespmem:s13], [sflag:$0x1] =	stream.indirect.gather [hbm4b:s4+s12], $0x80, s3, s12, $0xb8;
	[tilespmem:$0x8100] =	vst v63  }
0x4d: {  	_ = 	snop  }
0x4e: {  	[tilespmem:s14], [sflag:$0x2] =	stream.indirect.gather [hbm4b:s5+s12], $0x80, s12, s12, $0xb8;
	[tilespmem:$0x8100] =	vst v63  }
0x4f: {  	_ =	swait.ge [sflag:s15], $0x4000  }
0x50: {  	[sflag:s15] =	ssyncset.done $0x0  }
0x51: {  	[sflag:s15] =	ssyncadd.s32 $0xFFFFC000  }
0x52: {  	[hbm4b:s18+s3] =	stream.linear.scatter [tilespmem:s13], [sflag:$0x3], $0x4000, $0x38;
	[tilespmem:$0x8100] =	vst v63  }
0x53: {  	_ =	swait.ge [sflag:s11], $0x4000  }
0x54: {  	[sflag:s11] =	ssyncset.done $0x0  }
0x55: {  	[sflag:s11] =	ssyncadd.s32 $0xFFFFC000  }
0x56: {  	s17 =	sadd.s32 $0x1, s17;
	_ =	swait.ge [sflag:s16], $0x4000  }
0x57: {  	p0 =	sne.s32 s17, s7;
	[sflag:s16] =	ssyncset.done $0x0  }
.Ltmp1:
0x58: {  	[sflag:s16] =	ssyncadd.s32 $0xFFFFC000;
	(pc) =	sbr.rel @p0 .LBB2_1-.Ltmp1, $4  }
0x59: {  	[hbm4b:s19+s3] =	stream.linear.scatter [tilespmem:s14], [sflag:$0x3], $0x4000, $0x38;
	[tilespmem:$0x8100] =	vst v63  }
0x5a: {  	_ =	swait.ge [sflag:s11], $0x4000  }
0x5b: {  	[sflag:s11] =	ssyncset.done $0x0  }
0x5c: {  	[sflag:s11] =	ssyncadd.s32 $0xFFFFC000  }
0x5d: {  	_ =	sfence.sel $0x180000  }
0x5e: {  	[bflag:$0x0] =	sbarrier.arrive $0xFFFF  }
0x5f: {  	p0 =	sne.s32 s2, $0x0;
	_ =	strace $0x9000004D  }
0x60: {  	s0 =	sadd.s32 @!p0 $0x100000, s0;
	[bflag:$0x2] =	sbarrier.arrive $0xFFFF  }
0x61: {  	[sflag:s0] =	ssyncadd.tile.s32 @!p0 $0x1;
	_ =	shalt  }
.Lfunc_end2:
_tile_overlayer_lowered:
.L_overlay_start_2:
0x62: {  	(tag) =	ssettag $0x2  }
0x63: {  	s0 =	rddreg [dreg:$0x0];
	s2 =	stileid.u32  }
0x64: {  	s1 =	rddreg [dreg:$0x1];
	p0 =	sne.s32 s2, $0x0  }
0x65: {  	s3 =	rddreg [dreg:$0x2];
	[bflag:$0x3] =	sbarrier.arrive $0xFFFF;
	s2 =	simm.s32 @!p0 $0x1C03  }
0x66: {  	[timem:s3], [sflag:s2] =	dma.local @!p0 [hbm:s0], s1  }
0x67: {  	s0 =	simm.s32 @!p0 $0x3  }
0x68: {  	_ =	swait.ge @!p0 [sflag:s0], s1  }
0x69: {  	s1 =	ssub.s32 @!p0 $0x0, s1;
	[sflag:s0] =	ssyncset.done @!p0 $0x0  }
0x6a: {  	[sflag:s0] =	ssyncadd.s32 @!p0 s1  }
0x6b: {  	[bflag:$0x3] =	sbarrier.arrive $0xFFFF  }
0x6c: {  	_ =	shalt  }

// kernel: kernel.21.cloned.1.call-start
scs
__scs_entry_jumppad:
0x0: {  	(pc) =	sbr.rel $0x88, $3  }
0x1: {  	(tag) =	ssettag $0x0;
	lr =	simm.s32 $0x1  }
0x2: {  	[smem:$0x3F97] =	sst lr;
	_ =	strace $0xD0000000  }
0x3: {  	_ = 	snop  }
0x4: {  	_ = 	snop  }
0x5: {  	_ = 	snop  }
0x6: {  	_ = 	snop  }
0x7: {  	_ = 	snop  }
__scs_overlays_trampoline_lowered:
0x8: {  	[smem:$0x3FA6] =	sst s0  }
0x9: {  	[smem:$0x3FA7] =	sst s1  }
0xa: {  	[smem:$0x3FA8] =	sst s2  }
0xb: {  	[smem:$0x3FA9] =	sst s3  }
0xc: {  	[smem:$0x3FAA] =	sst s4  }
0xd: {  	[smem:$0x3FAB] =	sst s5  }
0xe: {  	[smem:$0x3FAC] =	sst s6  }
0xf: {  	[smem:$0x3FAD] =	sst s7  }
0x10: {  	[smem:$0x3FAE] =	sst s8  }
0x11: {  	[smem:$0x3FAF] =	sst s9;
	s0 =	simm.s32 @!p0 $0x0  }
0x12: {  	s1 =	sld [smem:$0x3F95];
	s0 =	simm.s32 @p0 $0x1  }
0x13: {  	[smem:$0x3FB0] =	sst s0;
	s0 =	simm.s32 @!p1 $0x0  }
0x14: {  	s2 =	sld [smem:$0x3F94];
	s0 =	simm.s32 @p1 $0x1  }
0x15: {  	[smem:$0x3FB1] =	sst s0;
	s0 =	simm.s32 @!p2 $0x0  }
0x16: {  	s3 =	sld [smem:$0x3FDB];
	s0 =	simm.s32 @p2 $0x1  }
0x17: {  	s4 =	simm.s32 $0x1BF5;
	[smem:$0x3FB3] =	sst s0  }
0x18: {  	s0 =	sld [smem:$0x3F96];
	_ =	swait.ge [sflag:s4], $0x0  }
0x19: {  	s7 =	sld [smem:$0x3F97]  }
0x1a: {  	s8 =	sadd.s32 $0xFFFFE003, lr  }
0x1b: {  	s9 =	sadd.s32 $0xFFFFFEF7, lr;
	s5 =	simm.s32 $0xFFFFFFFF;
	p2 =	slt.u32 s8, $0xFFFFF086  }
0x1c: {  	p1 =	slt.u32 s9, $0xF7A;
	s5 =	simm.s32 @!p2 $0x0  }
0x1d: {  	s5 =	simm.s32 @p1 $0x1;
	p0 =	seq.s32 s7, s2  }
0x1e: {  	s7 =	smul.u32 @!p0 $0xF7A, s2;
	p2 =	seq.s32 @!p0 s5, $0x0  }
0x1f: {  	s9 =	smul.u32 $0xF7A, s1;
	s8 =	simm.s32 @!p0 $0x1BF5;
	p2 =	por !p2, p0  }
0x20: {  	[sflag:s8] =	ssyncset.s32 @!p0 $0xFFFFF086;
	s6 =	sadd.s32 @!p0 s3, s7;
	s7 =	simm.s32 @!p0 $0x108  }
0x21: {  	s3 =	sadd.s32 s3, s9;
	s6 =	sadd.s32 @!p0 $0x88, s6;
	s7 =	simm.s32 @p2 $0x1082  }
0x22: {  	[simem:s7], [sflag:s8] =	dma.local @!p0 [hbm:s6], $0xF7A  }
0x23: {  	s9 =	sor.u32 $0xD0000000, s2;
	s6 =	simm.s32 $0x108;
	_ =	swait.ge @!p0 [sflag:s8], $0x0  }
0x24: {  	s3 =	sadd.s32 $0x88, s3;
	s6 =	simm.s32 @!p1 $0x1082;
	[sflag:s4] =	ssyncset.s32 $0xFFFFF086  }
0x25: {  	[simem:s6], [sflag:s4] =	dma.local [hbm:s3], $0xF7A  }
0x26: {  	[smem:$0x3F97] =	sst s1;
	(tag) =	ssettag s2;
	_ =	strace s9  }
0x27: {  	s1 =	sld [smem:$0x3FA7]  }
0x28: {  	s2 =	sld [smem:$0x3FA8]  }
0x29: {  	s4 =	sld [smem:$0x3FAA]  }
0x2a: {  	p0 =	seq.s32 s5, $0x0;
	s5 =	sld [smem:$0x3FAB]  }
0x2b: {  	s6 =	sld [smem:$0x3FAC]  }
0x2c: {  	s7 =	sld [smem:$0x3FAD]  }
0x2d: {  	s3 =	simm.s32 $0x108;
	s8 =	sld [smem:$0x3FAE]  }
0x2e: {  	s3 =	simm.s32 @!p0 $0x1082;
	s9 =	sld [smem:$0x3FAF]  }
0x2f: {  	lr =	sadd.s32 s0, s3;
	s0 =	sld [smem:$0x3FA6]  }
0x30: {  	s3 =	sld [smem:$0x3FA9]  }
0x31: {  	[smem:$0x3FB2] =	sst s10  }
0x32: {  	s10 =	sld [smem:$0x3FB0];
	_ =	sdelay $0x3  }
0x33: {  	p0 =	seq.s32 s10, $0x1;
	s10 =	sld [smem:$0x3FB2];
	_ =	sdelay $0x3  }
0x34: {  	[smem:$0x3FB2] =	sst s10  }
0x35: {  	s10 =	sld [smem:$0x3FB1];
	_ =	sdelay $0x3  }
0x36: {  	p1 =	seq.s32 s10, $0x1;
	s10 =	sld [smem:$0x3FB2];
	_ =	sdelay $0x3  }
0x37: {  	[smem:$0x3FB2] =	sst s10  }
0x38: {  	s10 =	sld [smem:$0x3FB3]  }
0x39: {  	_ = 	snop;
	(pc) =	sbr.ind lr, $3  }
0x3a: {  	_ = 	snop  }
0x3b: {  	_ = 	snop  }
0x3c: {  	p2 =	seq.s32 s10, $0x1;
	s10 =	sld [smem:$0x3FB2]  }
0x3d: {  	_ =	shalt  }
0x3e: {  	_ =	shalt  }
0x3f: {  	_ =	shalt  }
0x40: {  	_ =	shalt  }
0x41: {  	_ =	shalt  }
0x42: {  	_ =	shalt  }
0x43: {  	_ =	shalt  }
0x44: {  	_ =	shalt  }
0x45: {  	_ =	shalt  }
0x46: {  	_ =	shalt  }
0x47: {  	_ =	shalt  }
0x48: {  	_ =	shalt  }
0x49: {  	_ =	shalt  }
0x4a: {  	_ =	shalt  }
0x4b: {  	_ =	shalt  }
0x4c: {  	_ =	shalt  }
0x4d: {  	_ =	shalt  }
0x4e: {  	_ =	shalt  }
0x4f: {  	_ =	shalt  }
0x50: {  	_ =	shalt  }
0x51: {  	_ =	shalt  }
0x52: {  	_ =	shalt  }
0x53: {  	_ =	shalt  }
0x54: {  	_ =	shalt  }
0x55: {  	_ =	shalt  }
0x56: {  	_ =	shalt  }
0x57: {  	_ =	shalt  }
0x58: {  	_ =	shalt  }
0x59: {  	_ =	shalt  }
0x5a: {  	_ =	shalt  }
0x5b: {  	_ =	shalt  }
0x5c: {  	_ =	shalt  }
0x5d: {  	_ =	shalt  }
0x5e: {  	_ =	shalt  }
0x5f: {  	_ =	shalt  }
0x60: {  	_ =	shalt  }
0x61: {  	_ =	shalt  }
0x62: {  	_ =	shalt  }
0x63: {  	_ =	shalt  }
0x64: {  	_ =	shalt  }
0x65: {  	_ =	shalt  }
0x66: {  	_ =	shalt  }
0x67: {  	_ =	shalt  }
0x68: {  	_ =	shalt  }
0x69: {  	_ =	shalt  }
0x6a: {  	_ =	shalt  }
0x6b: {  	_ =	shalt  }
0x6c: {  	_ =	shalt  }
0x6d: {  	_ =	shalt  }
0x6e: {  	_ =	shalt  }
0x6f: {  	_ =	shalt  }
0x70: {  	_ =	shalt  }
0x71: {  	_ =	shalt  }
0x72: {  	_ =	shalt  }
0x73: {  	_ =	shalt  }
0x74: {  	_ =	shalt  }
0x75: {  	_ =	shalt  }
0x76: {  	_ =	shalt  }
0x77: {  	_ =	shalt  }
0x78: {  	_ =	shalt  }
0x79: {  	_ =	shalt  }
0x7a: {  	_ =	shalt  }
0x7b: {  	_ =	shalt  }
0x7c: {  	_ =	shalt  }
0x7d: {  	_ =	shalt  }
0x7e: {  	_ =	shalt  }
0x7f: {  	_ =	shalt  }
0x80: {  	_ =	shalt  }
0x81: {  	_ =	shalt  }
0x82: {  	_ =	shalt  }
0x83: {  	_ =	shalt  }
0x84: {  	_ =	shalt  }
0x85: {  	_ =	shalt  }
0x86: {  	_ =	shalt  }
0x87: {  	_ =	shalt  }
.Lfunc_end0:
.L_simem_size_0:
called_computation.3_lowered:
.L_overlay_start_0:
0x88: {  	s2 =	sld [smem:$0x3FD9]  }
0x89: {  	s3 =	sld [smem:$0x3FFE];
	_ =	sdelay $0x1  }
0x8a: {  	s1 =	srdreg.scid  }
0x8b: {  	s0 =	sand.u32 $0x1, s1  }
0x8c: {  	s17 =	sshll.u32 s0, $0xA;
	s2 =	sadd.s32 s3, s2  }
0x8d: {  	s2 =	sadd.s32 s2, s17  }
0x8e: {  	[smem:$0x3FBE] =	sst s2  }
0x8f: {  	_ = 	snop  }
0x90: {  	s2 =	sld [smem:$0x3FD0];
	(tm) =	ssettm $0x1  }
0x91: {  	s18 =	sld [smem:$0x3FFB];
	_ =	sdelay $0x3  }
0x92: {  	_ =	strace s18  }
0x93: {  	s3 =	sld [smem:$0x3FFC];
	_ =	sdelay $0x3  }
0x94: {  	_ =	strace s3  }
0x95: {  	s3 =	sld [smem:$0x3FFD];
	_ =	sdelay $0x3  }
0x96: {  	_ =	strace s3  }
0x97: {  	_ =	strace $0x8FFFFFFF  }
0x98: {  	s19 =	sld [smem:$0x3FDB];
	_ =	sdelay $0x1  }
0x99: {  	s4 =	simm.s32 $_scs_section_size  }
0x9a: {  	s5 =	simm.s32 $_size__tile_overlayer_lowered;
	s6 =	simm.s32 $_tile_overlayer_lowered  }
0x9b: {  	s22 =	simm.s32 $0x1BFF;
	s21 =	sshll.u32 s6, $0x1;
	s3 =	sadd.s32 s4, s19  }
0x9c: {  	s7 =	simm.s32 $0x0;
	s20 =	sshll.u32 s5, $0x1;
	s5 =	sadd.s32 s21, s3  }
0x9d: {  	[timem:s7], [sflag:s22] =	dma.local [hbm:s5], s20  }
0x9e: {  	_ =	swait.ge [sflag:s22], s20  }
0x9f: {  	s4 =	ssub.s32 $0x0, s20;
	[sflag:s22] =	ssyncset.done $0x0  }
0xa0: {  	[sflag:s22] =	ssyncadd.s32 s4;
	_ =	sdelay $0x1  }
0xa1: {  	s23 =	simm.s32 $0x1B8B  }
0xa2: {  	_ =	swait.ge [sflag:s23], $0x1  }
0xa3: {  	[sflag:s23] =	ssyncset.done $0x0  }
0xa4: {  	s25 =	simm.s32 $0x1B8E;
	s24 =	sld [smem:$0x3FFE];
	[sflag:s23] =	ssyncadd.s32 $0xFFFFFFFF  }
0xa5: {  	s26 =	simm.s32 $execute0_lowered;
	[smem:$0x3FD2] =	sst s25  }
0xa6: {  	s5 =	sshll.u32 s26, $0x1;
	_ =	strace $0x8000004F;
	[dreg:$0x1] =	wrdreg $0xFFFFFFFF  }
0xa7: {  	s28 =	simm.s32 $_size_execute0_lowered;
	s3 =	sadd.s32 s3, s5;
	[dreg:$0x0] =	wrdreg $0x0  }
0xa8: {  	s5 =	sshll.u32 s28, $0x1;
	[dreg:$0x2] =	wrdreg s3  }
0xa9: {  	[dreg:$0x3] =	wrdreg s5  }
0xaa: {  	[dreg:$0x4] =	wrdreg $0xC0  }
0xab: {  	_ =	task [dreg:s7], $0x5FFFF  }
0xac: {  	[dreg:$0x1] =	wrdreg $0xFFFFFFFF  }
0xad: {  	[dreg:$0x0] =	wrdreg $0x60  }
0xae: {  	[dreg:$0x2] =	wrdreg s24  }
0xaf: {  	[dreg:$0x3] =	wrdreg s2  }
0xb0: {  	[dreg:$0x4] =	wrdreg $0x9  }
0xb1: {  	_ =	task.clear_ibuf [dreg:s7], $0x5FFFF;
	_ =	strace $0x9000004F  }
0xb2: {  	s29 =	simm.s32 $0x9;
	_ =	strace $0x80000051  }
0xb3: {  	_ =	swait.ge [sflag:s29], $0x1  }
0xb4: {  	[sflag:s29] =	ssyncadd.s32 $0xFFFFFFFF  }
0xb5: {  	_ =	strace $0x90000051  }
0xb6: {  	_ =	sfence  }
0xb7: {  	s30 =	sld [smem:$0x0];
	_ =	sdelay $0x2  }
0xb8: {  	s31 =	sshll.u32 s1, $0xD;
	s1 =	sshrl.u32 s1, $0x2  }
0xb9: {  	s3 =	sand.u32 $0x4000, s31;
	s1 =	sadd.s32 s1, s30  }
0xba: {  	s0 =	sor.u32 s3, s0;
	s1 =	sshll.u32 s1, $0x11  }
0xbb: {  	s0 =	sor.u32 s1, s0  }
0xbc: {  	s0 =	sadd.s32 $0x8F2B, s0  }
0xbd: {  	[sflag:s0] =	ssyncadd.remote.s32 $0x1  }
0xbe: {  	_ =	sfence.sel $0xFFFF  }
0xbf: {  	[dreg:$0x0] =	wrdreg $0xFFFFFFFF;
	(pc) =	sbr.abs _section_cstart, $3  }
0xc0: {  	[dreg:$0x1] =	wrdreg $0xFFFFFFFF  }
0xc1: {  	_ =	task.clear_ibuf [dreg:s7], $0x2FFFF;
	_ =	strace $0x9FFFFFFF  }
0xc2: {  	(tm) =	ssettm $0x7FFFFFFF  }
0xc3: {  	_ =	shalt  }
tec
execute0_lowered:
.L_overlay_start_1:
0x0: {  	(tag) =	ssettag $0x1  }
0x1: {  	s6 =	rddreg [dreg:$0x0]  }
0x2: {  	s2 =	rddreg [dreg:$0x1]  }
0x3: {  	s0 =	rddreg [dreg:$0x2];
	s3 =	simm.s32 $0x0  }
0x4: {  	s4 =	srdreg.scid;
	s1 =	stileid.u32;
	s10 =	simm.s32 $0x80  }
0x5: {  	s11 =	simm.s32 $0x400;
	s12 =	simm.s32 $0x14000;
	s13 =	simm.s32 $0x1  }
0x6: {  	s14 =	simm.s32 $0x2;
	s15 =	simm.s32 $0x3;
	s16 =	simm.s32 $0x0  }
.Ltmp0:
0x7: {  	[smem:$0x7FF] =	sst s3;
	s4 =	sand.u32 $0x1, s4;
	(pc) =	sbr.rel .LBB2_1-.Ltmp0, $4  }
0x8: {  	vm0 =	vcmask $0x3F20;
	s5 =	sshll.u32 s1, $0x1;
	_ =	strace $0x80000050;
	s7 =	ssub.s32 $0x2, s4  }
0x9: {  	s4 =	sor.u32 s4, s5;
	s5 =	sadd.s32 $0x556E00, s6;
	s8 =	sshrl.u32 s7, $0x1  }
0xa: {  	v2 =	vlaneseq.u32;
	s6 =	sadd.s32 $0x3A00, s6;
	s9 =	sshll.u32 s4, $0x7;
	s8 =	ssub.s32 s7, s8  }
0xb: {  	v0 =	vimm.f32 $0.0e+00;
	v1 =	vshrl.u32 v2, $0x3;
	v2 =	vand.u32 $0x7, v2;
	s7 =	sand.u32 $0x380, s9;
	s9 =	simm.s32 $0x14400;
	s8 =	smax.u32 s8, $0x1  }
.LBB2_11:
0xc: {  	s16 =	sadd.s32 $0x1, s16  }
0xd: {  	p0 =	sne.s32 s16, s8  }
.Ltmp1:
0xe: {  	_ = 	snop;
	(pc) =	sbr.rel @!p0 .LBB2_12-.Ltmp1, $1  }
0xf: {  	_ =	sdelay $0x3  }
.LBB2_1:
.Ltmp2:
0x10: {  	(pc) =	sbr.rel .LBB2_2-.Ltmp2, $2  }
0x11: {  	_ =	sdelay $0x2  }
0x12: {  	p1 =	por $0x1, $0x1;
	s17 =	simm.s32 $0x0  }
.LBB2_10:
.Ltmp3:
0x13: {  	(pc) =	sbr.rel @!p0 .LBB2_11-.Ltmp3, $2  }
0x14: {  	_ =	sdelay $0x2  }
0x15: {  	s17 =	simm.s32 $0x20;
	p1 =	por $0x0, $0x0  }
.LBB2_2:
0x16: {  	s17 =	sor.u32 s4, s17  }
0x17: {  	p2 =	slt.u32 s17, $0x24  }
.Ltmp4:
0x18: {  	_ = 	snop;
	(pc) =	sbr.rel @!p2 .LBB2_10-.Ltmp4, $2  }
0x19: {  	_ =	sdelay $0x2  }
0x1a: {  	p0 =	por p1, p1  }
0x1b: {  	s18 =	simm.s32 $0x40;
	s19 =	simm.s32 $0x0  }
.LBB2_4:
0x1c: {  	p1 =	seq.s32 s18, $0x4FFC0;
	[tilespmem:s19+$0x0] =	vst v0;
	s19 =	smov.u32 s18;
	s18 =	sadd.s32 $0x40, s18  }
.Ltmp5:
0x1d: {  	(pc) =	sbr.rel @!p1 .LBB2_4-.Ltmp5, $2  }
0x1e: {  	_ =	sdelay $0x2  }
0x1f: {  	s19 =	sshra.s32 s19, $0x2  }
0x20: {  	s18 =	smul.u32 $0x39, s17;
	_ =	sdelay $0x1  }
0x21: {  	s18 =	sshrl.u32 s18, $0x9  }
0x22: {  	s18 =	sand.u32 $0x7F, s18  }
0x23: {  	s31 =	smul.u32 $0x9, s18;
	_ =	sdelay $0x1  }
0x24: {  	[tilespmem:s19+$0x0] =	vst v0;
	s19 =	ssub.s32 s17, s31  }
0x25: {  	s20 =	sand.u32 $0xF8, s19  }
0x26: {  	s20 =	sshrl.u32 s20, $0x3  }
0x27: {  	s19 =	sshll.u32 s19, $0x7;
	s20 =	smul.u32 $0xA00000, s20  }
0x28: {  	s19 =	sand.u32 $0x380, s19  }
0x29: {  	s18 =	smul.u32 $0x140, s18;
	s19 =	sor.u32 s19, s20;
	s20 =	simm.s32 $0x0  }
.LBB2_6:
0x2a: {  	_ = 	snop  }
0x2b: {  	s22 =	sshll.u32 s20, $0x4;
	s21 =	sadd.s32 s18, s20  }
0x2c: {  	s22 =	sand.u32 $0x70, s22;
	s23 =	sshll.u32 s21, $0x4;
	s21 =	sshll.u32 s21, $0xD  }
0x2d: {  	s22 =	sadd.s32 s2, s22;
	s23 =	sand.u32 $0x1FF80, s23;
	s21 =	sadd.s32 s19, s21  }
0x2e: {  	s22 =	sadd.s32 s23, s22;
	s21 =	sshrl.u32 s21, $0x3  }
0x2f: {  	[tilespmem:s9], [sflag:$0x1] =	stream.linear.gather [hbm4b:s22+s3], $0x80, $0x38;
	[tilespmem:$0x14480] =	vst v63  }
0x30: {  	s21 =	sadd.s32 s5, s21  }
0x31: {  	[tilespmem:s12], [sflag:$0x2] =	stream.strided.gather [hbm4b:s21+s10], $0x400, s11, s10, $0x38;
	[tilespmem:$0x14480] =	vst v63  }
0x32: {  	s22 =	simm.s32 $0x10;
	_ =	swait.ge [sflag:s13], $0x80  }
0x33: {  	s23 =	simm.s32 $0x0;
	v3 =	vor.u32 s22, v1;
	[sflag:s13] =	ssyncset.done $0x0  }
0x34: {  	v4 =	vor.u32 s23, v1;
	[sflag:s13] =	ssyncadd.s32 $0xFFFFFF80  }
0x35: {  	_ =	swait.ge [sflag:s14], $0x400  }
0x36: {  	[sflag:s14] =	ssyncset.done $0x0  }
0x37: {  	[sflag:s14] =	ssyncadd.s32 $0xFFFFFC00  }
0x38: {  	v3 =	vld.idx.msk [tilespmem:v3+s9+$0x0], $0xffff  }
0x39: {  	v4 =	vld.idx.msk [tilespmem:v4+s9+$0x0], $0xffff;
	_ =	sdelay $0x3  }
0x3a: {  	s23 =	simm.s32 $0x14080;
	v3 =	vshll.u32 v3, $0x3  }
0x3b: {  	v5 =	vld [tilespmem:s23+$0x0];
	v4 =	vshll.u32 v4, $0x3;
	v3 =	vor.u32 v2, v3  }
0x3c: {  	v7 =	vld [tilespmem:s23+$0xFFFFFF80];
	v4 =	vor.u32 v2, v4;
	_ =	sdelay $0x1  }
0x3d: {  	s24 =	simm.s32 $0x12  }
0x3e: {  	s25 =	simm.s32 $0x2;
	v6 =	vor.u32 s24, v1  }
0x3f: {  	v8 =	vor.u32 s25, v1;
	[tilespmem:v3+s3+$0x0] =	vst.idx.add.f32.msk $0xff, v5  }
0x40: {  	[tilespmem:v4+s3+$0x0] =	vst.idx.add.f32.msk $0xff, v7  }
0x41: {  	[tilespmem:v3+s3+$0x0] =	vst.idx.add.f32.msk vm0, v5  }
0x42: {  	[tilespmem:v4+s3+$0x0] =	vst.idx.add.f32.msk vm0, v7  }
0x43: {  	v3 =	vld.idx.msk [tilespmem:v6+s9+$0x0], $0xffff  }
0x44: {  	v4 =	vld.idx.msk [tilespmem:v8+s9+$0x0], $0xffff;
	_ =	sdelay $0x3  }
0x45: {  	v3 =	vshll.u32 v3, $0x3  }
0x46: {  	v5 =	vld [tilespmem:s23+$0x10];
	v4 =	vshll.u32 v4, $0x3;
	v3 =	vor.u32 v2, v3  }
0x47: {  	v7 =	vld [tilespmem:s23+$0xFFFFFF90];
	v4 =	vor.u32 v2, v4;
	_ =	sdelay $0x1  }
0x48: {  	s26 =	simm.s32 $0x14  }
0x49: {  	s28 =	simm.s32 $0x4;
	v6 =	vor.u32 s26, v1  }
0x4a: {  	v8 =	vor.u32 s28, v1;
	[tilespmem:v3+s3+$0x0] =	vst.idx.add.f32.msk $0xff, v5  }
0x4b: {  	[tilespmem:v4+s3+$0x0] =	vst.idx.add.f32.msk $0xff, v7  }
0x4c: {  	[tilespmem:v3+s3+$0x0] =	vst.idx.add.f32.msk vm0, v5  }
0x4d: {  	[tilespmem:v4+s3+$0x0] =	vst.idx.add.f32.msk vm0, v7  }
0x4e: {  	v3 =	vld.idx.msk [tilespmem:v6+s9+$0x0], $0xffff  }
0x4f: {  	v4 =	vld.idx.msk [tilespmem:v8+s9+$0x0], $0xffff;
	_ =	sdelay $0x3  }
0x50: {  	v3 =	vshll.u32 v3, $0x3  }
0x51: {  	v5 =	vld [tilespmem:s23+$0x20];
	v4 =	vshll.u32 v4, $0x3;
	v3 =	vor.u32 v2, v3  }
0x52: {  	v7 =	vld [tilespmem:s23+$0xFFFFFFA0];
	v4 =	vor.u32 v2, v4;
	_ =	sdelay $0x1  }
0x53: {  	s29 =	simm.s32 $0x16  }
0x54: {  	s30 =	simm.s32 $0x6;
	v6 =	vor.u32 s29, v1  }
0x55: {  	v8 =	vor.u32 s30, v1;
	[tilespmem:v3+s3+$0x0] =	vst.idx.add.f32.msk $0xff, v5  }
0x56: {  	[tilespmem:v4+s3+$0x0] =	vst.idx.add.f32.msk $0xff, v7  }
0x57: {  	[tilespmem:v3+s3+$0x0] =	vst.idx.add.f32.msk vm0, v5  }
0x58: {  	[tilespmem:v4+s3+$0x0] =	vst.idx.add.f32.msk vm0, v7  }
0x59: {  	v3 =	vld.idx.msk [tilespmem:v6+s9+$0x0], $0xffff  }
0x5a: {  	v4 =	vld.idx.msk [tilespmem:v8+s9+$0x0], $0xffff;
	_ =	sdelay $0x3  }
0x5b: {  	v3 =	vshll.u32 v3, $0x3  }
0x5c: {  	v5 =	vld [tilespmem:s23+$0x30];
	v4 =	vshll.u32 v4, $0x3;
	v3 =	vor.u32 v2, v3  }
0x5d: {  	v7 =	vld [tilespmem:s23+$0xFFFFFFB0];
	v4 =	vor.u32 v2, v4;
	_ =	sdelay $0x1  }
0x5e: {  	s31 =	simm.s32 $0x18  }
0x5f: {  	s22 =	simm.s32 $0x8;
	v6 =	vor.u32 s31, v1  }
0x60: {  	v8 =	vor.u32 s22, v1;
	[tilespmem:v3+s3+$0x0] =	vst.idx.add.f32.msk $0xff, v5  }
0x61: {  	[tilespmem:v4+s3+$0x0] =	vst.idx.add.f32.msk $0xff, v7  }
0x62: {  	[tilespmem:v3+s3+$0x0] =	vst.idx.add.f32.msk vm0, v5  }
0x63: {  	[tilespmem:v4+s3+$0x0] =	vst.idx.add.f32.msk vm0, v7  }
0x64: {  	s24 =	simm.s32 $0x30;
	v3 =	vld.idx.msk [tilespmem:v6+s9+$0x0], $0xffff  }
0x65: {  	v5 =	vor.u32 s24, v1;
	v6 =	vld.idx.msk [tilespmem:v8+s9+$0x0], $0xffff  }
0x66: {  	s25 =	simm.s32 $0x20  }
0x67: {  	v4 =	vor.u32 s25, v1;
	_ =	sdelay $0x1  }
0x68: {  	v7 =	vld [tilespmem:s23+$0x40];
	v3 =	vshll.u32 v3, $0x3  }
0x69: {  	v5 =	vld.idx.msk [tilespmem:v5+s9+$0x0], $0xffff;
	v6 =	vshll.u32 v6, $0x3;
	v3 =	vor.u32 v2, v3  }
0x6a: {  	v8 =	vld [tilespmem:s23+$0xFFFFFFC0];
	v6 =	vor.u32 v2, v6  }
0x6b: {  	v4 =	vld.idx.msk [tilespmem:v4+s9+$0x0], $0xffff  }
0x6c: {  	s21 =	simm.s32 $0x14180;
	s26 =	simm.s32 $0x1A  }
0x6d: {  	v10 =	vld [tilespmem:s21+$0x0];
	v9 =	vor.u32 s26, v1  }
0x6e: {  	v5 =	vshll.u32 v5, $0x3;
	[tilespmem:v3+s3+$0x0] =	vst.idx.add.f32.msk $0xff, v7  }
0x6f: {  	v5 =	vor.u32 v2, v5;
	[tilespmem:v6+s3+$0x0] =	vst.idx.add.f32.msk $0xff, v8  }
0x70: {  	v4 =	vshll.u32 v4, $0x3;
	[tilespmem:v3+s3+$0x0] =	vst.idx.add.f32.msk vm0, v7  }
0x71: {  	s28 =	simm.s32 $0x32;
	v4 =	vor.u32 v2, v4;
	v7 =	vld [tilespmem:s21+$0xFFFFFF80]  }
0x72: {  	v3 =	vld.idx.msk [tilespmem:v9+s9+$0x0], $0xffff;
	v9 =	vor.u32 s28, v1  }
0x73: {  	[tilespmem:v6+s3+$0x0] =	vst.idx.add.f32.msk vm0, v8  }
0x74: {  	[tilespmem:v5+s3+$0x0] =	vst.idx.add.f32.msk $0xff, v10  }
0x75: {  	s29 =	simm.s32 $0x22;
	[tilespmem:v5+s3+$0x0] =	vst.idx.add.f32.msk vm0, v10  }
0x76: {  	v6 =	vor.u32 s29, v1;
	[tilespmem:v4+s3+$0x0] =	vst.idx.add.f32.msk $0xff, v7  }
0x77: {  	s31 =	simm.s32 $0xA;
	v5 =	vld.idx.msk [tilespmem:v9+s9+$0x0], $0xffff  }
0x78: {  	v3 =	vshll.u32 v3, $0x3;
	[tilespmem:v4+s3+$0x0] =	vst.idx.add.f32.msk vm0, v7;
	v7 =	vor.u32 s31, v1  }
0x79: {  	v8 =	vld [tilespmem:s23+$0x50];
	v3 =	vor.u32 v2, v3  }
0x7a: {  	s30 =	simm.s32 $0x1C  }
0x7b: {  	v4 =	vor.u32 s30, v1;
	v6 =	vld.idx.msk [tilespmem:v6+s9+$0x0], $0xffff  }
0x7c: {  	v9 =	vld [tilespmem:s21+$0x10];
	v5 =	vshll.u32 v5, $0x3  }
0x7d: {  	v7 =	vld.idx.msk [tilespmem:v7+s9+$0x0], $0xffff;
	v5 =	vor.u32 v2, v5  }
0x7e: {  	s24 =	simm.s32 $0x34;
	[tilespmem:v3+s3+$0x0] =	vst.idx.add.f32.msk $0xff, v8  }
0x7f: {  	[tilespmem:v3+s3+$0x0] =	vst.idx.add.f32.msk vm0, v8;
	v8 =	vor.u32 s24, v1  }
0x80: {  	v6 =	vshll.u32 v6, $0x3;
	v3 =	vld.idx.msk [tilespmem:v4+s9+$0x0], $0xffff  }
0x81: {  	v6 =	vor.u32 v2, v6;
	v4 =	vld [tilespmem:s21+$0xFFFFFF90]  }
0x82: {  	[tilespmem:v5+s3+$0x0] =	vst.idx.add.f32.msk $0xff, v9  }
0x83: {  	s25 =	simm.s32 $0x24;
	[tilespmem:v5+s3+$0x0] =	vst.idx.add.f32.msk vm0, v9  }
0x84: {  	v11 =	vor.u32 s25, v1;
	v5 =	vld.idx.msk [tilespmem:v8+s9+$0x0], $0xffff  }
0x85: {  	v3 =	vshll.u32 v3, $0x3;
	v8 =	vld [tilespmem:s23+$0x60]  }
0x86: {  	[tilespmem:v6+s3+$0x0] =	vst.idx.add.f32.msk $0xff, v4;
	v3 =	vor.u32 v2, v3  }
0x87: {  	[tilespmem:v6+s3+$0x0] =	vst.idx.add.f32.msk vm0, v4;
	v6 =	vshll.u32 v7, $0x3  }
0x88: {  	s26 =	simm.s32 $0x1E;
	v10 =	vld [tilespmem:s23+$0xFFFFFFD0];
	v6 =	vor.u32 v2, v6  }
0x89: {  	v4 =	vor.u32 s26, v1;
	v7 =	vld.idx.msk [tilespmem:v11+s9+$0x0], $0xffff  }
0x8a: {  	v9 =	vld [tilespmem:s21+$0x20];
	v5 =	vshll.u32 v5, $0x3  }
0x8b: {  	[tilespmem:v3+s3+$0x0] =	vst.idx.add.f32.msk $0xff, v8;
	v5 =	vor.u32 v2, v5  }
0x8c: {  	[tilespmem:v3+s3+$0x0] =	vst.idx.add.f32.msk vm0, v8  }
0x8d: {  	s28 =	simm.s32 $0x36;
	[tilespmem:v6+s3+$0x0] =	vst.idx.add.f32.msk $0xff, v10  }
0x8e: {  	v7 =	vshll.u32 v7, $0x3;
	v8 =	vor.u32 s28, v1;
	v3 =	vld.idx.msk [tilespmem:v4+s9+$0x0], $0xffff  }
0x8f: {  	v4 =	vld [tilespmem:s21+$0xFFFFFFA0];
	v7 =	vor.u32 v2, v7  }
0x90: {  	s29 =	simm.s32 $0x26;
	[tilespmem:v5+s3+$0x0] =	vst.idx.add.f32.msk $0xff, v9  }
0x91: {  	v11 =	vor.u32 s29, v1;
	[tilespmem:v5+s3+$0x0] =	vst.idx.add.f32.msk vm0, v9  }
0x92: {  	s30 =	simm.s32 $0xC;
	v5 =	vld [tilespmem:s23+$0x70]  }
0x93: {  	v9 =	vor.u32 s30, v1;
	v8 =	vld.idx.msk [tilespmem:v8+s9+$0x0], $0xffff  }
0x94: {  	v3 =	vshll.u32 v3, $0x3;
	[tilespmem:v7+s3+$0x0] =	vst.idx.add.f32.msk $0xff, v4  }
0x95: {  	v3 =	vor.u32 v2, v3;
	[tilespmem:v7+s3+$0x0] =	vst.idx.add.f32.msk vm0, v4  }
0x96: {  	v4 =	vld.idx.msk [tilespmem:v11+s9+$0x0], $0xffff  }
0x97: {  	[tilespmem:v6+s3+$0x0] =	vst.idx.add.f32.msk vm0, v10  }
0x98: {  	v6 =	vld.idx.msk [tilespmem:v9+s9+$0x0], $0xffff;
	v7 =	vshll.u32 v8, $0x3  }
0x99: {  	v8 =	vld [tilespmem:s21+$0x30];
	v7 =	vor.u32 v2, v7  }
0x9a: {  	s31 =	simm.s32 $0x38;
	[tilespmem:v3+s3+$0x0] =	vst.idx.add.f32.msk $0xff, v5  }
0x9b: {  	[tilespmem:v3+s3+$0x0] =	vst.idx.add.f32.msk vm0, v5;
	v3 =	vshll.u32 v4, $0x3;
	v4 =	vor.u32 s31, v1  }
0x9c: {  	v5 =	vld [tilespmem:s21+$0xFFFFFFB0];
	v3 =	vor.u32 v2, v3  }
0x9d: {  	v9 =	vld [tilespmem:s23+$0xFFFFFFE0]  }
0x9e: {  	s24 =	simm.s32 $0x28;
	[tilespmem:v7+s3+$0x0] =	vst.idx.add.f32.msk $0xff, v8  }
0x9f: {  	v10 =	vor.u32 s24, v1;
	[tilespmem:v7+s3+$0x0] =	vst.idx.add.f32.msk vm0, v8  }
0xa0: {  	v6 =	vshll.u32 v6, $0x3;
	v4 =	vld.idx.msk [tilespmem:v4+s9+$0x0], $0xffff  }
0xa1: {  	s25 =	simm.s32 $0x50;
	v6 =	vor.u32 v2, v6;
	[tilespmem:v3+s3+$0x0] =	vst.idx.add.f32.msk $0xff, v5  }
0xa2: {  	v7 =	vor.u32 s25, v1;
	v11 =	vld [tilespmem:s21+$0x40]  }
0xa3: {  	[tilespmem:v3+s3+$0x0] =	vst.idx.add.f32.msk vm0, v5  }
0xa4: {  	s26 =	simm.s32 $0x40;
	v5 =	vld.idx.msk [tilespmem:v10+s9+$0x0], $0xffff  }
0xa5: {  	s28 =	simm.s32 $0xE;
	v3 =	vor.u32 s26, v1;
	v8 =	vld [tilespmem:s21+$0xFFFFFFC0]  }
0xa6: {  	v10 =	vor.u32 s28, v1;
	[tilespmem:v6+s3+$0x0] =	vst.idx.add.f32.msk $0xff, v9  }
0xa7: {  	v7 =	vld.idx.msk [tilespmem:v7+s9+$0x0], $0xffff;
	v4 =	vshll.u32 v4, $0x3  }
0xa8: {  	s22 =	simm.s32 $0x14280;
	[tilespmem:v6+s3+$0x0] =	vst.idx.add.f32.msk vm0, v9;
	v4 =	vor.u32 v2, v4  }
0xa9: {  	s29 =	simm.s32 $0x3A;
	v6 =	vld [tilespmem:s22+$0x0]  }
0xaa: {  	v12 =	vor.u32 s29, v1;
	v3 =	vld.idx.msk [tilespmem:v3+s9+$0x0], $0xffff;
	v5 =	vshll.u32 v5, $0x3  }
0xab: {  	v9 =	vld.idx.msk [tilespmem:v10+s9+$0x0], $0xffff;
	v5 =	vor.u32 v2, v5  }
0xac: {  	v10 =	vld [tilespmem:s22+$0xFFFFFF80];
	v7 =	vshll.u32 v7, $0x3  }
0xad: {  	v7 =	vor.u32 v2, v7;
	[tilespmem:v4+s3+$0x0] =	vst.idx.add.f32.msk $0xff, v11  }
0xae: {  	s24 =	simm.s32 $0x52;
	[tilespmem:v4+s3+$0x0] =	vst.idx.add.f32.msk vm0, v11  }
0xaf: {  	v11 =	vor.u32 s24, v1;
	v4 =	vld.idx.msk [tilespmem:v12+s9+$0x0], $0xffff  }
0xb0: {  	v3 =	vshll.u32 v3, $0x3;
	[tilespmem:v5+s3+$0x0] =	vst.idx.add.f32.msk $0xff, v8  }
0xb1: {  	v3 =	vor.u32 v2, v3;
	[tilespmem:v5+s3+$0x0] =	vst.idx.add.f32.msk vm0, v8  }
0xb2: {  	s30 =	simm.s32 $0x42;
	[tilespmem:v7+s3+$0x0] =	vst.idx.add.f32.msk $0xff, v6  }
0xb3: {  	v5 =	vor.u32 s30, v1;
	[tilespmem:v7+s3+$0x0] =	vst.idx.add.f32.msk vm0, v6  }
0xb4: {  	s25 =	simm.s32 $0x2A;
	v6 =	vld.idx.msk [tilespmem:v11+s9+$0x0], $0xffff  }
0xb5: {  	v8 =	vor.u32 s25, v1;
	v7 =	vld [tilespmem:s21+$0x50];
	v4 =	vshll.u32 v4, $0x3  }
0xb6: {  	[tilespmem:v3+s3+$0x0] =	vst.idx.add.f32.msk $0xff, v10;
	v4 =	vor.u32 v2, v4  }
0xb7: {  	s31 =	simm.s32 $0x3C;
	[tilespmem:v3+s3+$0x0] =	vst.idx.add.f32.msk vm0, v10  }
0xb8: {  	v3 =	vor.u32 s31, v1;
	v5 =	vld.idx.msk [tilespmem:v5+s9+$0x0], $0xffff  }
0xb9: {  	v10 =	vld [tilespmem:s22+$0x10];
	v6 =	vshll.u32 v6, $0x3  }
0xba: {  	v8 =	vld.idx.msk [tilespmem:v8+s9+$0x0], $0xffff;
	v6 =	vor.u32 v2, v6  }
0xbb: {  	s26 =	simm.s32 $0x54;
	[tilespmem:v4+s3+$0x0] =	vst.idx.add.f32.msk $0xff, v7  }
0xbc: {  	[tilespmem:v4+s3+$0x0] =	vst.idx.add.f32.msk vm0, v7;
	v7 =	vor.u32 s26, v1  }
0xbd: {  	v5 =	vshll.u32 v5, $0x3;
	v3 =	vld.idx.msk [tilespmem:v3+s9+$0x0], $0xffff  }
0xbe: {  	v4 =	vld [tilespmem:s22+$0xFFFFFF90];
	v5 =	vor.u32 v2, v5  }
0xbf: {  	[tilespmem:v6+s3+$0x0] =	vst.idx.add.f32.msk $0xff, v10  }
0xc0: {  	[tilespmem:v6+s3+$0x0] =	vst.idx.add.f32.msk vm0, v10  }
0xc1: {  	s28 =	simm.s32 $0x44;
	v6 =	vld.idx.msk [tilespmem:v7+s9+$0x0], $0xffff  }
0xc2: {  	v12 =	vor.u32 s28, v1;
	v7 =	vld [tilespmem:s21+$0x60];
	v3 =	vshll.u32 v3, $0x3  }
0xc3: {  	[tilespmem:v5+s3+$0x0] =	vst.idx.add.f32.msk $0xff, v4;
	v3 =	vor.u32 v2, v3  }
0xc4: {  	[tilespmem:v5+s3+$0x0] =	vst.idx.add.f32.msk vm0, v4;
	v5 =	vshll.u32 v8, $0x3  }
0xc5: {  	v11 =	vld [tilespmem:s21+$0xFFFFFFD0];
	v5 =	vor.u32 v2, v5  }
0xc6: {  	v10 =	vld [tilespmem:s22+$0x20]  }
0xc7: {  	s29 =	simm.s32 $0x3E;
	v8 =	vld.idx.msk [tilespmem:v12+s9+$0x0], $0xffff  }
0xc8: {  	v4 =	vor.u32 s29, v1;
	v6 =	vshll.u32 v6, $0x3;
	[tilespmem:v3+s3+$0x0] =	vst.idx.add.f32.msk $0xff, v7  }
0xc9: {  	[tilespmem:v3+s3+$0x0] =	vst.idx.add.f32.msk vm0, v7;
	v3 =	vor.u32 v2, v6  }
0xca: {  	[tilespmem:v5+s3+$0x0] =	vst.idx.add.f32.msk $0xff, v11  }
0xcb: {  	s30 =	simm.s32 $0x56;
	v6 =	vld [tilespmem:s22+$0xFFFFFFA0]  }
0xcc: {  	v8 =	vshll.u32 v8, $0x3;
	v7 =	vor.u32 s30, v1;
	[tilespmem:v5+s3+$0x0] =	vst.idx.add.f32.msk vm0, v11  }
0xcd: {  	v5 =	vor.u32 v2, v8;
	v4 =	vld.idx.msk [tilespmem:v4+s9+$0x0], $0xffff  }
0xce: {  	s31 =	simm.s32 $0x46;
	[tilespmem:v3+s3+$0x0] =	vst.idx.add.f32.msk $0xff, v10  }
0xcf: {  	s25 =	simm.s32 $0x2C;
	[tilespmem:v3+s3+$0x0] =	vst.idx.add.f32.msk vm0, v10;
	v3 =	vor.u32 s31, v1  }
0xd0: {  	v12 =	vor.u32 s25, v1;
	v8 =	vld [tilespmem:s21+$0x70]  }
0xd1: {  	v7 =	vld.idx.msk [tilespmem:v7+s9+$0x0], $0xffff  }
0xd2: {  	[tilespmem:v5+s3+$0x0] =	vst.idx.add.f32.msk $0xff, v6  }
0xd3: {  	[tilespmem:v5+s3+$0x0] =	vst.idx.add.f32.msk vm0, v6  }
0xd4: {  	v4 =	vshll.u32 v4, $0x3;
	v14 =	vld.idx.msk [tilespmem:v3+s9+$0x0], $0xffff  }
0xd5: {  	v12 =	vld.idx.msk [tilespmem:v12+s9+$0x0], $0xffff;
	v4 =	vor.u32 v2, v4  }
0xd6: {  	v13 =	vld [tilespmem:s21+$0xFFFFFFE0];
	v3 =	vshll.u32 v7, $0x3  }
0xd7: {  	v16 =	vld [tilespmem:s22+$0x30];
	v17 =	vor.u32 v2, v3  }
0xd8: {  	v10 =	vld [tilespmem:s23+$0xFFFFFFF0];
	s31 =	simm.s32 $0x58  }
0xd9: {  	v11 =	vld [tilespmem:s22+$0xFFFFFFB0];
	v15 =	vor.u32 s31, v1;
	v14 =	vshll.u32 v14, $0x3  }
0xda: {  	s26 =	simm.s32 $0x4A;
	s29 =	simm.s32 $0x4C;
	s30 =	simm.s32 $0x4E;
	[tilespmem:v4+s3+$0x0] =	vst.idx.add.f32.msk $0xff, v8;
	v14 =	vor.u32 v2, v14  }
0xdb: {  	s28 =	simm.s32 $0x48;
	v6 =	vor.u32 s29, v1;
	v5 =	vor.u32 s30, v1;
	v7 =	vor.u32 s26, v1;
	[tilespmem:v4+s3+$0x0] =	vst.idx.add.f32.msk vm0, v8  }
0xdc: {  	s24 =	simm.s32 $0x5E;
	s25 =	simm.s32 $0x2E;
	v8 =	vor.u32 s28, v1;
	v3 =	vshll.u32 v9, $0x3;
	v9 =	vshll.u32 v12, $0x3;
	[tilespmem:v17+s3+$0x0] =	vst.idx.add.f32.msk $0xff, v16  }
0xdd: {  	s23 =	simm.s32 $0x14280;
	s26 =	simm.s32 $0x7E;
	v4 =	vor.u32 s25, v1;
	s25 =	simm.s32 $0x4;
	v3 =	vor.u32 v2, v3;
	v12 =	vor.u32 v2, v9;
	[tilespmem:v17+s3+$0x0] =	vst.idx.add.f32.msk vm0, v16  }
.LBB2_7:
0xde: {  	s28 =	sadd.s32 $0xFFFFFFE2, s26;
	s29 =	sadd.s32 $0xFFFFFFE4, s26;
	s30 =	sadd.s32 $0xFFFFFFF2, s26;
	v15 =	vld.idx.msk [tilespmem:v15+s9+$0x0], $0xffff;
	v9 =	vmov v10  }
0xdf: {  	s31 =	sadd.s32 $0xFFFFFFEA, s26;
	v16 =	vor.u32 s28, v1;
	v17 =	vor.u32 s29, v1;
	s28 =	sadd.s32 $0xFFFFFFE6, s26;
	s29 =	sadd.s32 $0xFFFFFFE8, s26;
	v18 =	vor.u32 s30, v1;
	[tilespmem:v14+s3+$0x0] =	vst.idx.add.f32.msk $0xff, v11  }
0xe0: {  	v20 =	vor.u32 s31, v1;
	s30 =	sadd.s32 $0xFFFFFFF0, s26;
	v19 =	vor.u32 s28, v1;
	v10 =	vor.u32 s29, v1;
	s28 =	sadd.s32 $0xFFFFFFEC, s26;
	s29 =	sadd.s32 $0xFFFFFFEE, s26;
	[tilespmem:v14+s3+$0x0] =	vst.idx.add.f32.msk vm0, v11  }
0xe1: {  	v21 =	vor.u32 s30, v1;
	v14 =	vor.u32 s28, v1;
	v11 =	vor.u32 s29, v1;
	v22 =	vld.idx.msk [tilespmem:v8+s9+$0x0], $0xffff;
	v8 =	vmovc v20  }
0xe2: {  	v20 =	vld [tilespmem:s22+$0xFFFFFFC0]  }
0xe3: {  	[tilespmem:v12+s3+$0x0] =	vst.idx.add.f32.msk $0xff, v13  }
0xe4: {  	v15 =	vshll.u32 v15, $0x3;
	v18 =	vld.idx.msk [tilespmem:v18+s9+$0x0], $0xffff  }
0xe5: {  	v15 =	vor.u32 v2, v15;
	v23 =	vld [tilespmem:s22+$0x40]  }
0xe6: {  	s28 =	sadd.s32 $0xFFFFFFFC, s24;
	v16 =	vld.idx.msk [tilespmem:v16+s9+$0x0], $0xffff  }
0xe7: {  	v24 =	vor.u32 s28, v1;
	v22 =	vshll.u32 v22, $0x3;
	[tilespmem:v12+s3+$0x0] =	vst.idx.add.f32.msk vm0, v13  }
0xe8: {  	s25 =	sadd.s32 $0x2, s25;
	s22 =	sadd.s32 $0x100, s22;
	v12 =	vor.u32 v2, v22;
	v13 =	vld.idx.msk [tilespmem:v4+s9+$0x0], $0xffff;
	v4 =	vmov v5;
	v5 =	vmov v21  }
0xe9: {  	p1 =	slt.u32 s25, $0x6;
	v21 =	vld [tilespmem:s22+$0x0]  }
0xea: {  	v18 =	vshll.u32 v18, $0x3;
	[tilespmem:v15+s3+$0x0] =	vst.idx.add.f32.msk $0xff, v23  }
0xeb: {  	v18 =	vor.u32 v2, v18;
	[tilespmem:v15+s3+$0x0] =	vst.idx.add.f32.msk vm0, v23  }
0xec: {  	s28 =	sadd.s32 $0xFFFFFFF4, s26;
	v15 =	vshll.u32 v16, $0x3;
	v16 =	vld.idx.msk [tilespmem:v24+s9+$0x0], $0xffff  }
0xed: {  	v23 =	vor.u32 s28, v1;
	v15 =	vor.u32 v2, v15;
	v22 =	vld [tilespmem:s22+$0xFFFFFF80]  }
0xee: {  	v13 =	vshll.u32 v13, $0x3;
	[tilespmem:v12+s3+$0x0] =	vst.idx.add.f32.msk $0xff, v20  }
0xef: {  	[tilespmem:v12+s3+$0x0] =	vst.idx.add.f32.msk vm0, v20;
	v20 =	vor.u32 v2, v13  }
0xf0: {  	[tilespmem:v18+s3+$0x0] =	vst.idx.add.f32.msk $0xff, v21  }
0xf1: {  	[tilespmem:v18+s3+$0x0] =	vst.idx.add.f32.msk vm0, v21  }
0xf2: {  	v13 =	vshll.u32 v16, $0x3;
	v12 =	vld.idx.msk [tilespmem:v23+s9+$0x0], $0xffff  }
0xf3: {  	v13 =	vor.u32 v2, v13;
	v16 =	vld [tilespmem:s23+$0x50]  }
0xf4: {  	s28 =	sadd.s32 $0xFFFFFFFE, s24;
	[tilespmem:v15+s3+$0x0] =	vst.idx.add.f32.msk $0xff, v22  }
0xf5: {  	[tilespmem:v15+s3+$0x0] =	vst.idx.add.f32.msk vm0, v22;
	v15 =	vor.u32 s28, v1  }
0xf6: {  	v17 =	vld.idx.msk [tilespmem:v17+s9+$0x0], $0xffff  }
0xf7: {  	v18 =	vld [tilespmem:s22+$0x10]  }
0xf8: {  	v12 =	vshll.u32 v12, $0x3;
	[tilespmem:v13+s3+$0x0] =	vst.idx.add.f32.msk $0xff, v16  }
0xf9: {  	v12 =	vor.u32 v2, v12;
	[tilespmem:v13+s3+$0x0] =	vst.idx.add.f32.msk vm0, v16  }
0xfa: {  	s28 =	sadd.s32 $0xFFFFFFF6, s26;
	v13 =	vld.idx.msk [tilespmem:v15+s9+$0x0], $0xffff  }
0xfb: {  	v16 =	vor.u32 s28, v1;
	v15 =	vld [tilespmem:s22+$0xFFFFFF90]  }
0xfc: {  	v17 =	vshll.u32 v17, $0x3;
	v21 =	vld.idx.msk [tilespmem:v7+s9+$0x0], $0xffff;
	v7 =	vmov v14  }
0xfd: {  	v14 =	vor.u32 v2, v17;
	v17 =	vld [tilespmem:s23+$0xFFFFFFD0]  }
0xfe: {  	[tilespmem:v12+s3+$0x0] =	vst.idx.add.f32.msk $0xff, v18  }
0xff: {  	[tilespmem:v12+s3+$0x0] =	vst.idx.add.f32.msk vm0, v18  }
0x100: {  	v13 =	vshll.u32 v13, $0x3;
	v12 =	vld.idx.msk [tilespmem:v16+s9+$0x0], $0xffff  }
0x101: {  	v13 =	vor.u32 v2, v13;
	v16 =	vld [tilespmem:s23+$0x60]  }
0x102: {  	v18 =	vshll.u32 v21, $0x3;
	[tilespmem:v14+s3+$0x0] =	vst.idx.add.f32.msk $0xff, v15  }
0x103: {  	[tilespmem:v14+s3+$0x0] =	vst.idx.add.f32.msk vm0, v15;
	v14 =	vor.u32 v2, v18;
	v15 =	vor.u32 s24, v1;
	s24 =	smov.u32 s26  }
0x104: {  	v18 =	vld.idx.msk [tilespmem:v19+s9+$0x0], $0xffff  }
0x105: {  	v19 =	vld [tilespmem:s22+$0x20]  }
0x106: {  	[tilespmem:v13+s3+$0x0] =	vst.idx.add.f32.msk $0xff, v16  }
0x107: {  	v12 =	vshll.u32 v12, $0x3;
	[tilespmem:v13+s3+$0x0] =	vst.idx.add.f32.msk vm0, v16  }
0x108: {  	v12 =	vor.u32 v2, v12;
	v13 =	vld.idx.msk [tilespmem:v15+s9+$0x0], $0xffff  }
0x109: {  	v15 =	vld [tilespmem:s22+$0xFFFFFFA0]  }
0x10a: {  	s28 =	sadd.s32 $0xFFFFFFF8, s26;
	v16 =	vshll.u32 v18, $0x3;
	[tilespmem:v14+s3+$0x0] =	vst.idx.add.f32.msk $0xff, v17  }
0x10b: {  	v18 =	vor.u32 s28, v1;
	v16 =	vor.u32 v2, v16;
	[tilespmem:v14+s3+$0x0] =	vst.idx.add.f32.msk vm0, v17  }
0x10c: {  	v14 =	vld.idx.msk [tilespmem:v6+s9+$0x0], $0xffff;
	v6 =	vmov v11  }
0x10d: {  	[tilespmem:v12+s3+$0x0] =	vst.idx.add.f32.msk $0xff, v19  }
0x10e: {  	v11 =	vshll.u32 v13, $0x3;
	[tilespmem:v12+s3+$0x0] =	vst.idx.add.f32.msk vm0, v19  }
0x10f: {  	v11 =	vor.u32 v2, v11;
	v13 =	vld [tilespmem:s23+$0x70]  }
0x110: {  	v17 =	vld.idx.msk [tilespmem:v18+s9+$0x0], $0xffff  }
0x111: {  	[tilespmem:v16+s3+$0x0] =	vst.idx.add.f32.msk $0xff, v15  }
0x112: {  	v12 =	vshll.u32 v14, $0x3;
	[tilespmem:v16+s3+$0x0] =	vst.idx.add.f32.msk vm0, v15  }
0x113: {  	v12 =	vor.u32 v2, v12;
	v10 =	vld.idx.msk [tilespmem:v10+s9+$0x0], $0xffff  }
0x114: {  	[tilespmem:v11+s3+$0x0] =	vst.idx.add.f32.msk $0xff, v13  }
0x115: {  	[tilespmem:v11+s3+$0x0] =	vst.idx.add.f32.msk vm0, v13  }
0x116: {  	v13 =	vshll.u32 v17, $0x3;
	v11 =	vld [tilespmem:s22+$0xFFFFFFB0]  }
0x117: {  	v17 =	vor.u32 v2, v13;
	v16 =	vld [tilespmem:s22+$0x30]  }
0x118: {  	s28 =	sadd.s32 $0xFFFFFFFA, s26;
	v13 =	vld [tilespmem:s23+$0xFFFFFFE0]  }
.Ltmp6:
0x119: {  	v15 =	vor.u32 s28, v1;
	v14 =	vshll.u32 v10, $0x3;
	v10 =	vld [tilespmem:s21+$0xFFFFFFF0];
	s21 =	smov.u32 s23;
	s23 =	smov.u32 s22;
	(pc) =	sbr.rel @p1 .LBB2_7-.Ltmp6, $4  }
0x11a: {  	v14 =	vor.u32 v2, v14;
	[tilespmem:v3+s3+$0x0] =	vst.idx.add.f32.msk $0xff, v9  }
0x11b: {  	[tilespmem:v3+s3+$0x0] =	vst.idx.add.f32.msk vm0, v9;
	v3 =	vmov v20  }
0x11c: {  	[tilespmem:v17+s3+$0x0] =	vst.idx.add.f32.msk $0xff, v16  }
0x11d: {  	s26 =	sadd.s32 $0x20, s26;
	[tilespmem:v17+s3+$0x0] =	vst.idx.add.f32.msk vm0, v16  }
0x11e: {  	_ =	sdelay $0x3  }
0x11f: {  	v9 =	vld.idx.msk [tilespmem:v15+s9+$0x0], $0xffff  }
0x120: {  	[tilespmem:v14+s3+$0x0] =	vst.idx.add.f32.msk $0xff, v11  }
0x121: {  	[tilespmem:v14+s3+$0x0] =	vst.idx.add.f32.msk vm0, v11  }
0x122: {  	v8 =	vld.idx.msk [tilespmem:v8+s9+$0x0], $0xffff;
	_ =	sdelay $0x1  }
0x123: {  	v9 =	vshll.u32 v9, $0x3  }
0x124: {  	v54 =	vld [tilespmem:s22+$0x40];
	v9 =	vor.u32 v2, v9  }
0x125: {  	s25 =	sadd.s32 $0xFFFFFFFC, s24  }
0x126: {  	v55 =	vor.u32 s25, v1;
	v8 =	vshll.u32 v8, $0x3  }
0x127: {  	v56 =	vld [tilespmem:s22+$0xFFFFFFC0];
	v8 =	vor.u32 v2, v8;
	_ =	sdelay $0x1  }
0x128: {  	[tilespmem:v9+s3+$0x0] =	vst.idx.add.f32.msk $0xff, v54  }
0x129: {  	[tilespmem:v9+s3+$0x0] =	vst.idx.add.f32.msk vm0, v54  }
0x12a: {  	v9 =	vld.idx.msk [tilespmem:v55+s9+$0x0], $0xffff  }
0x12b: {  	[tilespmem:v8+s3+$0x0] =	vst.idx.add.f32.msk $0xff, v56  }
0x12c: {  	[tilespmem:v8+s3+$0x0] =	vst.idx.add.f32.msk vm0, v56  }
0x12d: {  	v7 =	vld.idx.msk [tilespmem:v7+s9+$0x0], $0xffff;
	_ =	sdelay $0x1  }
0x12e: {  	v9 =	vshll.u32 v9, $0x3  }
0x12f: {  	v11 =	vld [tilespmem:s23+$0x50];
	v9 =	vor.u32 v2, v9  }
0x130: {  	s31 =	sadd.s32 $0xFFFFFFFE, s24  }
0x131: {  	v57 =	vor.u32 s31, v1;
	v7 =	vshll.u32 v7, $0x3  }
0x132: {  	v58 =	vld [tilespmem:s23+$0xFFFFFFD0];
	v7 =	vor.u32 v2, v7;
	_ =	sdelay $0x1  }
0x133: {  	[tilespmem:v9+s3+$0x0] =	vst.idx.add.f32.msk $0xff, v11  }
0x134: {  	[tilespmem:v9+s3+$0x0] =	vst.idx.add.f32.msk vm0, v11  }
0x135: {  	v8 =	vld.idx.msk [tilespmem:v57+s9+$0x0], $0xffff  }
0x136: {  	[tilespmem:v7+s3+$0x0] =	vst.idx.add.f32.msk $0xff, v58  }
0x137: {  	[tilespmem:v7+s3+$0x0] =	vst.idx.add.f32.msk vm0, v58  }
0x138: {  	v6 =	vld.idx.msk [tilespmem:v6+s9+$0x0], $0xffff;
	_ =	sdelay $0x1  }
0x139: {  	v8 =	vshll.u32 v8, $0x3  }
0x13a: {  	v11 =	vld [tilespmem:s23+$0x60];
	v8 =	vor.u32 v2, v8  }
0x13b: {  	[tilespmem:v12+s3+$0x0] =	vst.idx.add.f32.msk $0xff, v13  }
0x13c: {  	v59 =	vor.u32 s24, v1;
	[tilespmem:v12+s3+$0x0] =	vst.idx.add.f32.msk vm0, v13;
	v6 =	vshll.u32 v6, $0x3  }
0x13d: {  	v60 =	vld [tilespmem:s23+$0xFFFFFFE0];
	v6 =	vor.u32 v2, v6  }
0x13e: {  	v4 =	vld.idx.msk [tilespmem:v4+s9+$0x0], $0xffff  }
0x13f: {  	[tilespmem:v8+s3+$0x0] =	vst.idx.add.f32.msk $0xff, v11  }
0x140: {  	[tilespmem:v8+s3+$0x0] =	vst.idx.add.f32.msk vm0, v11  }
0x141: {  	v7 =	vld.idx.msk [tilespmem:v59+s9+$0x0], $0xffff  }
0x142: {  	[tilespmem:v6+s3+$0x0] =	vst.idx.add.f32.msk $0xff, v60  }
0x143: {  	[tilespmem:v6+s3+$0x0] =	vst.idx.add.f32.msk vm0, v60  }
0x144: {  	v5 =	vld.idx.msk [tilespmem:v5+s9+$0x0], $0xffff  }
0x145: {  	v4 =	vshll.u32 v4, $0x3  }
0x146: {  	v62 =	vld [tilespmem:s21+$0xFFFFFFF0];
	v4 =	vor.u32 v2, v4  }
0x147: {  	[tilespmem:v3+s3+$0x0] =	vst.idx.add.f32.msk $0xff, v10;
	v7 =	vshll.u32 v7, $0x3  }
0x148: {  	v61 =	vld [tilespmem:s23+$0x70];
	v7 =	vor.u32 v2, v7  }
0x149: {  	[tilespmem:v3+s3+$0x0] =	vst.idx.add.f32.msk vm0, v10;
	v5 =	vshll.u32 v5, $0x3  }
0x14a: {  	s20 =	sadd.s32 $0x1, s20;
	v63 =	vld [tilespmem:s23+$0xFFFFFFF0];
	v5 =	vor.u32 v2, v5  }
0x14b: {  	p1 =	sne.s32 s20, $0x140;
	[tilespmem:v4+s3+$0x0] =	vst.idx.add.f32.msk $0xff, v62  }
.Ltmp7:
0x14c: {  	[tilespmem:v4+s3+$0x0] =	vst.idx.add.f32.msk vm0, v62;
	(pc) =	sbr.rel @p1 .LBB2_6-.Ltmp7, $4  }
0x14d: {  	[tilespmem:v7+s3+$0x0] =	vst.idx.add.f32.msk $0xff, v61  }
0x14e: {  	[tilespmem:v7+s3+$0x0] =	vst.idx.add.f32.msk vm0, v61  }
0x14f: {  	[tilespmem:v5+s3+$0x0] =	vst.idx.add.f32.msk $0xff, v63  }
0x150: {  	[tilespmem:v5+s3+$0x0] =	vst.idx.add.f32.msk vm0, v63  }
0x151: {  	s17 =	sshrl.u32 s17, $0x3  }
0x152: {  	s17 =	smul.u32 $0xA0000, s17;
	_ =	sdelay $0x1  }
0x153: {  	s17 =	sor.u32 s7, s17  }
0x154: {  	s17 =	sshrl.u32 s17, $0x3  }
.Ltmp8:
0x155: {  	s17 =	sadd.s32 s6, s17;
	(pc) =	sbr.rel .LBB2_10-.Ltmp8, $4  }
0x156: {  	[hbm4b:s17+s10] =	stream.strided.scatter [tilespmem:s3], [sflag:$0x3], $0x14000, s11, s10, $0x38;
	[tilespmem:$0x14480] =	vst v63  }
0x157: {  	_ =	swait.ge [sflag:s15], $0x14000  }
0x158: {  	[sflag:s15] =	ssyncset.done $0x0  }
0x159: {  	[sflag:s15] =	ssyncadd.s32 $0xFFFEC000  }
.LBB2_12:
0x15a: {  	_ =	sfence.sel $0x180000  }
0x15b: {  	[bflag:$0x0] =	sbarrier.arrive $0xFFFF  }
0x15c: {  	p0 =	sne.s32 s1, $0x0;
	_ =	strace $0x90000050  }
0x15d: {  	s0 =	sadd.s32 @!p0 $0x100000, s0;
	[bflag:$0x2] =	sbarrier.arrive $0xFFFF  }
0x15e: {  	[sflag:s0] =	ssyncadd.tile.s32 @!p0 $0x1;
	_ =	shalt  }
.Lfunc_end2:
_tile_overlayer_lowered:
.L_overlay_start_2:
0x15f: {  	(tag) =	ssettag $0x2  }
0x160: {  	s0 =	rddreg [dreg:$0x0];
	s2 =	stileid.u32  }
0x161: {  	s1 =	rddreg [dreg:$0x1];
	p0 =	sne.s32 s2, $0x0  }
0x162: {  	s3 =	rddreg [dreg:$0x2];
	[bflag:$0x3] =	sbarrier.arrive $0xFFFF;
	s2 =	simm.s32 @!p0 $0x1C03  }
0x163: {  	[timem:s3], [sflag:s2] =	dma.local @!p0 [hbm:s0], s1  }
0x164: {  	s0 =	simm.s32 @!p0 $0x3  }
0x165: {  	_ =	swait.ge @!p0 [sflag:s0], s1  }
0x166: {  	s1 =	ssub.s32 @!p0 $0x0, s1;
	[sflag:s0] =	ssyncset.done @!p0 $0x0  }
0x167: {  	[sflag:s0] =	ssyncadd.s32 @!p0 s1  }
0x168: {  	[bflag:$0x3] =	sbarrier.arrive $0xFFFF  }
0x169: {  	_ =	shalt  }

</sc_bundles>
